<compile_context>
chip_gen: v7x
topology: tpu7x:2x2x1
jax: 0.10.2.dev20260603
libtpu: 0.0.44.dev20260713+nightly
codegen_flags: <defaults>
</compile_context>

<pallas_src>
import jax
import jax.numpy as jnp
from jax import lax
from jax.experimental import pallas as pl
from jax.experimental.pallas import tpu as pltpu
from jax.experimental.pallas import tpu_sc as plsc

N_TOKENS = 32768
N_EXPERTS = 64
TOPK = 8
NC, NS, L = 2, 16, 16
NW = NC * NS
TPW = N_TOKENS // NW
PAIRS = TPW // 2
OROWS = TPW * TOPK // 128
XROWS = TPW * N_EXPERTS // 128
PITCH = 129
OPITCH = 130

_GATHER_DNUMS = lax.GatherDimensionNumbers(
    offset_dims=(), collapsed_slice_dims=(0,), start_index_map=(0,))


def _permute(x, idx):
  return lax.gather(x, idx[:, None], _GATHER_DNUMS, slice_sizes=(1,),
                    mode=lax.GatherScatterMode.PROMISE_IN_BOUNDS)


def _topk_body(x_hbm, p_hbm, i_hbm, x_s0, x_s1, x_p, p_p, i_p, p_v, i_v,
               sem0, sem1):
  wid = lax.axis_index("s") * NC + lax.axis_index("c")

  lane = lax.iota(jnp.int32, L)
  sel8 = lane < TOPK
  rev8 = jnp.where(sel8, (TOPK - 1) - lane, 0)
  shl8 = jnp.where(sel8, 0, lane - TOPK)
  lane_hi = lane // TOPK
  lane_lo = lane - TOPK * lane_hi
  rowpat = PITCH * (64 * lane_hi + lane_lo)

  bufs = ((x_s0, sem0), (x_s1, sem1))

  def _start(e_hi):
    buf, sem = bufs[e_hi % 2]
    return pltpu.async_copy(
        x_hbm.at[pl.ds((e_hi * 256 + TOPK * wid) * TOPK, 64), :], buf, sem)

  cp = _start(0)
  for e_hi in range(TOPK):
    cp.wait()
    if e_hi + 1 < TOPK:
      cp = _start(e_hi + 1)
    x_s = bufs[e_hi % 2][0]

    @plsc.parallel_loop(0, 64, unroll=8)
    def relayout(r):
      dst = (e_hi * 64 + r) * PITCH
      for k in range(128 // L):
        x_p[pl.ds(dst + k * L, L)] = x_s[r, pl.ds(k * L, L)]

  def token_topk(pbase, col):
    colv = rowpat + (pbase + col)
    ks, vs = [], []
    for c in range(N_EXPERTS // L):
      x = plsc.load_gather(x_p, [colv + PITCH * 128 * c])
      sk, sv = plsc.sort_key_val(x, lane + c * L, descending=True)
      ks.append(sk)
      vs.append(sv)
    k01, v01 = merge8(ks[0], vs[0], ks[1], vs[1])
    k23, v23 = merge8(ks[2], vs[2], ks[3], vs[3])
    ck = jnp.where(sel8, k01, _permute(k23, shl8))
    cv = jnp.where(sel8, v01, _permute(v23, shl8))
    fk, fv = plsc.sort_key_val(ck, cv, descending=True)
    m = jnp.max(fk)
    e = jnp.where(sel8, jnp.exp(fk - m), 0.0)
    return e / jnp.sum(e), fv

  def merge8(ka, va, kb, vb):
    kr = _permute(kb, rev8)
    vr = _permute(vb, rev8)
    take_a = ka >= kr
    return jnp.where(take_a, ka, kr), jnp.where(take_a, va, vr)

  @plsc.parallel_loop(0, PAIRS, unroll=4)
  def pair_body(t2):
    tcl = t2 // 64
    c0 = (t2 % 64) * 2
    pbase = PITCH * TOPK * tcl
    p_a, v_a = token_topk(pbase, c0)
    p_b, v_b = token_topk(pbase, c0 + 1)
    pp = jnp.where(sel8, p_a, _permute(p_b, shl8))
    vv = jnp.where(sel8, v_a, _permute(v_b, shl8))
    oidx = OPITCH * (tcl * TOPK + lane_lo) + (c0 + lane_hi)
    plsc.store_scatter(p_p, [oidx], pp)
    plsc.store_scatter(i_p, [oidx], vv)

  @plsc.parallel_loop(0, OROWS, unroll=8)
  def depitch(r):
    for k in range(128 // L):
      p_v[r, pl.ds(k * L, L)] = p_p[pl.ds(OPITCH * r + k * L, L)]
      i_v[r, pl.ds(k * L, L)] = i_p[pl.ds(OPITCH * r + k * L, L)]

  pltpu.sync_copy(p_v, p_hbm.at[pl.ds(wid * OROWS, OROWS), :])
  pltpu.sync_copy(i_v, i_hbm.at[pl.ds(wid * OROWS, OROWS), :])


_topk_call = pl.kernel(
    _topk_body,
    out_type=(
        jax.ShapeDtypeStruct((N_TOKENS * TOPK // 128, 128), jnp.float32),
        jax.ShapeDtypeStruct((N_TOKENS * TOPK // 128, 128), jnp.int32),
    ),
    mesh=plsc.VectorSubcoreMesh(
        core_axis_name="c", subcore_axis_name="s",
        num_cores=NC, num_subcores=NS),
    scratch_types=[
        pltpu.VMEM((64, 128), jnp.float32),
        pltpu.VMEM((64, 128), jnp.float32),
        pltpu.VMEM((XROWS * PITCH,), jnp.float32),
        pltpu.VMEM((OROWS * OPITCH,), jnp.float32),
        pltpu.VMEM((OROWS * OPITCH,), jnp.int32),
        pltpu.VMEM((OROWS, 128), jnp.float32),
        pltpu.VMEM((OROWS, 128), jnp.int32),
        pltpu.SemaphoreType.DMA,
        pltpu.SemaphoreType.DMA,
    ],
    compiler_params=pltpu.CompilerParams(needs_layout_passes=False),
)


def _to_tile_order(x):
  return x.T.reshape(TOPK, TOPK, 256, 128).transpose(0, 2, 1, 3).reshape(
      N_TOKENS * N_EXPERTS // 128, 128)


def _from_kmajor(o):
  return o.reshape(N_TOKENS // 128, TOPK, 128).transpose(0, 2, 1).reshape(
      N_TOKENS, TOPK)


def kernel(gating_logits):
  n, e = gating_logits.shape
  assert n == N_TOKENS and e == N_EXPERTS
  probs, idx = _topk_call(_to_tile_order(gating_logits))
  return (_from_kmajor(probs), _from_kmajor(idx))

# --- scband reference (transcript-rebuilt; emitter-appended) ---
"""Pipeline reference for scband-model-24584392802915 (READ-ONLY COPY).

The authoritative reference and input builder live on the scoring server;
editing this copy changes nothing except your own understanding.
"""

import jax, jax.numpy as jnp
import numpy as np

TOP_K = 8

def setup_inputs(seed: int = 0) -> dict:
    key = jax.random.key(seed)
    gating_logits = jax.random.normal(key, (32768, 64), dtype=jnp.float32)
    return {"gating_logits": gating_logits}

def reference(gating_logits):
    gating_probs = jax.nn.softmax(gating_logits, axis=-1)
    top_k_probs, top_k_indices = jax.lax.top_k(gating_probs, TOP_K)
    top_k_probs = top_k_probs / jnp.sum(top_k_probs, axis=-1, keepdims=True)
    return (top_k_probs, top_k_indices)

if __name__ == "__main__":
    import jax
    _d = setup_inputs()
    print(jax.jit(kernel)(*tuple(_d.values())))

</pallas_src>

<mosaic_0001>
#map = affine_map<(d0, d1) -> (0, 0)>
module attributes {stable_mosaic.version = 14 : i64} {
  func.func @_topk_body(%arg0: i32, %arg1: i32, %arg2: memref<16384x128xf32, #tpu.memory_space<hbm>>, %arg3: memref<2048x128xf32, #tpu.memory_space<hbm>>, %arg4: memref<2048x128xi32, #tpu.memory_space<hbm>>, %arg5: memref<64x128xf32, #tpu.memory_space<vmem>>, %arg6: memref<64x128xf32, #tpu.memory_space<vmem>>, %arg7: memref<66048xf32, #tpu.memory_space<vmem>>, %arg8: memref<8320xf32, #tpu.memory_space<vmem>>, %arg9: memref<8320xi32, #tpu.memory_space<vmem>>, %arg10: memref<64x128xf32, #tpu.memory_space<vmem>>, %arg11: memref<64x128xi32, #tpu.memory_space<vmem>>, %arg12: memref<!tpu.dma_semaphore, #tpu.memory_space<semaphore_mem>>, %arg13: memref<!tpu.dma_semaphore, #tpu.memory_space<semaphore_mem>>) attributes {dimension_semantics = [#tpu.dimension_semantics<core_parallel>, #tpu.dimension_semantics<subcore_parallel>], iteration_bounds = array<i64: 2, 16>, scalar_prefetch = 0 : i64, scratch_operands = 9 : i64, tpu.core_type = #tpu.core_type<sc_vector_subcore>, window_params = [{transform_indices = #map}, {transform_indices = #map}, {transform_indices = #map}]} {
    %mul3A = arith.constant 2 : i32
    %mul3A_0 = arith.muli %arg1, %mul3A : i32
    %add3A = arith.addi %mul3A_0, %arg0 : i32
    %iota3A = tpu.iota {dimensions = array<i32: 0>} : vector<16xi32>
    %lt3A = arith.constant 8 : i32
    %lt3A_1 = vector.broadcast %lt3A : i32 to vector<16xi32>
    %lt3A_2 = arith.cmpi slt, %iota3A, %lt3A_1 : vector<16xi32>
    %sub3A = arith.constant 7 : i32
    %sub3A_3 = vector.broadcast %sub3A : i32 to vector<16xi32>
    %sub3A_4 = arith.subi %sub3A_3, %iota3A : vector<16xi32>
    %jit3A = arith.constant 0 : i32
    %broadcast_in_dim3A = vector.broadcast %jit3A : i32 to vector<16xi32>
    %select_n3A = arith.select %lt3A_2, %sub3A_4, %broadcast_in_dim3A : vector<16xi1>, vector<16xi32>
    %sub3A_5 = arith.constant 8 : i32
    %sub3A_6 = vector.broadcast %sub3A_5 : i32 to vector<16xi32>
    %sub3A_7 = arith.subi %iota3A, %sub3A_6 : vector<16xi32>
    %jit3A_8 = arith.constant 0 : i32
    %broadcast_in_dim3A_9 = vector.broadcast %jit3A_8 : i32 to vector<16xi32>
    %select_n3A_10 = arith.select %lt3A_2, %broadcast_in_dim3A_9, %sub3A_7 : vector<16xi1>, vector<16xi32>
    %jit3A_11 = arith.constant 8 : i32
    %div3A = vector.broadcast %jit3A_11 : i32 to vector<16xi32>
    %div3A_12 = arith.divsi %iota3A, %div3A : vector<16xi32>
    %sign3A = arith.constant 0 : i32
    %sign3A_13 = vector.broadcast %sign3A : i32 to vector<16xi32>
    %sign3A_14 = arith.cmpi sgt, %iota3A, %sign3A_13 : vector<16xi32>
    %sign3A_15 = arith.extui %sign3A_14 : vector<16xi1> to vector<16xi32>
    %sign3A_16 = arith.constant 0 : i32
    %sign3A_17 = vector.broadcast %sign3A_16 : i32 to vector<16xi32>
    %sign3A_18 = arith.cmpi slt, %iota3A, %sign3A_17 : vector<16xi32>
    %sign3A_19 = arith.extui %sign3A_18 : vector<16xi1> to vector<16xi32>
    %sign3A_20 = arith.subi %sign3A_15, %sign3A_19 : vector<16xi32>
    %sign3A_21 = arith.constant 0 : i32
    %sign3A_22 = arith.cmpi sgt, %jit3A_11, %sign3A_21 : i32
    %sign3A_23 = arith.extui %sign3A_22 : i1 to i32
    %sign3A_24 = arith.constant 0 : i32
    %sign3A_25 = arith.cmpi slt, %jit3A_11, %sign3A_24 : i32
    %sign3A_26 = arith.extui %sign3A_25 : i1 to i32
    %sign3A_27 = arith.subi %sign3A_23, %sign3A_26 : i32
    %ne3A = vector.broadcast %sign3A_27 : i32 to vector<16xi32>
    %ne3A_28 = arith.cmpi ne, %sign3A_20, %ne3A : vector<16xi32>
    %rem3A = vector.broadcast %jit3A_11 : i32 to vector<16xi32>
    %rem3A_29 = arith.remsi %iota3A, %rem3A : vector<16xi32>
    %ne3A_30 = arith.constant 0 : i32
    %ne3A_31 = vector.broadcast %ne3A_30 : i32 to vector<16xi32>
    %ne3A_32 = arith.cmpi ne, %rem3A_29, %ne3A_31 : vector<16xi32>
    %and3A = arith.andi %ne3A_28, %ne3A_32 : vector<16xi1>
    %sub3A_33 = arith.constant 1 : i32
    %sub3A_34 = vector.broadcast %sub3A_33 : i32 to vector<16xi32>
    %sub3A_35 = arith.subi %div3A_12, %sub3A_34 : vector<16xi32>
    %select_n3A_36 = arith.select %and3A, %sub3A_35, %div3A_12 : vector<16xi1>, vector<16xi32>
    %mul3A_37 = arith.constant 8 : i32
    %mul3A_38 = vector.broadcast %mul3A_37 : i32 to vector<16xi32>
    %mul3A_39 = arith.muli %mul3A_38, %select_n3A_36 : vector<16xi32>
    %sub3A_40 = arith.subi %iota3A, %mul3A_39 : vector<16xi32>
    %mul3A_41 = arith.constant 64 : i32
    %mul3A_42 = vector.broadcast %mul3A_41 : i32 to vector<16xi32>
    %mul3A_43 = arith.muli %mul3A_42, %select_n3A_36 : vector<16xi32>
    %add3A_44 = arith.addi %mul3A_43, %sub3A_40 : vector<16xi32>
    %mul3A_45 = arith.constant 129 : i32
    %mul3A_46 = vector.broadcast %mul3A_45 : i32 to vector<16xi32>
    %mul3A_47 = arith.muli %mul3A_46, %add3A_44 : vector<16xi32>
    %mul3A_48 = arith.constant 8 : i32
    %mul3A_49 = arith.muli %mul3A_48, %add3A : i32
    %add3A_50 = arith.constant 0 : i32
    %add3A_51 = arith.addi %add3A_50, %mul3A_49 : i32
    %mul3A_52 = arith.constant 8 : i32
    %mul3A_53 = arith.muli %add3A_51, %mul3A_52 : i32
    %dma_start3A = arith.constant 0 : i32
    %dma_start3A_54 = tpu.memref_slice %arg2[%mul3A_53, %dma_start3A] : memref<16384x128xf32, #tpu.memory_space<hbm>> -> memref<64x128xf32, #tpu.memory_space<hbm>>
    %dma_start3A_55 = arith.constant 0 : i32
    %dma_start3A_56 = tpu.memref_slice %arg2[%mul3A_53, %dma_start3A_55] : memref<16384x128xf32, #tpu.memory_space<hbm>> -> memref<64x128xf32, #tpu.memory_space<hbm>>
    tpu.enqueue_dma source(%dma_start3A_56 : memref<64x128xf32, #tpu.memory_space<hbm>>) target(%arg5 : memref<64x128xf32, #tpu.memory_space<vmem>>) target_semaphore(%arg12 : memref<!tpu.dma_semaphore, #tpu.memory_space<semaphore_mem>>)
    %dma_wait3A = arith.constant 0 : i32
    %dma_wait3A_57 = tpu.memref_slice %arg2[%mul3A_53, %dma_wait3A] : memref<16384x128xf32, #tpu.memory_space<hbm>> -> memref<64x128xf32, #tpu.memory_space<hbm>>
    %dma_wait3A_58 = arith.constant 0 : i32
    %dma_wait3A_59 = tpu.memref_slice %arg2[%mul3A_53, %dma_wait3A_58] : memref<16384x128xf32, #tpu.memory_space<hbm>> -> memref<64x128xf32, #tpu.memory_space<hbm>>
    tpu.wait_dma2 semaphore(%arg12 : memref<!tpu.dma_semaphore, #tpu.memory_space<semaphore_mem>>) src(%dma_wait3A_59 : memref<64x128xf32, #tpu.memory_space<hbm>>) dst(%arg5 : memref<64x128xf32, #tpu.memory_space<vmem>>)
    %mul3A_60 = arith.constant 8 : i32
    %mul3A_61 = arith.muli %mul3A_60, %add3A : i32
    %add3A_62 = arith.constant 256 : i32
    %add3A_63 = arith.addi %add3A_62, %mul3A_61 : i32
    %mul3A_64 = arith.constant 8 : i32
    %mul3A_65 = arith.muli %add3A_63, %mul3A_64 : i32
    %dma_start3A_66 = arith.constant 0 : i32
    %dma_start3A_67 = tpu.memref_slice %arg2[%mul3A_65, %dma_start3A_66] : memref<16384x128xf32, #tpu.memory_space<hbm>> -> memref<64x128xf32, #tpu.memory_space<hbm>>
    %dma_start3A_68 = arith.constant 0 : i32
    %dma_start3A_69 = tpu.memref_slice %arg2[%mul3A_65, %dma_start3A_68] : memref<16384x128xf32, #tpu.memory_space<hbm>> -> memref<64x128xf32, #tpu.memory_space<hbm>>
    tpu.enqueue_dma source(%dma_start3A_69 : memref<64x128xf32, #tpu.memory_space<hbm>>) target(%arg6 : memref<64x128xf32, #tpu.memory_space<vmem>>) target_semaphore(%arg13 : memref<!tpu.dma_semaphore, #tpu.memory_space<semaphore_mem>>)
    %parallel_loop3A = arith.constant 0 : i32
    %parallel_loop3A_70 = arith.constant 64 : i32
    %parallel_loop3A_71 = arith.constant 1 : i32
    scf.for %parallel_loop3A_191 = %parallel_loop3A to %parallel_loop3A_70 step %parallel_loop3A_71  : i32 {
      %parallel_loop3A_192 = arith.constant 0 : i32
      %parallel_loop3A_193 = arith.addi %parallel_loop3A_192, %parallel_loop3A_191 : i32
      %parallel_loop3A_194 = arith.constant 129 : i32
      %parallel_loop3A_195 = arith.muli %parallel_loop3A_193, %parallel_loop3A_194 : i32
      %parallel_loop3A_196 = arith.index_cast %parallel_loop3A_191 : i32 to index
      %parallel_loop3A_197 = arith.constant 0 : index
      %parallel_loop3A_198 = tpu.vector_load %arg5[%parallel_loop3A_196, %parallel_loop3A_197] {strides = array<i32>} : memref<64x128xf32, #tpu.memory_space<vmem>>, vector<16xf32>,
      %parallel_loop3A_199 = arith.constant 0 : i32
      %parallel_loop3A_200 = arith.addi %parallel_loop3A_195, %parallel_loop3A_199 : i32
      %parallel_loop3A_201 = arith.index_cast %parallel_loop3A_200 : i32 to index
      %parallel_loop3A_202 = tpu.vector_load %arg7[%parallel_loop3A_201] {strides = array<i32>} : memref<66048xf32, #tpu.memory_space<vmem>>, vector<16xf32>,
      tpu.vector_store %arg7[%parallel_loop3A_201], %parallel_loop3A_198 {strides = array<i32>} : memref<66048xf32, #tpu.memory_space<vmem>>, vector<16xf32>,
      %parallel_loop3A_203 = arith.index_cast %parallel_loop3A_191 : i32 to index
      %parallel_loop3A_204 = arith.constant 16 : index
      %parallel_loop3A_205 = tpu.vector_load %arg5[%parallel_loop3A_203, %parallel_loop3A_204] {strides = array<i32>} : memref<64x128xf32, #tpu.memory_space<vmem>>, vector<16xf32>,
      %parallel_loop3A_206 = arith.constant 16 : i32
      %parallel_loop3A_207 = arith.addi %parallel_loop3A_195, %parallel_loop3A_206 : i32
      %parallel_loop3A_208 = arith.index_cast %parallel_loop3A_207 : i32 to index
      %parallel_loop3A_209 = tpu.vector_load %arg7[%parallel_loop3A_208] {strides = array<i32>} : memref<66048xf32, #tpu.memory_space<vmem>>, vector<16xf32>,
      tpu.vector_store %arg7[%parallel_loop3A_208], %parallel_loop3A_205 {strides = array<i32>} : memref<66048xf32, #tpu.memory_space<vmem>>, vector<16xf32>,
      %parallel_loop3A_210 = arith.index_cast %parallel_loop3A_191 : i32 to index
      %parallel_loop3A_211 = arith.constant 32 : index
      %parallel_loop3A_212 = tpu.vector_load %arg5[%parallel_loop3A_210, %parallel_loop3A_211] {strides = array<i32>} : memref<64x128xf32, #tpu.memory_space<vmem>>, vector<16xf32>,
      %parallel_loop3A_213 = arith.constant 32 : i32
      %parallel_loop3A_214 = arith.addi %parallel_loop3A_195, %parallel_loop3A_213 : i32
      %parallel_loop3A_215 = arith.index_cast %parallel_loop3A_214 : i32 to index
      %parallel_loop3A_216 = tpu.vector_load %arg7[%parallel_loop3A_215] {strides = array<i32>} : memref<66048xf32, #tpu.memory_space<vmem>>, vector<16xf32>,
      tpu.vector_store %arg7[%parallel_loop3A_215], %parallel_loop3A_212 {strides = array<i32>} : memref<66048xf32, #tpu.memory_space<vmem>>, vector<16xf32>,
      %parallel_loop3A_217 = arith.index_cast %parallel_loop3A_191 : i32 to index
      %parallel_loop3A_218 = arith.constant 48 : index
      %parallel_loop3A_219 = tpu.vector_load %arg5[%parallel_loop3A_217, %parallel_loop3A_218] {strides = array<i32>} : memref<64x128xf32, #tpu.memory_space<vmem>>, vector<16xf32>,
      %parallel_loop3A_220 = arith.constant 48 : i32
      %parallel_loop3A_221 = arith.addi %parallel_loop3A_195, %parallel_loop3A_220 : i32
      %parallel_loop3A_222 = arith.index_cast %parallel_loop3A_221 : i32 to index
      %parallel_loop3A_223 = tpu.vector_load %arg7[%parallel_loop3A_222] {strides = array<i32>} : memref<66048xf32, #tpu.memory_space<vmem>>, vector<16xf32>,
      tpu.vector_store %arg7[%parallel_loop3A_222], %parallel_loop3A_219 {strides = array<i32>} : memref<66048xf32, #tpu.memory_space<vmem>>, vector<16xf32>,
      %parallel_loop3A_224 = arith.index_cast %parallel_loop3A_191 : i32 to index
      %parallel_loop3A_225 = arith.constant 64 : index
      %parallel_loop3A_226 = tpu.vector_load %arg5[%parallel_loop3A_224, %parallel_loop3A_225] {strides = array<i32>} : memref<64x128xf32, #tpu.memory_space<vmem>>, vector<16xf32>,
      %parallel_loop3A_227 = arith.constant 64 : i32
      %parallel_loop3A_228 = arith.addi %parallel_loop3A_195, %parallel_loop3A_227 : i32
      %parallel_loop3A_229 = arith.index_cast %parallel_loop3A_228 : i32 to index
      %parallel_loop3A_230 = tpu.vector_load %arg7[%parallel_loop3A_229] {strides = array<i32>} : memref<66048xf32, #tpu.memory_space<vmem>>, vector<16xf32>,
      tpu.vector_store %arg7[%parallel_loop3A_229], %parallel_loop3A_226 {strides = array<i32>} : memref<66048xf32, #tpu.memory_space<vmem>>, vector<16xf32>,
      %parallel_loop3A_231 = arith.index_cast %parallel_loop3A_191 : i32 to index
      %parallel_loop3A_232 = arith.constant 80 : index
      %parallel_loop3A_233 = tpu.vector_load %arg5[%parallel_loop3A_231, %parallel_loop3A_232] {strides = array<i32>} : memref<64x128xf32, #tpu.memory_space<vmem>>, vector<16xf32>,
      %parallel_loop3A_234 = arith.constant 80 : i32
      %parallel_loop3A_235 = arith.addi %parallel_loop3A_195, %parallel_loop3A_234 : i32
      %parallel_loop3A_236 = arith.index_cast %parallel_loop3A_235 : i32 to index
      %parallel_loop3A_237 = tpu.vector_load %arg7[%parallel_loop3A_236] {strides = array<i32>} : memref<66048xf32, #tpu.memory_space<vmem>>, vector<16xf32>,
      tpu.vector_store %arg7[%parallel_loop3A_236], %parallel_loop3A_233 {strides = array<i32>} : memref<66048xf32, #tpu.memory_space<vmem>>, vector<16xf32>,
      %parallel_loop3A_238 = arith.index_cast %parallel_loop3A_191 : i32 to index
      %parallel_loop3A_239 = arith.constant 96 : index
      %parallel_loop3A_240 = tpu.vector_load %arg5[%parallel_loop3A_238, %parallel_loop3A_239] {strides = array<i32>} : memref<64x128xf32, #tpu.memory_space<vmem>>, vector<16xf32>,
      %parallel_loop3A_241 = arith.constant 96 : i32
      %parallel_loop3A_242 = arith.addi %parallel_loop3A_195, %parallel_loop3A_241 : i32
      %parallel_loop3A_243 = arith.index_cast %parallel_loop3A_242 : i32 to index
      %parallel_loop3A_244 = tpu.vector_load %arg7[%parallel_loop3A_243] {strides = array<i32>} : memref<66048xf32, #tpu.memory_space<vmem>>, vector<16xf32>,
      tpu.vector_store %arg7[%parallel_loop3A_243], %parallel_loop3A_240 {strides = array<i32>} : memref<66048xf32, #tpu.memory_space<vmem>>, vector<16xf32>,
      %parallel_loop3A_245 = arith.index_cast %parallel_loop3A_191 : i32 to index
      %parallel_loop3A_246 = arith.constant 112 : index
      %parallel_loop3A_247 = tpu.vector_load %arg5[%parallel_loop3A_245, %parallel_loop3A_246] {strides = array<i32>} : memref<64x128xf32, #tpu.memory_space<vmem>>, vector<16xf32>,
      %parallel_loop3A_248 = arith.constant 112 : i32
      %parallel_loop3A_249 = arith.addi %parallel_loop3A_195, %parallel_loop3A_248 : i32
      %parallel_loop3A_250 = arith.index_cast %parallel_loop3A_249 : i32 to index
      %parallel_loop3A_251 = tpu.vector_load %arg7[%parallel_loop3A_250] {strides = array<i32>} : memref<66048xf32, #tpu.memory_space<vmem>>, vector<16xf32>,
      tpu.vector_store %arg7[%parallel_loop3A_250], %parallel_loop3A_247 {strides = array<i32>} : memref<66048xf32, #tpu.memory_space<vmem>>, vector<16xf32>,
    } {sc.loop_unroll_factor = 8 : i64, sc.parallel_access}
    %dma_wait3A_72 = arith.constant 0 : i32
    %dma_wait3A_73 = tpu.memref_slice %arg2[%mul3A_65, %dma_wait3A_72] : memref<16384x128xf32, #tpu.memory_space<hbm>> -> memref<64x128xf32, #tpu.memory_space<hbm>>
    %dma_wait3A_74 = arith.constant 0 : i32
    %dma_wait3A_75 = tpu.memref_slice %arg2[%mul3A_65, %dma_wait3A_74] : memref<16384x128xf32, #tpu.memory_space<hbm>> -> memref<64x128xf32, #tpu.memory_space<hbm>>
    tpu.wait_dma2 semaphore(%arg13 : memref<!tpu.dma_semaphore, #tpu.memory_space<semaphore_mem>>) src(%dma_wait3A_75 : memref<64x128xf32, #tpu.memory_space<hbm>>) dst(%arg6 : memref<64x128xf32, #tpu.memory_space<vmem>>)
    %mul3A_76 = arith.constant 8 : i32
    %mul3A_77 = arith.muli %mul3A_76, %add3A : i32
    %add3A_78 = arith.constant 512 : i32
    %add3A_79 = arith.addi %add3A_78, %mul3A_77 : i32
    %mul3A_80 = arith.constant 8 : i32
    %mul3A_81 = arith.muli %add3A_79, %mul3A_80 : i32
    %dma_start3A_82 = arith.constant 0 : i32
    %dma_start3A_83 = tpu.memref_slice %arg2[%mul3A_81, %dma_start3A_82] : memref<16384x128xf32, #tpu.memory_space<hbm>> -> memref<64x128xf32, #tpu.memory_space<hbm>>
    %dma_start3A_84 = arith.constant 0 : i32
    %dma_start3A_85 = tpu.memref_slice %arg2[%mul3A_81, %dma_start3A_84] : memref<16384x128xf32, #tpu.memory_space<hbm>> -> memref<64x128xf32, #tpu.memory_space<hbm>>
    tpu.enqueue_dma source(%dma_start3A_85 : memref<64x128xf32, #tpu.memory_space<hbm>>) target(%arg5 : memref<64x128xf32, #tpu.memory_space<vmem>>) target_semaphore(%arg12 : memref<!tpu.dma_semaphore, #tpu.memory_space<semaphore_mem>>)
    %parallel_loop3A_86 = arith.constant 0 : i32
    %parallel_loop3A_87 = arith.constant 64 : i32
    %parallel_loop3A_88 = arith.constant 1 : i32
    scf.for %parallel_loop3A_191 = %parallel_loop3A_86 to %parallel_loop3A_87 step %parallel_loop3A_88  : i32 {
      %parallel_loop3A_192 = arith.constant 64 : i32
      %parallel_loop3A_193 = arith.addi %parallel_loop3A_192, %parallel_loop3A_191 : i32
      %parallel_loop3A_194 = arith.constant 129 : i32
      %parallel_loop3A_195 = arith.muli %parallel_loop3A_193, %parallel_loop3A_194 : i32
      %parallel_loop3A_196 = arith.index_cast %parallel_loop3A_191 : i32 to index
      %parallel_loop3A_197 = arith.constant 0 : index
      %parallel_loop3A_198 = tpu.vector_load %arg6[%parallel_loop3A_196, %parallel_loop3A_197] {strides = array<i32>} : memref<64x128xf32, #tpu.memory_space<vmem>>, vector<16xf32>,
      %parallel_loop3A_199 = arith.constant 0 : i32
      %parallel_loop3A_200 = arith.addi %parallel_loop3A_195, %parallel_loop3A_199 : i32
      %parallel_loop3A_201 = arith.index_cast %parallel_loop3A_200 : i32 to index
      %parallel_loop3A_202 = tpu.vector_load %arg7[%parallel_loop3A_201] {strides = array<i32>} : memref<66048xf32, #tpu.memory_space<vmem>>, vector<16xf32>,
      tpu.vector_store %arg7[%parallel_loop3A_201], %parallel_loop3A_198 {strides = array<i32>} : memref<66048xf32, #tpu.memory_space<vmem>>, vector<16xf32>,
      %parallel_loop3A_203 = arith.index_cast %parallel_loop3A_191 : i32 to index
      %parallel_loop3A_204 = arith.constant 16 : index
      %parallel_loop3A_205 = tpu.vector_load %arg6[%parallel_loop3A_203, %parallel_loop3A_204] {strides = array<i32>} : memref<64x128xf32, #tpu.memory_space<vmem>>, vector<16xf32>,
      %parallel_loop3A_206 = arith.constant 16 : i32
      %parallel_loop3A_207 = arith.addi %parallel_loop3A_195, %parallel_loop3A_206 : i32
      %parallel_loop3A_208 = arith.index_cast %parallel_loop3A_207 : i32 to index
      %parallel_loop3A_209 = tpu.vector_load %arg7[%parallel_loop3A_208] {strides = array<i32>} : memref<66048xf32, #tpu.memory_space<vmem>>, vector<16xf32>,
      tpu.vector_store %arg7[%parallel_loop3A_208], %parallel_loop3A_205 {strides = array<i32>} : memref<66048xf32, #tpu.memory_space<vmem>>, vector<16xf32>,
      %parallel_loop3A_210 = arith.index_cast %parallel_loop3A_191 : i32 to index
      %parallel_loop3A_211 = arith.constant 32 : index
      %parallel_loop3A_212 = tpu.vector_load %arg6[%parallel_loop3A_210, %parallel_loop3A_211] {strides = array<i32>} : memref<64x128xf32, #tpu.memory_space<vmem>>, vector<16xf32>,
      %parallel_loop3A_213 = arith.constant 32 : i32
      %parallel_loop3A_214 = arith.addi %parallel_loop3A_195, %parallel_loop3A_213 : i32
      %parallel_loop3A_215 = arith.index_cast %parallel_loop3A_214 : i32 to index
      %parallel_loop3A_216 = tpu.vector_load %arg7[%parallel_loop3A_215] {strides = array<i32>} : memref<66048xf32, #tpu.memory_space<vmem>>, vector<16xf32>,
      tpu.vector_store %arg7[%parallel_loop3A_215], %parallel_loop3A_212 {strides = array<i32>} : memref<66048xf32, #tpu.memory_space<vmem>>, vector<16xf32>,
      %parallel_loop3A_217 = arith.index_cast %parallel_loop3A_191 : i32 to index
      %parallel_loop3A_218 = arith.constant 48 : index
      %parallel_loop3A_219 = tpu.vector_load %arg6[%parallel_loop3A_217, %parallel_loop3A_218] {strides = array<i32>} : memref<64x128xf32, #tpu.memory_space<vmem>>, vector<16xf32>,
      %parallel_loop3A_220 = arith.constant 48 : i32
      %parallel_loop3A_221 = arith.addi %parallel_loop3A_195, %parallel_loop3A_220 : i32
      %parallel_loop3A_222 = arith.index_cast %parallel_loop3A_221 : i32 to index
      %parallel_loop3A_223 = tpu.vector_load %arg7[%parallel_loop3A_222] {strides = array<i32>} : memref<66048xf32, #tpu.memory_space<vmem>>, vector<16xf32>,
      tpu.vector_store %arg7[%parallel_loop3A_222], %parallel_loop3A_219 {strides = array<i32>} : memref<66048xf32, #tpu.memory_space<vmem>>, vector<16xf32>,
      %parallel_loop3A_224 = arith.index_cast %parallel_loop3A_191 : i32 to index
      %parallel_loop3A_225 = arith.constant 64 : index
      %parallel_loop3A_226 = tpu.vector_load %arg6[%parallel_loop3A_224, %parallel_loop3A_225] {strides = array<i32>} : memref<64x128xf32, #tpu.memory_space<vmem>>, vector<16xf32>,
      %parallel_loop3A_227 = arith.constant 64 : i32
      %parallel_loop3A_228 = arith.addi %parallel_loop3A_195, %parallel_loop3A_227 : i32
      %parallel_loop3A_229 = arith.index_cast %parallel_loop3A_228 : i32 to index
      %parallel_loop3A_230 = tpu.vector_load %arg7[%parallel_loop3A_229] {strides = array<i32>} : memref<66048xf32, #tpu.memory_space<vmem>>, vector<16xf32>,
      tpu.vector_store %arg7[%parallel_loop3A_229], %parallel_loop3A_226 {strides = array<i32>} : memref<66048xf32, #tpu.memory_space<vmem>>, vector<16xf32>,
      %parallel_loop3A_231 = arith.index_cast %parallel_loop3A_191 : i32 to index
      %parallel_loop3A_232 = arith.constant 80 : index
      %parallel_loop3A_233 = tpu.vector_load %arg6[%parallel_loop3A_231, %parallel_loop3A_232] {strides = array<i32>} : memref<64x128xf32, #tpu.memory_space<vmem>>, vector<16xf32>,
      %parallel_loop3A_234 = arith.constant 80 : i32
      %parallel_loop3A_235 = arith.addi %parallel_loop3A_195, %parallel_loop3A_234 : i32
      %parallel_loop3A_236 = arith.index_cast %parallel_loop3A_235 : i32 to index
      %parallel_loop3A_237 = tpu.vector_load %arg7[%parallel_loop3A_236] {strides = array<i32>} : memref<66048xf32, #tpu.memory_space<vmem>>, vector<16xf32>,
      tpu.vector_store %arg7[%parallel_loop3A_236], %parallel_loop3A_233 {strides = array<i32>} : memref<66048xf32, #tpu.memory_space<vmem>>, vector<16xf32>,
      %parallel_loop3A_238 = arith.index_cast %parallel_loop3A_191 : i32 to index
      %parallel_loop3A_239 = arith.constant 96 : index
      %parallel_loop3A_240 = tpu.vector_load %arg6[%parallel_loop3A_238, %parallel_loop3A_239] {strides = array<i32>} : memref<64x128xf32, #tpu.memory_space<vmem>>, vector<16xf32>,
      %parallel_loop3A_241 = arith.constant 96 : i32
      %parallel_loop3A_242 = arith.addi %parallel_loop3A_195, %parallel_loop3A_241 : i32
      %parallel_loop3A_243 = arith.index_cast %parallel_loop3A_242 : i32 to index
      %parallel_loop3A_244 = tpu.vector_load %arg7[%parallel_loop3A_243] {strides = array<i32>} : memref<66048xf32, #tpu.memory_space<vmem>>, vector<16xf32>,
      tpu.vector_store %arg7[%parallel_loop3A_243], %parallel_loop3A_240 {strides = array<i32>} : memref<66048xf32, #tpu.memory_space<vmem>>, vector<16xf32>,
      %parallel_loop3A_245 = arith.index_cast %parallel_loop3A_191 : i32 to index
      %parallel_loop3A_246 = arith.constant 112 : index
      %parallel_loop3A_247 = tpu.vector_load %arg6[%parallel_loop3A_245, %parallel_loop3A_246] {strides = array<i32>} : memref<64x128xf32, #tpu.memory_space<vmem>>, vector<16xf32>,
      %parallel_loop3A_248 = arith.constant 112 : i32
      %parallel_loop3A_249 = arith.addi %parallel_loop3A_195, %parallel_loop3A_248 : i32
      %parallel_loop3A_250 = arith.index_cast %parallel_loop3A_249 : i32 to index
      %parallel_loop3A_251 = tpu.vector_load %arg7[%parallel_loop3A_250] {strides = array<i32>} : memref<66048xf32, #tpu.memory_space<vmem>>, vector<16xf32>,
      tpu.vector_store %arg7[%parallel_loop3A_250], %parallel_loop3A_247 {strides = array<i32>} : memref<66048xf32, #tpu.memory_space<vmem>>, vector<16xf32>,
    } {sc.loop_unroll_factor = 8 : i64, sc.parallel_access}
    %dma_wait3A_89 = arith.constant 0 : i32
    %dma_wait3A_90 = tpu.memref_slice %arg2[%mul3A_81, %dma_wait3A_89] : memref<16384x128xf32, #tpu.memory_space<hbm>> -> memref<64x128xf32, #tpu.memory_space<hbm>>
    %dma_wait3A_91 = arith.constant 0 : i32
    %dma_wait3A_92 = tpu.memref_slice %arg2[%mul3A_81, %dma_wait3A_91] : memref<16384x128xf32, #tpu.memory_space<hbm>> -> memref<64x128xf32, #tpu.memory_space<hbm>>
    tpu.wait_dma2 semaphore(%arg12 : memref<!tpu.dma_semaphore, #tpu.memory_space<semaphore_mem>>) src(%dma_wait3A_92 : memref<64x128xf32, #tpu.memory_space<hbm>>) dst(%arg5 : memref<64x128xf32, #tpu.memory_space<vmem>>)
    %mul3A_93 = arith.constant 8 : i32
    %mul3A_94 = arith.muli %mul3A_93, %add3A : i32
    %add3A_95 = arith.constant 768 : i32
    %add3A_96 = arith.addi %add3A_95, %mul3A_94 : i32
    %mul3A_97 = arith.constant 8 : i32
    %mul3A_98 = arith.muli %add3A_96, %mul3A_97 : i32
    %dma_start3A_99 = arith.constant 0 : i32
    %dma_start3A_100 = tpu.memref_slice %arg2[%mul3A_98, %dma_start3A_99] : memref<16384x128xf32, #tpu.memory_space<hbm>> -> memref<64x128xf32, #tpu.memory_space<hbm>>
    %dma_start3A_101 = arith.constant 0 : i32
    %dma_start3A_102 = tpu.memref_slice %arg2[%mul3A_98, %dma_start3A_101] : memref<16384x128xf32, #tpu.memory_space<hbm>> -> memref<64x128xf32, #tpu.memory_space<hbm>>
    tpu.enqueue_dma source(%dma_start3A_102 : memref<64x128xf32, #tpu.memory_space<hbm>>) target(%arg6 : memref<64x128xf32, #tpu.memory_space<vmem>>) target_semaphore(%arg13 : memref<!tpu.dma_semaphore, #tpu.memory_space<semaphore_mem>>)
    %parallel_loop3A_103 = arith.constant 0 : i32
    %parallel_loop3A_104 = arith.constant 64 : i32
    %parallel_loop3A_105 = arith.constant 1 : i32
    scf.for %parallel_loop3A_191 = %parallel_loop3A_103 to %parallel_loop3A_104 step %parallel_loop3A_105  : i32 {
      %parallel_loop3A_192 = arith.constant 128 : i32
      %parallel_loop3A_193 = arith.addi %parallel_loop3A_192, %parallel_loop3A_191 : i32
      %parallel_loop3A_194 = arith.constant 129 : i32
      %parallel_loop3A_195 = arith.muli %parallel_loop3A_193, %parallel_loop3A_194 : i32
      %parallel_loop3A_196 = arith.index_cast %parallel_loop3A_191 : i32 to index
      %parallel_loop3A_197 = arith.constant 0 : index
      %parallel_loop3A_198 = tpu.vector_load %arg5[%parallel_loop3A_196, %parallel_loop3A_197] {strides = array<i32>} : memref<64x128xf32, #tpu.memory_space<vmem>>, vector<16xf32>,
      %parallel_loop3A_199 = arith.constant 0 : i32
      %parallel_loop3A_200 = arith.addi %parallel_loop3A_195, %parallel_loop3A_199 : i32
      %parallel_loop3A_201 = arith.index_cast %parallel_loop3A_200 : i32 to index
      %parallel_loop3A_202 = tpu.vector_load %arg7[%parallel_loop3A_201] {strides = array<i32>} : memref<66048xf32, #tpu.memory_space<vmem>>, vector<16xf32>,
      tpu.vector_store %arg7[%parallel_loop3A_201], %parallel_loop3A_198 {strides = array<i32>} : memref<66048xf32, #tpu.memory_space<vmem>>, vector<16xf32>,
      %parallel_loop3A_203 = arith.index_cast %parallel_loop3A_191 : i32 to index
      %parallel_loop3A_204 = arith.constant 16 : index
      %parallel_loop3A_205 = tpu.vector_load %arg5[%parallel_loop3A_203, %parallel_loop3A_204] {strides = array<i32>} : memref<64x128xf32, #tpu.memory_space<vmem>>, vector<16xf32>,
      %parallel_loop3A_206 = arith.constant 16 : i32
      %parallel_loop3A_207 = arith.addi %parallel_loop3A_195, %parallel_loop3A_206 : i32
      %parallel_loop3A_208 = arith.index_cast %parallel_loop3A_207 : i32 to index
      %parallel_loop3A_209 = tpu.vector_load %arg7[%parallel_loop3A_208] {strides = array<i32>} : memref<66048xf32, #tpu.memory_space<vmem>>, vector<16xf32>,
      tpu.vector_store %arg7[%parallel_loop3A_208], %parallel_loop3A_205 {strides = array<i32>} : memref<66048xf32, #tpu.memory_space<vmem>>, vector<16xf32>,
      %parallel_loop3A_210 = arith.index_cast %parallel_loop3A_191 : i32 to index
      %parallel_loop3A_211 = arith.constant 32 : index
      %parallel_loop3A_212 = tpu.vector_load %arg5[%parallel_loop3A_210, %parallel_loop3A_211] {strides = array<i32>} : memref<64x128xf32, #tpu.memory_space<vmem>>, vector<16xf32>,
      %parallel_loop3A_213 = arith.constant 32 : i32
      %parallel_loop3A_214 = arith.addi %parallel_loop3A_195, %parallel_loop3A_213 : i32
      %parallel_loop3A_215 = arith.index_cast %parallel_loop3A_214 : i32 to index
      %parallel_loop3A_216 = tpu.vector_load %arg7[%parallel_loop3A_215] {strides = array<i32>} : memref<66048xf32, #tpu.memory_space<vmem>>, vector<16xf32>,
      tpu.vector_store %arg7[%parallel_loop3A_215], %parallel_loop3A_212 {strides = array<i32>} : memref<66048xf32, #tpu.memory_space<vmem>>, vector<16xf32>,
      %parallel_loop3A_217 = arith.index_cast %parallel_loop3A_191 : i32 to index
      %parallel_loop3A_218 = arith.constant 48 : index
      %parallel_loop3A_219 = tpu.vector_load %arg5[%parallel_loop3A_217, %parallel_loop3A_218] {strides = array<i32>} : memref<64x128xf32, #tpu.memory_space<vmem>>, vector<16xf32>,
      %parallel_loop3A_220 = arith.constant 48 : i32
      %parallel_loop3A_221 = arith.addi %parallel_loop3A_195, %parallel_loop3A_220 : i32
      %parallel_loop3A_222 = arith.index_cast %parallel_loop3A_221 : i32 to index
      %parallel_loop3A_223 = tpu.vector_load %arg7[%parallel_loop3A_222] {strides = array<i32>} : memref<66048xf32, #tpu.memory_space<vmem>>, vector<16xf32>,
      tpu.vector_store %arg7[%parallel_loop3A_222], %parallel_loop3A_219 {strides = array<i32>} : memref<66048xf32, #tpu.memory_space<vmem>>, vector<16xf32>,
      %parallel_loop3A_224 = arith.index_cast %parallel_loop3A_191 : i32 to index
      %parallel_loop3A_225 = arith.constant 64 : index
      %parallel_loop3A_226 = tpu.vector_load %arg5[%parallel_loop3A_224, %parallel_loop3A_225] {strides = array<i32>} : memref<64x128xf32, #tpu.memory_space<vmem>>, vector<16xf32>,
      %parallel_loop3A_227 = arith.constant 64 : i32
      %parallel_loop3A_228 = arith.addi %parallel_loop3A_195, %parallel_loop3A_227 : i32
      %parallel_loop3A_229 = arith.index_cast %parallel_loop3A_228 : i32 to index
      %parallel_loop3A_230 = tpu.vector_load %arg7[%parallel_loop3A_229] {strides = array<i32>} : memref<66048xf32, #tpu.memory_space<vmem>>, vector<16xf32>,
      tpu.vector_store %arg7[%parallel_loop3A_229], %parallel_loop3A_226 {strides = array<i32>} : memref<66048xf32, #tpu.memory_space<vmem>>, vector<16xf32>,
      %parallel_loop3A_231 = arith.index_cast %parallel_loop3A_191 : i32 to index
      %parallel_loop3A_232 = arith.constant 80 : index
      %parallel_loop3A_233 = tpu.vector_load %arg5[%parallel_loop3A_231, %parallel_loop3A_232] {strides = array<i32>} : memref<64x128xf32, #tpu.memory_space<vmem>>, vector<16xf32>,
      %parallel_loop3A_234 = arith.constant 80 : i32
      %parallel_loop3A_235 = arith.addi %parallel_loop3A_195, %parallel_loop3A_234 : i32
      %parallel_loop3A_236 = arith.index_cast %parallel_loop3A_235 : i32 to index
      %parallel_loop3A_237 = tpu.vector_load %arg7[%parallel_loop3A_236] {strides = array<i32>} : memref<66048xf32, #tpu.memory_space<vmem>>, vector<16xf32>,
      tpu.vector_store %arg7[%parallel_loop3A_236], %parallel_loop3A_233 {strides = array<i32>} : memref<66048xf32, #tpu.memory_space<vmem>>, vector<16xf32>,
      %parallel_loop3A_238 = arith.index_cast %parallel_loop3A_191 : i32 to index
      %parallel_loop3A_239 = arith.constant 96 : index
      %parallel_loop3A_240 = tpu.vector_load %arg5[%parallel_loop3A_238, %parallel_loop3A_239] {strides = array<i32>} : memref<64x128xf32, #tpu.memory_space<vmem>>, vector<16xf32>,
      %parallel_loop3A_241 = arith.constant 96 : i32
      %parallel_loop3A_242 = arith.addi %parallel_loop3A_195, %parallel_loop3A_241 : i32
      %parallel_loop3A_243 = arith.index_cast %parallel_loop3A_242 : i32 to index
      %parallel_loop3A_244 = tpu.vector_load %arg7[%parallel_loop3A_243] {strides = array<i32>} : memref<66048xf32, #tpu.memory_space<vmem>>, vector<16xf32>,
      tpu.vector_store %arg7[%parallel_loop3A_243], %parallel_loop3A_240 {strides = array<i32>} : memref<66048xf32, #tpu.memory_space<vmem>>, vector<16xf32>,
      %parallel_loop3A_245 = arith.index_cast %parallel_loop3A_191 : i32 to index
      %parallel_loop3A_246 = arith.constant 112 : index
      %parallel_loop3A_247 = tpu.vector_load %arg5[%parallel_loop3A_245, %parallel_loop3A_246] {strides = array<i32>} : memref<64x128xf32, #tpu.memory_space<vmem>>, vector<16xf32>,
      %parallel_loop3A_248 = arith.constant 112 : i32
      %parallel_loop3A_249 = arith.addi %parallel_loop3A_195, %parallel_loop3A_248 : i32
      %parallel_loop3A_250 = arith.index_cast %parallel_loop3A_249 : i32 to index
      %parallel_loop3A_251 = tpu.vector_load %arg7[%parallel_loop3A_250] {strides = array<i32>} : memref<66048xf32, #tpu.memory_space<vmem>>, vector<16xf32>,
      tpu.vector_store %arg7[%parallel_loop3A_250], %parallel_loop3A_247 {strides = array<i32>} : memref<66048xf32, #tpu.memory_space<vmem>>, vector<16xf32>,
    } {sc.loop_unroll_factor = 8 : i64, sc.parallel_access}
    %dma_wait3A_106 = arith.constant 0 : i32
    %dma_wait3A_107 = tpu.memref_slice %arg2[%mul3A_98, %dma_wait3A_106] : memref<16384x128xf32, #tpu.memory_space<hbm>> -> memref<64x128xf32, #tpu.memory_space<hbm>>
    %dma_wait3A_108 = arith.constant 0 : i32
    %dma_wait3A_109 = tpu.memref_slice %arg2[%mul3A_98, %dma_wait3A_108] : memref<16384x128xf32, #tpu.memory_space<hbm>> -> memref<64x128xf32, #tpu.memory_space<hbm>>
    tpu.wait_dma2 semaphore(%arg13 : memref<!tpu.dma_semaphore, #tpu.memory_space<semaphore_mem>>) src(%dma_wait3A_109 : memref<64x128xf32, #tpu.memory_space<hbm>>) dst(%arg6 : memref<64x128xf32, #tpu.memory_space<vmem>>)
    %mul3A_110 = arith.constant 8 : i32
    %mul3A_111 = arith.muli %mul3A_110, %add3A : i32
    %add3A_112 = arith.constant 1024 : i32
    %add3A_113 = arith.addi %add3A_112, %mul3A_111 : i32
    %mul3A_114 = arith.constant 8 : i32
    %mul3A_115 = arith.muli %add3A_113, %mul3A_114 : i32
    %dma_start3A_116 = arith.constant 0 : i32
    %dma_start3A_117 = tpu.memref_slice %arg2[%mul3A_115, %dma_start3A_116] : memref<16384x128xf32, #tpu.memory_space<hbm>> -> memref<64x128xf32, #tpu.memory_space<hbm>>
    %dma_start3A_118 = arith.constant 0 : i32
    %dma_start3A_119 = tpu.memref_slice %arg2[%mul3A_115, %dma_start3A_118] : memref<16384x128xf32, #tpu.memory_space<hbm>> -> memref<64x128xf32, #tpu.memory_space<hbm>>
    tpu.enqueue_dma source(%dma_start3A_119 : memref<64x128xf32, #tpu.memory_space<hbm>>) target(%arg5 : memref<64x128xf32, #tpu.memory_space<vmem>>) target_semaphore(%arg12 : memref<!tpu.dma_semaphore, #tpu.memory_space<semaphore_mem>>)
    %parallel_loop3A_120 = arith.constant 0 : i32
    %parallel_loop3A_121 = arith.constant 64 : i32
    %parallel_loop3A_122 = arith.constant 1 : i32
    scf.for %parallel_loop3A_191 = %parallel_loop3A_120 to %parallel_loop3A_121 step %parallel_loop3A_122  : i32 {
      %parallel_loop3A_192 = arith.constant 192 : i32
      %parallel_loop3A_193 = arith.addi %parallel_loop3A_192, %parallel_loop3A_191 : i32
      %parallel_loop3A_194 = arith.constant 129 : i32
      %parallel_loop3A_195 = arith.muli %parallel_loop3A_193, %parallel_loop3A_194 : i32
      %parallel_loop3A_196 = arith.index_cast %parallel_loop3A_191 : i32 to index
      %parallel_loop3A_197 = arith.constant 0 : index
      %parallel_loop3A_198 = tpu.vector_load %arg6[%parallel_loop3A_196, %parallel_loop3A_197] {strides = array<i32>} : memref<64x128xf32, #tpu.memory_space<vmem>>, vector<16xf32>,
      %parallel_loop3A_199 = arith.constant 0 : i32
      %parallel_loop3A_200 = arith.addi %parallel_loop3A_195, %parallel_loop3A_199 : i32
      %parallel_loop3A_201 = arith.index_cast %parallel_loop3A_200 : i32 to index
      %parallel_loop3A_202 = tpu.vector_load %arg7[%parallel_loop3A_201] {strides = array<i32>} : memref<66048xf32, #tpu.memory_space<vmem>>, vector<16xf32>,
      tpu.vector_store %arg7[%parallel_loop3A_201], %parallel_loop3A_198 {strides = array<i32>} : memref<66048xf32, #tpu.memory_space<vmem>>, vector<16xf32>,
      %parallel_loop3A_203 = arith.index_cast %parallel_loop3A_191 : i32 to index
      %parallel_loop3A_204 = arith.constant 16 : index
      %parallel_loop3A_205 = tpu.vector_load %arg6[%parallel_loop3A_203, %parallel_loop3A_204] {strides = array<i32>} : memref<64x128xf32, #tpu.memory_space<vmem>>, vector<16xf32>,
      %parallel_loop3A_206 = arith.constant 16 : i32
      %parallel_loop3A_207 = arith.addi %parallel_loop3A_195, %parallel_loop3A_206 : i32
      %parallel_loop3A_208 = arith.index_cast %parallel_loop3A_207 : i32 to index
      %parallel_loop3A_209 = tpu.vector_load %arg7[%parallel_loop3A_208] {strides = array<i32>} : memref<66048xf32, #tpu.memory_space<vmem>>, vector<16xf32>,
      tpu.vector_store %arg7[%parallel_loop3A_208], %parallel_loop3A_205 {strides = array<i32>} : memref<66048xf32, #tpu.memory_space<vmem>>, vector<16xf32>,
      %parallel_loop3A_210 = arith.index_cast %parallel_loop3A_191 : i32 to index
      %parallel_loop3A_211 = arith.constant 32 : index
      %parallel_loop3A_212 = tpu.vector_load %arg6[%parallel_loop3A_210, %parallel_loop3A_211] {strides = array<i32>} : memref<64x128xf32, #tpu.memory_space<vmem>>, vector<16xf32>,
      %parallel_loop3A_213 = arith.constant 32 : i32
      %parallel_loop3A_214 = arith.addi %parallel_loop3A_195, %parallel_loop3A_213 : i32
      %parallel_loop3A_215 = arith.index_cast %parallel_loop3A_214 : i32 to index
      %parallel_loop3A_216 = tpu.vector_load %arg7[%parallel_loop3A_215] {strides = array<i32>} : memref<66048xf32, #tpu.memory_space<vmem>>, vector<16xf32>,
      tpu.vector_store %arg7[%parallel_loop3A_215], %parallel_loop3A_212 {strides = array<i32>} : memref<66048xf32, #tpu.memory_space<vmem>>, vector<16xf32>,
      %parallel_loop3A_217 = arith.index_cast %parallel_loop3A_191 : i32 to index
      %parallel_loop3A_218 = arith.constant 48 : index
      %parallel_loop3A_219 = tpu.vector_load %arg6[%parallel_loop3A_217, %parallel_loop3A_218] {strides = array<i32>} : memref<64x128xf32, #tpu.memory_space<vmem>>, vector<16xf32>,
      %parallel_loop3A_220 = arith.constant 48 : i32
      %parallel_loop3A_221 = arith.addi %parallel_loop3A_195, %parallel_loop3A_220 : i32
      %parallel_loop3A_222 = arith.index_cast %parallel_loop3A_221 : i32 to index
      %parallel_loop3A_223 = tpu.vector_load %arg7[%parallel_loop3A_222] {strides = array<i32>} : memref<66048xf32, #tpu.memory_space<vmem>>, vector<16xf32>,
      tpu.vector_store %arg7[%parallel_loop3A_222], %parallel_loop3A_219 {strides = array<i32>} : memref<66048xf32, #tpu.memory_space<vmem>>, vector<16xf32>,
      %parallel_loop3A_224 = arith.index_cast %parallel_loop3A_191 : i32 to index
      %parallel_loop3A_225 = arith.constant 64 : index
      %parallel_loop3A_226 = tpu.vector_load %arg6[%parallel_loop3A_224, %parallel_loop3A_225] {strides = array<i32>} : memref<64x128xf32, #tpu.memory_space<vmem>>, vector<16xf32>,
      %parallel_loop3A_227 = arith.constant 64 : i32
      %parallel_loop3A_228 = arith.addi %parallel_loop3A_195, %parallel_loop3A_227 : i32
      %parallel_loop3A_229 = arith.index_cast %parallel_loop3A_228 : i32 to index
      %parallel_loop3A_230 = tpu.vector_load %arg7[%parallel_loop3A_229] {strides = array<i32>} : memref<66048xf32, #tpu.memory_space<vmem>>, vector<16xf32>,
      tpu.vector_store %arg7[%parallel_loop3A_229], %parallel_loop3A_226 {strides = array<i32>} : memref<66048xf32, #tpu.memory_space<vmem>>, vector<16xf32>,
      %parallel_loop3A_231 = arith.index_cast %parallel_loop3A_191 : i32 to index
      %parallel_loop3A_232 = arith.constant 80 : index
      %parallel_loop3A_233 = tpu.vector_load %arg6[%parallel_loop3A_231, %parallel_loop3A_232] {strides = array<i32>} : memref<64x128xf32, #tpu.memory_space<vmem>>, vector<16xf32>,
      %parallel_loop3A_234 = arith.constant 80 : i32
      %parallel_loop3A_235 = arith.addi %parallel_loop3A_195, %parallel_loop3A_234 : i32
      %parallel_loop3A_236 = arith.index_cast %parallel_loop3A_235 : i32 to index
      %parallel_loop3A_237 = tpu.vector_load %arg7[%parallel_loop3A_236] {strides = array<i32>} : memref<66048xf32, #tpu.memory_space<vmem>>, vector<16xf32>,
      tpu.vector_store %arg7[%parallel_loop3A_236], %parallel_loop3A_233 {strides = array<i32>} : memref<66048xf32, #tpu.memory_space<vmem>>, vector<16xf32>,
      %parallel_loop3A_238 = arith.index_cast %parallel_loop3A_191 : i32 to index
      %parallel_loop3A_239 = arith.constant 96 : index
      %parallel_loop3A_240 = tpu.vector_load %arg6[%parallel_loop3A_238, %parallel_loop3A_239] {strides = array<i32>} : memref<64x128xf32, #tpu.memory_space<vmem>>, vector<16xf32>,
      %parallel_loop3A_241 = arith.constant 96 : i32
      %parallel_loop3A_242 = arith.addi %parallel_loop3A_195, %parallel_loop3A_241 : i32
      %parallel_loop3A_243 = arith.index_cast %parallel_loop3A_242 : i32 to index
      %parallel_loop3A_244 = tpu.vector_load %arg7[%parallel_loop3A_243] {strides = array<i32>} : memref<66048xf32, #tpu.memory_space<vmem>>, vector<16xf32>,
      tpu.vector_store %arg7[%parallel_loop3A_243], %parallel_loop3A_240 {strides = array<i32>} : memref<66048xf32, #tpu.memory_space<vmem>>, vector<16xf32>,
      %parallel_loop3A_245 = arith.index_cast %parallel_loop3A_191 : i32 to index
      %parallel_loop3A_246 = arith.constant 112 : index
      %parallel_loop3A_247 = tpu.vector_load %arg6[%parallel_loop3A_245, %parallel_loop3A_246] {strides = array<i32>} : memref<64x128xf32, #tpu.memory_space<vmem>>, vector<16xf32>,
      %parallel_loop3A_248 = arith.constant 112 : i32
      %parallel_loop3A_249 = arith.addi %parallel_loop3A_195, %parallel_loop3A_248 : i32
      %parallel_loop3A_250 = arith.index_cast %parallel_loop3A_249 : i32 to index
      %parallel_loop3A_251 = tpu.vector_load %arg7[%parallel_loop3A_250] {strides = array<i32>} : memref<66048xf32, #tpu.memory_space<vmem>>, vector<16xf32>,
      tpu.vector_store %arg7[%parallel_loop3A_250], %parallel_loop3A_247 {strides = array<i32>} : memref<66048xf32, #tpu.memory_space<vmem>>, vector<16xf32>,
    } {sc.loop_unroll_factor = 8 : i64, sc.parallel_access}
    %dma_wait3A_123 = arith.constant 0 : i32
    %dma_wait3A_124 = tpu.memref_slice %arg2[%mul3A_115, %dma_wait3A_123] : memref<16384x128xf32, #tpu.memory_space<hbm>> -> memref<64x128xf32, #tpu.memory_space<hbm>>
    %dma_wait3A_125 = arith.constant 0 : i32
    %dma_wait3A_126 = tpu.memref_slice %arg2[%mul3A_115, %dma_wait3A_125] : memref<16384x128xf32, #tpu.memory_space<hbm>> -> memref<64x128xf32, #tpu.memory_space<hbm>>
    tpu.wait_dma2 semaphore(%arg12 : memref<!tpu.dma_semaphore, #tpu.memory_space<semaphore_mem>>) src(%dma_wait3A_126 : memref<64x128xf32, #tpu.memory_space<hbm>>) dst(%arg5 : memref<64x128xf32, #tpu.memory_space<vmem>>)
    %mul3A_127 = arith.constant 8 : i32
    %mul3A_128 = arith.muli %mul3A_127, %add3A : i32
    %add3A_129 = arith.constant 1280 : i32
    %add3A_130 = arith.addi %add3A_129, %mul3A_128 : i32
    %mul3A_131 = arith.constant 8 : i32
    %mul3A_132 = arith.muli %add3A_130, %mul3A_131 : i32
    %dma_start3A_133 = arith.constant 0 : i32
    %dma_start3A_134 = tpu.memref_slice %arg2[%mul3A_132, %dma_start3A_133] : memref<16384x128xf32, #tpu.memory_space<hbm>> -> memref<64x128xf32, #tpu.memory_space<hbm>>
    %dma_start3A_135 = arith.constant 0 : i32
    %dma_start3A_136 = tpu.memref_slice %arg2[%mul3A_132, %dma_start3A_135] : memref<16384x128xf32, #tpu.memory_space<hbm>> -> memref<64x128xf32, #tpu.memory_space<hbm>>
    tpu.enqueue_dma source(%dma_start3A_136 : memref<64x128xf32, #tpu.memory_space<hbm>>) target(%arg6 : memref<64x128xf32, #tpu.memory_space<vmem>>) target_semaphore(%arg13 : memref<!tpu.dma_semaphore, #tpu.memory_space<semaphore_mem>>)
    %parallel_loop3A_137 = arith.constant 0 : i32
    %parallel_loop3A_138 = arith.constant 64 : i32
    %parallel_loop3A_139 = arith.constant 1 : i32
    scf.for %parallel_loop3A_191 = %parallel_loop3A_137 to %parallel_loop3A_138 step %parallel_loop3A_139  : i32 {
      %parallel_loop3A_192 = arith.constant 256 : i32
      %parallel_loop3A_193 = arith.addi %parallel_loop3A_192, %parallel_loop3A_191 : i32
      %parallel_loop3A_194 = arith.constant 129 : i32
      %parallel_loop3A_195 = arith.muli %parallel_loop3A_193, %parallel_loop3A_194 : i32
      %parallel_loop3A_196 = arith.index_cast %parallel_loop3A_191 : i32 to index
      %parallel_loop3A_197 = arith.constant 0 : index
      %parallel_loop3A_198 = tpu.vector_load %arg5[%parallel_loop3A_196, %parallel_loop3A_197] {strides = array<i32>} : memref<64x128xf32, #tpu.memory_space<vmem>>, vector<16xf32>,
      %parallel_loop3A_199 = arith.constant 0 : i32
      %parallel_loop3A_200 = arith.addi %parallel_loop3A_195, %parallel_loop3A_199 : i32
      %parallel_loop3A_201 = arith.index_cast %parallel_loop3A_200 : i32 to index
      %parallel_loop3A_202 = tpu.vector_load %arg7[%parallel_loop3A_201] {strides = array<i32>} : memref<66048xf32, #tpu.memory_space<vmem>>, vector<16xf32>,
      tpu.vector_store %arg7[%parallel_loop3A_201], %parallel_loop3A_198 {strides = array<i32>} : memref<66048xf32, #tpu.memory_space<vmem>>, vector<16xf32>,
      %parallel_loop3A_203 = arith.index_cast %parallel_loop3A_191 : i32 to index
      %parallel_loop3A_204 = arith.constant 16 : index
      %parallel_loop3A_205 = tpu.vector_load %arg5[%parallel_loop3A_203, %parallel_loop3A_204] {strides = array<i32>} : memref<64x128xf32, #tpu.memory_space<vmem>>, vector<16xf32>,
      %parallel_loop3A_206 = arith.constant 16 : i32
      %parallel_loop3A_207 = arith.addi %parallel_loop3A_195, %parallel_loop3A_206 : i32
      %parallel_loop3A_208 = arith.index_cast %parallel_loop3A_207 : i32 to index
      %parallel_loop3A_209 = tpu.vector_load %arg7[%parallel_loop3A_208] {strides = array<i32>} : memref<66048xf32, #tpu.memory_space<vmem>>, vector<16xf32>,
      tpu.vector_store %arg7[%parallel_loop3A_208], %parallel_loop3A_205 {strides = array<i32>} : memref<66048xf32, #tpu.memory_space<vmem>>, vector<16xf32>,
      %parallel_loop3A_210 = arith.index_cast %parallel_loop3A_191 : i32 to index
      %parallel_loop3A_211 = arith.constant 32 : index
      %parallel_loop3A_212 = tpu.vector_load %arg5[%parallel_loop3A_210, %parallel_loop3A_211] {strides = array<i32>} : memref<64x128xf32, #tpu.memory_space<vmem>>, vector<16xf32>,
      %parallel_loop3A_213 = arith.constant 32 : i32
      %parallel_loop3A_214 = arith.addi %parallel_loop3A_195, %parallel_loop3A_213 : i32
      %parallel_loop3A_215 = arith.index_cast %parallel_loop3A_214 : i32 to index
      %parallel_loop3A_216 = tpu.vector_load %arg7[%parallel_loop3A_215] {strides = array<i32>} : memref<66048xf32, #tpu.memory_space<vmem>>, vector<16xf32>,
      tpu.vector_store %arg7[%parallel_loop3A_215], %parallel_loop3A_212 {strides = array<i32>} : memref<66048xf32, #tpu.memory_space<vmem>>, vector<16xf32>,
      %parallel_loop3A_217 = arith.index_cast %parallel_loop3A_191 : i32 to index
      %parallel_loop3A_218 = arith.constant 48 : index
      %parallel_loop3A_219 = tpu.vector_load %arg5[%parallel_loop3A_217, %parallel_loop3A_218] {strides = array<i32>} : memref<64x128xf32, #tpu.memory_space<vmem>>, vector<16xf32>,
      %parallel_loop3A_220 = arith.constant 48 : i32
      %parallel_loop3A_221 = arith.addi %parallel_loop3A_195, %parallel_loop3A_220 : i32
      %parallel_loop3A_222 = arith.index_cast %parallel_loop3A_221 : i32 to index
      %parallel_loop3A_223 = tpu.vector_load %arg7[%parallel_loop3A_222] {strides = array<i32>} : memref<66048xf32, #tpu.memory_space<vmem>>, vector<16xf32>,
      tpu.vector_store %arg7[%parallel_loop3A_222], %parallel_loop3A_219 {strides = array<i32>} : memref<66048xf32, #tpu.memory_space<vmem>>, vector<16xf32>,
      %parallel_loop3A_224 = arith.index_cast %parallel_loop3A_191 : i32 to index
      %parallel_loop3A_225 = arith.constant 64 : index
      %parallel_loop3A_226 = tpu.vector_load %arg5[%parallel_loop3A_224, %parallel_loop3A_225] {strides = array<i32>} : memref<64x128xf32, #tpu.memory_space<vmem>>, vector<16xf32>,
      %parallel_loop3A_227 = arith.constant 64 : i32
      %parallel_loop3A_228 = arith.addi %parallel_loop3A_195, %parallel_loop3A_227 : i32
      %parallel_loop3A_229 = arith.index_cast %parallel_loop3A_228 : i32 to index
      %parallel_loop3A_230 = tpu.vector_load %arg7[%parallel_loop3A_229] {strides = array<i32>} : memref<66048xf32, #tpu.memory_space<vmem>>, vector<16xf32>,
      tpu.vector_store %arg7[%parallel_loop3A_229], %parallel_loop3A_226 {strides = array<i32>} : memref<66048xf32, #tpu.memory_space<vmem>>, vector<16xf32>,
      %parallel_loop3A_231 = arith.index_cast %parallel_loop3A_191 : i32 to index
      %parallel_loop3A_232 = arith.constant 80 : index
      %parallel_loop3A_233 = tpu.vector_load %arg5[%parallel_loop3A_231, %parallel_loop3A_232] {strides = array<i32>} : memref<64x128xf32, #tpu.memory_space<vmem>>, vector<16xf32>,
      %parallel_loop3A_234 = arith.constant 80 : i32
      %parallel_loop3A_235 = arith.addi %parallel_loop3A_195, %parallel_loop3A_234 : i32
      %parallel_loop3A_236 = arith.index_cast %parallel_loop3A_235 : i32 to index
      %parallel_loop3A_237 = tpu.vector_load %arg7[%parallel_loop3A_236] {strides = array<i32>} : memref<66048xf32, #tpu.memory_space<vmem>>, vector<16xf32>,
      tpu.vector_store %arg7[%parallel_loop3A_236], %parallel_loop3A_233 {strides = array<i32>} : memref<66048xf32, #tpu.memory_space<vmem>>, vector<16xf32>,
      %parallel_loop3A_238 = arith.index_cast %parallel_loop3A_191 : i32 to index
      %parallel_loop3A_239 = arith.constant 96 : index
      %parallel_loop3A_240 = tpu.vector_load %arg5[%parallel_loop3A_238, %parallel_loop3A_239] {strides = array<i32>} : memref<64x128xf32, #tpu.memory_space<vmem>>, vector<16xf32>,
      %parallel_loop3A_241 = arith.constant 96 : i32
      %parallel_loop3A_242 = arith.addi %parallel_loop3A_195, %parallel_loop3A_241 : i32
      %parallel_loop3A_243 = arith.index_cast %parallel_loop3A_242 : i32 to index
      %parallel_loop3A_244 = tpu.vector_load %arg7[%parallel_loop3A_243] {strides = array<i32>} : memref<66048xf32, #tpu.memory_space<vmem>>, vector<16xf32>,
      tpu.vector_store %arg7[%parallel_loop3A_243], %parallel_loop3A_240 {strides = array<i32>} : memref<66048xf32, #tpu.memory_space<vmem>>, vector<16xf32>,
      %parallel_loop3A_245 = arith.index_cast %parallel_loop3A_191 : i32 to index
      %parallel_loop3A_246 = arith.constant 112 : index
      %parallel_loop3A_247 = tpu.vector_load %arg5[%parallel_loop3A_245, %parallel_loop3A_246] {strides = array<i32>} : memref<64x128xf32, #tpu.memory_space<vmem>>, vector<16xf32>,
      %parallel_loop3A_248 = arith.constant 112 : i32
      %parallel_loop3A_249 = arith.addi %parallel_loop3A_195, %parallel_loop3A_248 : i32
      %parallel_loop3A_250 = arith.index_cast %parallel_loop3A_249 : i32 to index
      %parallel_loop3A_251 = tpu.vector_load %arg7[%parallel_loop3A_250] {strides = array<i32>} : memref<66048xf32, #tpu.memory_space<vmem>>, vector<16xf32>,
      tpu.vector_store %arg7[%parallel_loop3A_250], %parallel_loop3A_247 {strides = array<i32>} : memref<66048xf32, #tpu.memory_space<vmem>>, vector<16xf32>,
    } {sc.loop_unroll_factor = 8 : i64, sc.parallel_access}
    %dma_wait3A_140 = arith.constant 0 : i32
    %dma_wait3A_141 = tpu.memref_slice %arg2[%mul3A_132, %dma_wait3A_140] : memref<16384x128xf32, #tpu.memory_space<hbm>> -> memref<64x128xf32, #tpu.memory_space<hbm>>
    %dma_wait3A_142 = arith.constant 0 : i32
    %dma_wait3A_143 = tpu.memref_slice %arg2[%mul3A_132, %dma_wait3A_142] : memref<16384x128xf32, #tpu.memory_space<hbm>> -> memref<64x128xf32, #tpu.memory_space<hbm>>
    tpu.wait_dma2 semaphore(%arg13 : memref<!tpu.dma_semaphore, #tpu.memory_space<semaphore_mem>>) src(%dma_wait3A_143 : memref<64x128xf32, #tpu.memory_space<hbm>>) dst(%arg6 : memref<64x128xf32, #tpu.memory_space<vmem>>)
    %mul3A_144 = arith.constant 8 : i32
    %mul3A_145 = arith.muli %mul3A_144, %add3A : i32
    %add3A_146 = arith.constant 1536 : i32
    %add3A_147 = arith.addi %add3A_146, %mul3A_145 : i32
    %mul3A_148 = arith.constant 8 : i32
    %mul3A_149 = arith.muli %add3A_147, %mul3A_148 : i32
    %dma_start3A_150 = arith.constant 0 : i32
    %dma_start3A_151 = tpu.memref_slice %arg2[%mul3A_149, %dma_start3A_150] : memref<16384x128xf32, #tpu.memory_space<hbm>> -> memref<64x128xf32, #tpu.memory_space<hbm>>
    %dma_start3A_152 = arith.constant 0 : i32
    %dma_start3A_153 = tpu.memref_slice %arg2[%mul3A_149, %dma_start3A_152] : memref<16384x128xf32, #tpu.memory_space<hbm>> -> memref<64x128xf32, #tpu.memory_space<hbm>>
    tpu.enqueue_dma source(%dma_start3A_153 : memref<64x128xf32, #tpu.memory_space<hbm>>) target(%arg5 : memref<64x128xf32, #tpu.memory_space<vmem>>) target_semaphore(%arg12 : memref<!tpu.dma_semaphore, #tpu.memory_space<semaphore_mem>>)
    %parallel_loop3A_154 = arith.constant 0 : i32
    %parallel_loop3A_155 = arith.constant 64 : i32
    %parallel_loop3A_156 = arith.constant 1 : i32
    scf.for %parallel_loop3A_191 = %parallel_loop3A_154 to %parallel_loop3A_155 step %parallel_loop3A_156  : i32 {
      %parallel_loop3A_192 = arith.constant 320 : i32
      %parallel_loop3A_193 = arith.addi %parallel_loop3A_192, %parallel_loop3A_191 : i32
      %parallel_loop3A_194 = arith.constant 129 : i32
      %parallel_loop3A_195 = arith.muli %parallel_loop3A_193, %parallel_loop3A_194 : i32
      %parallel_loop3A_196 = arith.index_cast %parallel_loop3A_191 : i32 to index
      %parallel_loop3A_197 = arith.constant 0 : index
      %parallel_loop3A_198 = tpu.vector_load %arg6[%parallel_loop3A_196, %parallel_loop3A_197] {strides = array<i32>} : memref<64x128xf32, #tpu.memory_space<vmem>>, vector<16xf32>,
      %parallel_loop3A_199 = arith.constant 0 : i32
      %parallel_loop3A_200 = arith.addi %parallel_loop3A_195, %parallel_loop3A_199 : i32
      %parallel_loop3A_201 = arith.index_cast %parallel_loop3A_200 : i32 to index
      %parallel_loop3A_202 = tpu.vector_load %arg7[%parallel_loop3A_201] {strides = array<i32>} : memref<66048xf32, #tpu.memory_space<vmem>>, vector<16xf32>,
      tpu.vector_store %arg7[%parallel_loop3A_201], %parallel_loop3A_198 {strides = array<i32>} : memref<66048xf32, #tpu.memory_space<vmem>>, vector<16xf32>,
      %parallel_loop3A_203 = arith.index_cast %parallel_loop3A_191 : i32 to index
      %parallel_loop3A_204 = arith.constant 16 : index
      %parallel_loop3A_205 = tpu.vector_load %arg6[%parallel_loop3A_203, %parallel_loop3A_204] {strides = array<i32>} : memref<64x128xf32, #tpu.memory_space<vmem>>, vector<16xf32>,
      %parallel_loop3A_206 = arith.constant 16 : i32
      %parallel_loop3A_207 = arith.addi %parallel_loop3A_195, %parallel_loop3A_206 : i32
      %parallel_loop3A_208 = arith.index_cast %parallel_loop3A_207 : i32 to index
      %parallel_loop3A_209 = tpu.vector_load %arg7[%parallel_loop3A_208] {strides = array<i32>} : memref<66048xf32, #tpu.memory_space<vmem>>, vector<16xf32>,
      tpu.vector_store %arg7[%parallel_loop3A_208], %parallel_loop3A_205 {strides = array<i32>} : memref<66048xf32, #tpu.memory_space<vmem>>, vector<16xf32>,
      %parallel_loop3A_210 = arith.index_cast %parallel_loop3A_191 : i32 to index
      %parallel_loop3A_211 = arith.constant 32 : index
      %parallel_loop3A_212 = tpu.vector_load %arg6[%parallel_loop3A_210, %parallel_loop3A_211] {strides = array<i32>} : memref<64x128xf32, #tpu.memory_space<vmem>>, vector<16xf32>,
      %parallel_loop3A_213 = arith.constant 32 : i32
      %parallel_loop3A_214 = arith.addi %parallel_loop3A_195, %parallel_loop3A_213 : i32
      %parallel_loop3A_215 = arith.index_cast %parallel_loop3A_214 : i32 to index
      %parallel_loop3A_216 = tpu.vector_load %arg7[%parallel_loop3A_215] {strides = array<i32>} : memref<66048xf32, #tpu.memory_space<vmem>>, vector<16xf32>,
      tpu.vector_store %arg7[%parallel_loop3A_215], %parallel_loop3A_212 {strides = array<i32>} : memref<66048xf32, #tpu.memory_space<vmem>>, vector<16xf32>,
      %parallel_loop3A_217 = arith.index_cast %parallel_loop3A_191 : i32 to index
      %parallel_loop3A_218 = arith.constant 48 : index
      %parallel_loop3A_219 = tpu.vector_load %arg6[%parallel_loop3A_217, %parallel_loop3A_218] {strides = array<i32>} : memref<64x128xf32, #tpu.memory_space<vmem>>, vector<16xf32>,
      %parallel_loop3A_220 = arith.constant 48 : i32
      %parallel_loop3A_221 = arith.addi %parallel_loop3A_195, %parallel_loop3A_220 : i32
      %parallel_loop3A_222 = arith.index_cast %parallel_loop3A_221 : i32 to index
      %parallel_loop3A_223 = tpu.vector_load %arg7[%parallel_loop3A_222] {strides = array<i32>} : memref<66048xf32, #tpu.memory_space<vmem>>, vector<16xf32>,
      tpu.vector_store %arg7[%parallel_loop3A_222], %parallel_loop3A_219 {strides = array<i32>} : memref<66048xf32, #tpu.memory_space<vmem>>, vector<16xf32>,
      %parallel_loop3A_224 = arith.index_cast %parallel_loop3A_191 : i32 to index
      %parallel_loop3A_225 = arith.constant 64 : index
      %parallel_loop3A_226 = tpu.vector_load %arg6[%parallel_loop3A_224, %parallel_loop3A_225] {strides = array<i32>} : memref<64x128xf32, #tpu.memory_space<vmem>>, vector<16xf32>,
      %parallel_loop3A_227 = arith.constant 64 : i32
      %parallel_loop3A_228 = arith.addi %parallel_loop3A_195, %parallel_loop3A_227 : i32
      %parallel_loop3A_229 = arith.index_cast %parallel_loop3A_228 : i32 to index
      %parallel_loop3A_230 = tpu.vector_load %arg7[%parallel_loop3A_229] {strides = array<i32>} : memref<66048xf32, #tpu.memory_space<vmem>>, vector<16xf32>,
      tpu.vector_store %arg7[%parallel_loop3A_229], %parallel_loop3A_226 {strides = array<i32>} : memref<66048xf32, #tpu.memory_space<vmem>>, vector<16xf32>,
      %parallel_loop3A_231 = arith.index_cast %parallel_loop3A_191 : i32 to index
      %parallel_loop3A_232 = arith.constant 80 : index
      %parallel_loop3A_233 = tpu.vector_load %arg6[%parallel_loop3A_231, %parallel_loop3A_232] {strides = array<i32>} : memref<64x128xf32, #tpu.memory_space<vmem>>, vector<16xf32>,
      %parallel_loop3A_234 = arith.constant 80 : i32
      %parallel_loop3A_235 = arith.addi %parallel_loop3A_195, %parallel_loop3A_234 : i32
      %parallel_loop3A_236 = arith.index_cast %parallel_loop3A_235 : i32 to index
      %parallel_loop3A_237 = tpu.vector_load %arg7[%parallel_loop3A_236] {strides = array<i32>} : memref<66048xf32, #tpu.memory_space<vmem>>, vector<16xf32>,
      tpu.vector_store %arg7[%parallel_loop3A_236], %parallel_loop3A_233 {strides = array<i32>} : memref<66048xf32, #tpu.memory_space<vmem>>, vector<16xf32>,
      %parallel_loop3A_238 = arith.index_cast %parallel_loop3A_191 : i32 to index
      %parallel_loop3A_239 = arith.constant 96 : index
      %parallel_loop3A_240 = tpu.vector_load %arg6[%parallel_loop3A_238, %parallel_loop3A_239] {strides = array<i32>} : memref<64x128xf32, #tpu.memory_space<vmem>>, vector<16xf32>,
      %parallel_loop3A_241 = arith.constant 96 : i32
      %parallel_loop3A_242 = arith.addi %parallel_loop3A_195, %parallel_loop3A_241 : i32
      %parallel_loop3A_243 = arith.index_cast %parallel_loop3A_242 : i32 to index
      %parallel_loop3A_244 = tpu.vector_load %arg7[%parallel_loop3A_243] {strides = array<i32>} : memref<66048xf32, #tpu.memory_space<vmem>>, vector<16xf32>,
      tpu.vector_store %arg7[%parallel_loop3A_243], %parallel_loop3A_240 {strides = array<i32>} : memref<66048xf32, #tpu.memory_space<vmem>>, vector<16xf32>,
      %parallel_loop3A_245 = arith.index_cast %parallel_loop3A_191 : i32 to index
      %parallel_loop3A_246 = arith.constant 112 : index
      %parallel_loop3A_247 = tpu.vector_load %arg6[%parallel_loop3A_245, %parallel_loop3A_246] {strides = array<i32>} : memref<64x128xf32, #tpu.memory_space<vmem>>, vector<16xf32>,
      %parallel_loop3A_248 = arith.constant 112 : i32
      %parallel_loop3A_249 = arith.addi %parallel_loop3A_195, %parallel_loop3A_248 : i32
      %parallel_loop3A_250 = arith.index_cast %parallel_loop3A_249 : i32 to index
      %parallel_loop3A_251 = tpu.vector_load %arg7[%parallel_loop3A_250] {strides = array<i32>} : memref<66048xf32, #tpu.memory_space<vmem>>, vector<16xf32>,
      tpu.vector_store %arg7[%parallel_loop3A_250], %parallel_loop3A_247 {strides = array<i32>} : memref<66048xf32, #tpu.memory_space<vmem>>, vector<16xf32>,
    } {sc.loop_unroll_factor = 8 : i64, sc.parallel_access}
    %dma_wait3A_157 = arith.constant 0 : i32
    %dma_wait3A_158 = tpu.memref_slice %arg2[%mul3A_149, %dma_wait3A_157] : memref<16384x128xf32, #tpu.memory_space<hbm>> -> memref<64x128xf32, #tpu.memory_space<hbm>>
    %dma_wait3A_159 = arith.constant 0 : i32
    %dma_wait3A_160 = tpu.memref_slice %arg2[%mul3A_149, %dma_wait3A_159] : memref<16384x128xf32, #tpu.memory_space<hbm>> -> memref<64x128xf32, #tpu.memory_space<hbm>>
    tpu.wait_dma2 semaphore(%arg12 : memref<!tpu.dma_semaphore, #tpu.memory_space<semaphore_mem>>) src(%dma_wait3A_160 : memref<64x128xf32, #tpu.memory_space<hbm>>) dst(%arg5 : memref<64x128xf32, #tpu.memory_space<vmem>>)
    %mul3A_161 = arith.constant 8 : i32
    %mul3A_162 = arith.muli %mul3A_161, %add3A : i32
    %add3A_163 = arith.constant 1792 : i32
    %add3A_164 = arith.addi %add3A_163, %mul3A_162 : i32
    %mul3A_165 = arith.constant 8 : i32
    %mul3A_166 = arith.muli %add3A_164, %mul3A_165 : i32
    %dma_start3A_167 = arith.constant 0 : i32
    %dma_start3A_168 = tpu.memref_slice %arg2[%mul3A_166, %dma_start3A_167] : memref<16384x128xf32, #tpu.memory_space<hbm>> -> memref<64x128xf32, #tpu.memory_space<hbm>>
    %dma_start3A_169 = arith.constant 0 : i32
    %dma_start3A_170 = tpu.memref_slice %arg2[%mul3A_166, %dma_start3A_169] : memref<16384x128xf32, #tpu.memory_space<hbm>> -> memref<64x128xf32, #tpu.memory_space<hbm>>
    tpu.enqueue_dma source(%dma_start3A_170 : memref<64x128xf32, #tpu.memory_space<hbm>>) target(%arg6 : memref<64x128xf32, #tpu.memory_space<vmem>>) target_semaphore(%arg13 : memref<!tpu.dma_semaphore, #tpu.memory_space<semaphore_mem>>)
    %parallel_loop3A_171 = arith.constant 0 : i32
    %parallel_loop3A_172 = arith.constant 64 : i32
    %parallel_loop3A_173 = arith.constant 1 : i32
    scf.for %parallel_loop3A_191 = %parallel_loop3A_171 to %parallel_loop3A_172 step %parallel_loop3A_173  : i32 {
      %parallel_loop3A_192 = arith.constant 384 : i32
      %parallel_loop3A_193 = arith.addi %parallel_loop3A_192, %parallel_loop3A_191 : i32
      %parallel_loop3A_194 = arith.constant 129 : i32
      %parallel_loop3A_195 = arith.muli %parallel_loop3A_193, %parallel_loop3A_194 : i32
      %parallel_loop3A_196 = arith.index_cast %parallel_loop3A_191 : i32 to index
      %parallel_loop3A_197 = arith.constant 0 : index
      %parallel_loop3A_198 = tpu.vector_load %arg5[%parallel_loop3A_196, %parallel_loop3A_197] {strides = array<i32>} : memref<64x128xf32, #tpu.memory_space<vmem>>, vector<16xf32>,
      %parallel_loop3A_199 = arith.constant 0 : i32
      %parallel_loop3A_200 = arith.addi %parallel_loop3A_195, %parallel_loop3A_199 : i32
      %parallel_loop3A_201 = arith.index_cast %parallel_loop3A_200 : i32 to index
      %parallel_loop3A_202 = tpu.vector_load %arg7[%parallel_loop3A_201] {strides = array<i32>} : memref<66048xf32, #tpu.memory_space<vmem>>, vector<16xf32>,
      tpu.vector_store %arg7[%parallel_loop3A_201], %parallel_loop3A_198 {strides = array<i32>} : memref<66048xf32, #tpu.memory_space<vmem>>, vector<16xf32>,
      %parallel_loop3A_203 = arith.index_cast %parallel_loop3A_191 : i32 to index
      %parallel_loop3A_204 = arith.constant 16 : index
      %parallel_loop3A_205 = tpu.vector_load %arg5[%parallel_loop3A_203, %parallel_loop3A_204] {strides = array<i32>} : memref<64x128xf32, #tpu.memory_space<vmem>>, vector<16xf32>,
      %parallel_loop3A_206 = arith.constant 16 : i32
      %parallel_loop3A_207 = arith.addi %parallel_loop3A_195, %parallel_loop3A_206 : i32
      %parallel_loop3A_208 = arith.index_cast %parallel_loop3A_207 : i32 to index
      %parallel_loop3A_209 = tpu.vector_load %arg7[%parallel_loop3A_208] {strides = array<i32>} : memref<66048xf32, #tpu.memory_space<vmem>>, vector<16xf32>,
      tpu.vector_store %arg7[%parallel_loop3A_208], %parallel_loop3A_205 {strides = array<i32>} : memref<66048xf32, #tpu.memory_space<vmem>>, vector<16xf32>,
      %parallel_loop3A_210 = arith.index_cast %parallel_loop3A_191 : i32 to index
      %parallel_loop3A_211 = arith.constant 32 : index
      %parallel_loop3A_212 = tpu.vector_load %arg5[%parallel_loop3A_210, %parallel_loop3A_211] {strides = array<i32>} : memref<64x128xf32, #tpu.memory_space<vmem>>, vector<16xf32>,
      %parallel_loop3A_213 = arith.constant 32 : i32
      %parallel_loop3A_214 = arith.addi %parallel_loop3A_195, %parallel_loop3A_213 : i32
      %parallel_loop3A_215 = arith.index_cast %parallel_loop3A_214 : i32 to index
      %parallel_loop3A_216 = tpu.vector_load %arg7[%parallel_loop3A_215] {strides = array<i32>} : memref<66048xf32, #tpu.memory_space<vmem>>, vector<16xf32>,
      tpu.vector_store %arg7[%parallel_loop3A_215], %parallel_loop3A_212 {strides = array<i32>} : memref<66048xf32, #tpu.memory_space<vmem>>, vector<16xf32>,
      %parallel_loop3A_217 = arith.index_cast %parallel_loop3A_191 : i32 to index
      %parallel_loop3A_218 = arith.constant 48 : index
      %parallel_loop3A_219 = tpu.vector_load %arg5[%parallel_loop3A_217, %parallel_loop3A_218] {strides = array<i32>} : memref<64x128xf32, #tpu.memory_space<vmem>>, vector<16xf32>,
      %parallel_loop3A_220 = arith.constant 48 : i32
      %parallel_loop3A_221 = arith.addi %parallel_loop3A_195, %parallel_loop3A_220 : i32
      %parallel_loop3A_222 = arith.index_cast %parallel_loop3A_221 : i32 to index
      %parallel_loop3A_223 = tpu.vector_load %arg7[%parallel_loop3A_222] {strides = array<i32>} : memref<66048xf32, #tpu.memory_space<vmem>>, vector<16xf32>,
      tpu.vector_store %arg7[%parallel_loop3A_222], %parallel_loop3A_219 {strides = array<i32>} : memref<66048xf32, #tpu.memory_space<vmem>>, vector<16xf32>,
      %parallel_loop3A_224 = arith.index_cast %parallel_loop3A_191 : i32 to index
      %parallel_loop3A_225 = arith.constant 64 : index
      %parallel_loop3A_226 = tpu.vector_load %arg5[%parallel_loop3A_224, %parallel_loop3A_225] {strides = array<i32>} : memref<64x128xf32, #tpu.memory_space<vmem>>, vector<16xf32>,
      %parallel_loop3A_227 = arith.constant 64 : i32
      %parallel_loop3A_228 = arith.addi %parallel_loop3A_195, %parallel_loop3A_227 : i32
      %parallel_loop3A_229 = arith.index_cast %parallel_loop3A_228 : i32 to index
      %parallel_loop3A_230 = tpu.vector_load %arg7[%parallel_loop3A_229] {strides = array<i32>} : memref<66048xf32, #tpu.memory_space<vmem>>, vector<16xf32>,
      tpu.vector_store %arg7[%parallel_loop3A_229], %parallel_loop3A_226 {strides = array<i32>} : memref<66048xf32, #tpu.memory_space<vmem>>, vector<16xf32>,
      %parallel_loop3A_231 = arith.index_cast %parallel_loop3A_191 : i32 to index
      %parallel_loop3A_232 = arith.constant 80 : index
      %parallel_loop3A_233 = tpu.vector_load %arg5[%parallel_loop3A_231, %parallel_loop3A_232] {strides = array<i32>} : memref<64x128xf32, #tpu.memory_space<vmem>>, vector<16xf32>,
      %parallel_loop3A_234 = arith.constant 80 : i32
      %parallel_loop3A_235 = arith.addi %parallel_loop3A_195, %parallel_loop3A_234 : i32
      %parallel_loop3A_236 = arith.index_cast %parallel_loop3A_235 : i32 to index
      %parallel_loop3A_237 = tpu.vector_load %arg7[%parallel_loop3A_236] {strides = array<i32>} : memref<66048xf32, #tpu.memory_space<vmem>>, vector<16xf32>,
      tpu.vector_store %arg7[%parallel_loop3A_236], %parallel_loop3A_233 {strides = array<i32>} : memref<66048xf32, #tpu.memory_space<vmem>>, vector<16xf32>,
      %parallel_loop3A_238 = arith.index_cast %parallel_loop3A_191 : i32 to index
      %parallel_loop3A_239 = arith.constant 96 : index
      %parallel_loop3A_240 = tpu.vector_load %arg5[%parallel_loop3A_238, %parallel_loop3A_239] {strides = array<i32>} : memref<64x128xf32, #tpu.memory_space<vmem>>, vector<16xf32>,
      %parallel_loop3A_241 = arith.constant 96 : i32
      %parallel_loop3A_242 = arith.addi %parallel_loop3A_195, %parallel_loop3A_241 : i32
      %parallel_loop3A_243 = arith.index_cast %parallel_loop3A_242 : i32 to index
      %parallel_loop3A_244 = tpu.vector_load %arg7[%parallel_loop3A_243] {strides = array<i32>} : memref<66048xf32, #tpu.memory_space<vmem>>, vector<16xf32>,
      tpu.vector_store %arg7[%parallel_loop3A_243], %parallel_loop3A_240 {strides = array<i32>} : memref<66048xf32, #tpu.memory_space<vmem>>, vector<16xf32>,
      %parallel_loop3A_245 = arith.index_cast %parallel_loop3A_191 : i32 to index
      %parallel_loop3A_246 = arith.constant 112 : index
      %parallel_loop3A_247 = tpu.vector_load %arg5[%parallel_loop3A_245, %parallel_loop3A_246] {strides = array<i32>} : memref<64x128xf32, #tpu.memory_space<vmem>>, vector<16xf32>,
      %parallel_loop3A_248 = arith.constant 112 : i32
      %parallel_loop3A_249 = arith.addi %parallel_loop3A_195, %parallel_loop3A_248 : i32
      %parallel_loop3A_250 = arith.index_cast %parallel_loop3A_249 : i32 to index
      %parallel_loop3A_251 = tpu.vector_load %arg7[%parallel_loop3A_250] {strides = array<i32>} : memref<66048xf32, #tpu.memory_space<vmem>>, vector<16xf32>,
      tpu.vector_store %arg7[%parallel_loop3A_250], %parallel_loop3A_247 {strides = array<i32>} : memref<66048xf32, #tpu.memory_space<vmem>>, vector<16xf32>,
    } {sc.loop_unroll_factor = 8 : i64, sc.parallel_access}
    %dma_wait3A_174 = arith.constant 0 : i32
    %dma_wait3A_175 = tpu.memref_slice %arg2[%mul3A_166, %dma_wait3A_174] : memref<16384x128xf32, #tpu.memory_space<hbm>> -> memref<64x128xf32, #tpu.memory_space<hbm>>
    %dma_wait3A_176 = arith.constant 0 : i32
    %dma_wait3A_177 = tpu.memref_slice %arg2[%mul3A_166, %dma_wait3A_176] : memref<16384x128xf32, #tpu.memory_space<hbm>> -> memref<64x128xf32, #tpu.memory_space<hbm>>
    tpu.wait_dma2 semaphore(%arg13 : memref<!tpu.dma_semaphore, #tpu.memory_space<semaphore_mem>>) src(%dma_wait3A_177 : memref<64x128xf32, #tpu.memory_space<hbm>>) dst(%arg6 : memref<64x128xf32, #tpu.memory_space<vmem>>)
    %parallel_loop3A_178 = arith.constant 0 : i32
    %parallel_loop3A_179 = arith.constant 64 : i32
    %parallel_loop3A_180 = arith.constant 1 : i32
    scf.for %parallel_loop3A_191 = %parallel_loop3A_178 to %parallel_loop3A_179 step %parallel_loop3A_180  : i32 {
      %parallel_loop3A_192 = arith.constant 448 : i32
      %parallel_loop3A_193 = arith.addi %parallel_loop3A_192, %parallel_loop3A_191 : i32
      %parallel_loop3A_194 = arith.constant 129 : i32
      %parallel_loop3A_195 = arith.muli %parallel_loop3A_193, %parallel_loop3A_194 : i32
      %parallel_loop3A_196 = arith.index_cast %parallel_loop3A_191 : i32 to index
      %parallel_loop3A_197 = arith.constant 0 : index
      %parallel_loop3A_198 = tpu.vector_load %arg6[%parallel_loop3A_196, %parallel_loop3A_197] {strides = array<i32>} : memref<64x128xf32, #tpu.memory_space<vmem>>, vector<16xf32>,
      %parallel_loop3A_199 = arith.constant 0 : i32
      %parallel_loop3A_200 = arith.addi %parallel_loop3A_195, %parallel_loop3A_199 : i32
      %parallel_loop3A_201 = arith.index_cast %parallel_loop3A_200 : i32 to index
      %parallel_loop3A_202 = tpu.vector_load %arg7[%parallel_loop3A_201] {strides = array<i32>} : memref<66048xf32, #tpu.memory_space<vmem>>, vector<16xf32>,
      tpu.vector_store %arg7[%parallel_loop3A_201], %parallel_loop3A_198 {strides = array<i32>} : memref<66048xf32, #tpu.memory_space<vmem>>, vector<16xf32>,
      %parallel_loop3A_203 = arith.index_cast %parallel_loop3A_191 : i32 to index
      %parallel_loop3A_204 = arith.constant 16 : index
      %parallel_loop3A_205 = tpu.vector_load %arg6[%parallel_loop3A_203, %parallel_loop3A_204] {strides = array<i32>} : memref<64x128xf32, #tpu.memory_space<vmem>>, vector<16xf32>,
      %parallel_loop3A_206 = arith.constant 16 : i32
      %parallel_loop3A_207 = arith.addi %parallel_loop3A_195, %parallel_loop3A_206 : i32
      %parallel_loop3A_208 = arith.index_cast %parallel_loop3A_207 : i32 to index
      %parallel_loop3A_209 = tpu.vector_load %arg7[%parallel_loop3A_208] {strides = array<i32>} : memref<66048xf32, #tpu.memory_space<vmem>>, vector<16xf32>,
      tpu.vector_store %arg7[%parallel_loop3A_208], %parallel_loop3A_205 {strides = array<i32>} : memref<66048xf32, #tpu.memory_space<vmem>>, vector<16xf32>,
      %parallel_loop3A_210 = arith.index_cast %parallel_loop3A_191 : i32 to index
      %parallel_loop3A_211 = arith.constant 32 : index
      %parallel_loop3A_212 = tpu.vector_load %arg6[%parallel_loop3A_210, %parallel_loop3A_211] {strides = array<i32>} : memref<64x128xf32, #tpu.memory_space<vmem>>, vector<16xf32>,
      %parallel_loop3A_213 = arith.constant 32 : i32
      %parallel_loop3A_214 = arith.addi %parallel_loop3A_195, %parallel_loop3A_213 : i32
      %parallel_loop3A_215 = arith.index_cast %parallel_loop3A_214 : i32 to index
      %parallel_loop3A_216 = tpu.vector_load %arg7[%parallel_loop3A_215] {strides = array<i32>} : memref<66048xf32, #tpu.memory_space<vmem>>, vector<16xf32>,
      tpu.vector_store %arg7[%parallel_loop3A_215], %parallel_loop3A_212 {strides = array<i32>} : memref<66048xf32, #tpu.memory_space<vmem>>, vector<16xf32>,
      %parallel_loop3A_217 = arith.index_cast %parallel_loop3A_191 : i32 to index
      %parallel_loop3A_218 = arith.constant 48 : index
      %parallel_loop3A_219 = tpu.vector_load %arg6[%parallel_loop3A_217, %parallel_loop3A_218] {strides = array<i32>} : memref<64x128xf32, #tpu.memory_space<vmem>>, vector<16xf32>,
      %parallel_loop3A_220 = arith.constant 48 : i32
      %parallel_loop3A_221 = arith.addi %parallel_loop3A_195, %parallel_loop3A_220 : i32
      %parallel_loop3A_222 = arith.index_cast %parallel_loop3A_221 : i32 to index
      %parallel_loop3A_223 = tpu.vector_load %arg7[%parallel_loop3A_222] {strides = array<i32>} : memref<66048xf32, #tpu.memory_space<vmem>>, vector<16xf32>,
      tpu.vector_store %arg7[%parallel_loop3A_222], %parallel_loop3A_219 {strides = array<i32>} : memref<66048xf32, #tpu.memory_space<vmem>>, vector<16xf32>,
      %parallel_loop3A_224 = arith.index_cast %parallel_loop3A_191 : i32 to index
      %parallel_loop3A_225 = arith.constant 64 : index
      %parallel_loop3A_226 = tpu.vector_load %arg6[%parallel_loop3A_224, %parallel_loop3A_225] {strides = array<i32>} : memref<64x128xf32, #tpu.memory_space<vmem>>, vector<16xf32>,
      %parallel_loop3A_227 = arith.constant 64 : i32
      %parallel_loop3A_228 = arith.addi %parallel_loop3A_195, %parallel_loop3A_227 : i32
      %parallel_loop3A_229 = arith.index_cast %parallel_loop3A_228 : i32 to index
      %parallel_loop3A_230 = tpu.vector_load %arg7[%parallel_loop3A_229] {strides = array<i32>} : memref<66048xf32, #tpu.memory_space<vmem>>, vector<16xf32>,
      tpu.vector_store %arg7[%parallel_loop3A_229], %parallel_loop3A_226 {strides = array<i32>} : memref<66048xf32, #tpu.memory_space<vmem>>, vector<16xf32>,
      %parallel_loop3A_231 = arith.index_cast %parallel_loop3A_191 : i32 to index
      %parallel_loop3A_232 = arith.constant 80 : index
      %parallel_loop3A_233 = tpu.vector_load %arg6[%parallel_loop3A_231, %parallel_loop3A_232] {strides = array<i32>} : memref<64x128xf32, #tpu.memory_space<vmem>>, vector<16xf32>,
      %parallel_loop3A_234 = arith.constant 80 : i32
      %parallel_loop3A_235 = arith.addi %parallel_loop3A_195, %parallel_loop3A_234 : i32
      %parallel_loop3A_236 = arith.index_cast %parallel_loop3A_235 : i32 to index
      %parallel_loop3A_237 = tpu.vector_load %arg7[%parallel_loop3A_236] {strides = array<i32>} : memref<66048xf32, #tpu.memory_space<vmem>>, vector<16xf32>,
      tpu.vector_store %arg7[%parallel_loop3A_236], %parallel_loop3A_233 {strides = array<i32>} : memref<66048xf32, #tpu.memory_space<vmem>>, vector<16xf32>,
      %parallel_loop3A_238 = arith.index_cast %parallel_loop3A_191 : i32 to index
      %parallel_loop3A_239 = arith.constant 96 : index
      %parallel_loop3A_240 = tpu.vector_load %arg6[%parallel_loop3A_238, %parallel_loop3A_239] {strides = array<i32>} : memref<64x128xf32, #tpu.memory_space<vmem>>, vector<16xf32>,
      %parallel_loop3A_241 = arith.constant 96 : i32
      %parallel_loop3A_242 = arith.addi %parallel_loop3A_195, %parallel_loop3A_241 : i32
      %parallel_loop3A_243 = arith.index_cast %parallel_loop3A_242 : i32 to index
      %parallel_loop3A_244 = tpu.vector_load %arg7[%parallel_loop3A_243] {strides = array<i32>} : memref<66048xf32, #tpu.memory_space<vmem>>, vector<16xf32>,
      tpu.vector_store %arg7[%parallel_loop3A_243], %parallel_loop3A_240 {strides = array<i32>} : memref<66048xf32, #tpu.memory_space<vmem>>, vector<16xf32>,
      %parallel_loop3A_245 = arith.index_cast %parallel_loop3A_191 : i32 to index
      %parallel_loop3A_246 = arith.constant 112 : index
      %parallel_loop3A_247 = tpu.vector_load %arg6[%parallel_loop3A_245, %parallel_loop3A_246] {strides = array<i32>} : memref<64x128xf32, #tpu.memory_space<vmem>>, vector<16xf32>,
      %parallel_loop3A_248 = arith.constant 112 : i32
      %parallel_loop3A_249 = arith.addi %parallel_loop3A_195, %parallel_loop3A_248 : i32
      %parallel_loop3A_250 = arith.index_cast %parallel_loop3A_249 : i32 to index
      %parallel_loop3A_251 = tpu.vector_load %arg7[%parallel_loop3A_250] {strides = array<i32>} : memref<66048xf32, #tpu.memory_space<vmem>>, vector<16xf32>,
      tpu.vector_store %arg7[%parallel_loop3A_250], %parallel_loop3A_247 {strides = array<i32>} : memref<66048xf32, #tpu.memory_space<vmem>>, vector<16xf32>,
    } {sc.loop_unroll_factor = 8 : i64, sc.parallel_access}
    %parallel_loop3A_181 = arith.constant 0 : i32
    %parallel_loop3A_182 = arith.constant 512 : i32
    %parallel_loop3A_183 = arith.constant 1 : i32
    scf.for %parallel_loop3A_191 = %parallel_loop3A_181 to %parallel_loop3A_182 step %parallel_loop3A_183  : i32 {
      %parallel_loop3A_192 = arith.constant 64 : i32
      %parallel_loop3A_193 = arith.divsi %parallel_loop3A_191, %parallel_loop3A_192 : i32
      %parallel_loop3A_194 = arith.constant 0 : i32
      %parallel_loop3A_195 = arith.cmpi sgt, %parallel_loop3A_191, %parallel_loop3A_194 : i32
      %parallel_loop3A_196 = arith.extui %parallel_loop3A_195 : i1 to i32
      %parallel_loop3A_197 = arith.constant 0 : i32
      %parallel_loop3A_198 = arith.cmpi slt, %parallel_loop3A_191, %parallel_loop3A_197 : i32
      %parallel_loop3A_199 = arith.extui %parallel_loop3A_198 : i1 to i32
      %parallel_loop3A_200 = arith.subi %parallel_loop3A_196, %parallel_loop3A_199 : i32
      %parallel_loop3A_201 = arith.constant 0 : i32
      %parallel_loop3A_202 = arith.cmpi sgt, %parallel_loop3A_192, %parallel_loop3A_201 : i32
      %parallel_loop3A_203 = arith.extui %parallel_loop3A_202 : i1 to i32
      %parallel_loop3A_204 = arith.constant 0 : i32
      %parallel_loop3A_205 = arith.cmpi slt, %parallel_loop3A_192, %parallel_loop3A_204 : i32
      %parallel_loop3A_206 = arith.extui %parallel_loop3A_205 : i1 to i32
      %parallel_loop3A_207 = arith.subi %parallel_loop3A_203, %parallel_loop3A_206 : i32
      %parallel_loop3A_208 = arith.cmpi ne, %parallel_loop3A_200, %parallel_loop3A_207 : i32
      %parallel_loop3A_209 = arith.remsi %parallel_loop3A_191, %parallel_loop3A_192 : i32
      %parallel_loop3A_210 = arith.constant 0 : i32
      %parallel_loop3A_211 = arith.cmpi ne, %parallel_loop3A_209, %parallel_loop3A_210 : i32
      %parallel_loop3A_212 = arith.andi %parallel_loop3A_208, %parallel_loop3A_211 : i1
      %parallel_loop3A_213 = arith.constant 1 : i32
      %parallel_loop3A_214 = arith.subi %parallel_loop3A_193, %parallel_loop3A_213 : i32
      %parallel_loop3A_215 = arith.select %parallel_loop3A_212, %parallel_loop3A_214, %parallel_loop3A_193 : i32
      %parallel_loop3A_216 = arith.constant 64 : i32
      %parallel_loop3A_217 = arith.constant 0 : i32
      %parallel_loop3A_218 = arith.cmpi eq, %parallel_loop3A_216, %parallel_loop3A_217 : i32
      %parallel_loop3A_219 = arith.constant 1 : i32
      %parallel_loop3A_220 = arith.select %parallel_loop3A_218, %parallel_loop3A_219, %parallel_loop3A_216 : i32
      %parallel_loop3A_221 = arith.remsi %parallel_loop3A_191, %parallel_loop3A_220 : i32
      %parallel_loop3A_222 = arith.constant 0 : i32
      %parallel_loop3A_223 = arith.cmpi ne, %parallel_loop3A_221, %parallel_loop3A_222 : i32
      %parallel_loop3A_224 = arith.constant 0 : i32
      %parallel_loop3A_225 = arith.cmpi slt, %parallel_loop3A_221, %parallel_loop3A_224 : i32
      %parallel_loop3A_226 = arith.constant 0 : i32
      %parallel_loop3A_227 = arith.cmpi slt, %parallel_loop3A_220, %parallel_loop3A_226 : i32
      %parallel_loop3A_228 = arith.xori %parallel_loop3A_225, %parallel_loop3A_227 : i1
      %parallel_loop3A_229 = arith.andi %parallel_loop3A_228, %parallel_loop3A_223 : i1
      %parallel_loop3A_230 = arith.addi %parallel_loop3A_221, %parallel_loop3A_220 : i32
      %parallel_loop3A_231 = arith.select %parallel_loop3A_229, %parallel_loop3A_230, %parallel_loop3A_221 : i32
      %parallel_loop3A_232 = arith.constant 2 : i32
      %parallel_loop3A_233 = arith.muli %parallel_loop3A_231, %parallel_loop3A_232 : i32
      %parallel_loop3A_234 = arith.constant 1032 : i32
      %parallel_loop3A_235 = arith.muli %parallel_loop3A_234, %parallel_loop3A_215 : i32
      %parallel_loop3A_236 = arith.addi %parallel_loop3A_235, %parallel_loop3A_233 : i32
      %parallel_loop3A_237 = vector.broadcast %parallel_loop3A_236 : i32 to vector<16xi32>
      %parallel_loop3A_238 = arith.addi %mul3A_47, %parallel_loop3A_237 : vector<16xi32>
      %parallel_loop3A_239 = arith.constant 0 : i32
      %parallel_loop3A_240 = vector.broadcast %parallel_loop3A_239 : i32 to vector<16xi32>
      %parallel_loop3A_241 = arith.addi %parallel_loop3A_238, %parallel_loop3A_240 : vector<16xi32>
      %parallel_loop3A_242 = tpu.vector_load_idx %arg7[%parallel_loop3A_241] : memref<66048xf32, #tpu.memory_space<vmem>>[vector<16xi32>], vector<16xf32>,
      %parallel_loop3A_243 = arith.constant 0 : i32
      %parallel_loop3A_244 = vector.broadcast %parallel_loop3A_243 : i32 to vector<16xi32>
      %parallel_loop3A_245 = arith.addi %iota3A, %parallel_loop3A_244 : vector<16xi32>
      %parallel_loop3A_246 = arith.constant dense<true> : vector<16xi1>
      %parallel_loop3A_247, %parallel_loop3A_248, %parallel_loop3A_249 = tpu.sort %parallel_loop3A_242, %parallel_loop3A_245 masked %parallel_loop3A_246 {descending = true} : (vector<16xf32>, vector<16xi32>, vector<16xi1>) -> (vector<16xi1>, vector<16xf32>, vector<16xi32>)
      %parallel_loop3A_250 = arith.constant 16512 : i32
      %parallel_loop3A_251 = vector.broadcast %parallel_loop3A_250 : i32 to vector<16xi32>
      %parallel_loop3A_252 = arith.addi %parallel_loop3A_238, %parallel_loop3A_251 : vector<16xi32>
      %parallel_loop3A_253 = tpu.vector_load_idx %arg7[%parallel_loop3A_252] : memref<66048xf32, #tpu.memory_space<vmem>>[vector<16xi32>], vector<16xf32>,
      %parallel_loop3A_254 = arith.constant 16 : i32
      %parallel_loop3A_255 = vector.broadcast %parallel_loop3A_254 : i32 to vector<16xi32>
      %parallel_loop3A_256 = arith.addi %iota3A, %parallel_loop3A_255 : vector<16xi32>
      %parallel_loop3A_257 = arith.constant dense<true> : vector<16xi1>
      %parallel_loop3A_258, %parallel_loop3A_259, %parallel_loop3A_260 = tpu.sort %parallel_loop3A_253, %parallel_loop3A_256 masked %parallel_loop3A_257 {descending = true} : (vector<16xf32>, vector<16xi32>, vector<16xi1>) -> (vector<16xi1>, vector<16xf32>, vector<16xi32>)
      %parallel_loop3A_261 = arith.constant 33024 : i32
      %parallel_loop3A_262 = vector.broadcast %parallel_loop3A_261 : i32 to vector<16xi32>
      %parallel_loop3A_263 = arith.addi %parallel_loop3A_238, %parallel_loop3A_262 : vector<16xi32>
      %parallel_loop3A_264 = tpu.vector_load_idx %arg7[%parallel_loop3A_263] : memref<66048xf32, #tpu.memory_space<vmem>>[vector<16xi32>], vector<16xf32>,
      %parallel_loop3A_265 = arith.constant 32 : i32
      %parallel_loop3A_266 = vector.broadcast %parallel_loop3A_265 : i32 to vector<16xi32>
      %parallel_loop3A_267 = arith.addi %iota3A, %parallel_loop3A_266 : vector<16xi32>
      %parallel_loop3A_268 = arith.constant dense<true> : vector<16xi1>
      %parallel_loop3A_269, %parallel_loop3A_270, %parallel_loop3A_271 = tpu.sort %parallel_loop3A_264, %parallel_loop3A_267 masked %parallel_loop3A_268 {descending = true} : (vector<16xf32>, vector<16xi32>, vector<16xi1>) -> (vector<16xi1>, vector<16xf32>, vector<16xi32>)
      %parallel_loop3A_272 = arith.constant 49536 : i32
      %parallel_loop3A_273 = vector.broadcast %parallel_loop3A_272 : i32 to vector<16xi32>
      %parallel_loop3A_274 = arith.addi %parallel_loop3A_238, %parallel_loop3A_273 : vector<16xi32>
      %parallel_loop3A_275 = tpu.vector_load_idx %arg7[%parallel_loop3A_274] : memref<66048xf32, #tpu.memory_space<vmem>>[vector<16xi32>], vector<16xf32>,
      %parallel_loop3A_276 = arith.constant 48 : i32
      %parallel_loop3A_277 = vector.broadcast %parallel_loop3A_276 : i32 to vector<16xi32>
      %parallel_loop3A_278 = arith.addi %iota3A, %parallel_loop3A_277 : vector<16xi32>
      %parallel_loop3A_279 = arith.constant dense<true> : vector<16xi1>
      %parallel_loop3A_280, %parallel_loop3A_281, %parallel_loop3A_282 = tpu.sort %parallel_loop3A_275, %parallel_loop3A_278 masked %parallel_loop3A_279 {descending = true} : (vector<16xf32>, vector<16xi32>, vector<16xi1>) -> (vector<16xi1>, vector<16xf32>, vector<16xi32>)
      %parallel_loop3A_283 = vector.shape_cast %select_n3A : vector<16xi32> to vector<16x1xi32>
      %parallel_loop3A_284 = vector.shape_cast %parallel_loop3A_283 : vector<16x1xi32> to vector<16xi32>
      %parallel_loop3A_285 = tpu.dynamic_gather %parallel_loop3A_259[%parallel_loop3A_284] in [0] : vector<16xf32>, vector<16xi32> -> vector<16xf32>
      %parallel_loop3A_286 = vector.shape_cast %select_n3A : vector<16xi32> to vector<16x1xi32>
      %parallel_loop3A_287 = vector.shape_cast %parallel_loop3A_286 : vector<16x1xi32> to vector<16xi32>
      %parallel_loop3A_288 = tpu.dynamic_gather %parallel_loop3A_260[%parallel_loop3A_287] in [0] : vector<16xi32>, vector<16xi32> -> vector<16xi32>
      %parallel_loop3A_289 = arith.cmpf oge, %parallel_loop3A_248, %parallel_loop3A_285 : vector<16xf32>
      %parallel_loop3A_290 = arith.select %parallel_loop3A_289, %parallel_loop3A_248, %parallel_loop3A_285 : vector<16xi1>, vector<16xf32>
      %parallel_loop3A_291 = arith.select %parallel_loop3A_289, %parallel_loop3A_249, %parallel_loop3A_288 : vector<16xi1>, vector<16xi32>
      %parallel_loop3A_292 = vector.shape_cast %select_n3A : vector<16xi32> to vector<16x1xi32>
      %parallel_loop3A_293 = vector.shape_cast %parallel_loop3A_292 : vector<16x1xi32> to vector<16xi32>
      %parallel_loop3A_294 = tpu.dynamic_gather %parallel_loop3A_281[%parallel_loop3A_293] in [0] : vector<16xf32>, vector<16xi32> -> vector<16xf32>
      %parallel_loop3A_295 = vector.shape_cast %select_n3A : vector<16xi32> to vector<16x1xi32>
      %parallel_loop3A_296 = vector.shape_cast %parallel_loop3A_295 : vector<16x1xi32> to vector<16xi32>
      %parallel_loop3A_297 = tpu.dynamic_gather %parallel_loop3A_282[%parallel_loop3A_296] in [0] : vector<16xi32>, vector<16xi32> -> vector<16xi32>
      %parallel_loop3A_298 = arith.cmpf oge, %parallel_loop3A_270, %parallel_loop3A_294 : vector<16xf32>
      %parallel_loop3A_299 = arith.select %parallel_loop3A_298, %parallel_loop3A_270, %parallel_loop3A_294 : vector<16xi1>, vector<16xf32>
      %parallel_loop3A_300 = arith.select %parallel_loop3A_298, %parallel_loop3A_271, %parallel_loop3A_297 : vector<16xi1>, vector<16xi32>
      %parallel_loop3A_301 = vector.shape_cast %select_n3A_10 : vector<16xi32> to vector<16x1xi32>
      %parallel_loop3A_302 = vector.shape_cast %parallel_loop3A_301 : vector<16x1xi32> to vector<16xi32>
      %parallel_loop3A_303 = tpu.dynamic_gather %parallel_loop3A_299[%parallel_loop3A_302] in [0] : vector<16xf32>, vector<16xi32> -> vector<16xf32>
      %parallel_loop3A_304 = arith.select %lt3A_2, %parallel_loop3A_290, %parallel_loop3A_303 : vector<16xi1>, vector<16xf32>
      %parallel_loop3A_305 = vector.shape_cast %select_n3A_10 : vector<16xi32> to vector<16x1xi32>
      %parallel_loop3A_306 = vector.shape_cast %parallel_loop3A_305 : vector<16x1xi32> to vector<16xi32>
      %parallel_loop3A_307 = tpu.dynamic_gather %parallel_loop3A_300[%parallel_loop3A_306] in [0] : vector<16xi32>, vector<16xi32> -> vector<16xi32>
      %parallel_loop3A_308 = arith.select %lt3A_2, %parallel_loop3A_291, %parallel_loop3A_307 : vector<16xi1>, vector<16xi32>
      %parallel_loop3A_309 = arith.constant dense<true> : vector<16xi1>
      %parallel_loop3A_310, %parallel_loop3A_311, %parallel_loop3A_312 = tpu.sort %parallel_loop3A_304, %parallel_loop3A_308 masked %parallel_loop3A_309 {descending = true} : (vector<16xf32>, vector<16xi32>, vector<16xi1>) -> (vector<16xi1>, vector<16xf32>, vector<16xi32>)
      %parallel_loop3A_313 = arith.constant true
      %parallel_loop3A_314 = vector.broadcast %parallel_loop3A_313 : i1 to vector<16xi1>
      %parallel_loop3A_315 = tpu.scan <max>, %parallel_loop3A_311 masked %parallel_loop3A_314 : vector<16xf32>, vector<16xi1> -> vector<16xf32>
      %parallel_loop3A_316 = vector.extract %parallel_loop3A_315[15] : f32 from vector<16xf32>
      %parallel_loop3A_317 = vector.broadcast %parallel_loop3A_316 : f32 to vector<16xf32>
      %parallel_loop3A_318 = arith.subf %parallel_loop3A_311, %parallel_loop3A_317 : vector<16xf32>
      %parallel_loop3A_319 = math.exp %parallel_loop3A_318 : vector<16xf32>
      %parallel_loop3A_320 = arith.constant 0.000000e+00 : f32
      %parallel_loop3A_321 = vector.broadcast %parallel_loop3A_320 : f32 to vector<16xf32>
      %parallel_loop3A_322 = arith.select %lt3A_2, %parallel_loop3A_319, %parallel_loop3A_321 : vector<16xi1>, vector<16xf32>
      %parallel_loop3A_323 = arith.constant true
      %parallel_loop3A_324 = vector.broadcast %parallel_loop3A_323 : i1 to vector<16xi1>
      %parallel_loop3A_325 = tpu.scan <sum>, %parallel_loop3A_322 masked %parallel_loop3A_324 : vector<16xf32>, vector<16xi1> -> vector<16xf32>
      %parallel_loop3A_326 = vector.extract %parallel_loop3A_325[15] : f32 from vector<16xf32>
      %parallel_loop3A_327 = vector.broadcast %parallel_loop3A_326 : f32 to vector<16xf32>
      %parallel_loop3A_328 = arith.divf %parallel_loop3A_322, %parallel_loop3A_327 : vector<16xf32>
      %parallel_loop3A_329 = arith.constant 1 : i32
      %parallel_loop3A_330 = arith.addi %parallel_loop3A_233, %parallel_loop3A_329 : i32
      %parallel_loop3A_331 = arith.addi %parallel_loop3A_235, %parallel_loop3A_330 : i32
      %parallel_loop3A_332 = vector.broadcast %parallel_loop3A_331 : i32 to vector<16xi32>
      %parallel_loop3A_333 = arith.addi %mul3A_47, %parallel_loop3A_332 : vector<16xi32>
      %parallel_loop3A_334 = arith.constant 0 : i32
      %parallel_loop3A_335 = vector.broadcast %parallel_loop3A_334 : i32 to vector<16xi32>
      %parallel_loop3A_336 = arith.addi %parallel_loop3A_333, %parallel_loop3A_335 : vector<16xi32>
      %parallel_loop3A_337 = tpu.vector_load_idx %arg7[%parallel_loop3A_336] : memref<66048xf32, #tpu.memory_space<vmem>>[vector<16xi32>], vector<16xf32>,
      %parallel_loop3A_338 = arith.constant 0 : i32
      %parallel_loop3A_339 = vector.broadcast %parallel_loop3A_338 : i32 to vector<16xi32>
      %parallel_loop3A_340 = arith.addi %iota3A, %parallel_loop3A_339 : vector<16xi32>
      %parallel_loop3A_341 = arith.constant dense<true> : vector<16xi1>
      %parallel_loop3A_342, %parallel_loop3A_343, %parallel_loop3A_344 = tpu.sort %parallel_loop3A_337, %parallel_loop3A_340 masked %parallel_loop3A_341 {descending = true} : (vector<16xf32>, vector<16xi32>, vector<16xi1>) -> (vector<16xi1>, vector<16xf32>, vector<16xi32>)
      %parallel_loop3A_345 = arith.constant 16512 : i32
      %parallel_loop3A_346 = vector.broadcast %parallel_loop3A_345 : i32 to vector<16xi32>
      %parallel_loop3A_347 = arith.addi %parallel_loop3A_333, %parallel_loop3A_346 : vector<16xi32>
      %parallel_loop3A_348 = tpu.vector_load_idx %arg7[%parallel_loop3A_347] : memref<66048xf32, #tpu.memory_space<vmem>>[vector<16xi32>], vector<16xf32>,
      %parallel_loop3A_349 = arith.constant 16 : i32
      %parallel_loop3A_350 = vector.broadcast %parallel_loop3A_349 : i32 to vector<16xi32>
      %parallel_loop3A_351 = arith.addi %iota3A, %parallel_loop3A_350 : vector<16xi32>
      %parallel_loop3A_352 = arith.constant dense<true> : vector<16xi1>
      %parallel_loop3A_353, %parallel_loop3A_354, %parallel_loop3A_355 = tpu.sort %parallel_loop3A_348, %parallel_loop3A_351 masked %parallel_loop3A_352 {descending = true} : (vector<16xf32>, vector<16xi32>, vector<16xi1>) -> (vector<16xi1>, vector<16xf32>, vector<16xi32>)
      %parallel_loop3A_356 = arith.constant 33024 : i32
      %parallel_loop3A_357 = vector.broadcast %parallel_loop3A_356 : i32 to vector<16xi32>
      %parallel_loop3A_358 = arith.addi %parallel_loop3A_333, %parallel_loop3A_357 : vector<16xi32>
      %parallel_loop3A_359 = tpu.vector_load_idx %arg7[%parallel_loop3A_358] : memref<66048xf32, #tpu.memory_space<vmem>>[vector<16xi32>], vector<16xf32>,
      %parallel_loop3A_360 = arith.constant 32 : i32
      %parallel_loop3A_361 = vector.broadcast %parallel_loop3A_360 : i32 to vector<16xi32>
      %parallel_loop3A_362 = arith.addi %iota3A, %parallel_loop3A_361 : vector<16xi32>
      %parallel_loop3A_363 = arith.constant dense<true> : vector<16xi1>
      %parallel_loop3A_364, %parallel_loop3A_365, %parallel_loop3A_366 = tpu.sort %parallel_loop3A_359, %parallel_loop3A_362 masked %parallel_loop3A_363 {descending = true} : (vector<16xf32>, vector<16xi32>, vector<16xi1>) -> (vector<16xi1>, vector<16xf32>, vector<16xi32>)
      %parallel_loop3A_367 = arith.constant 49536 : i32
      %parallel_loop3A_368 = vector.broadcast %parallel_loop3A_367 : i32 to vector<16xi32>
      %parallel_loop3A_369 = arith.addi %parallel_loop3A_333, %parallel_loop3A_368 : vector<16xi32>
      %parallel_loop3A_370 = tpu.vector_load_idx %arg7[%parallel_loop3A_369] : memref<66048xf32, #tpu.memory_space<vmem>>[vector<16xi32>], vector<16xf32>,
      %parallel_loop3A_371 = arith.constant 48 : i32
      %parallel_loop3A_372 = vector.broadcast %parallel_loop3A_371 : i32 to vector<16xi32>
      %parallel_loop3A_373 = arith.addi %iota3A, %parallel_loop3A_372 : vector<16xi32>
      %parallel_loop3A_374 = arith.constant dense<true> : vector<16xi1>
      %parallel_loop3A_375, %parallel_loop3A_376, %parallel_loop3A_377 = tpu.sort %parallel_loop3A_370, %parallel_loop3A_373 masked %parallel_loop3A_374 {descending = true} : (vector<16xf32>, vector<16xi32>, vector<16xi1>) -> (vector<16xi1>, vector<16xf32>, vector<16xi32>)
      %parallel_loop3A_378 = vector.shape_cast %select_n3A : vector<16xi32> to vector<16x1xi32>
      %parallel_loop3A_379 = vector.shape_cast %parallel_loop3A_378 : vector<16x1xi32> to vector<16xi32>
      %parallel_loop3A_380 = tpu.dynamic_gather %parallel_loop3A_354[%parallel_loop3A_379] in [0] : vector<16xf32>, vector<16xi32> -> vector<16xf32>
      %parallel_loop3A_381 = vector.shape_cast %select_n3A : vector<16xi32> to vector<16x1xi32>
      %parallel_loop3A_382 = vector.shape_cast %parallel_loop3A_381 : vector<16x1xi32> to vector<16xi32>
      %parallel_loop3A_383 = tpu.dynamic_gather %parallel_loop3A_355[%parallel_loop3A_382] in [0] : vector<16xi32>, vector<16xi32> -> vector<16xi32>
      %parallel_loop3A_384 = arith.cmpf oge, %parallel_loop3A_343, %parallel_loop3A_380 : vector<16xf32>
      %parallel_loop3A_385 = arith.select %parallel_loop3A_384, %parallel_loop3A_343, %parallel_loop3A_380 : vector<16xi1>, vector<16xf32>
      %parallel_loop3A_386 = arith.select %parallel_loop3A_384, %parallel_loop3A_344, %parallel_loop3A_383 : vector<16xi1>, vector<16xi32>
      %parallel_loop3A_387 = vector.shape_cast %select_n3A : vector<16xi32> to vector<16x1xi32>
      %parallel_loop3A_388 = vector.shape_cast %parallel_loop3A_387 : vector<16x1xi32> to vector<16xi32>
      %parallel_loop3A_389 = tpu.dynamic_gather %parallel_loop3A_376[%parallel_loop3A_388] in [0] : vector<16xf32>, vector<16xi32> -> vector<16xf32>
      %parallel_loop3A_390 = vector.shape_cast %select_n3A : vector<16xi32> to vector<16x1xi32>
      %parallel_loop3A_391 = vector.shape_cast %parallel_loop3A_390 : vector<16x1xi32> to vector<16xi32>
      %parallel_loop3A_392 = tpu.dynamic_gather %parallel_loop3A_377[%parallel_loop3A_391] in [0] : vector<16xi32>, vector<16xi32> -> vector<16xi32>
      %parallel_loop3A_393 = arith.cmpf oge, %parallel_loop3A_365, %parallel_loop3A_389 : vector<16xf32>
      %parallel_loop3A_394 = arith.select %parallel_loop3A_393, %parallel_loop3A_365, %parallel_loop3A_389 : vector<16xi1>, vector<16xf32>
      %parallel_loop3A_395 = arith.select %parallel_loop3A_393, %parallel_loop3A_366, %parallel_loop3A_392 : vector<16xi1>, vector<16xi32>
      %parallel_loop3A_396 = vector.shape_cast %select_n3A_10 : vector<16xi32> to vector<16x1xi32>
      %parallel_loop3A_397 = vector.shape_cast %parallel_loop3A_396 : vector<16x1xi32> to vector<16xi32>
      %parallel_loop3A_398 = tpu.dynamic_gather %parallel_loop3A_394[%parallel_loop3A_397] in [0] : vector<16xf32>, vector<16xi32> -> vector<16xf32>
      %parallel_loop3A_399 = arith.select %lt3A_2, %parallel_loop3A_385, %parallel_loop3A_398 : vector<16xi1>, vector<16xf32>
      %parallel_loop3A_400 = vector.shape_cast %select_n3A_10 : vector<16xi32> to vector<16x1xi32>
      %parallel_loop3A_401 = vector.shape_cast %parallel_loop3A_400 : vector<16x1xi32> to vector<16xi32>
      %parallel_loop3A_402 = tpu.dynamic_gather %parallel_loop3A_395[%parallel_loop3A_401] in [0] : vector<16xi32>, vector<16xi32> -> vector<16xi32>
      %parallel_loop3A_403 = arith.select %lt3A_2, %parallel_loop3A_386, %parallel_loop3A_402 : vector<16xi1>, vector<16xi32>
      %parallel_loop3A_404 = arith.constant dense<true> : vector<16xi1>
      %parallel_loop3A_405, %parallel_loop3A_406, %parallel_loop3A_407 = tpu.sort %parallel_loop3A_399, %parallel_loop3A_403 masked %parallel_loop3A_404 {descending = true} : (vector<16xf32>, vector<16xi32>, vector<16xi1>) -> (vector<16xi1>, vector<16xf32>, vector<16xi32>)
      %parallel_loop3A_408 = arith.constant true
      %parallel_loop3A_409 = vector.broadcast %parallel_loop3A_408 : i1 to vector<16xi1>
      %parallel_loop3A_410 = tpu.scan <max>, %parallel_loop3A_406 masked %parallel_loop3A_409 : vector<16xf32>, vector<16xi1> -> vector<16xf32>
      %parallel_loop3A_411 = vector.extract %parallel_loop3A_410[15] : f32 from vector<16xf32>
      %parallel_loop3A_412 = vector.broadcast %parallel_loop3A_411 : f32 to vector<16xf32>
      %parallel_loop3A_413 = arith.subf %parallel_loop3A_406, %parallel_loop3A_412 : vector<16xf32>
      %parallel_loop3A_414 = math.exp %parallel_loop3A_413 : vector<16xf32>
      %parallel_loop3A_415 = arith.constant 0.000000e+00 : f32
      %parallel_loop3A_416 = vector.broadcast %parallel_loop3A_415 : f32 to vector<16xf32>
      %parallel_loop3A_417 = arith.select %lt3A_2, %parallel_loop3A_414, %parallel_loop3A_416 : vector<16xi1>, vector<16xf32>
      %parallel_loop3A_418 = arith.constant true
      %parallel_loop3A_419 = vector.broadcast %parallel_loop3A_418 : i1 to vector<16xi1>
      %parallel_loop3A_420 = tpu.scan <sum>, %parallel_loop3A_417 masked %parallel_loop3A_419 : vector<16xf32>, vector<16xi1> -> vector<16xf32>
      %parallel_loop3A_421 = vector.extract %parallel_loop3A_420[15] : f32 from vector<16xf32>
      %parallel_loop3A_422 = vector.broadcast %parallel_loop3A_421 : f32 to vector<16xf32>
      %parallel_loop3A_423 = arith.divf %parallel_loop3A_417, %parallel_loop3A_422 : vector<16xf32>
      %parallel_loop3A_424 = vector.shape_cast %select_n3A_10 : vector<16xi32> to vector<16x1xi32>
      %parallel_loop3A_425 = vector.shape_cast %parallel_loop3A_424 : vector<16x1xi32> to vector<16xi32>
      %parallel_loop3A_426 = tpu.dynamic_gather %parallel_loop3A_423[%parallel_loop3A_425] in [0] : vector<16xf32>, vector<16xi32> -> vector<16xf32>
      %parallel_loop3A_427 = arith.select %lt3A_2, %parallel_loop3A_328, %parallel_loop3A_426 : vector<16xi1>, vector<16xf32>
      %parallel_loop3A_428 = vector.shape_cast %select_n3A_10 : vector<16xi32> to vector<16x1xi32>
      %parallel_loop3A_429 = vector.shape_cast %parallel_loop3A_428 : vector<16x1xi32> to vector<16xi32>
      %parallel_loop3A_430 = tpu.dynamic_gather %parallel_loop3A_407[%parallel_loop3A_429] in [0] : vector<16xi32>, vector<16xi32> -> vector<16xi32>
      %parallel_loop3A_431 = arith.select %lt3A_2, %parallel_loop3A_312, %parallel_loop3A_430 : vector<16xi1>, vector<16xi32>
      %parallel_loop3A_432 = arith.constant 8 : i32
      %parallel_loop3A_433 = arith.muli %parallel_loop3A_215, %parallel_loop3A_432 : i32
      %parallel_loop3A_434 = vector.broadcast %parallel_loop3A_433 : i32 to vector<16xi32>
      %parallel_loop3A_435 = arith.addi %parallel_loop3A_434, %sub3A_40 : vector<16xi32>
      %parallel_loop3A_436 = arith.constant 130 : i32
      %parallel_loop3A_437 = vector.broadcast %parallel_loop3A_436 : i32 to vector<16xi32>
      %parallel_loop3A_438 = arith.muli %parallel_loop3A_437, %parallel_loop3A_435 : vector<16xi32>
      %parallel_loop3A_439 = vector.broadcast %parallel_loop3A_233 : i32 to vector<16xi32>
      %parallel_loop3A_440 = arith.addi %parallel_loop3A_439, %select_n3A_36 : vector<16xi32>
      %parallel_loop3A_441 = arith.addi %parallel_loop3A_438, %parallel_loop3A_440 : vector<16xi32>
      tpu.vector_store_idx %arg8[%parallel_loop3A_441], %parallel_loop3A_427 : memref<8320xf32, #tpu.memory_space<vmem>>[vector<16xi32>], vector<16xf32>,
      tpu.vector_store_idx %arg9[%parallel_loop3A_441], %parallel_loop3A_431 : memref<8320xi32, #tpu.memory_space<vmem>>[vector<16xi32>], vector<16xi32>,
    } {sc.loop_unroll_factor = 4 : i64, sc.parallel_access}
    %parallel_loop3A_184 = arith.constant 0 : i32
    %parallel_loop3A_185 = arith.constant 64 : i32
    %parallel_loop3A_186 = arith.constant 1 : i32
    scf.for %parallel_loop3A_191 = %parallel_loop3A_184 to %parallel_loop3A_185 step %parallel_loop3A_186  : i32 {
      %parallel_loop3A_192 = arith.constant 130 : i32
      %parallel_loop3A_193 = arith.muli %parallel_loop3A_192, %parallel_loop3A_191 : i32
      %parallel_loop3A_194 = arith.constant 0 : i32
      %parallel_loop3A_195 = arith.addi %parallel_loop3A_193, %parallel_loop3A_194 : i32
      %parallel_loop3A_196 = arith.index_cast %parallel_loop3A_195 : i32 to index
      %parallel_loop3A_197 = tpu.vector_load %arg8[%parallel_loop3A_196] {strides = array<i32>} : memref<8320xf32, #tpu.memory_space<vmem>>, vector<16xf32>,
      %parallel_loop3A_198 = arith.index_cast %parallel_loop3A_191 : i32 to index
      %parallel_loop3A_199 = arith.constant 0 : index
      %parallel_loop3A_200 = tpu.vector_load %arg10[%parallel_loop3A_198, %parallel_loop3A_199] {strides = array<i32>} : memref<64x128xf32, #tpu.memory_space<vmem>>, vector<16xf32>,
      tpu.vector_store %arg10[%parallel_loop3A_198, %parallel_loop3A_199], %parallel_loop3A_197 {strides = array<i32>} : memref<64x128xf32, #tpu.memory_space<vmem>>, vector<16xf32>,
      %parallel_loop3A_201 = arith.constant 130 : i32
      %parallel_loop3A_202 = arith.muli %parallel_loop3A_201, %parallel_loop3A_191 : i32
      %parallel_loop3A_203 = arith.constant 0 : i32
      %parallel_loop3A_204 = arith.addi %parallel_loop3A_202, %parallel_loop3A_203 : i32
      %parallel_loop3A_205 = arith.index_cast %parallel_loop3A_204 : i32 to index
      %parallel_loop3A_206 = tpu.vector_load %arg9[%parallel_loop3A_205] {strides = array<i32>} : memref<8320xi32, #tpu.memory_space<vmem>>, vector<16xi32>,
      %parallel_loop3A_207 = arith.index_cast %parallel_loop3A_191 : i32 to index
      %parallel_loop3A_208 = arith.constant 0 : index
      %parallel_loop3A_209 = tpu.vector_load %arg11[%parallel_loop3A_207, %parallel_loop3A_208] {strides = array<i32>} : memref<64x128xi32, #tpu.memory_space<vmem>>, vector<16xi32>,
      tpu.vector_store %arg11[%parallel_loop3A_207, %parallel_loop3A_208], %parallel_loop3A_206 {strides = array<i32>} : memref<64x128xi32, #tpu.memory_space<vmem>>, vector<16xi32>,
      %parallel_loop3A_210 = arith.constant 130 : i32
      %parallel_loop3A_211 = arith.muli %parallel_loop3A_210, %parallel_loop3A_191 : i32
      %parallel_loop3A_212 = arith.constant 16 : i32
      %parallel_loop3A_213 = arith.addi %parallel_loop3A_211, %parallel_loop3A_212 : i32
      %parallel_loop3A_214 = arith.index_cast %parallel_loop3A_213 : i32 to index
      %parallel_loop3A_215 = tpu.vector_load %arg8[%parallel_loop3A_214] {strides = array<i32>} : memref<8320xf32, #tpu.memory_space<vmem>>, vector<16xf32>,
      %parallel_loop3A_216 = arith.index_cast %parallel_loop3A_191 : i32 to index
      %parallel_loop3A_217 = arith.constant 16 : index
      %parallel_loop3A_218 = tpu.vector_load %arg10[%parallel_loop3A_216, %parallel_loop3A_217] {strides = array<i32>} : memref<64x128xf32, #tpu.memory_space<vmem>>, vector<16xf32>,
      tpu.vector_store %arg10[%parallel_loop3A_216, %parallel_loop3A_217], %parallel_loop3A_215 {strides = array<i32>} : memref<64x128xf32, #tpu.memory_space<vmem>>, vector<16xf32>,
      %parallel_loop3A_219 = arith.constant 130 : i32
      %parallel_loop3A_220 = arith.muli %parallel_loop3A_219, %parallel_loop3A_191 : i32
      %parallel_loop3A_221 = arith.constant 16 : i32
      %parallel_loop3A_222 = arith.addi %parallel_loop3A_220, %parallel_loop3A_221 : i32
      %parallel_loop3A_223 = arith.index_cast %parallel_loop3A_222 : i32 to index
      %parallel_loop3A_224 = tpu.vector_load %arg9[%parallel_loop3A_223] {strides = array<i32>} : memref<8320xi32, #tpu.memory_space<vmem>>, vector<16xi32>,
      %parallel_loop3A_225 = arith.index_cast %parallel_loop3A_191 : i32 to index
      %parallel_loop3A_226 = arith.constant 16 : index
      %parallel_loop3A_227 = tpu.vector_load %arg11[%parallel_loop3A_225, %parallel_loop3A_226] {strides = array<i32>} : memref<64x128xi32, #tpu.memory_space<vmem>>, vector<16xi32>,
      tpu.vector_store %arg11[%parallel_loop3A_225, %parallel_loop3A_226], %parallel_loop3A_224 {strides = array<i32>} : memref<64x128xi32, #tpu.memory_space<vmem>>, vector<16xi32>,
      %parallel_loop3A_228 = arith.constant 130 : i32
      %parallel_loop3A_229 = arith.muli %parallel_loop3A_228, %parallel_loop3A_191 : i32
      %parallel_loop3A_230 = arith.constant 32 : i32
      %parallel_loop3A_231 = arith.addi %parallel_loop3A_229, %parallel_loop3A_230 : i32
      %parallel_loop3A_232 = arith.index_cast %parallel_loop3A_231 : i32 to index
      %parallel_loop3A_233 = tpu.vector_load %arg8[%parallel_loop3A_232] {strides = array<i32>} : memref<8320xf32, #tpu.memory_space<vmem>>, vector<16xf32>,
      %parallel_loop3A_234 = arith.index_cast %parallel_loop3A_191 : i32 to index
      %parallel_loop3A_235 = arith.constant 32 : index
      %parallel_loop3A_236 = tpu.vector_load %arg10[%parallel_loop3A_234, %parallel_loop3A_235] {strides = array<i32>} : memref<64x128xf32, #tpu.memory_space<vmem>>, vector<16xf32>,
      tpu.vector_store %arg10[%parallel_loop3A_234, %parallel_loop3A_235], %parallel_loop3A_233 {strides = array<i32>} : memref<64x128xf32, #tpu.memory_space<vmem>>, vector<16xf32>,
      %parallel_loop3A_237 = arith.constant 130 : i32
      %parallel_loop3A_238 = arith.muli %parallel_loop3A_237, %parallel_loop3A_191 : i32
      %parallel_loop3A_239 = arith.constant 32 : i32
      %parallel_loop3A_240 = arith.addi %parallel_loop3A_238, %parallel_loop3A_239 : i32
      %parallel_loop3A_241 = arith.index_cast %parallel_loop3A_240 : i32 to index
      %parallel_loop3A_242 = tpu.vector_load %arg9[%parallel_loop3A_241] {strides = array<i32>} : memref<8320xi32, #tpu.memory_space<vmem>>, vector<16xi32>,
      %parallel_loop3A_243 = arith.index_cast %parallel_loop3A_191 : i32 to index
      %parallel_loop3A_244 = arith.constant 32 : index
      %parallel_loop3A_245 = tpu.vector_load %arg11[%parallel_loop3A_243, %parallel_loop3A_244] {strides = array<i32>} : memref<64x128xi32, #tpu.memory_space<vmem>>, vector<16xi32>,
      tpu.vector_store %arg11[%parallel_loop3A_243, %parallel_loop3A_244], %parallel_loop3A_242 {strides = array<i32>} : memref<64x128xi32, #tpu.memory_space<vmem>>, vector<16xi32>,
      %parallel_loop3A_246 = arith.constant 130 : i32
      %parallel_loop3A_247 = arith.muli %parallel_loop3A_246, %parallel_loop3A_191 : i32
      %parallel_loop3A_248 = arith.constant 48 : i32
      %parallel_loop3A_249 = arith.addi %parallel_loop3A_247, %parallel_loop3A_248 : i32
      %parallel_loop3A_250 = arith.index_cast %parallel_loop3A_249 : i32 to index
      %parallel_loop3A_251 = tpu.vector_load %arg8[%parallel_loop3A_250] {strides = array<i32>} : memref<8320xf32, #tpu.memory_space<vmem>>, vector<16xf32>,
      %parallel_loop3A_252 = arith.index_cast %parallel_loop3A_191 : i32 to index
      %parallel_loop3A_253 = arith.constant 48 : index
      %parallel_loop3A_254 = tpu.vector_load %arg10[%parallel_loop3A_252, %parallel_loop3A_253] {strides = array<i32>} : memref<64x128xf32, #tpu.memory_space<vmem>>, vector<16xf32>,
      tpu.vector_store %arg10[%parallel_loop3A_252, %parallel_loop3A_253], %parallel_loop3A_251 {strides = array<i32>} : memref<64x128xf32, #tpu.memory_space<vmem>>, vector<16xf32>,
      %parallel_loop3A_255 = arith.constant 130 : i32
      %parallel_loop3A_256 = arith.muli %parallel_loop3A_255, %parallel_loop3A_191 : i32
      %parallel_loop3A_257 = arith.constant 48 : i32
      %parallel_loop3A_258 = arith.addi %parallel_loop3A_256, %parallel_loop3A_257 : i32
      %parallel_loop3A_259 = arith.index_cast %parallel_loop3A_258 : i32 to index
      %parallel_loop3A_260 = tpu.vector_load %arg9[%parallel_loop3A_259] {strides = array<i32>} : memref<8320xi32, #tpu.memory_space<vmem>>, vector<16xi32>,
      %parallel_loop3A_261 = arith.index_cast %parallel_loop3A_191 : i32 to index
      %parallel_loop3A_262 = arith.constant 48 : index
      %parallel_loop3A_263 = tpu.vector_load %arg11[%parallel_loop3A_261, %parallel_loop3A_262] {strides = array<i32>} : memref<64x128xi32, #tpu.memory_space<vmem>>, vector<16xi32>,
      tpu.vector_store %arg11[%parallel_loop3A_261, %parallel_loop3A_262], %parallel_loop3A_260 {strides = array<i32>} : memref<64x128xi32, #tpu.memory_space<vmem>>, vector<16xi32>,
      %parallel_loop3A_264 = arith.constant 130 : i32
      %parallel_loop3A_265 = arith.muli %parallel_loop3A_264, %parallel_loop3A_191 : i32
      %parallel_loop3A_266 = arith.constant 64 : i32
      %parallel_loop3A_267 = arith.addi %parallel_loop3A_265, %parallel_loop3A_266 : i32
      %parallel_loop3A_268 = arith.index_cast %parallel_loop3A_267 : i32 to index
      %parallel_loop3A_269 = tpu.vector_load %arg8[%parallel_loop3A_268] {strides = array<i32>} : memref<8320xf32, #tpu.memory_space<vmem>>, vector<16xf32>,
      %parallel_loop3A_270 = arith.index_cast %parallel_loop3A_191 : i32 to index
      %parallel_loop3A_271 = arith.constant 64 : index
      %parallel_loop3A_272 = tpu.vector_load %arg10[%parallel_loop3A_270, %parallel_loop3A_271] {strides = array<i32>} : memref<64x128xf32, #tpu.memory_space<vmem>>, vector<16xf32>,
      tpu.vector_store %arg10[%parallel_loop3A_270, %parallel_loop3A_271], %parallel_loop3A_269 {strides = array<i32>} : memref<64x128xf32, #tpu.memory_space<vmem>>, vector<16xf32>,
      %parallel_loop3A_273 = arith.constant 130 : i32
      %parallel_loop3A_274 = arith.muli %parallel_loop3A_273, %parallel_loop3A_191 : i32
      %parallel_loop3A_275 = arith.constant 64 : i32
      %parallel_loop3A_276 = arith.addi %parallel_loop3A_274, %parallel_loop3A_275 : i32
      %parallel_loop3A_277 = arith.index_cast %parallel_loop3A_276 : i32 to index
      %parallel_loop3A_278 = tpu.vector_load %arg9[%parallel_loop3A_277] {strides = array<i32>} : memref<8320xi32, #tpu.memory_space<vmem>>, vector<16xi32>,
      %parallel_loop3A_279 = arith.index_cast %parallel_loop3A_191 : i32 to index
      %parallel_loop3A_280 = arith.constant 64 : index
      %parallel_loop3A_281 = tpu.vector_load %arg11[%parallel_loop3A_279, %parallel_loop3A_280] {strides = array<i32>} : memref<64x128xi32, #tpu.memory_space<vmem>>, vector<16xi32>,
      tpu.vector_store %arg11[%parallel_loop3A_279, %parallel_loop3A_280], %parallel_loop3A_278 {strides = array<i32>} : memref<64x128xi32, #tpu.memory_space<vmem>>, vector<16xi32>,
      %parallel_loop3A_282 = arith.constant 130 : i32
      %parallel_loop3A_283 = arith.muli %parallel_loop3A_282, %parallel_loop3A_191 : i32
      %parallel_loop3A_284 = arith.constant 80 : i32
      %parallel_loop3A_285 = arith.addi %parallel_loop3A_283, %parallel_loop3A_284 : i32
      %parallel_loop3A_286 = arith.index_cast %parallel_loop3A_285 : i32 to index
      %parallel_loop3A_287 = tpu.vector_load %arg8[%parallel_loop3A_286] {strides = array<i32>} : memref<8320xf32, #tpu.memory_space<vmem>>, vector<16xf32>,
      %parallel_loop3A_288 = arith.index_cast %parallel_loop3A_191 : i32 to index
      %parallel_loop3A_289 = arith.constant 80 : index
      %parallel_loop3A_290 = tpu.vector_load %arg10[%parallel_loop3A_288, %parallel_loop3A_289] {strides = array<i32>} : memref<64x128xf32, #tpu.memory_space<vmem>>, vector<16xf32>,
      tpu.vector_store %arg10[%parallel_loop3A_288, %parallel_loop3A_289], %parallel_loop3A_287 {strides = array<i32>} : memref<64x128xf32, #tpu.memory_space<vmem>>, vector<16xf32>,
      %parallel_loop3A_291 = arith.constant 130 : i32
      %parallel_loop3A_292 = arith.muli %parallel_loop3A_291, %parallel_loop3A_191 : i32
      %parallel_loop3A_293 = arith.constant 80 : i32
      %parallel_loop3A_294 = arith.addi %parallel_loop3A_292, %parallel_loop3A_293 : i32
      %parallel_loop3A_295 = arith.index_cast %parallel_loop3A_294 : i32 to index
      %parallel_loop3A_296 = tpu.vector_load %arg9[%parallel_loop3A_295] {strides = array<i32>} : memref<8320xi32, #tpu.memory_space<vmem>>, vector<16xi32>,
      %parallel_loop3A_297 = arith.index_cast %parallel_loop3A_191 : i32 to index
      %parallel_loop3A_298 = arith.constant 80 : index
      %parallel_loop3A_299 = tpu.vector_load %arg11[%parallel_loop3A_297, %parallel_loop3A_298] {strides = array<i32>} : memref<64x128xi32, #tpu.memory_space<vmem>>, vector<16xi32>,
      tpu.vector_store %arg11[%parallel_loop3A_297, %parallel_loop3A_298], %parallel_loop3A_296 {strides = array<i32>} : memref<64x128xi32, #tpu.memory_space<vmem>>, vector<16xi32>,
      %parallel_loop3A_300 = arith.constant 130 : i32
      %parallel_loop3A_301 = arith.muli %parallel_loop3A_300, %parallel_loop3A_191 : i32
      %parallel_loop3A_302 = arith.constant 96 : i32
      %parallel_loop3A_303 = arith.addi %parallel_loop3A_301, %parallel_loop3A_302 : i32
      %parallel_loop3A_304 = arith.index_cast %parallel_loop3A_303 : i32 to index
      %parallel_loop3A_305 = tpu.vector_load %arg8[%parallel_loop3A_304] {strides = array<i32>} : memref<8320xf32, #tpu.memory_space<vmem>>, vector<16xf32>,
      %parallel_loop3A_306 = arith.index_cast %parallel_loop3A_191 : i32 to index
      %parallel_loop3A_307 = arith.constant 96 : index
      %parallel_loop3A_308 = tpu.vector_load %arg10[%parallel_loop3A_306, %parallel_loop3A_307] {strides = array<i32>} : memref<64x128xf32, #tpu.memory_space<vmem>>, vector<16xf32>,
      tpu.vector_store %arg10[%parallel_loop3A_306, %parallel_loop3A_307], %parallel_loop3A_305 {strides = array<i32>} : memref<64x128xf32, #tpu.memory_space<vmem>>, vector<16xf32>,
      %parallel_loop3A_309 = arith.constant 130 : i32
      %parallel_loop3A_310 = arith.muli %parallel_loop3A_309, %parallel_loop3A_191 : i32
      %parallel_loop3A_311 = arith.constant 96 : i32
      %parallel_loop3A_312 = arith.addi %parallel_loop3A_310, %parallel_loop3A_311 : i32
      %parallel_loop3A_313 = arith.index_cast %parallel_loop3A_312 : i32 to index
      %parallel_loop3A_314 = tpu.vector_load %arg9[%parallel_loop3A_313] {strides = array<i32>} : memref<8320xi32, #tpu.memory_space<vmem>>, vector<16xi32>,
      %parallel_loop3A_315 = arith.index_cast %parallel_loop3A_191 : i32 to index
      %parallel_loop3A_316 = arith.constant 96 : index
      %parallel_loop3A_317 = tpu.vector_load %arg11[%parallel_loop3A_315, %parallel_loop3A_316] {strides = array<i32>} : memref<64x128xi32, #tpu.memory_space<vmem>>, vector<16xi32>,
      tpu.vector_store %arg11[%parallel_loop3A_315, %parallel_loop3A_316], %parallel_loop3A_314 {strides = array<i32>} : memref<64x128xi32, #tpu.memory_space<vmem>>, vector<16xi32>,
      %parallel_loop3A_318 = arith.constant 130 : i32
      %parallel_loop3A_319 = arith.muli %parallel_loop3A_318, %parallel_loop3A_191 : i32
      %parallel_loop3A_320 = arith.constant 112 : i32
      %parallel_loop3A_321 = arith.addi %parallel_loop3A_319, %parallel_loop3A_320 : i32
      %parallel_loop3A_322 = arith.index_cast %parallel_loop3A_321 : i32 to index
      %parallel_loop3A_323 = tpu.vector_load %arg8[%parallel_loop3A_322] {strides = array<i32>} : memref<8320xf32, #tpu.memory_space<vmem>>, vector<16xf32>,
      %parallel_loop3A_324 = arith.index_cast %parallel_loop3A_191 : i32 to index
      %parallel_loop3A_325 = arith.constant 112 : index
      %parallel_loop3A_326 = tpu.vector_load %arg10[%parallel_loop3A_324, %parallel_loop3A_325] {strides = array<i32>} : memref<64x128xf32, #tpu.memory_space<vmem>>, vector<16xf32>,
      tpu.vector_store %arg10[%parallel_loop3A_324, %parallel_loop3A_325], %parallel_loop3A_323 {strides = array<i32>} : memref<64x128xf32, #tpu.memory_space<vmem>>, vector<16xf32>,
      %parallel_loop3A_327 = arith.constant 130 : i32
      %parallel_loop3A_328 = arith.muli %parallel_loop3A_327, %parallel_loop3A_191 : i32
      %parallel_loop3A_329 = arith.constant 112 : i32
      %parallel_loop3A_330 = arith.addi %parallel_loop3A_328, %parallel_loop3A_329 : i32
      %parallel_loop3A_331 = arith.index_cast %parallel_loop3A_330 : i32 to index
      %parallel_loop3A_332 = tpu.vector_load %arg9[%parallel_loop3A_331] {strides = array<i32>} : memref<8320xi32, #tpu.memory_space<vmem>>, vector<16xi32>,
      %parallel_loop3A_333 = arith.index_cast %parallel_loop3A_191 : i32 to index
      %parallel_loop3A_334 = arith.constant 112 : index
      %parallel_loop3A_335 = tpu.vector_load %arg11[%parallel_loop3A_333, %parallel_loop3A_334] {strides = array<i32>} : memref<64x128xi32, #tpu.memory_space<vmem>>, vector<16xi32>,
      tpu.vector_store %arg11[%parallel_loop3A_333, %parallel_loop3A_334], %parallel_loop3A_332 {strides = array<i32>} : memref<64x128xi32, #tpu.memory_space<vmem>>, vector<16xi32>,
    } {sc.loop_unroll_factor = 8 : i64, sc.parallel_access}
    %mul3A_187 = arith.constant 64 : i32
    %mul3A_188 = arith.muli %add3A, %mul3A_187 : i32
    "tpu.region"() ({
      %run_scoped3A = tpu.sem_alloc : memref<!tpu.dma_semaphore, #tpu.memory_space<semaphore_mem>>
      %dma_start3A_191 = arith.constant 0 : i32
      %dma_start3A_192 = tpu.memref_slice %arg3[%mul3A_188, %dma_start3A_191] : memref<2048x128xf32, #tpu.memory_space<hbm>> -> memref<64x128xf32, #tpu.memory_space<hbm>>
      %dma_start3A_193 = arith.constant 0 : i32
      %dma_start3A_194 = tpu.memref_slice %arg3[%mul3A_188, %dma_start3A_193] : memref<2048x128xf32, #tpu.memory_space<hbm>> -> memref<64x128xf32, #tpu.memory_space<hbm>>
      tpu.enqueue_dma source(%arg10 : memref<64x128xf32, #tpu.memory_space<vmem>>) target(%dma_start3A_194 : memref<64x128xf32, #tpu.memory_space<hbm>>) target_semaphore(%run_scoped3A : memref<!tpu.dma_semaphore, #tpu.memory_space<semaphore_mem>>)
      %dma_wait3A_195 = arith.constant 0 : i32
      %dma_wait3A_196 = tpu.memref_slice %arg3[%mul3A_188, %dma_wait3A_195] : memref<2048x128xf32, #tpu.memory_space<hbm>> -> memref<64x128xf32, #tpu.memory_space<hbm>>
      %dma_wait3A_197 = arith.constant 0 : i32
      %dma_wait3A_198 = tpu.memref_slice %arg3[%mul3A_188, %dma_wait3A_197] : memref<2048x128xf32, #tpu.memory_space<hbm>> -> memref<64x128xf32, #tpu.memory_space<hbm>>
      tpu.wait_dma2 semaphore(%run_scoped3A : memref<!tpu.dma_semaphore, #tpu.memory_space<semaphore_mem>>) src(%arg10 : memref<64x128xf32, #tpu.memory_space<vmem>>) dst(%dma_wait3A_198 : memref<64x128xf32, #tpu.memory_space<hbm>>)
      tpu.yield
    }) : () -> ()
    %mul3A_189 = arith.constant 64 : i32
    %mul3A_190 = arith.muli %add3A, %mul3A_189 : i32
    "tpu.region"() ({
      %run_scoped3A = tpu.sem_alloc : memref<!tpu.dma_semaphore, #tpu.memory_space<semaphore_mem>>
      %dma_start3A_191 = arith.constant 0 : i32
      %dma_start3A_192 = tpu.memref_slice %arg4[%mul3A_190, %dma_start3A_191] : memref<2048x128xi32, #tpu.memory_space<hbm>> -> memref<64x128xi32, #tpu.memory_space<hbm>>
      %dma_start3A_193 = arith.constant 0 : i32
      %dma_start3A_194 = tpu.memref_slice %arg4[%mul3A_190, %dma_start3A_193] : memref<2048x128xi32, #tpu.memory_space<hbm>> -> memref<64x128xi32, #tpu.memory_space<hbm>>
      tpu.enqueue_dma source(%arg11 : memref<64x128xi32, #tpu.memory_space<vmem>>) target(%dma_start3A_194 : memref<64x128xi32, #tpu.memory_space<hbm>>) target_semaphore(%run_scoped3A : memref<!tpu.dma_semaphore, #tpu.memory_space<semaphore_mem>>)
      %dma_wait3A_195 = arith.constant 0 : i32
      %dma_wait3A_196 = tpu.memref_slice %arg4[%mul3A_190, %dma_wait3A_195] : memref<2048x128xi32, #tpu.memory_space<hbm>> -> memref<64x128xi32, #tpu.memory_space<hbm>>
      %dma_wait3A_197 = arith.constant 0 : i32
      %dma_wait3A_198 = tpu.memref_slice %arg4[%mul3A_190, %dma_wait3A_197] : memref<2048x128xi32, #tpu.memory_space<hbm>> -> memref<64x128xi32, #tpu.memory_space<hbm>>
      tpu.wait_dma2 semaphore(%run_scoped3A : memref<!tpu.dma_semaphore, #tpu.memory_space<semaphore_mem>>) src(%arg11 : memref<64x128xi32, #tpu.memory_space<vmem>>) dst(%dma_wait3A_198 : memref<64x128xi32, #tpu.memory_space<hbm>>)
      tpu.yield
    }) : () -> ()
    return
  }
}

</mosaic_0001>

<sc_bundles>
// kernel: kernel.3.cloned.1.call-start
scs
__scs_entry_jumppad:
0x0: {  	(pc) =	sbr.rel $0x88, $3  }
0x1: {  	(tag) =	ssettag $0x0;
	lr =	simm.s32 $0x1  }
0x2: {  	[smem:$0x3FA0] =	sst lr;
	_ =	strace $0xD0000000  }
0x3: {  	_ = 	snop  }
0x4: {  	_ = 	snop  }
0x5: {  	_ = 	snop  }
0x6: {  	_ = 	snop  }
0x7: {  	_ = 	snop  }
__scs_overlays_trampoline_lowered:
0x8: {  	[smem:$0x3FAF] =	sst s0  }
0x9: {  	[smem:$0x3FB0] =	sst s1  }
0xa: {  	[smem:$0x3FB1] =	sst s2  }
0xb: {  	[smem:$0x3FB2] =	sst s3  }
0xc: {  	[smem:$0x3FB3] =	sst s4  }
0xd: {  	[smem:$0x3FB4] =	sst s5  }
0xe: {  	[smem:$0x3FB5] =	sst s6  }
0xf: {  	[smem:$0x3FB6] =	sst s7  }
0x10: {  	[smem:$0x3FB7] =	sst s8  }
0x11: {  	[smem:$0x3FB8] =	sst s9;
	s0 =	simm.s32 @!p0 $0x0  }
0x12: {  	s1 =	sld [smem:$0x3F9E];
	s0 =	simm.s32 @p0 $0x1  }
0x13: {  	[smem:$0x3FB9] =	sst s0;
	s0 =	simm.s32 @!p1 $0x0  }
0x14: {  	s2 =	sld [smem:$0x3F9D];
	s0 =	simm.s32 @p1 $0x1  }
0x15: {  	[smem:$0x3FBA] =	sst s0;
	s0 =	simm.s32 @!p2 $0x0  }
0x16: {  	s3 =	sld [smem:$0x3FDB];
	s0 =	simm.s32 @p2 $0x1  }
0x17: {  	s4 =	simm.s32 $0x1BF5;
	[smem:$0x3FBC] =	sst s0  }
0x18: {  	s0 =	sld [smem:$0x3F9F];
	_ =	swait.ge [sflag:s4], $0x0  }
0x19: {  	s7 =	sld [smem:$0x3FA0]  }
0x1a: {  	s8 =	sadd.s32 $0xFFFFE003, lr  }
0x1b: {  	s9 =	sadd.s32 $0xFFFFFEF7, lr;
	s5 =	simm.s32 $0xFFFFFFFF;
	p2 =	slt.u32 s8, $0xFFFFF086  }
0x1c: {  	p1 =	slt.u32 s9, $0xF7A;
	s5 =	simm.s32 @!p2 $0x0  }
0x1d: {  	s5 =	simm.s32 @p1 $0x1;
	p0 =	seq.s32 s7, s2  }
0x1e: {  	s7 =	smul.u32 @!p0 $0xF7A, s2;
	p2 =	seq.s32 @!p0 s5, $0x0  }
0x1f: {  	s9 =	smul.u32 $0xF7A, s1;
	s8 =	simm.s32 @!p0 $0x1BF5;
	p2 =	por !p2, p0  }
0x20: {  	[sflag:s8] =	ssyncset.s32 @!p0 $0xFFFFF086;
	s6 =	sadd.s32 @!p0 s3, s7;
	s7 =	simm.s32 @!p0 $0x108  }
0x21: {  	s3 =	sadd.s32 s3, s9;
	s6 =	sadd.s32 @!p0 $0x88, s6;
	s7 =	simm.s32 @p2 $0x1082  }
0x22: {  	[simem:s7], [sflag:s8] =	dma.local @!p0 [hbm:s6], $0xF7A  }
0x23: {  	s9 =	sor.u32 $0xD0000000, s2;
	s6 =	simm.s32 $0x108;
	_ =	swait.ge @!p0 [sflag:s8], $0x0  }
0x24: {  	s3 =	sadd.s32 $0x88, s3;
	s6 =	simm.s32 @!p1 $0x1082;
	[sflag:s4] =	ssyncset.s32 $0xFFFFF086  }
0x25: {  	[simem:s6], [sflag:s4] =	dma.local [hbm:s3], $0xF7A  }
0x26: {  	[smem:$0x3FA0] =	sst s1;
	(tag) =	ssettag s2;
	_ =	strace s9  }
0x27: {  	s1 =	sld [smem:$0x3FB0]  }
0x28: {  	s2 =	sld [smem:$0x3FB1]  }
0x29: {  	s4 =	sld [smem:$0x3FB3]  }
0x2a: {  	p0 =	seq.s32 s5, $0x0;
	s5 =	sld [smem:$0x3FB4]  }
0x2b: {  	s6 =	sld [smem:$0x3FB5]  }
0x2c: {  	s7 =	sld [smem:$0x3FB6]  }
0x2d: {  	s3 =	simm.s32 $0x108;
	s8 =	sld [smem:$0x3FB7]  }
0x2e: {  	s3 =	simm.s32 @!p0 $0x1082;
	s9 =	sld [smem:$0x3FB8]  }
0x2f: {  	lr =	sadd.s32 s0, s3;
	s0 =	sld [smem:$0x3FAF]  }
0x30: {  	s3 =	sld [smem:$0x3FB2]  }
0x31: {  	[smem:$0x3FBB] =	sst s10  }
0x32: {  	s10 =	sld [smem:$0x3FB9];
	_ =	sdelay $0x3  }
0x33: {  	p0 =	seq.s32 s10, $0x1;
	s10 =	sld [smem:$0x3FBB];
	_ =	sdelay $0x3  }
0x34: {  	[smem:$0x3FBB] =	sst s10  }
0x35: {  	s10 =	sld [smem:$0x3FBA];
	_ =	sdelay $0x3  }
0x36: {  	p1 =	seq.s32 s10, $0x1;
	s10 =	sld [smem:$0x3FBB];
	_ =	sdelay $0x3  }
0x37: {  	[smem:$0x3FBB] =	sst s10  }
0x38: {  	s10 =	sld [smem:$0x3FBC]  }
0x39: {  	_ = 	snop;
	(pc) =	sbr.ind lr, $3  }
0x3a: {  	_ = 	snop  }
0x3b: {  	_ = 	snop  }
0x3c: {  	p2 =	seq.s32 s10, $0x1;
	s10 =	sld [smem:$0x3FBB]  }
0x3d: {  	_ =	shalt  }
0x3e: {  	_ =	shalt  }
0x3f: {  	_ =	shalt  }
0x40: {  	_ =	shalt  }
0x41: {  	_ =	shalt  }
0x42: {  	_ =	shalt  }
0x43: {  	_ =	shalt  }
0x44: {  	_ =	shalt  }
0x45: {  	_ =	shalt  }
0x46: {  	_ =	shalt  }
0x47: {  	_ =	shalt  }
0x48: {  	_ =	shalt  }
0x49: {  	_ =	shalt  }
0x4a: {  	_ =	shalt  }
0x4b: {  	_ =	shalt  }
0x4c: {  	_ =	shalt  }
0x4d: {  	_ =	shalt  }
0x4e: {  	_ =	shalt  }
0x4f: {  	_ =	shalt  }
0x50: {  	_ =	shalt  }
0x51: {  	_ =	shalt  }
0x52: {  	_ =	shalt  }
0x53: {  	_ =	shalt  }
0x54: {  	_ =	shalt  }
0x55: {  	_ =	shalt  }
0x56: {  	_ =	shalt  }
0x57: {  	_ =	shalt  }
0x58: {  	_ =	shalt  }
0x59: {  	_ =	shalt  }
0x5a: {  	_ =	shalt  }
0x5b: {  	_ =	shalt  }
0x5c: {  	_ =	shalt  }
0x5d: {  	_ =	shalt  }
0x5e: {  	_ =	shalt  }
0x5f: {  	_ =	shalt  }
0x60: {  	_ =	shalt  }
0x61: {  	_ =	shalt  }
0x62: {  	_ =	shalt  }
0x63: {  	_ =	shalt  }
0x64: {  	_ =	shalt  }
0x65: {  	_ =	shalt  }
0x66: {  	_ =	shalt  }
0x67: {  	_ =	shalt  }
0x68: {  	_ =	shalt  }
0x69: {  	_ =	shalt  }
0x6a: {  	_ =	shalt  }
0x6b: {  	_ =	shalt  }
0x6c: {  	_ =	shalt  }
0x6d: {  	_ =	shalt  }
0x6e: {  	_ =	shalt  }
0x6f: {  	_ =	shalt  }
0x70: {  	_ =	shalt  }
0x71: {  	_ =	shalt  }
0x72: {  	_ =	shalt  }
0x73: {  	_ =	shalt  }
0x74: {  	_ =	shalt  }
0x75: {  	_ =	shalt  }
0x76: {  	_ =	shalt  }
0x77: {  	_ =	shalt  }
0x78: {  	_ =	shalt  }
0x79: {  	_ =	shalt  }
0x7a: {  	_ =	shalt  }
0x7b: {  	_ =	shalt  }
0x7c: {  	_ =	shalt  }
0x7d: {  	_ =	shalt  }
0x7e: {  	_ =	shalt  }
0x7f: {  	_ =	shalt  }
0x80: {  	_ =	shalt  }
0x81: {  	_ =	shalt  }
0x82: {  	_ =	shalt  }
0x83: {  	_ =	shalt  }
0x84: {  	_ =	shalt  }
0x85: {  	_ =	shalt  }
0x86: {  	_ =	shalt  }
0x87: {  	_ =	shalt  }
.Lfunc_end0:
.L_simem_size_0:
called_computation_lowered:
.L_overlay_start_0:
0x88: {  	s2 =	sld [smem:$0x3FD9]  }
0x89: {  	s3 =	sld [smem:$0x3FFE];
	_ =	sdelay $0x1  }
0x8a: {  	s1 =	srdreg.scid  }
0x8b: {  	s0 =	sand.u32 $0x1, s1  }
0x8c: {  	s15 =	sshll.u32 s0, $0xA;
	s2 =	sadd.s32 s3, s2  }
0x8d: {  	s2 =	sadd.s32 s2, s15  }
0x8e: {  	[smem:$0x3FC7] =	sst s2  }
0x8f: {  	_ = 	snop  }
0x90: {  	s2 =	sld [smem:$0x3FD0];
	_ =	sdelay $0x2  }
0x91: {  	s4 =	simm.s32 $0xA;
	s5 =	simm.s32 $0x10;
	s16 =	sld [smem:$0x3FC9]  }
0x92: {  	[smem:s5], [sflag:s4] =	dma.local [hbm:s2], $0x1  }
0x93: {  	_ =	swait.eq [sflag:s4], $0x1  }
0x94: {  	[sflag:s4] =	ssyncset.done $0x0  }
0x95: {  	s17 =	sld [smem:$0x10];
	[sflag:s4] =	ssyncadd.s32 $0xFFFFFFFF  }
0x96: {  	s18 =	sld [smem:$0x11];
	(tm) =	ssettm $0x1  }
0x97: {  	s19 =	sld [smem:$0x3FFB];
	_ =	sdelay $0x3  }
0x98: {  	_ =	strace s19  }
0x99: {  	s5 =	sld [smem:$0x3FFC];
	_ =	sdelay $0x3  }
0x9a: {  	_ =	strace s5  }
0x9b: {  	s5 =	sld [smem:$0x3FFD];
	_ =	sdelay $0x3  }
0x9c: {  	_ =	strace s5  }
0x9d: {  	_ =	strace $0x8FFFFFFF  }
0x9e: {  	s20 =	sld [smem:$0x3FDB];
	_ =	sdelay $0x1  }
0x9f: {  	s6 =	simm.s32 $_scs_section_size  }
0xa0: {  	s7 =	simm.s32 $_size__tile_overlayer_lowered;
	s8 =	simm.s32 $_tile_overlayer_lowered  }
0xa1: {  	s23 =	simm.s32 $0x1BFF;
	s22 =	sshll.u32 s8, $0x1;
	s5 =	sadd.s32 s6, s20  }
0xa2: {  	s9 =	simm.s32 $0x0;
	s21 =	sshll.u32 s7, $0x1;
	s7 =	sadd.s32 s22, s5  }
0xa3: {  	[timem:s9], [sflag:s23] =	dma.local [hbm:s7], s21  }
0xa4: {  	_ =	swait.ge [sflag:s23], s21  }
0xa5: {  	s6 =	ssub.s32 $0x0, s21;
	[sflag:s23] =	ssyncset.done $0x0  }
0xa6: {  	[sflag:s23] =	ssyncadd.s32 s6;
	_ =	sdelay $0x1  }
0xa7: {  	s24 =	simm.s32 $0x1B8B  }
0xa8: {  	_ =	swait.ge [sflag:s24], $0x1  }
0xa9: {  	[sflag:s24] =	ssyncset.done $0x0  }
0xaa: {  	s25 =	simm.s32 $0x1B8E;
	[sflag:s24] =	ssyncadd.s32 $0xFFFFFFFF  }
0xab: {  	s26 =	simm.s32 $execute0_lowered;
	[smem:$0x3FD2] =	sst s25  }
0xac: {  	s6 =	sshll.u32 s26, $0x1;
	_ =	strace $0x80000046;
	[dreg:$0x1] =	wrdreg $0xFFFFFFFF  }
0xad: {  	s28 =	simm.s32 $_size_execute0_lowered;
	s5 =	sadd.s32 s5, s6;
	[dreg:$0x0] =	wrdreg $0x0  }
0xae: {  	s6 =	sshll.u32 s28, $0x1;
	[dreg:$0x2] =	wrdreg s5  }
0xaf: {  	[dreg:$0x3] =	wrdreg s6  }
0xb0: {  	[dreg:$0x4] =	wrdreg $0xC0  }
0xb1: {  	_ =	task [dreg:s9], $0x5FFFF  }
0xb2: {  	[dreg:$0x1] =	wrdreg $0xFFFFFFFF  }
0xb3: {  	[dreg:$0x0] =	wrdreg $0x60  }
0xb4: {  	[dreg:$0x2] =	wrdreg s16  }
0xb5: {  	[dreg:$0x3] =	wrdreg s17  }
0xb6: {  	[dreg:$0x4] =	wrdreg s18  }
0xb7: {  	[dreg:$0x5] =	wrdreg $0x9  }
0xb8: {  	_ =	task.clear_ibuf [dreg:s9], $0x6FFFF;
	_ =	strace $0x90000046  }
0xb9: {  	s29 =	simm.s32 $0x9;
	_ =	strace $0x80000048  }
0xba: {  	_ =	swait.ge [sflag:s29], $0x1  }
0xbb: {  	[sflag:s29] =	ssyncadd.s32 $0xFFFFFFFF  }
0xbc: {  	_ =	strace $0x90000048  }
0xbd: {  	_ =	sfence  }
0xbe: {  	s30 =	sld [smem:$0x0];
	_ =	sdelay $0x2  }
0xbf: {  	s31 =	sshll.u32 s1, $0xD;
	s1 =	sshrl.u32 s1, $0x2  }
0xc0: {  	s3 =	sand.u32 $0x4000, s31;
	s1 =	sadd.s32 s1, s30  }
0xc1: {  	s0 =	sor.u32 s3, s0;
	s1 =	sshll.u32 s1, $0x11  }
0xc2: {  	s0 =	sor.u32 s1, s0  }
0xc3: {  	s0 =	sadd.s32 $0x8F2B, s0  }
0xc4: {  	[sflag:s0] =	ssyncadd.remote.s32 $0x1  }
0xc5: {  	_ =	sfence.sel $0xFFFF  }
0xc6: {  	[dreg:$0x0] =	wrdreg $0xFFFFFFFF;
	(pc) =	sbr.abs _section_cstart, $3  }
0xc7: {  	[dreg:$0x1] =	wrdreg $0xFFFFFFFF  }
0xc8: {  	_ =	task.clear_ibuf [dreg:s9], $0x2FFFF;
	_ =	strace $0x9FFFFFFF  }
0xc9: {  	(tm) =	ssettm $0x7FFFFFFF  }
tec
execute0_lowered:
.L_overlay_start_1:
0x0: {  	(tag) =	ssettag $0x1  }
0x1: {  	v0 =	vimm.s32 $0x23C7;
	vm14 =	vcmask $0x300  }
0x2: {  	vm13 =	vcmask $0x704;
	vm12 =	vcmask $0xB08;
	vm11 =	vcmask $0xF0C  }
0x3: {  	vm10 =	vcmask $0x1310;
	vm9 =	vcmask $0x1714;
	vm8 =	vcmask $0x1B18  }
0x4: {  	vm7 =	vcmask $0x1F1C;
	vm6 =	vcmask $0x2320;
	vm5 =	vcmask $0x2724  }
0x5: {  	vm4 =	vcmask $0x2B28;
	vm3 =	vcmask $0x2F2C;
	vm2 =	vcmask $0x3330  }
0x6: {  	v1 =	vimm.s32 $0x6447;
	vm1 =	vcmask $0x3734;
	vm0 =	vcmask $0x3B38  }
0x7: {  	v2 =	vimm.s32 $0xA4C7;
	v4 =	vimm.s32 $0xE547;
	v10 =	vimm.s32 $0x7060504  }
0x8: {  	v0 =	vsel vm14, $0x0, v0;
	v1 =	vsel vm14, $0x4080, v1;
	v2 =	vsel vm14, $0x8100, v2  }
0x9: {  	v4 =	vsel vm14, $0xC180, v4;
	v10 =	vunpack.c.0.s8.s32 v10;
	v1 =	vsel vm13, $0x4101, v1  }
0xa: {  	v0 =	vsel vm13, $0x81, v0;
	v2 =	vsel vm13, $0x8181, v2;
	v1 =	vsel vm12, $0x4182, v1  }
0xb: {  	v4 =	vsel vm13, $0xC201, v4;
	v0 =	vsel vm12, $0x102, v0;
	v3 =	vsel vm11, $0x4203, v1  }
0xc: {  	v2 =	vsel vm12, $0x8202, v2;
	v4 =	vsel vm12, $0xC282, v4;
	v3 =	vsel vm10, $0x4284, v3  }
0xd: {  	v0 =	vsel vm11, $0x183, v0;
	v1 =	vlaneseq.u32;
	v3 =	vsel vm9, $0x4305, v3  }
0xe: {  	v2 =	vsel vm11, $0x8283, v2;
	v4 =	vsel vm11, $0xC303, v4;
	v3 =	vsel vm8, $0x4386, v3  }
0xf: {  	v0 =	vsel vm10, $0x204, v0;
	v2 =	vsel vm10, $0x8304, v2;
	v3 =	vsel vm7, $0x4407, v3  }
0x10: {  	v4 =	vsel vm10, $0xC384, v4;
	v62 =	vor.u32 $0x20, v1;
	v3 =	vsel vm6, $0x60C0, v3  }
0x11: {  	v63 =	vand.u32 $0x7, v1;
	v2 =	vsel vm9, $0x8385, v2;
	v3 =	vsel vm5, $0x6141, v3  }
0x12: {  	s3 =	srdreg.scid;
	v0 =	vsel vm9, $0x285, v0;
	v2 =	vsel vm8, $0x8406, v2;
	v3 =	vsel vm4, $0x61C2, v3  }
0x13: {  	s4 =	stileid.u32;
	s3 =	sand.u32 $0x1, s3;
	v4 =	vsel vm9, $0xC405, v4;
	v2 =	vsel vm7, $0x8487, v2;
	v3 =	vsel vm3, $0x6243, v3  }
0x14: {  	s0 =	rddreg [dreg:$0x0];
	s4 =	sshll.u32 s4, $0xB;
	s5 =	sshll.u32 s3, $0xA;
	v0 =	vsel vm8, $0x306, v0;
	v2 =	vsel vm6, $0xA140, v2;
	v3 =	vsel vm2, $0x62C4, v3  }
0x15: {  	s1 =	rddreg [dreg:$0x1];
	s4 =	sor.u32 s5, s4;
	v4 =	vsel vm8, $0xC486, v4;
	v2 =	vsel vm5, $0xA1C1, v2;
	v3 =	vsel vm1, $0x6345, v3  }
0x16: {  	s2 =	rddreg [dreg:$0x2];
	s6 =	simm.s32 $0x0;
	s7 =	sadd.s32 s0, s4;
	v0 =	vsel vm7, $0x387, v0;
	v5 =	vsel vm4, $0xA242, v2;
	v2 =	vsel vm0, $0x63C6, v3  }
0x17: {  	[smem:$0x7FF] =	sst s6;
	s23 =	sadd.s32 $0x8000, s7;
	v61 =	vshrl.u32 v1, $0x3;
	v4 =	vsel vm7, $0xC507, v4;
	v0 =	vsel vm6, $0x2040, v0;
	[tilespmem:$0x1FFB0] =	vst v2  }
0x18: {  	s24 =	sadd.s32 $0x10000, s7;
	v60 =	vmul.u32 $0x82, v63;
	v4 =	vsel vm6, $0xE1C0, v4;
	v0 =	vsel vm5, $0x20C1, v0;
	_ =	strace $0x80000047;
	[dreg:$0x6] =	wrdreg s23  }
0x19: {  	s25 =	sadd.s32 $0x18000, s7;
	v4 =	vsel vm5, $0xE241, v4;
	v0 =	vsel vm4, $0x2142, v0;
	v3 =	vsel vm3, $0xA2C3, v5;
	[dreg:$0x7] =	wrdreg s24  }
0x1a: {  	s26 =	sadd.s32 $0x20000, s7;
	v0 =	vsel vm3, $0x21C3, v0;
	v5 =	vimm.s32 $0xE40000;
	v3 =	vsel vm2, $0xA344, v3;
	[dreg:$0x8] =	wrdreg s25  }
0x1b: {  	s8 =	simm.s32 $0x2000;
	s28 =	sadd.s32 $0x28000, s7;
	v0 =	vsel vm2, $0x2244, v0;
	v5 =	vunpack.c.l.s2.s4 v5;
	v6 =	vsel vm1, $0xA3C5, v3;
	[dreg:$0x9] =	wrdreg s26  }
0x1c: {  	s9 =	simm.s32 $0x2;
	s29 =	sadd.s32 $0x30000, s7;
	v7 =	vsel vm4, $0xE2C2, v4;
	v0 =	vsel vm1, $0x22C5, v0;
	[dreg:$0xa] =	wrdreg s28;
	v4 =	vsel vm0, $0xA446, v6  }
0x1d: {  	s13 =	simm.s32 $0x4000;
	s14 =	simm.s32 $0x14200;
	[dreg:$0xb] =	wrdreg s29;
	v6 =	vsel vm3, $0xE343, v7;
	v7 =	vimm.s32 $0x1234567;
	v8 =	vunpack.c.l.s4.s8 v5  }
0x1e: {  	s3 =	ssub.s32 $0x2, s3;
	s30 =	sadd.s32 $0x38000, s7;
	v0 =	vsel vm0, $0x2346, v0;
	[dreg:$0x5] =	wrdreg s7;
	v6 =	vsel vm2, $0xE3C4, v6;
	v9 =	vunpack.c.l.s4.s8 v7  }
0x1f: {  	s21 =	sshrl.u32 s3, $0x1;
	s1 =	sadd.s32 s1, s4;
	v3 =	vor.u32 $0x10, v1;
	[dreg:$0xc] =	wrdreg s30;
	[tilespmem:$0x1FFC0] =	vst v0;
	v6 =	vsel vm1, $0xE445, v6;
	v8 =	vunpack.c.0.s8.s32 v8  }
0x20: {  	s22 =	ssub.s32 s3, s21;
	s31 =	sadd.s32 s2, s4;
	[dreg:$0xd] =	wrdreg s1;
	[tilespmem:$0x1FFE0] =	vst v3;
	vm1 =	vcmask $0x3F30;
	v59 =	vsel vm0, $0xE4C6, v6;
	v9 =	vunpack.c.0.s8.s32 v9  }
0x21: {  	s15 =	simm.s32 $0x16280;
	s0 =	smax.u32 s22, $0x1;
	[dreg:$0xe] =	wrdreg s31;
	[tilespmem:$0x1FFF0] =	vst v4;
	v6 =	vor.u32 $0x30, v1;
	vm0 =	vcmask $0x1F00;
	v11 =	vand.u32 $0x3, v8  }
0x22: {  	s3 =	simm.s32 $0x1;
	s2 =	simm.s32 $0x0;
	[dreg:$0xf] =	wrdreg s0;
	[tilespmem:$0x1FFD0] =	vst v6;
	v5 =	vnsel vm0, $0x0, v9;
	v57 =	vsel vm1, v10, v11;
	vm0 =	vmmov $0xff  }
.LBB2_1:
0x23: {  	[dreg:$0x10] =	wrdreg s2  }
0x24: {  	s0 =	rddreg [dreg:$0x5]  }
0x25: {  	[tilespmem:s6], [sflag:$0x1] =	stream.linear.gather [hbm4b:s0+s6], $0x2000, $0x38;
	[tilespmem:$0x1C300] =	vst v63  }
0x26: {  	_ =	swait.ge [sflag:s3], $0x2000  }
0x27: {  	[sflag:s3] =	ssyncset.done $0x0  }
0x28: {  	s4 =	simm.s32 $0x200;
	s31 =	rddreg [dreg:$0x6];
	[sflag:s3] =	ssyncadd.s32 $0xFFFFE000  }
0x29: {  	[tilespmem:s8], [sflag:$0x2] =	stream.linear.gather [hbm4b:s31+s6], $0x2000, $0x38;
	[tilespmem:$0x1C300] =	vst v63  }
0x2a: {  	v12 =	vld [tilespmem:s4+$0x180]  }
0x2b: {  	v13 =	vld [tilespmem:s4+$0xFFFFFE80]  }
0x2c: {  	v14 =	vld [tilespmem:s4+$0xFFFFFF00]  }
0x2d: {  	v15 =	vld [tilespmem:s4+$0xFFFFFF80]  }
0x2e: {  	s0 =	simm.s32 $0x4204;
	v16 =	vld [tilespmem:s4+$0x0]  }
0x2f: {  	v17 =	vld [tilespmem:s4+$0x80];
	[tilespmem:s0+$0x183] =	vst v12  }
0x30: {  	[tilespmem:s0+$0xFFFFFE7D] =	vst v13;
	v13 =	vld [tilespmem:s4+$0x100]  }
0x31: {  	[tilespmem:s0+$0xFFFFFEFE] =	vst v14;
	v14 =	vld [tilespmem:s4+$0xFFFFFE00]  }
0x32: {  	[tilespmem:s0+$0xFFFFFF7F] =	vst v15;
	v12 =	vld [tilespmem:s4+$0x190]  }
0x33: {  	[tilespmem:s0+$0x0] =	vst v16;
	v15 =	vld [tilespmem:s4+$0xFFFFFE90]  }
0x34: {  	[tilespmem:s0+$0x81] =	vst v17;
	v16 =	vld [tilespmem:s4+$0xFFFFFF10]  }
0x35: {  	v17 =	vld [tilespmem:s4+$0xFFFFFF90];
	[tilespmem:s0+$0x102] =	vst v13  }
0x36: {  	[tilespmem:s0+$0xFFFFFDFC] =	vst v14;
	v13 =	vld [tilespmem:s4+$0x10]  }
0x37: {  	[tilespmem:s0+$0x193] =	vst v12;
	v14 =	vld [tilespmem:s4+$0xFFFFFE10]  }
0x38: {  	[tilespmem:s0+$0xFFFFFE8D] =	vst v15;
	v15 =	vld [tilespmem:s4+$0x90]  }
0x39: {  	[tilespmem:s0+$0xFFFFFF0E] =	vst v16;
	v12 =	vld [tilespmem:s4+$0x1A0]  }
0x3a: {  	[tilespmem:s0+$0xFFFFFF8F] =	vst v17;
	v16 =	vld [tilespmem:s4+$0x110]  }
0x3b: {  	v17 =	vld [tilespmem:s4+$0xFFFFFEA0];
	[tilespmem:s0+$0x10] =	vst v13  }
0x3c: {  	v13 =	vld [tilespmem:s4+$0xFFFFFF20];
	[tilespmem:s0+$0xFFFFFE0C] =	vst v14  }
0x3d: {  	[tilespmem:s0+$0x91] =	vst v15;
	v15 =	vld [tilespmem:s4+$0xFFFFFFA0]  }
0x3e: {  	[tilespmem:s0+$0x1A3] =	vst v12;
	v14 =	vld [tilespmem:s4+$0xFFFFFE20]  }
0x3f: {  	[tilespmem:s0+$0x112] =	vst v16;
	v12 =	vld [tilespmem:s4+$0x1B0]  }
0x40: {  	v16 =	vld [tilespmem:s4+$0x20];
	[tilespmem:s0+$0xFFFFFE9D] =	vst v17  }
0x41: {  	v17 =	vld [tilespmem:s4+$0xA0];
	[tilespmem:s0+$0xFFFFFF1E] =	vst v13  }
0x42: {  	v13 =	vld [tilespmem:s4+$0x120];
	[tilespmem:s0+$0xFFFFFF9F] =	vst v15  }
0x43: {  	v15 =	vld [tilespmem:s4+$0xFFFFFEB0];
	[tilespmem:s0+$0xFFFFFE1C] =	vst v14  }
0x44: {  	[tilespmem:s0+$0x1B3] =	vst v12;
	v14 =	vld [tilespmem:s4+$0xFFFFFE30]  }
0x45: {  	[tilespmem:s0+$0x20] =	vst v16;
	v12 =	vld [tilespmem:s4+$0x1C0]  }
0x46: {  	v16 =	vld [tilespmem:s4+$0xFFFFFF30];
	[tilespmem:s0+$0xA1] =	vst v17  }
0x47: {  	v17 =	vld [tilespmem:s4+$0xFFFFFFB0];
	[tilespmem:s0+$0x122] =	vst v13  }
0x48: {  	v13 =	vld [tilespmem:s4+$0x30];
	[tilespmem:s0+$0xFFFFFEAD] =	vst v15  }
0x49: {  	v15 =	vld [tilespmem:s4+$0x130];
	[tilespmem:s0+$0xFFFFFE2C] =	vst v14  }
0x4a: {  	v14 =	vld [tilespmem:s4+$0xB0];
	[tilespmem:s0+$0x1C3] =	vst v12  }
0x4b: {  	[tilespmem:s0+$0xFFFFFF2E] =	vst v16;
	v12 =	vld [tilespmem:s4+$0x1D0]  }
0x4c: {  	[tilespmem:s0+$0xFFFFFFAF] =	vst v17;
	v17 =	vld [tilespmem:s4+$0xFFFFFEC0]  }
0x4d: {  	v16 =	vld [tilespmem:s4+$0xFFFFFE40];
	[tilespmem:s0+$0x30] =	vst v13  }
0x4e: {  	v13 =	vld [tilespmem:s4+$0xFFFFFF40];
	[tilespmem:s0+$0x132] =	vst v15  }
0x4f: {  	v15 =	vld [tilespmem:s4+$0x40];
	[tilespmem:s0+$0xB1] =	vst v14  }
0x50: {  	v14 =	vld [tilespmem:s4+$0xFFFFFFC0];
	[tilespmem:s0+$0x1D3] =	vst v12  }
0x51: {  	[tilespmem:s0+$0xFFFFFEBD] =	vst v17;
	v12 =	vld [tilespmem:s4+$0x1E0]  }
0x52: {  	v17 =	vld [tilespmem:s4+$0x140];
	[tilespmem:s0+$0xFFFFFE3C] =	vst v16  }
0x53: {  	v16 =	vld [tilespmem:s4+$0xC0];
	[tilespmem:s0+$0xFFFFFF3E] =	vst v13  }
0x54: {  	v13 =	vld [tilespmem:s4+$0xFFFFFE50];
	[tilespmem:s0+$0x40] =	vst v15  }
0x55: {  	[tilespmem:s0+$0xFFFFFFBF] =	vst v14;
	v14 =	vld [tilespmem:s4+$0xFFFFFED0]  }
0x56: {  	v15 =	vld [tilespmem:s4+$0xFFFFFF50];
	[tilespmem:s0+$0x1E3] =	vst v12  }
0x57: {  	[tilespmem:s0+$0x142] =	vst v17;
	v12 =	vld [tilespmem:s4+$0x1F0]  }
0x58: {  	v17 =	vld [tilespmem:s4+$0x50];
	[tilespmem:s0+$0xC1] =	vst v16  }
0x59: {  	v16 =	vld [tilespmem:s4+$0xFFFFFFD0];
	[tilespmem:s0+$0xFFFFFE4C] =	vst v13  }
0x5a: {  	v13 =	vld [tilespmem:s4+$0x150];
	[tilespmem:s0+$0xFFFFFECD] =	vst v14  }
0x5b: {  	[tilespmem:s0+$0xFFFFFF4E] =	vst v15;
	v15 =	vld [tilespmem:s4+$0xFFFFFEE0]  }
0x5c: {  	[tilespmem:s0+$0x1F3] =	vst v12;
	v12 =	vld [tilespmem:s4+$0xD0]  }
0x5d: {  	[tilespmem:s0+$0x50] =	vst v17;
	v14 =	vld [tilespmem:s4+$0xFFFFFE60]  }
0x5e: {  	v18 =	vld [tilespmem:s4+$0x60];
	[tilespmem:s0+$0xFFFFFFCF] =	vst v16  }
0x5f: {  	v16 =	vld [tilespmem:s4+$0xFFFFFF60];
	[tilespmem:s0+$0x152] =	vst v13  }
0x60: {  	v17 =	vld [tilespmem:s4+$0xFFFFFFE0];
	[tilespmem:s0+$0xFFFFFEDD] =	vst v15  }
0x61: {  	v15 =	vld [tilespmem:s4+$0x160];
	[tilespmem:s0+$0xD1] =	vst v12  }
0x62: {  	[tilespmem:s0+$0xFFFFFE5C] =	vst v14;
	v14 =	vld [tilespmem:s4+$0xE0]  }
0x63: {  	[tilespmem:s0+$0x60] =	vst v18;
	v19 =	vld [tilespmem:s4+$0xFFFFFE70]  }
0x64: {  	[tilespmem:s0+$0xFFFFFF5E] =	vst v16;
	v16 =	vld [tilespmem:s4+$0xFFFFFEF0]  }
0x65: {  	[tilespmem:s0+$0xFFFFFFDF] =	vst v17;
	v12 =	vld [tilespmem:s4+$0xFFFFFF70]  }
0x66: {  	v13 =	vld [tilespmem:s4+$0xFFFFFFF0];
	[tilespmem:s0+$0x162] =	vst v15  }
0x67: {  	[tilespmem:s0+$0xE1] =	vst v14;
	v14 =	vld [tilespmem:s4+$0x70]  }
0x68: {  	[tilespmem:s0+$0xFFFFFE6C] =	vst v19;
	v15 =	vld [tilespmem:s4+$0xF0]  }
0x69: {  	s1 =	simm.s32 $0x0;
	[tilespmem:s0+$0xFFFFFEED] =	vst v16;
	v16 =	vld [tilespmem:s4+$0x170];
	s4 =	simm.s32 $0x600  }
.LBB2_2:
0x6a: {  	v17 =	vld [tilespmem:s4+$0x180];
	s1 =	sadd.s32 $0x8, s1;
	[tilespmem:s0+$0xFFFFFF6E] =	vst v12  }
0x6b: {  	v12 =	vld [tilespmem:s4+$0xFFFFFE80];
	p0 =	slt.u32 s1, $0x38;
	[tilespmem:s0+$0xFFFFFFEF] =	vst v13  }
0x6c: {  	v13 =	vld [tilespmem:s4+$0xFFFFFF00];
	[tilespmem:s0+$0x70] =	vst v14  }
0x6d: {  	v14 =	vld [tilespmem:s4+$0xFFFFFF80];
	[tilespmem:s0+$0xF1] =	vst v15  }
0x6e: {  	v15 =	vld [tilespmem:s4+$0x0];
	[tilespmem:s0+$0x172] =	vst v16;
	s0 =	sadd.s32 $0x408, s0  }
0x6f: {  	v16 =	vld [tilespmem:s4+$0x80];
	[tilespmem:s0+$0x183] =	vst v17  }
0x70: {  	[tilespmem:s0+$0xFFFFFE7D] =	vst v12;
	v12 =	vld [tilespmem:s4+$0x190]  }
0x71: {  	[tilespmem:s0+$0xFFFFFEFE] =	vst v13;
	v13 =	vld [tilespmem:s4+$0x100]  }
0x72: {  	v17 =	vld [tilespmem:s4+$0xFFFFFE00];
	[tilespmem:s0+$0xFFFFFF7F] =	vst v14  }
0x73: {  	v14 =	vld [tilespmem:s4+$0xFFFFFE90];
	[tilespmem:s0+$0x0] =	vst v15  }
0x74: {  	v15 =	vld [tilespmem:s4+$0xFFFFFF10];
	[tilespmem:s0+$0x81] =	vst v16  }
0x75: {  	v16 =	vld [tilespmem:s4+$0xFFFFFF90];
	[tilespmem:s0+$0x193] =	vst v12  }
0x76: {  	[tilespmem:s0+$0x102] =	vst v13;
	v12 =	vld [tilespmem:s4+$0x1A0]  }
0x77: {  	[tilespmem:s0+$0xFFFFFDFC] =	vst v17;
	v13 =	vld [tilespmem:s4+$0x10]  }
0x78: {  	v17 =	vld [tilespmem:s4+$0xFFFFFE10];
	[tilespmem:s0+$0xFFFFFE8D] =	vst v14  }
0x79: {  	[tilespmem:s0+$0xFFFFFF0E] =	vst v15;
	v14 =	vld [tilespmem:s4+$0x90]  }
0x7a: {  	[tilespmem:s0+$0xFFFFFF8F] =	vst v16;
	v15 =	vld [tilespmem:s4+$0x110]  }
0x7b: {  	v16 =	vld [tilespmem:s4+$0xFFFFFEA0];
	[tilespmem:s0+$0x1A3] =	vst v12  }
0x7c: {  	[tilespmem:s0+$0x10] =	vst v13;
	v12 =	vld [tilespmem:s4+$0x1B0]  }
0x7d: {  	[tilespmem:s0+$0xFFFFFE0C] =	vst v17;
	v13 =	vld [tilespmem:s4+$0xFFFFFF20]  }
0x7e: {  	v17 =	vld [tilespmem:s4+$0xFFFFFE20];
	[tilespmem:s0+$0x91] =	vst v14  }
0x7f: {  	v14 =	vld [tilespmem:s4+$0xFFFFFFA0];
	[tilespmem:s0+$0x112] =	vst v15  }
0x80: {  	[tilespmem:s0+$0xFFFFFE9D] =	vst v16;
	v15 =	vld [tilespmem:s4+$0x20]  }
0x81: {  	v16 =	vld [tilespmem:s4+$0xA0];
	[tilespmem:s0+$0x1B3] =	vst v12  }
0x82: {  	[tilespmem:s0+$0xFFFFFF1E] =	vst v13;
	v12 =	vld [tilespmem:s4+$0x1C0]  }
0x83: {  	[tilespmem:s0+$0xFFFFFE1C] =	vst v17;
	v13 =	vld [tilespmem:s4+$0x120]  }
0x84: {  	v17 =	vld [tilespmem:s4+$0xFFFFFE30];
	[tilespmem:s0+$0xFFFFFF9F] =	vst v14  }
0x85: {  	v14 =	vld [tilespmem:s4+$0xFFFFFEB0];
	[tilespmem:s0+$0x20] =	vst v15  }
0x86: {  	v15 =	vld [tilespmem:s4+$0xFFFFFF30];
	[tilespmem:s0+$0xA1] =	vst v16  }
0x87: {  	v16 =	vld [tilespmem:s4+$0xFFFFFFB0];
	[tilespmem:s0+$0x1C3] =	vst v12  }
0x88: {  	[tilespmem:s0+$0x122] =	vst v13;
	v12 =	vld [tilespmem:s4+$0x1D0]  }
0x89: {  	[tilespmem:s0+$0xFFFFFE2C] =	vst v17;
	v13 =	vld [tilespmem:s4+$0x30]  }
0x8a: {  	[tilespmem:s0+$0xFFFFFEAD] =	vst v14;
	v14 =	vld [tilespmem:s4+$0xB0]  }
0x8b: {  	[tilespmem:s0+$0xFFFFFF2E] =	vst v15;
	v15 =	vld [tilespmem:s4+$0x130]  }
0x8c: {  	v17 =	vld [tilespmem:s4+$0xFFFFFE40];
	[tilespmem:s0+$0xFFFFFFAF] =	vst v16  }
0x8d: {  	v16 =	vld [tilespmem:s4+$0xFFFFFEC0];
	[tilespmem:s0+$0x1D3] =	vst v12  }
0x8e: {  	[tilespmem:s0+$0x30] =	vst v13;
	v12 =	vld [tilespmem:s4+$0x1E0]  }
0x8f: {  	v13 =	vld [tilespmem:s4+$0xFFFFFF40];
	[tilespmem:s0+$0xB1] =	vst v14  }
0x90: {  	v14 =	vld [tilespmem:s4+$0xFFFFFFC0];
	[tilespmem:s0+$0x132] =	vst v15  }
0x91: {  	[tilespmem:s0+$0xFFFFFE3C] =	vst v17;
	v15 =	vld [tilespmem:s4+$0x40]  }
0x92: {  	[tilespmem:s0+$0xFFFFFEBD] =	vst v16;
	v16 =	vld [tilespmem:s4+$0xC0]  }
0x93: {  	v17 =	vld [tilespmem:s4+$0x140];
	[tilespmem:s0+$0x1E3] =	vst v12  }
0x94: {  	[tilespmem:s0+$0xFFFFFF3E] =	vst v13;
	v12 =	vld [tilespmem:s4+$0x1F0]  }
0x95: {  	v13 =	vld [tilespmem:s4+$0xFFFFFE50];
	[tilespmem:s0+$0xFFFFFFBF] =	vst v14  }
0x96: {  	v14 =	vld [tilespmem:s4+$0xFFFFFED0];
	[tilespmem:s0+$0x40] =	vst v15  }
0x97: {  	v15 =	vld [tilespmem:s4+$0xFFFFFF50];
	[tilespmem:s0+$0xC1] =	vst v16  }
0x98: {  	v16 =	vld [tilespmem:s4+$0xFFFFFFD0];
	[tilespmem:s0+$0x142] =	vst v17  }
0x99: {  	v17 =	vld [tilespmem:s4+$0x50];
	[tilespmem:s0+$0x1F3] =	vst v12  }
0x9a: {  	[tilespmem:s0+$0xFFFFFE4C] =	vst v13;
	v12 =	vld [tilespmem:s4+$0xD0]  }
0x9b: {  	[tilespmem:s0+$0xFFFFFECD] =	vst v14;
	v13 =	vld [tilespmem:s4+$0x150]  }
0x9c: {  	v14 =	vld [tilespmem:s4+$0xFFFFFE60];
	[tilespmem:s0+$0xFFFFFF4E] =	vst v15  }
0x9d: {  	v15 =	vld [tilespmem:s4+$0xFFFFFEE0];
	[tilespmem:s0+$0xFFFFFFCF] =	vst v16  }
0x9e: {  	v16 =	vld [tilespmem:s4+$0xFFFFFF60];
	[tilespmem:s0+$0x50] =	vst v17  }
0x9f: {  	v17 =	vld [tilespmem:s4+$0xFFFFFFE0];
	[tilespmem:s0+$0xD1] =	vst v12  }
0xa0: {  	v18 =	vld [tilespmem:s4+$0x60];
	[tilespmem:s0+$0x152] =	vst v13  }
0xa1: {  	[tilespmem:s0+$0xFFFFFE5C] =	vst v14;
	v14 =	vld [tilespmem:s4+$0xE0]  }
0xa2: {  	[tilespmem:s0+$0xFFFFFEDD] =	vst v15;
	v15 =	vld [tilespmem:s4+$0x160]  }
0xa3: {  	v19 =	vld [tilespmem:s4+$0xFFFFFE70];
	[tilespmem:s0+$0xFFFFFF5E] =	vst v16  }
0xa4: {  	v16 =	vld [tilespmem:s4+$0xFFFFFEF0];
	[tilespmem:s0+$0xFFFFFFDF] =	vst v17  }
.Ltmp0:
0xa5: {  	v12 =	vld [tilespmem:s4+$0xFFFFFF70];
	[tilespmem:s0+$0x60] =	vst v18;
	(pc) =	sbr.rel @p0 .LBB2_2-.Ltmp0, $4  }
0xa6: {  	v13 =	vld [tilespmem:s4+$0xFFFFFFF0];
	[tilespmem:s0+$0xE1] =	vst v14  }
0xa7: {  	v14 =	vld [tilespmem:s4+$0x70];
	[tilespmem:s0+$0x162] =	vst v15  }
0xa8: {  	[tilespmem:s0+$0xFFFFFE6C] =	vst v19;
	v15 =	vld [tilespmem:s4+$0xF0]  }
0xa9: {  	[tilespmem:s0+$0xFFFFFEED] =	vst v16;
	v16 =	vld [tilespmem:s4+$0x170];
	s4 =	sadd.s32 $0x400, s4  }
0xaa: {  	[tilespmem:s0+$0xFFFFFF6E] =	vst v12  }
0xab: {  	[tilespmem:s0+$0xFFFFFFEF] =	vst v13  }
0xac: {  	[tilespmem:s0+$0x70] =	vst v14  }
0xad: {  	[tilespmem:s0+$0xF1] =	vst v15  }
0xae: {  	[tilespmem:s0+$0x172] =	vst v16  }
0xaf: {  	_ =	swait.ge [sflag:s9], $0x2000  }
0xb0: {  	s6 =	simm.s32 $0x2200;
	[sflag:s9] =	ssyncset.done $0x0  }
0xb1: {  	s0 =	simm.s32 $0x0;
	s1 =	rddreg [dreg:$0x7];
	[sflag:s9] =	ssyncadd.s32 $0xFFFFE000  }
0xb2: {  	[tilespmem:s0], [sflag:$0x1] =	stream.linear.gather [hbm4b:s1+s0], $0x2000, $0x38;
	[tilespmem:$0x1C300] =	vst v63  }
0xb3: {  	v12 =	vld [tilespmem:s6+$0x180]  }
0xb4: {  	v13 =	vld [tilespmem:s6+$0xFFFFFE00]  }
0xb5: {  	v14 =	vld [tilespmem:s6+$0xFFFFFE80]  }
0xb6: {  	v15 =	vld [tilespmem:s6+$0xFFFFFF00]  }
0xb7: {  	s1 =	simm.s32 $0x6437;
	v16 =	vld [tilespmem:s6+$0xFFFFFF80]  }
0xb8: {  	v17 =	vld [tilespmem:s6+$0x0];
	[tilespmem:s1+$0xFFFFFF90] =	vst v12  }
0xb9: {  	[tilespmem:s1+$0xFFFFFC09] =	vst v13;
	v13 =	vld [tilespmem:s6+$0x80]  }
0xba: {  	[tilespmem:s1+$0xFFFFFC8A] =	vst v14;
	v14 =	vld [tilespmem:s6+$0x100]  }
0xbb: {  	[tilespmem:s1+$0xFFFFFD0B] =	vst v15;
	v12 =	vld [tilespmem:s6+$0x190]  }
0xbc: {  	[tilespmem:s1+$0xFFFFFD8C] =	vst v16;
	v15 =	vld [tilespmem:s6+$0xFFFFFE10]  }
0xbd: {  	[tilespmem:s1+$0xFFFFFE0D] =	vst v17;
	v16 =	vld [tilespmem:s6+$0xFFFFFE90]  }
0xbe: {  	v17 =	vld [tilespmem:s6+$0xFFFFFF10];
	[tilespmem:s1+$0xFFFFFE8E] =	vst v13  }
0xbf: {  	v13 =	vld [tilespmem:s6+$0xFFFFFF90];
	[tilespmem:s1+$0xFFFFFF0F] =	vst v14  }
0xc0: {  	v14 =	vld [tilespmem:s6+$0x10];
	[tilespmem:s1+$0xFFFFFFA0] =	vst v12  }
0xc1: {  	[tilespmem:s1+$0xFFFFFC19] =	vst v15;
	v15 =	vld [tilespmem:s6+$0x90]  }
0xc2: {  	[tilespmem:s1+$0xFFFFFC9A] =	vst v16;
	v16 =	vld [tilespmem:s6+$0x110]  }
0xc3: {  	[tilespmem:s1+$0xFFFFFD1B] =	vst v17;
	v12 =	vld [tilespmem:s6+$0x1A0]  }
0xc4: {  	v17 =	vld [tilespmem:s6+$0xFFFFFE20];
	[tilespmem:s1+$0xFFFFFD9C] =	vst v13  }
0xc5: {  	v13 =	vld [tilespmem:s6+$0xFFFFFEA0];
	[tilespmem:s1+$0xFFFFFE1D] =	vst v14  }
0xc6: {  	v14 =	vld [tilespmem:s6+$0xFFFFFF20];
	[tilespmem:s1+$0xFFFFFE9E] =	vst v15  }
0xc7: {  	v15 =	vld [tilespmem:s6+$0xFFFFFFA0];
	[tilespmem:s1+$0xFFFFFF1F] =	vst v16  }
0xc8: {  	v16 =	vld [tilespmem:s6+$0x20];
	[tilespmem:s1+$0xFFFFFFB0] =	vst v12  }
0xc9: {  	[tilespmem:s1+$0xFFFFFC29] =	vst v17;
	v12 =	vld [tilespmem:s6+$0x1B0]  }
0xca: {  	v17 =	vld [tilespmem:s6+$0xA0];
	[tilespmem:s1+$0xFFFFFCAA] =	vst v13  }
0xcb: {  	[tilespmem:s1+$0xFFFFFD2B] =	vst v14;
	v13 =	vld [tilespmem:s6+$0x120]  }
0xcc: {  	v14 =	vld [tilespmem:s6+$0xFFFFFE30];
	[tilespmem:s1+$0xFFFFFDAC] =	vst v15  }
0xcd: {  	v15 =	vld [tilespmem:s6+$0xFFFFFEB0];
	[tilespmem:s1+$0xFFFFFE2D] =	vst v16  }
0xce: {  	v16 =	vld [tilespmem:s6+$0xFFFFFF30];
	[tilespmem:s1+$0xFFFFFFC0] =	vst v12  }
0xcf: {  	[tilespmem:s1+$0xFFFFFEAE] =	vst v17;
	v12 =	vld [tilespmem:s6+$0x1C0]  }
0xd0: {  	v17 =	vld [tilespmem:s6+$0xFFFFFFB0];
	[tilespmem:s1+$0xFFFFFF2F] =	vst v13  }
0xd1: {  	[tilespmem:s1+$0xFFFFFC39] =	vst v14;
	v13 =	vld [tilespmem:s6+$0x30]  }
0xd2: {  	v14 =	vld [tilespmem:s6+$0xB0];
	[tilespmem:s1+$0xFFFFFCBA] =	vst v15  }
0xd3: {  	[tilespmem:s1+$0xFFFFFD3B] =	vst v16;
	v15 =	vld [tilespmem:s6+$0x130]  }
0xd4: {  	v16 =	vld [tilespmem:s6+$0xFFFFFE40];
	[tilespmem:s1+$0xFFFFFFD0] =	vst v12  }
0xd5: {  	[tilespmem:s1+$0xFFFFFDBC] =	vst v17;
	v12 =	vld [tilespmem:s6+$0x1D0]  }
0xd6: {  	v17 =	vld [tilespmem:s6+$0xFFFFFEC0];
	[tilespmem:s1+$0xFFFFFE3D] =	vst v13  }
0xd7: {  	s2 =	sand.u32 $0x3FFFFF80, s0;
	v13 =	vld [tilespmem:s6+$0xFFFFFF40];
	[tilespmem:s1+$0xFFFFFEBE] =	vst v14  }
0xd8: {  	s2 =	sadd.s32 $0x6080, s2;
	v14 =	vld [tilespmem:s6+$0xFFFFFFC0];
	[tilespmem:s1+$0xFFFFFF3F] =	vst v15  }
0xd9: {  	[tilespmem:s2+$0x0] =	vst v16;
	v15 =	vld [tilespmem:s6+$0x40]  }
0xda: {  	v16 =	vld [tilespmem:s6+$0xC0];
	[tilespmem:s1+$0xFFFFFFE0] =	vst v12  }
0xdb: {  	[tilespmem:s1+$0xFFFFFCCA] =	vst v17;
	v12 =	vld [tilespmem:s6+$0x1E0]  }
0xdc: {  	v17 =	vld [tilespmem:s6+$0x140];
	[tilespmem:s1+$0xFFFFFD4B] =	vst v13  }
0xdd: {  	v13 =	vld [tilespmem:s6+$0xFFFFFE50];
	[tilespmem:s1+$0xFFFFFDCC] =	vst v14  }
0xde: {  	v14 =	vld [tilespmem:s6+$0xFFFFFED0];
	[tilespmem:s1+$0xFFFFFE4D] =	vst v15  }
0xdf: {  	v15 =	vld [tilespmem:s6+$0xFFFFFF50];
	[tilespmem:s1+$0xFFFFFECE] =	vst v16  }
0xe0: {  	v16 =	vld [tilespmem:s6+$0xFFFFFFD0];
	[tilespmem:s1+$0xFFFFFFF0] =	vst v12  }
0xe1: {  	[tilespmem:s1+$0xFFFFFF4F] =	vst v17;
	v12 =	vld [tilespmem:s6+$0x1F0]  }
0xe2: {  	v17 =	vld [tilespmem:s6+$0x50];
	[tilespmem:s1+$0xFFFFFC59] =	vst v13  }
0xe3: {  	[tilespmem:s1+$0xFFFFFCDA] =	vst v14;
	v13 =	vld [tilespmem:s6+$0x150]  }
0xe4: {  	[tilespmem:s1+$0xFFFFFD5B] =	vst v15;
	v15 =	vld [tilespmem:s6+$0xFFFFFEE0]  }
0xe5: {  	[tilespmem:s1+$0xFFFFFDDC] =	vst v16;
	v16 =	vld [tilespmem:s6+$0xFFFFFF60]  }
0xe6: {  	[tilespmem:s1+$0x0] =	vst v12;
	v12 =	vld [tilespmem:s6+$0xD0]  }
0xe7: {  	v14 =	vld [tilespmem:s6+$0xFFFFFE60];
	[tilespmem:s1+$0xFFFFFE5D] =	vst v17  }
0xe8: {  	v17 =	vld [tilespmem:s6+$0xFFFFFFE0];
	[tilespmem:s1+$0xFFFFFF5F] =	vst v13  }
0xe9: {  	v18 =	vld [tilespmem:s6+$0x60];
	[tilespmem:s1+$0xFFFFFCEA] =	vst v15  }
0xea: {  	v15 =	vld [tilespmem:s6+$0x160];
	[tilespmem:s1+$0xFFFFFD6B] =	vst v16  }
0xeb: {  	v16 =	vld [tilespmem:s6+$0xFFFFFEF0];
	[tilespmem:s1+$0xFFFFFEDE] =	vst v12  }
0xec: {  	[tilespmem:s1+$0xFFFFFC69] =	vst v14;
	v14 =	vld [tilespmem:s6+$0xE0]  }
0xed: {  	v19 =	vld [tilespmem:s6+$0xFFFFFE70];
	[tilespmem:s1+$0xFFFFFDEC] =	vst v17  }
0xee: {  	[tilespmem:s1+$0xFFFFFE6D] =	vst v18;
	v13 =	vld [tilespmem:s6+$0xFFFFFFF0]  }
0xef: {  	[tilespmem:s1+$0xFFFFFF6F] =	vst v15;
	v12 =	vld [tilespmem:s6+$0xFFFFFF70]  }
0xf0: {  	[tilespmem:s1+$0xFFFFFCFA] =	vst v16;
	v16 =	vld [tilespmem:s6+$0x170]  }
0xf1: {  	[tilespmem:s1+$0xFFFFFEEE] =	vst v14;
	v14 =	vld [tilespmem:s6+$0x70]  }
0xf2: {  	[tilespmem:s1+$0xFFFFFC79] =	vst v19;
	v15 =	vld [tilespmem:s6+$0xF0]  }
0xf3: {  	s4 =	simm.s32 $0x6080;
	s5 =	simm.s32 $0x0;
	s6 =	simm.s32 $0x2600;
	v2 =	vld [tilespmem:$0x1FFB0]  }
.LBB2_4:
0xf4: {  	v17 =	vld [tilespmem:s6+$0x180];
	s5 =	sadd.s32 $0x8, s5;
	[tilespmem:s1+$0xFFFFFD7B] =	vst v12  }
0xf5: {  	v12 =	vld [tilespmem:s6+$0xFFFFFE00];
	p0 =	slt.u32 s5, $0x38;
	[tilespmem:s1+$0xFFFFFDFC] =	vst v13  }
0xf6: {  	v13 =	vld [tilespmem:s6+$0xFFFFFE80];
	[tilespmem:s1+$0xFFFFFE7D] =	vst v14  }
0xf7: {  	v14 =	vld [tilespmem:s6+$0xFFFFFF00];
	[tilespmem:s1+$0xFFFFFEFE] =	vst v15  }
0xf8: {  	v15 =	vld [tilespmem:s6+$0xFFFFFF80];
	[tilespmem:s1+$0xFFFFFF7F] =	vst v16;
	s1 =	sadd.s32 $0x408, s1  }
0xf9: {  	v16 =	vld [tilespmem:s6+$0x0];
	[tilespmem:s1+$0xFFFFFF90] =	vst v17  }
0xfa: {  	[tilespmem:s1+$0xFFFFFC09] =	vst v12;
	v12 =	vld [tilespmem:s6+$0x190]  }
0xfb: {  	[tilespmem:s1+$0xFFFFFC8A] =	vst v13;
	v13 =	vld [tilespmem:s6+$0x80]  }
0xfc: {  	[tilespmem:s1+$0xFFFFFD0B] =	vst v14;
	v14 =	vld [tilespmem:s6+$0x100]  }
0xfd: {  	v17 =	vld [tilespmem:s6+$0xFFFFFE10];
	[tilespmem:s1+$0xFFFFFD8C] =	vst v15  }
0xfe: {  	v15 =	vld [tilespmem:s6+$0xFFFFFE90];
	[tilespmem:s1+$0xFFFFFE0D] =	vst v16  }
0xff: {  	v16 =	vld [tilespmem:s6+$0xFFFFFF10];
	[tilespmem:s1+$0xFFFFFFA0] =	vst v12  }
0x100: {  	[tilespmem:s1+$0xFFFFFE8E] =	vst v13;
	v12 =	vld [tilespmem:s6+$0x1A0]  }
0x101: {  	v13 =	vld [tilespmem:s6+$0xFFFFFF90];
	[tilespmem:s1+$0xFFFFFF0F] =	vst v14  }
0x102: {  	[tilespmem:s1+$0xFFFFFC19] =	vst v17;
	v14 =	vld [tilespmem:s6+$0x10]  }
0x103: {  	[tilespmem:s1+$0xFFFFFC9A] =	vst v15;
	v15 =	vld [tilespmem:s6+$0x90]  }
0x104: {  	[tilespmem:s1+$0xFFFFFD1B] =	vst v16;
	v16 =	vld [tilespmem:s6+$0x110]  }
0x105: {  	v17 =	vld [tilespmem:s6+$0xFFFFFE20];
	[tilespmem:s1+$0xFFFFFFB0] =	vst v12  }
0x106: {  	[tilespmem:s1+$0xFFFFFD9C] =	vst v13;
	v12 =	vld [tilespmem:s6+$0x1B0]  }
0x107: {  	v13 =	vld [tilespmem:s6+$0xFFFFFEA0];
	[tilespmem:s1+$0xFFFFFE1D] =	vst v14  }
0x108: {  	v14 =	vld [tilespmem:s6+$0xFFFFFF20];
	[tilespmem:s1+$0xFFFFFE9E] =	vst v15  }
0x109: {  	v15 =	vld [tilespmem:s6+$0xFFFFFFA0];
	[tilespmem:s1+$0xFFFFFF1F] =	vst v16  }
0x10a: {  	[tilespmem:s1+$0xFFFFFC29] =	vst v17;
	v16 =	vld [tilespmem:s6+$0x20]  }
0x10b: {  	v17 =	vld [tilespmem:s6+$0xA0];
	[tilespmem:s1+$0xFFFFFFC0] =	vst v12  }
0x10c: {  	[tilespmem:s1+$0xFFFFFCAA] =	vst v13;
	v12 =	vld [tilespmem:s6+$0x1C0]  }
0x10d: {  	[tilespmem:s1+$0xFFFFFD2B] =	vst v14;
	v13 =	vld [tilespmem:s6+$0x120]  }
0x10e: {  	v14 =	vld [tilespmem:s6+$0xFFFFFE30];
	[tilespmem:s1+$0xFFFFFDAC] =	vst v15  }
0x10f: {  	v15 =	vld [tilespmem:s6+$0xFFFFFEB0];
	[tilespmem:s1+$0xFFFFFE2D] =	vst v16  }
0x110: {  	v16 =	vld [tilespmem:s6+$0xFFFFFF30];
	[tilespmem:s1+$0xFFFFFEAE] =	vst v17  }
0x111: {  	v17 =	vld [tilespmem:s6+$0xFFFFFFB0];
	[tilespmem:s1+$0xFFFFFFD0] =	vst v12  }
0x112: {  	[tilespmem:s1+$0xFFFFFF2F] =	vst v13;
	v12 =	vld [tilespmem:s6+$0x1D0]  }
0x113: {  	[tilespmem:s1+$0xFFFFFC39] =	vst v14;
	v13 =	vld [tilespmem:s6+$0x30]  }
0x114: {  	[tilespmem:s1+$0xFFFFFCBA] =	vst v15;
	v14 =	vld [tilespmem:s6+$0xB0]  }
0x115: {  	[tilespmem:s1+$0xFFFFFD3B] =	vst v16;
	v15 =	vld [tilespmem:s6+$0x130]  }
0x116: {  	v16 =	vld [tilespmem:s6+$0xFFFFFE40];
	[tilespmem:s1+$0xFFFFFDBC] =	vst v17  }
0x117: {  	v17 =	vld [tilespmem:s6+$0xFFFFFEC0];
	[tilespmem:s1+$0xFFFFFFE0] =	vst v12  }
0x118: {  	s0 =	sadd.s32 $0x408, s0;
	[tilespmem:s1+$0xFFFFFE3D] =	vst v13;
	v12 =	vld [tilespmem:s6+$0x1E0]  }
0x119: {  	s4 =	sadd.s32 $0x8, s4;
	s2 =	sand.u32 $0x3FFFFF80, s0;
	v13 =	vld [tilespmem:s6+$0xFFFFFF40];
	[tilespmem:s1+$0xFFFFFEBE] =	vst v14  }
0x11a: {  	s2 =	sadd.s32 s2, s4;
	v14 =	vld [tilespmem:s6+$0xFFFFFFC0];
	[tilespmem:s1+$0xFFFFFF3F] =	vst v15  }
0x11b: {  	[tilespmem:s2+$0x0] =	vst v16;
	v15 =	vld [tilespmem:s6+$0x40]  }
0x11c: {  	[tilespmem:s1+$0xFFFFFCCA] =	vst v17;
	v16 =	vld [tilespmem:s6+$0xC0]  }
0x11d: {  	v17 =	vld [tilespmem:s6+$0x140];
	[tilespmem:s1+$0xFFFFFFF0] =	vst v12  }
0x11e: {  	[tilespmem:s1+$0xFFFFFD4B] =	vst v13;
	v12 =	vld [tilespmem:s6+$0x1F0]  }
0x11f: {  	v13 =	vld [tilespmem:s6+$0xFFFFFE50];
	[tilespmem:s1+$0xFFFFFDCC] =	vst v14  }
0x120: {  	v14 =	vld [tilespmem:s6+$0xFFFFFED0];
	[tilespmem:s1+$0xFFFFFE4D] =	vst v15  }
0x121: {  	v15 =	vld [tilespmem:s6+$0xFFFFFF50];
	[tilespmem:s1+$0xFFFFFECE] =	vst v16  }
0x122: {  	v16 =	vld [tilespmem:s6+$0xFFFFFFD0];
	[tilespmem:s1+$0xFFFFFF4F] =	vst v17  }
0x123: {  	v17 =	vld [tilespmem:s6+$0x50];
	[tilespmem:s1+$0x0] =	vst v12  }
0x124: {  	[tilespmem:s1+$0xFFFFFC59] =	vst v13;
	v12 =	vld [tilespmem:s6+$0xD0]  }
0x125: {  	[tilespmem:s1+$0xFFFFFCDA] =	vst v14;
	v13 =	vld [tilespmem:s6+$0x150]  }
0x126: {  	v14 =	vld [tilespmem:s6+$0xFFFFFE60];
	[tilespmem:s1+$0xFFFFFD5B] =	vst v15  }
0x127: {  	v15 =	vld [tilespmem:s6+$0xFFFFFEE0];
	[tilespmem:s1+$0xFFFFFDDC] =	vst v16  }
0x128: {  	v16 =	vld [tilespmem:s6+$0xFFFFFF60];
	[tilespmem:s1+$0xFFFFFE5D] =	vst v17  }
0x129: {  	v17 =	vld [tilespmem:s6+$0xFFFFFFE0];
	[tilespmem:s1+$0xFFFFFEDE] =	vst v12  }
0x12a: {  	v18 =	vld [tilespmem:s6+$0x60];
	[tilespmem:s1+$0xFFFFFF5F] =	vst v13  }
0x12b: {  	[tilespmem:s1+$0xFFFFFC69] =	vst v14;
	v14 =	vld [tilespmem:s6+$0xE0]  }
0x12c: {  	[tilespmem:s1+$0xFFFFFCEA] =	vst v15;
	v15 =	vld [tilespmem:s6+$0x160]  }
0x12d: {  	v19 =	vld [tilespmem:s6+$0xFFFFFE70];
	[tilespmem:s1+$0xFFFFFD6B] =	vst v16  }
0x12e: {  	v16 =	vld [tilespmem:s6+$0xFFFFFEF0];
	[tilespmem:s1+$0xFFFFFDEC] =	vst v17  }
.Ltmp1:
0x12f: {  	v12 =	vld [tilespmem:s6+$0xFFFFFF70];
	[tilespmem:s1+$0xFFFFFE6D] =	vst v18;
	(pc) =	sbr.rel @p0 .LBB2_4-.Ltmp1, $4  }
0x130: {  	v13 =	vld [tilespmem:s6+$0xFFFFFFF0];
	[tilespmem:s1+$0xFFFFFEEE] =	vst v14  }
0x131: {  	v14 =	vld [tilespmem:s6+$0x70];
	[tilespmem:s1+$0xFFFFFF6F] =	vst v15  }
0x132: {  	[tilespmem:s1+$0xFFFFFC79] =	vst v19;
	v15 =	vld [tilespmem:s6+$0xF0]  }
0x133: {  	[tilespmem:s1+$0xFFFFFCFA] =	vst v16;
	v16 =	vld [tilespmem:s6+$0x170];
	s6 =	sadd.s32 $0x400, s6  }
0x134: {  	[tilespmem:s1+$0xFFFFFD7B] =	vst v12  }
0x135: {  	[tilespmem:s1+$0xFFFFFDFC] =	vst v13  }
0x136: {  	[tilespmem:s1+$0xFFFFFE7D] =	vst v14  }
0x137: {  	[tilespmem:s1+$0xFFFFFEFE] =	vst v15  }
0x138: {  	[tilespmem:s1+$0xFFFFFF7F] =	vst v16  }
0x139: {  	_ =	swait.ge [sflag:s3], $0x2000  }
0x13a: {  	s0 =	simm.s32 $0x0;
	[sflag:s3] =	ssyncset.done $0x0  }
0x13b: {  	s6 =	simm.s32 $0x200;
	s30 =	rddreg [dreg:$0x8];
	[sflag:s3] =	ssyncadd.s32 $0xFFFFE000  }
0x13c: {  	[tilespmem:s8], [sflag:$0x2] =	stream.linear.gather [hbm4b:s30+s0], $0x2000, $0x38;
	[tilespmem:$0x1C300] =	vst v63  }
0x13d: {  	v12 =	vld [tilespmem:s6+$0x180]  }
0x13e: {  	v13 =	vld [tilespmem:s6+$0xFFFFFE00]  }
0x13f: {  	s31 =	simm.s32 $0x0;
	v14 =	vld [tilespmem:s6+$0xFFFFFE80]  }
0x140: {  	s1 =	sand.u32 $0xFFFFFE00, s31;
	v15 =	vld [tilespmem:s6+$0xFFFFFF00]  }
0x141: {  	s2 =	sadd.s32 $0x10200, s1;
	s1 =	simm.s32 $0x0;
	v16 =	vld [tilespmem:s6+$0xFFFFFF80]  }
0x142: {  	s2 =	sshra.s32 s2, $0x2;
	v17 =	vld [tilespmem:s6+$0x0];
	[tilespmem:s1+$0x8407] =	vst v12  }
0x143: {  	[tilespmem:s2+$0x4000] =	vst v13;
	v13 =	vld [tilespmem:s6+$0x80]  }
0x144: {  	[tilespmem:s1+$0x8101] =	vst v14;
	v14 =	vld [tilespmem:s6+$0x100]  }
0x145: {  	[tilespmem:s1+$0x8182] =	vst v15;
	v12 =	vld [tilespmem:s6+$0x190]  }
0x146: {  	[tilespmem:s1+$0x8203] =	vst v16;
	v15 =	vld [tilespmem:s6+$0xFFFFFE10]  }
0x147: {  	[tilespmem:s1+$0x8284] =	vst v17;
	v16 =	vld [tilespmem:s6+$0xFFFFFE90]  }
0x148: {  	v17 =	vld [tilespmem:s6+$0xFFFFFF10];
	[tilespmem:s1+$0x8305] =	vst v13  }
0x149: {  	v13 =	vld [tilespmem:s6+$0xFFFFFF90];
	[tilespmem:s1+$0x8386] =	vst v14  }
0x14a: {  	v14 =	vld [tilespmem:s6+$0x10];
	[tilespmem:s1+$0x8417] =	vst v12  }
0x14b: {  	[tilespmem:s1+$0x8090] =	vst v15;
	v15 =	vld [tilespmem:s6+$0x90]  }
0x14c: {  	[tilespmem:s1+$0x8111] =	vst v16;
	v12 =	vld [tilespmem:s6+$0x1A0]  }
0x14d: {  	[tilespmem:s1+$0x8192] =	vst v17;
	v16 =	vld [tilespmem:s6+$0x110]  }
0x14e: {  	v17 =	vld [tilespmem:s6+$0xFFFFFE20];
	[tilespmem:s1+$0x8213] =	vst v13  }
0x14f: {  	v13 =	vld [tilespmem:s6+$0xFFFFFEA0];
	[tilespmem:s1+$0x8294] =	vst v14  }
0x150: {  	v14 =	vld [tilespmem:s6+$0xFFFFFF20];
	[tilespmem:s1+$0x8315] =	vst v15  }
0x151: {  	v15 =	vld [tilespmem:s6+$0xFFFFFFA0];
	[tilespmem:s1+$0x8427] =	vst v12  }
0x152: {  	[tilespmem:s1+$0x8396] =	vst v16;
	v12 =	vld [tilespmem:s6+$0x1B0]  }
0x153: {  	v16 =	vld [tilespmem:s6+$0x20];
	[tilespmem:s1+$0x80A0] =	vst v17  }
0x154: {  	v17 =	vld [tilespmem:s6+$0xA0];
	[tilespmem:s1+$0x8121] =	vst v13  }
0x155: {  	[tilespmem:s1+$0x81A2] =	vst v14;
	v13 =	vld [tilespmem:s6+$0x120]  }
0x156: {  	v14 =	vld [tilespmem:s6+$0xFFFFFE30];
	[tilespmem:s1+$0x8223] =	vst v15  }
0x157: {  	v15 =	vld [tilespmem:s6+$0xFFFFFEB0];
	[tilespmem:s1+$0x8437] =	vst v12  }
0x158: {  	[tilespmem:s1+$0x82A4] =	vst v16;
	v12 =	vld [tilespmem:s6+$0x1C0]  }
0x159: {  	v16 =	vld [tilespmem:s6+$0xFFFFFF30];
	[tilespmem:s1+$0x8325] =	vst v17  }
0x15a: {  	v17 =	vld [tilespmem:s6+$0xFFFFFFB0];
	[tilespmem:s1+$0x83A6] =	vst v13  }
0x15b: {  	[tilespmem:s1+$0x80B0] =	vst v14;
	v13 =	vld [tilespmem:s6+$0x30]  }
0x15c: {  	v14 =	vld [tilespmem:s6+$0xB0];
	[tilespmem:s1+$0x8131] =	vst v15  }
0x15d: {  	v15 =	vld [tilespmem:s6+$0x130];
	[tilespmem:s1+$0x8447] =	vst v12  }
0x15e: {  	[tilespmem:s1+$0x81B2] =	vst v16;
	v12 =	vld [tilespmem:s6+$0x1D0]  }
0x15f: {  	v16 =	vld [tilespmem:s6+$0xFFFFFE40];
	[tilespmem:s1+$0x8233] =	vst v17  }
0x160: {  	v17 =	vld [tilespmem:s6+$0xFFFFFEC0];
	[tilespmem:s1+$0x82B4] =	vst v13  }
0x161: {  	v13 =	vld [tilespmem:s6+$0xFFFFFF40];
	[tilespmem:s1+$0x8335] =	vst v14  }
0x162: {  	v14 =	vld [tilespmem:s6+$0xFFFFFFC0];
	[tilespmem:s1+$0x83B6] =	vst v15  }
0x163: {  	v15 =	vld [tilespmem:s6+$0x40];
	[tilespmem:s1+$0x8457] =	vst v12  }
0x164: {  	[tilespmem:s1+$0x80C0] =	vst v16;
	v12 =	vld [tilespmem:s6+$0x1E0]  }
0x165: {  	v16 =	vld [tilespmem:s6+$0xC0];
	[tilespmem:s1+$0x8141] =	vst v17  }
0x166: {  	v17 =	vld [tilespmem:s6+$0x140];
	[tilespmem:s1+$0x81C2] =	vst v13  }
0x167: {  	v13 =	vld [tilespmem:s6+$0xFFFFFE50];
	[tilespmem:s1+$0x8243] =	vst v14  }
0x168: {  	v14 =	vld [tilespmem:s6+$0xFFFFFED0];
	[tilespmem:s1+$0x82C4] =	vst v15  }
0x169: {  	v15 =	vld [tilespmem:s6+$0xFFFFFF50];
	[tilespmem:s1+$0x8467] =	vst v12  }
0x16a: {  	[tilespmem:s1+$0x8345] =	vst v16;
	v12 =	vld [tilespmem:s6+$0x1F0]  }
0x16b: {  	v16 =	vld [tilespmem:s6+$0xFFFFFFD0];
	[tilespmem:s1+$0x83C6] =	vst v17  }
0x16c: {  	v17 =	vld [tilespmem:s6+$0x50];
	[tilespmem:s1+$0x80D0] =	vst v13  }
0x16d: {  	[tilespmem:s1+$0x8151] =	vst v14;
	v13 =	vld [tilespmem:s6+$0x150]  }
0x16e: {  	[tilespmem:s1+$0x81D2] =	vst v15;
	v15 =	vld [tilespmem:s6+$0xFFFFFEE0]  }
0x16f: {  	[tilespmem:s1+$0x8477] =	vst v12;
	v12 =	vld [tilespmem:s6+$0xD0]  }
0x170: {  	v14 =	vld [tilespmem:s6+$0xFFFFFE60];
	[tilespmem:s1+$0x8253] =	vst v16  }
0x171: {  	v16 =	vld [tilespmem:s6+$0xFFFFFF60];
	[tilespmem:s1+$0x82D4] =	vst v17  }
0x172: {  	v17 =	vld [tilespmem:s6+$0xFFFFFFE0];
	[tilespmem:s1+$0x83D6] =	vst v13  }
0x173: {  	[tilespmem:s1+$0x8161] =	vst v15;
	v15 =	vld [tilespmem:s6+$0x160]  }
0x174: {  	[tilespmem:s1+$0x8355] =	vst v12;
	v12 =	vld [tilespmem:s6+$0x60]  }
0x175: {  	[tilespmem:s1+$0x80E0] =	vst v14;
	v18 =	vld [tilespmem:s6+$0xE0]  }
0x176: {  	v19 =	vld [tilespmem:s6+$0xFFFFFE70];
	[tilespmem:s1+$0x81E2] =	vst v16  }
0x177: {  	v20 =	vld [tilespmem:s6+$0xFFFFFEF0];
	[tilespmem:s1+$0x8263] =	vst v17  }
0x178: {  	v13 =	vld [tilespmem:s6+$0xFFFFFF70];
	[tilespmem:s1+$0x83E6] =	vst v15  }
0x179: {  	v14 =	vld [tilespmem:s6+$0xFFFFFFF0];
	[tilespmem:s1+$0x82E4] =	vst v12  }
0x17a: {  	[tilespmem:s1+$0x8365] =	vst v18;
	v12 =	vld [tilespmem:s6+$0x70]  }
0x17b: {  	s4 =	simm.s32 $0x10200;
	[tilespmem:s1+$0x80F0] =	vst v19;
	v16 =	vld [tilespmem:s6+$0xF0]  }
0x17c: {  	s5 =	simm.s32 $0x0;
	s7 =	simm.s32 $0x0;
	[tilespmem:s1+$0x8171] =	vst v20;
	v15 =	vld [tilespmem:s6+$0x170];
	s6 =	simm.s32 $0x600  }
.LBB2_6:
0x17d: {  	v17 =	vld [tilespmem:s6+$0x180];
	s5 =	sadd.s32 $0x8, s5;
	[tilespmem:s1+$0x81F2] =	vst v13  }
0x17e: {  	s0 =	sadd.s32 $0x408, s0;
	v13 =	vld [tilespmem:s6+$0xFFFFFE00];
	p0 =	slt.u32 s5, $0x38;
	[tilespmem:s1+$0x8273] =	vst v14  }
0x17f: {  	s2 =	sshll.u32 s0, $0x2;
	v14 =	vld [tilespmem:s6+$0xFFFFFE80];
	[tilespmem:s1+$0x82F4] =	vst v12  }
0x180: {  	s7 =	sadd.s32 $0x1020, s7;
	s4 =	sadd.s32 $0x20, s4;
	s2 =	sand.u32 $0xFFFFFE00, s2;
	v12 =	vld [tilespmem:s6+$0xFFFFFF00];
	[tilespmem:s1+$0x8375] =	vst v16  }
0x181: {  	s2 =	sadd.s32 s2, s4;
	v16 =	vld [tilespmem:s6+$0xFFFFFF80];
	[tilespmem:s1+$0x83F6] =	vst v15;
	s1 =	sshra.s32 s7, $0x2  }
0x182: {  	s2 =	sshra.s32 s2, $0x2;
	v15 =	vld [tilespmem:s6+$0x0];
	[tilespmem:s1+$0x8407] =	vst v17  }
0x183: {  	[tilespmem:s2+$0x4000] =	vst v13;
	v13 =	vld [tilespmem:s6+$0x190]  }
0x184: {  	[tilespmem:s1+$0x8101] =	vst v14;
	v14 =	vld [tilespmem:s6+$0x80]  }
0x185: {  	[tilespmem:s1+$0x8182] =	vst v12;
	v12 =	vld [tilespmem:s6+$0x100]  }
0x186: {  	v17 =	vld [tilespmem:s6+$0xFFFFFE10];
	[tilespmem:s1+$0x8203] =	vst v16  }
0x187: {  	v16 =	vld [tilespmem:s6+$0xFFFFFE90];
	[tilespmem:s1+$0x8284] =	vst v15  }
0x188: {  	v15 =	vld [tilespmem:s6+$0xFFFFFF10];
	[tilespmem:s1+$0x8417] =	vst v13  }
0x189: {  	[tilespmem:s1+$0x8305] =	vst v14;
	v13 =	vld [tilespmem:s6+$0x1A0]  }
0x18a: {  	v14 =	vld [tilespmem:s6+$0xFFFFFF90];
	[tilespmem:s1+$0x8386] =	vst v12  }
0x18b: {  	[tilespmem:s1+$0x8090] =	vst v17;
	v12 =	vld [tilespmem:s6+$0x10]  }
0x18c: {  	[tilespmem:s1+$0x8111] =	vst v16;
	v16 =	vld [tilespmem:s6+$0x90]  }
0x18d: {  	[tilespmem:s1+$0x8192] =	vst v15;
	v15 =	vld [tilespmem:s6+$0x110]  }
0x18e: {  	v17 =	vld [tilespmem:s6+$0xFFFFFE20];
	[tilespmem:s1+$0x8427] =	vst v13  }
0x18f: {  	[tilespmem:s1+$0x8213] =	vst v14;
	v13 =	vld [tilespmem:s6+$0x1B0]  }
0x190: {  	v14 =	vld [tilespmem:s6+$0xFFFFFEA0];
	[tilespmem:s1+$0x8294] =	vst v12  }
0x191: {  	v12 =	vld [tilespmem:s6+$0xFFFFFF20];
	[tilespmem:s1+$0x8315] =	vst v16  }
0x192: {  	v16 =	vld [tilespmem:s6+$0xFFFFFFA0];
	[tilespmem:s1+$0x8396] =	vst v15  }
0x193: {  	[tilespmem:s1+$0x80A0] =	vst v17;
	v15 =	vld [tilespmem:s6+$0x20]  }
0x194: {  	v17 =	vld [tilespmem:s6+$0xA0];
	[tilespmem:s1+$0x8437] =	vst v13  }
0x195: {  	[tilespmem:s1+$0x8121] =	vst v14;
	v13 =	vld [tilespmem:s6+$0x1C0]  }
0x196: {  	[tilespmem:s1+$0x81A2] =	vst v12;
	v12 =	vld [tilespmem:s6+$0x120]  }
0x197: {  	v14 =	vld [tilespmem:s6+$0xFFFFFE30];
	[tilespmem:s1+$0x8223] =	vst v16  }
0x198: {  	v16 =	vld [tilespmem:s6+$0xFFFFFEB0];
	[tilespmem:s1+$0x82A4] =	vst v15  }
0x199: {  	v15 =	vld [tilespmem:s6+$0xFFFFFF30];
	[tilespmem:s1+$0x8325] =	vst v17  }
0x19a: {  	v17 =	vld [tilespmem:s6+$0xFFFFFFB0];
	[tilespmem:s1+$0x8447] =	vst v13  }
0x19b: {  	[tilespmem:s1+$0x83A6] =	vst v12;
	v12 =	vld [tilespmem:s6+$0x1D0]  }
0x19c: {  	[tilespmem:s1+$0x80B0] =	vst v14;
	v13 =	vld [tilespmem:s6+$0x30]  }
0x19d: {  	[tilespmem:s1+$0x8131] =	vst v16;
	v14 =	vld [tilespmem:s6+$0xB0]  }
0x19e: {  	[tilespmem:s1+$0x81B2] =	vst v15;
	v15 =	vld [tilespmem:s6+$0x130]  }
0x19f: {  	v16 =	vld [tilespmem:s6+$0xFFFFFE40];
	[tilespmem:s1+$0x8233] =	vst v17  }
0x1a0: {  	v17 =	vld [tilespmem:s6+$0xFFFFFEC0];
	[tilespmem:s1+$0x8457] =	vst v12  }
0x1a1: {  	[tilespmem:s1+$0x82B4] =	vst v13;
	v12 =	vld [tilespmem:s6+$0x1E0]  }
0x1a2: {  	v13 =	vld [tilespmem:s6+$0xFFFFFF40];
	[tilespmem:s1+$0x8335] =	vst v14  }
0x1a3: {  	v14 =	vld [tilespmem:s6+$0xFFFFFFC0];
	[tilespmem:s1+$0x83B6] =	vst v15  }
0x1a4: {  	[tilespmem:s1+$0x80C0] =	vst v16;
	v15 =	vld [tilespmem:s6+$0x40]  }
0x1a5: {  	[tilespmem:s1+$0x8141] =	vst v17;
	v16 =	vld [tilespmem:s6+$0xC0]  }
0x1a6: {  	v17 =	vld [tilespmem:s6+$0x140];
	[tilespmem:s1+$0x8467] =	vst v12  }
0x1a7: {  	[tilespmem:s1+$0x81C2] =	vst v13;
	v12 =	vld [tilespmem:s6+$0x1F0]  }
0x1a8: {  	v13 =	vld [tilespmem:s6+$0xFFFFFE50];
	[tilespmem:s1+$0x8243] =	vst v14  }
0x1a9: {  	v14 =	vld [tilespmem:s6+$0xFFFFFED0];
	[tilespmem:s1+$0x82C4] =	vst v15  }
0x1aa: {  	v15 =	vld [tilespmem:s6+$0xFFFFFF50];
	[tilespmem:s1+$0x8345] =	vst v16  }
0x1ab: {  	v16 =	vld [tilespmem:s6+$0xFFFFFFD0];
	[tilespmem:s1+$0x83C6] =	vst v17  }
0x1ac: {  	v17 =	vld [tilespmem:s6+$0x50];
	[tilespmem:s1+$0x8477] =	vst v12  }
0x1ad: {  	[tilespmem:s1+$0x80D0] =	vst v13;
	v12 =	vld [tilespmem:s6+$0xD0]  }
0x1ae: {  	[tilespmem:s1+$0x8151] =	vst v14;
	v13 =	vld [tilespmem:s6+$0x150]  }
0x1af: {  	v14 =	vld [tilespmem:s6+$0xFFFFFE60];
	[tilespmem:s1+$0x81D2] =	vst v15  }
0x1b0: {  	v15 =	vld [tilespmem:s6+$0xFFFFFEE0];
	[tilespmem:s1+$0x8253] =	vst v16  }
0x1b1: {  	v16 =	vld [tilespmem:s6+$0xFFFFFF60];
	[tilespmem:s1+$0x82D4] =	vst v17  }
0x1b2: {  	v17 =	vld [tilespmem:s6+$0xFFFFFFE0];
	[tilespmem:s1+$0x8355] =	vst v12  }
0x1b3: {  	v12 =	vld [tilespmem:s6+$0x60];
	[tilespmem:s1+$0x83D6] =	vst v13  }
0x1b4: {  	[tilespmem:s1+$0x80E0] =	vst v14;
	v18 =	vld [tilespmem:s6+$0xE0]  }
0x1b5: {  	[tilespmem:s1+$0x8161] =	vst v15;
	v15 =	vld [tilespmem:s6+$0x160]  }
0x1b6: {  	v19 =	vld [tilespmem:s6+$0xFFFFFE70];
	[tilespmem:s1+$0x81E2] =	vst v16  }
0x1b7: {  	v20 =	vld [tilespmem:s6+$0xFFFFFEF0];
	[tilespmem:s1+$0x8263] =	vst v17  }
.Ltmp2:
0x1b8: {  	v13 =	vld [tilespmem:s6+$0xFFFFFF70];
	[tilespmem:s1+$0x82E4] =	vst v12;
	(pc) =	sbr.rel @p0 .LBB2_6-.Ltmp2, $4  }
0x1b9: {  	v14 =	vld [tilespmem:s6+$0xFFFFFFF0];
	[tilespmem:s1+$0x8365] =	vst v18  }
0x1ba: {  	v12 =	vld [tilespmem:s6+$0x70];
	[tilespmem:s1+$0x83E6] =	vst v15  }
0x1bb: {  	[tilespmem:s1+$0x80F0] =	vst v19;
	v16 =	vld [tilespmem:s6+$0xF0]  }
0x1bc: {  	[tilespmem:s1+$0x8171] =	vst v20;
	v15 =	vld [tilespmem:s6+$0x170];
	s6 =	sadd.s32 $0x400, s6  }
0x1bd: {  	[tilespmem:s1+$0x81F2] =	vst v13  }
0x1be: {  	[tilespmem:s1+$0x8273] =	vst v14  }
0x1bf: {  	[tilespmem:s1+$0x82F4] =	vst v12  }
0x1c0: {  	[tilespmem:s1+$0x8375] =	vst v16  }
0x1c1: {  	[tilespmem:s1+$0x83F6] =	vst v15  }
0x1c2: {  	_ =	swait.ge [sflag:s9], $0x2000  }
0x1c3: {  	s0 =	simm.s32 $0x0;
	[sflag:s9] =	ssyncset.done $0x0  }
0x1c4: {  	s6 =	simm.s32 $0x2200;
	s31 =	rddreg [dreg:$0x9];
	[sflag:s9] =	ssyncadd.s32 $0xFFFFE000  }
0x1c5: {  	[tilespmem:s0], [sflag:$0x1] =	stream.linear.gather [hbm4b:s31+s0], $0x2000, $0x38;
	[tilespmem:$0x1C300] =	vst v63  }
0x1c6: {  	v12 =	vld [tilespmem:s6+$0x180]  }
0x1c7: {  	v13 =	vld [tilespmem:s6+$0xFFFFFE00]  }
0x1c8: {  	v14 =	vld [tilespmem:s6+$0xFFFFFE80]  }
0x1c9: {  	v15 =	vld [tilespmem:s6+$0xFFFFFF00]  }
0x1ca: {  	s1 =	simm.s32 $0x0;
	v16 =	vld [tilespmem:s6+$0xFFFFFF80]  }
0x1cb: {  	v17 =	vld [tilespmem:s6+$0x0];
	[tilespmem:s1+$0xA447] =	vst v12  }
0x1cc: {  	[tilespmem:s1+$0xA0C0] =	vst v13;
	v13 =	vld [tilespmem:s6+$0x80]  }
0x1cd: {  	[tilespmem:s1+$0xA141] =	vst v14;
	v14 =	vld [tilespmem:s6+$0x100]  }
0x1ce: {  	[tilespmem:s1+$0xA1C2] =	vst v15;
	v12 =	vld [tilespmem:s6+$0x190]  }
0x1cf: {  	[tilespmem:s1+$0xA243] =	vst v16;
	v15 =	vld [tilespmem:s6+$0xFFFFFE10]  }
0x1d0: {  	[tilespmem:s1+$0xA2C4] =	vst v17;
	v16 =	vld [tilespmem:s6+$0xFFFFFE90]  }
0x1d1: {  	v17 =	vld [tilespmem:s6+$0xFFFFFF10];
	[tilespmem:s1+$0xA345] =	vst v13  }
0x1d2: {  	v13 =	vld [tilespmem:s6+$0xFFFFFF90];
	[tilespmem:s1+$0xA3C6] =	vst v14  }
0x1d3: {  	v14 =	vld [tilespmem:s6+$0x10];
	[tilespmem:s1+$0xA457] =	vst v12  }
0x1d4: {  	[tilespmem:s1+$0xA0D0] =	vst v15;
	v15 =	vld [tilespmem:s6+$0x90]  }
0x1d5: {  	[tilespmem:s1+$0xA151] =	vst v16;
	v12 =	vld [tilespmem:s6+$0x1A0]  }
0x1d6: {  	[tilespmem:s1+$0xA1D2] =	vst v17;
	v16 =	vld [tilespmem:s6+$0x110]  }
0x1d7: {  	v17 =	vld [tilespmem:s6+$0xFFFFFE20];
	[tilespmem:s1+$0xA253] =	vst v13  }
0x1d8: {  	v13 =	vld [tilespmem:s6+$0xFFFFFEA0];
	[tilespmem:s1+$0xA2D4] =	vst v14  }
0x1d9: {  	v14 =	vld [tilespmem:s6+$0xFFFFFF20];
	[tilespmem:s1+$0xA355] =	vst v15  }
0x1da: {  	v15 =	vld [tilespmem:s6+$0xFFFFFFA0];
	[tilespmem:s1+$0xA467] =	vst v12  }
0x1db: {  	[tilespmem:s1+$0xA3D6] =	vst v16;
	v12 =	vld [tilespmem:s6+$0x1B0]  }
0x1dc: {  	v16 =	vld [tilespmem:s6+$0x20];
	[tilespmem:s1+$0xA0E0] =	vst v17  }
0x1dd: {  	v17 =	vld [tilespmem:s6+$0xA0];
	[tilespmem:s1+$0xA161] =	vst v13  }
0x1de: {  	[tilespmem:s1+$0xA1E2] =	vst v14;
	v13 =	vld [tilespmem:s6+$0x120]  }
0x1df: {  	v14 =	vld [tilespmem:s6+$0xFFFFFE30];
	[tilespmem:s1+$0xA263] =	vst v15  }
0x1e0: {  	v15 =	vld [tilespmem:s6+$0xFFFFFEB0];
	[tilespmem:s1+$0xA477] =	vst v12  }
0x1e1: {  	[tilespmem:s1+$0xA2E4] =	vst v16;
	v12 =	vld [tilespmem:s6+$0x1C0]  }
0x1e2: {  	v16 =	vld [tilespmem:s6+$0xFFFFFF30];
	[tilespmem:s1+$0xA365] =	vst v17  }
0x1e3: {  	v17 =	vld [tilespmem:s6+$0xFFFFFFB0];
	[tilespmem:s1+$0xA3E6] =	vst v13  }
0x1e4: {  	[tilespmem:s1+$0xA0F0] =	vst v14;
	v13 =	vld [tilespmem:s6+$0x30]  }
0x1e5: {  	v14 =	vld [tilespmem:s6+$0xB0];
	[tilespmem:s1+$0xA171] =	vst v15  }
0x1e6: {  	v15 =	vld [tilespmem:s6+$0x130];
	[tilespmem:s1+$0xA487] =	vst v12  }
0x1e7: {  	[tilespmem:s1+$0xA1F2] =	vst v16;
	v12 =	vld [tilespmem:s6+$0x1D0]  }
0x1e8: {  	v16 =	vld [tilespmem:s6+$0xFFFFFE40];
	[tilespmem:s1+$0xA273] =	vst v17  }
0x1e9: {  	s2 =	simm.s32 $0x0;
	v17 =	vld [tilespmem:s6+$0xFFFFFEC0];
	[tilespmem:s1+$0xA2F4] =	vst v13  }
0x1ea: {  	s2 =	sand.u32 $0xFFFFFE00, s2;
	v13 =	vld [tilespmem:s6+$0xFFFFFF40];
	[tilespmem:s1+$0xA375] =	vst v14  }
0x1eb: {  	s2 =	sadd.s32 $0x18400, s2;
	v14 =	vld [tilespmem:s6+$0xFFFFFFC0];
	[tilespmem:s1+$0xA3F6] =	vst v15  }
0x1ec: {  	s2 =	sshra.s32 s2, $0x2;
	v15 =	vld [tilespmem:s6+$0x40];
	[tilespmem:s1+$0xA497] =	vst v12  }
0x1ed: {  	[tilespmem:s2+$0x4000] =	vst v16;
	v12 =	vld [tilespmem:s6+$0x1E0]  }
0x1ee: {  	v16 =	vld [tilespmem:s6+$0xC0];
	[tilespmem:s1+$0xA181] =	vst v17  }
0x1ef: {  	v17 =	vld [tilespmem:s6+$0x140];
	[tilespmem:s1+$0xA202] =	vst v13  }
0x1f0: {  	v13 =	vld [tilespmem:s6+$0xFFFFFE50];
	[tilespmem:s1+$0xA283] =	vst v14  }
0x1f1: {  	v14 =	vld [tilespmem:s6+$0xFFFFFED0];
	[tilespmem:s1+$0xA304] =	vst v15  }
0x1f2: {  	v15 =	vld [tilespmem:s6+$0xFFFFFF50];
	[tilespmem:s1+$0xA4A7] =	vst v12  }
0x1f3: {  	[tilespmem:s1+$0xA385] =	vst v16;
	v12 =	vld [tilespmem:s6+$0x1F0]  }
0x1f4: {  	v16 =	vld [tilespmem:s6+$0xFFFFFFD0];
	[tilespmem:s1+$0xA406] =	vst v17  }
0x1f5: {  	v17 =	vld [tilespmem:s6+$0x50];
	[tilespmem:s1+$0xA110] =	vst v13  }
0x1f6: {  	[tilespmem:s1+$0xA191] =	vst v14;
	v13 =	vld [tilespmem:s6+$0x150]  }
0x1f7: {  	[tilespmem:s1+$0xA212] =	vst v15;
	v15 =	vld [tilespmem:s6+$0xFFFFFEE0]  }
0x1f8: {  	[tilespmem:s1+$0xA4B7] =	vst v12;
	v12 =	vld [tilespmem:s6+$0xD0]  }
0x1f9: {  	v14 =	vld [tilespmem:s6+$0xFFFFFE60];
	[tilespmem:s1+$0xA293] =	vst v16  }
0x1fa: {  	v16 =	vld [tilespmem:s6+$0xFFFFFF60];
	[tilespmem:s1+$0xA314] =	vst v17  }
0x1fb: {  	v17 =	vld [tilespmem:s6+$0xFFFFFFE0];
	[tilespmem:s1+$0xA416] =	vst v13  }
0x1fc: {  	v18 =	vld [tilespmem:s6+$0x60];
	[tilespmem:s1+$0xA1A1] =	vst v15  }
0x1fd: {  	v15 =	vld [tilespmem:s6+$0x160];
	[tilespmem:s1+$0xA395] =	vst v12  }
0x1fe: {  	[tilespmem:s1+$0xA120] =	vst v14;
	v14 =	vld [tilespmem:s6+$0xE0]  }
0x1ff: {  	v19 =	vld [tilespmem:s6+$0xFFFFFE70];
	[tilespmem:s1+$0xA222] =	vst v16  }
0x200: {  	v16 =	vld [tilespmem:s6+$0xFFFFFEF0];
	[tilespmem:s1+$0xA2A3] =	vst v17  }
0x201: {  	[tilespmem:s1+$0xA324] =	vst v18;
	v12 =	vld [tilespmem:s6+$0xFFFFFF70]  }
0x202: {  	v13 =	vld [tilespmem:s6+$0xFFFFFFF0];
	[tilespmem:s1+$0xA426] =	vst v15  }
0x203: {  	[tilespmem:s1+$0xA3A5] =	vst v14;
	v14 =	vld [tilespmem:s6+$0x70]  }
0x204: {  	s4 =	simm.s32 $0x18400;
	[tilespmem:s1+$0xA130] =	vst v19;
	v15 =	vld [tilespmem:s6+$0xF0]  }
0x205: {  	s5 =	simm.s32 $0x0;
	s7 =	simm.s32 $0x0;
	[tilespmem:s1+$0xA1B1] =	vst v16;
	v16 =	vld [tilespmem:s6+$0x170];
	s6 =	simm.s32 $0x2600  }
.LBB2_8:
0x206: {  	v17 =	vld [tilespmem:s6+$0x180];
	s5 =	sadd.s32 $0x8, s5;
	[tilespmem:s1+$0xA232] =	vst v12  }
0x207: {  	v12 =	vld [tilespmem:s6+$0xFFFFFE00];
	p0 =	slt.u32 s5, $0x38;
	[tilespmem:s1+$0xA2B3] =	vst v13  }
0x208: {  	v13 =	vld [tilespmem:s6+$0xFFFFFE80];
	[tilespmem:s1+$0xA334] =	vst v14  }
0x209: {  	s0 =	sadd.s32 $0x1020, s0;
	v14 =	vld [tilespmem:s6+$0xFFFFFF00];
	[tilespmem:s1+$0xA3B5] =	vst v15  }
0x20a: {  	v15 =	vld [tilespmem:s6+$0xFFFFFF80];
	[tilespmem:s1+$0xA436] =	vst v16;
	s1 =	sshra.s32 s0, $0x2  }
0x20b: {  	v16 =	vld [tilespmem:s6+$0x0];
	[tilespmem:s1+$0xA447] =	vst v17  }
0x20c: {  	[tilespmem:s1+$0xA0C0] =	vst v12;
	v12 =	vld [tilespmem:s6+$0x190]  }
0x20d: {  	[tilespmem:s1+$0xA141] =	vst v13;
	v13 =	vld [tilespmem:s6+$0x80]  }
0x20e: {  	[tilespmem:s1+$0xA1C2] =	vst v14;
	v14 =	vld [tilespmem:s6+$0x100]  }
0x20f: {  	v17 =	vld [tilespmem:s6+$0xFFFFFE10];
	[tilespmem:s1+$0xA243] =	vst v15  }
0x210: {  	v15 =	vld [tilespmem:s6+$0xFFFFFE90];
	[tilespmem:s1+$0xA2C4] =	vst v16  }
0x211: {  	v16 =	vld [tilespmem:s6+$0xFFFFFF10];
	[tilespmem:s1+$0xA457] =	vst v12  }
0x212: {  	[tilespmem:s1+$0xA345] =	vst v13;
	v12 =	vld [tilespmem:s6+$0x1A0]  }
0x213: {  	v13 =	vld [tilespmem:s6+$0xFFFFFF90];
	[tilespmem:s1+$0xA3C6] =	vst v14  }
0x214: {  	[tilespmem:s1+$0xA0D0] =	vst v17;
	v14 =	vld [tilespmem:s6+$0x10]  }
0x215: {  	[tilespmem:s1+$0xA151] =	vst v15;
	v15 =	vld [tilespmem:s6+$0x90]  }
0x216: {  	[tilespmem:s1+$0xA1D2] =	vst v16;
	v16 =	vld [tilespmem:s6+$0x110]  }
0x217: {  	v17 =	vld [tilespmem:s6+$0xFFFFFE20];
	[tilespmem:s1+$0xA467] =	vst v12  }
0x218: {  	[tilespmem:s1+$0xA253] =	vst v13;
	v12 =	vld [tilespmem:s6+$0x1B0]  }
0x219: {  	v13 =	vld [tilespmem:s6+$0xFFFFFEA0];
	[tilespmem:s1+$0xA2D4] =	vst v14  }
0x21a: {  	v14 =	vld [tilespmem:s6+$0xFFFFFF20];
	[tilespmem:s1+$0xA355] =	vst v15  }
0x21b: {  	v15 =	vld [tilespmem:s6+$0xFFFFFFA0];
	[tilespmem:s1+$0xA3D6] =	vst v16  }
0x21c: {  	[tilespmem:s1+$0xA0E0] =	vst v17;
	v16 =	vld [tilespmem:s6+$0x20]  }
0x21d: {  	v17 =	vld [tilespmem:s6+$0xA0];
	[tilespmem:s1+$0xA477] =	vst v12  }
0x21e: {  	[tilespmem:s1+$0xA161] =	vst v13;
	v12 =	vld [tilespmem:s6+$0x1C0]  }
0x21f: {  	[tilespmem:s1+$0xA1E2] =	vst v14;
	v13 =	vld [tilespmem:s6+$0x120]  }
0x220: {  	v14 =	vld [tilespmem:s6+$0xFFFFFE30];
	[tilespmem:s1+$0xA263] =	vst v15  }
0x221: {  	v15 =	vld [tilespmem:s6+$0xFFFFFEB0];
	[tilespmem:s1+$0xA2E4] =	vst v16  }
0x222: {  	v16 =	vld [tilespmem:s6+$0xFFFFFF30];
	[tilespmem:s1+$0xA365] =	vst v17  }
0x223: {  	v17 =	vld [tilespmem:s6+$0xFFFFFFB0];
	[tilespmem:s1+$0xA487] =	vst v12  }
0x224: {  	[tilespmem:s1+$0xA3E6] =	vst v13;
	v12 =	vld [tilespmem:s6+$0x1D0]  }
0x225: {  	[tilespmem:s1+$0xA0F0] =	vst v14;
	v13 =	vld [tilespmem:s6+$0x30]  }
0x226: {  	[tilespmem:s1+$0xA171] =	vst v15;
	v14 =	vld [tilespmem:s6+$0xB0]  }
0x227: {  	[tilespmem:s1+$0xA1F2] =	vst v16;
	v15 =	vld [tilespmem:s6+$0x130]  }
0x228: {  	s7 =	sadd.s32 $0x408, s7;
	v16 =	vld [tilespmem:s6+$0xFFFFFE40];
	[tilespmem:s1+$0xA273] =	vst v17  }
0x229: {  	s2 =	sshll.u32 s7, $0x2;
	v17 =	vld [tilespmem:s6+$0xFFFFFEC0];
	[tilespmem:s1+$0xA497] =	vst v12  }
0x22a: {  	s4 =	sadd.s32 $0x20, s4;
	s2 =	sand.u32 $0xFFFFFE00, s2;
	[tilespmem:s1+$0xA2F4] =	vst v13;
	v12 =	vld [tilespmem:s6+$0x1E0]  }
0x22b: {  	s2 =	sadd.s32 s2, s4;
	v13 =	vld [tilespmem:s6+$0xFFFFFF40];
	[tilespmem:s1+$0xA375] =	vst v14  }
0x22c: {  	s2 =	sshra.s32 s2, $0x2;
	v14 =	vld [tilespmem:s6+$0xFFFFFFC0];
	[tilespmem:s1+$0xA3F6] =	vst v15  }
0x22d: {  	[tilespmem:s2+$0x4000] =	vst v16;
	v15 =	vld [tilespmem:s6+$0x40]  }
0x22e: {  	[tilespmem:s1+$0xA181] =	vst v17;
	v16 =	vld [tilespmem:s6+$0xC0]  }
0x22f: {  	v17 =	vld [tilespmem:s6+$0x140];
	[tilespmem:s1+$0xA4A7] =	vst v12  }
0x230: {  	[tilespmem:s1+$0xA202] =	vst v13;
	v12 =	vld [tilespmem:s6+$0x1F0]  }
0x231: {  	v13 =	vld [tilespmem:s6+$0xFFFFFE50];
	[tilespmem:s1+$0xA283] =	vst v14  }
0x232: {  	v14 =	vld [tilespmem:s6+$0xFFFFFED0];
	[tilespmem:s1+$0xA304] =	vst v15  }
0x233: {  	v15 =	vld [tilespmem:s6+$0xFFFFFF50];
	[tilespmem:s1+$0xA385] =	vst v16  }
0x234: {  	v16 =	vld [tilespmem:s6+$0xFFFFFFD0];
	[tilespmem:s1+$0xA406] =	vst v17  }
0x235: {  	v17 =	vld [tilespmem:s6+$0x50];
	[tilespmem:s1+$0xA4B7] =	vst v12  }
0x236: {  	[tilespmem:s1+$0xA110] =	vst v13;
	v12 =	vld [tilespmem:s6+$0xD0]  }
0x237: {  	[tilespmem:s1+$0xA191] =	vst v14;
	v13 =	vld [tilespmem:s6+$0x150]  }
0x238: {  	v14 =	vld [tilespmem:s6+$0xFFFFFE60];
	[tilespmem:s1+$0xA212] =	vst v15  }
0x239: {  	v15 =	vld [tilespmem:s6+$0xFFFFFEE0];
	[tilespmem:s1+$0xA293] =	vst v16  }
0x23a: {  	v16 =	vld [tilespmem:s6+$0xFFFFFF60];
	[tilespmem:s1+$0xA314] =	vst v17  }
0x23b: {  	v17 =	vld [tilespmem:s6+$0xFFFFFFE0];
	[tilespmem:s1+$0xA395] =	vst v12  }
0x23c: {  	v18 =	vld [tilespmem:s6+$0x60];
	[tilespmem:s1+$0xA416] =	vst v13  }
0x23d: {  	[tilespmem:s1+$0xA120] =	vst v14;
	v14 =	vld [tilespmem:s6+$0xE0]  }
0x23e: {  	[tilespmem:s1+$0xA1A1] =	vst v15;
	v15 =	vld [tilespmem:s6+$0x160]  }
0x23f: {  	v19 =	vld [tilespmem:s6+$0xFFFFFE70];
	[tilespmem:s1+$0xA222] =	vst v16  }
0x240: {  	v16 =	vld [tilespmem:s6+$0xFFFFFEF0];
	[tilespmem:s1+$0xA2A3] =	vst v17  }
.Ltmp3:
0x241: {  	v12 =	vld [tilespmem:s6+$0xFFFFFF70];
	[tilespmem:s1+$0xA324] =	vst v18;
	(pc) =	sbr.rel @p0 .LBB2_8-.Ltmp3, $4  }
0x242: {  	v13 =	vld [tilespmem:s6+$0xFFFFFFF0];
	[tilespmem:s1+$0xA3A5] =	vst v14  }
0x243: {  	v14 =	vld [tilespmem:s6+$0x70];
	[tilespmem:s1+$0xA426] =	vst v15  }
0x244: {  	[tilespmem:s1+$0xA130] =	vst v19;
	v15 =	vld [tilespmem:s6+$0xF0]  }
0x245: {  	[tilespmem:s1+$0xA1B1] =	vst v16;
	v16 =	vld [tilespmem:s6+$0x170];
	s6 =	sadd.s32 $0x400, s6  }
0x246: {  	[tilespmem:s1+$0xA232] =	vst v12  }
0x247: {  	[tilespmem:s1+$0xA2B3] =	vst v13  }
0x248: {  	[tilespmem:s1+$0xA334] =	vst v14  }
0x249: {  	[tilespmem:s1+$0xA3B5] =	vst v15  }
0x24a: {  	[tilespmem:s1+$0xA436] =	vst v16  }
0x24b: {  	_ =	swait.ge [sflag:s3], $0x2000  }
0x24c: {  	s0 =	simm.s32 $0x0;
	[sflag:s3] =	ssyncset.done $0x0  }
0x24d: {  	s6 =	simm.s32 $0x200;
	s30 =	rddreg [dreg:$0xa];
	[sflag:s3] =	ssyncadd.s32 $0xFFFFE000  }
0x24e: {  	[tilespmem:s8], [sflag:$0x2] =	stream.linear.gather [hbm4b:s30+s0], $0x2000, $0x38;
	[tilespmem:$0x1C300] =	vst v63  }
0x24f: {  	v12 =	vld [tilespmem:s6+$0x180]  }
0x250: {  	v13 =	vld [tilespmem:s6+$0xFFFFFE00]  }
0x251: {  	s31 =	simm.s32 $0x0;
	v14 =	vld [tilespmem:s6+$0xFFFFFE80]  }
0x252: {  	s1 =	sand.u32 $0xFFFFFE00, s31;
	v15 =	vld [tilespmem:s6+$0xFFFFFF00]  }
0x253: {  	s2 =	sadd.s32 $0x20400, s1;
	s1 =	simm.s32 $0x0;
	v16 =	vld [tilespmem:s6+$0xFFFFFF80]  }
0x254: {  	s2 =	sshra.s32 s2, $0x2;
	v17 =	vld [tilespmem:s6+$0x0];
	[tilespmem:s1+$0xC487] =	vst v12  }
0x255: {  	[tilespmem:s2+$0x4000] =	vst v13;
	v13 =	vld [tilespmem:s6+$0x80]  }
0x256: {  	[tilespmem:s1+$0xC181] =	vst v14;
	v14 =	vld [tilespmem:s6+$0x100]  }
0x257: {  	[tilespmem:s1+$0xC202] =	vst v15;
	v12 =	vld [tilespmem:s6+$0x190]  }
0x258: {  	[tilespmem:s1+$0xC283] =	vst v16;
	v15 =	vld [tilespmem:s6+$0xFFFFFE10]  }
0x259: {  	[tilespmem:s1+$0xC304] =	vst v17;
	v16 =	vld [tilespmem:s6+$0xFFFFFE90]  }
0x25a: {  	v17 =	vld [tilespmem:s6+$0xFFFFFF10];
	[tilespmem:s1+$0xC385] =	vst v13  }
0x25b: {  	v13 =	vld [tilespmem:s6+$0xFFFFFF90];
	[tilespmem:s1+$0xC406] =	vst v14  }
0x25c: {  	v14 =	vld [tilespmem:s6+$0x10];
	[tilespmem:s1+$0xC497] =	vst v12  }
0x25d: {  	[tilespmem:s1+$0xC110] =	vst v15;
	v15 =	vld [tilespmem:s6+$0x90]  }
0x25e: {  	[tilespmem:s1+$0xC191] =	vst v16;
	v12 =	vld [tilespmem:s6+$0x1A0]  }
0x25f: {  	[tilespmem:s1+$0xC212] =	vst v17;
	v16 =	vld [tilespmem:s6+$0x110]  }
0x260: {  	v17 =	vld [tilespmem:s6+$0xFFFFFE20];
	[tilespmem:s1+$0xC293] =	vst v13  }
0x261: {  	v13 =	vld [tilespmem:s6+$0xFFFFFEA0];
	[tilespmem:s1+$0xC314] =	vst v14  }
0x262: {  	v14 =	vld [tilespmem:s6+$0xFFFFFF20];
	[tilespmem:s1+$0xC395] =	vst v15  }
0x263: {  	v15 =	vld [tilespmem:s6+$0xFFFFFFA0];
	[tilespmem:s1+$0xC4A7] =	vst v12  }
0x264: {  	[tilespmem:s1+$0xC416] =	vst v16;
	v12 =	vld [tilespmem:s6+$0x1B0]  }
0x265: {  	v16 =	vld [tilespmem:s6+$0x20];
	[tilespmem:s1+$0xC120] =	vst v17  }
0x266: {  	v17 =	vld [tilespmem:s6+$0xA0];
	[tilespmem:s1+$0xC1A1] =	vst v13  }
0x267: {  	[tilespmem:s1+$0xC222] =	vst v14;
	v13 =	vld [tilespmem:s6+$0x120]  }
0x268: {  	v14 =	vld [tilespmem:s6+$0xFFFFFE30];
	[tilespmem:s1+$0xC2A3] =	vst v15  }
0x269: {  	v15 =	vld [tilespmem:s6+$0xFFFFFEB0];
	[tilespmem:s1+$0xC4B7] =	vst v12  }
0x26a: {  	[tilespmem:s1+$0xC324] =	vst v16;
	v12 =	vld [tilespmem:s6+$0x1C0]  }
0x26b: {  	v16 =	vld [tilespmem:s6+$0xFFFFFF30];
	[tilespmem:s1+$0xC3A5] =	vst v17  }
0x26c: {  	v17 =	vld [tilespmem:s6+$0xFFFFFFB0];
	[tilespmem:s1+$0xC426] =	vst v13  }
0x26d: {  	[tilespmem:s1+$0xC130] =	vst v14;
	v13 =	vld [tilespmem:s6+$0x30]  }
0x26e: {  	v14 =	vld [tilespmem:s6+$0xB0];
	[tilespmem:s1+$0xC1B1] =	vst v15  }
0x26f: {  	v15 =	vld [tilespmem:s6+$0x130];
	[tilespmem:s1+$0xC4C7] =	vst v12  }
0x270: {  	[tilespmem:s1+$0xC232] =	vst v16;
	v12 =	vld [tilespmem:s6+$0x1D0]  }
0x271: {  	v16 =	vld [tilespmem:s6+$0xFFFFFE40];
	[tilespmem:s1+$0xC2B3] =	vst v17  }
0x272: {  	v17 =	vld [tilespmem:s6+$0xFFFFFEC0];
	[tilespmem:s1+$0xC334] =	vst v13  }
0x273: {  	v13 =	vld [tilespmem:s6+$0xFFFFFF40];
	[tilespmem:s1+$0xC3B5] =	vst v14  }
0x274: {  	v14 =	vld [tilespmem:s6+$0xFFFFFFC0];
	[tilespmem:s1+$0xC436] =	vst v15  }
0x275: {  	v15 =	vld [tilespmem:s6+$0x40];
	[tilespmem:s1+$0xC4D7] =	vst v12  }
0x276: {  	[tilespmem:s1+$0xC140] =	vst v16;
	v12 =	vld [tilespmem:s6+$0x1E0]  }
0x277: {  	v16 =	vld [tilespmem:s6+$0xC0];
	[tilespmem:s1+$0xC1C1] =	vst v17  }
0x278: {  	v17 =	vld [tilespmem:s6+$0x140];
	[tilespmem:s1+$0xC242] =	vst v13  }
0x279: {  	v13 =	vld [tilespmem:s6+$0xFFFFFE50];
	[tilespmem:s1+$0xC2C3] =	vst v14  }
0x27a: {  	v14 =	vld [tilespmem:s6+$0xFFFFFED0];
	[tilespmem:s1+$0xC344] =	vst v15  }
0x27b: {  	v15 =	vld [tilespmem:s6+$0xFFFFFF50];
	[tilespmem:s1+$0xC4E7] =	vst v12  }
0x27c: {  	[tilespmem:s1+$0xC3C5] =	vst v16;
	v12 =	vld [tilespmem:s6+$0x1F0]  }
0x27d: {  	v16 =	vld [tilespmem:s6+$0xFFFFFFD0];
	[tilespmem:s1+$0xC446] =	vst v17  }
0x27e: {  	v17 =	vld [tilespmem:s6+$0x50];
	[tilespmem:s1+$0xC150] =	vst v13  }
0x27f: {  	[tilespmem:s1+$0xC1D1] =	vst v14;
	v13 =	vld [tilespmem:s6+$0x150]  }
0x280: {  	[tilespmem:s1+$0xC252] =	vst v15;
	v15 =	vld [tilespmem:s6+$0xFFFFFEE0]  }
0x281: {  	[tilespmem:s1+$0xC4F7] =	vst v12;
	v12 =	vld [tilespmem:s6+$0xD0]  }
0x282: {  	v14 =	vld [tilespmem:s6+$0xFFFFFE60];
	[tilespmem:s1+$0xC2D3] =	vst v16  }
0x283: {  	v16 =	vld [tilespmem:s6+$0xFFFFFF60];
	[tilespmem:s1+$0xC354] =	vst v17  }
0x284: {  	v17 =	vld [tilespmem:s6+$0xFFFFFFE0];
	[tilespmem:s1+$0xC456] =	vst v13  }
0x285: {  	[tilespmem:s1+$0xC1E1] =	vst v15;
	v15 =	vld [tilespmem:s6+$0x160]  }
0x286: {  	[tilespmem:s1+$0xC3D5] =	vst v12;
	v12 =	vld [tilespmem:s6+$0x60]  }
0x287: {  	[tilespmem:s1+$0xC160] =	vst v14;
	v18 =	vld [tilespmem:s6+$0xE0]  }
0x288: {  	v19 =	vld [tilespmem:s6+$0xFFFFFE70];
	[tilespmem:s1+$0xC262] =	vst v16  }
0x289: {  	v20 =	vld [tilespmem:s6+$0xFFFFFEF0];
	[tilespmem:s1+$0xC2E3] =	vst v17  }
0x28a: {  	v13 =	vld [tilespmem:s6+$0xFFFFFF70];
	[tilespmem:s1+$0xC466] =	vst v15  }
0x28b: {  	v14 =	vld [tilespmem:s6+$0xFFFFFFF0];
	[tilespmem:s1+$0xC364] =	vst v12  }
0x28c: {  	[tilespmem:s1+$0xC3E5] =	vst v18;
	v12 =	vld [tilespmem:s6+$0x70]  }
0x28d: {  	s4 =	simm.s32 $0x20400;
	[tilespmem:s1+$0xC170] =	vst v19;
	v16 =	vld [tilespmem:s6+$0xF0]  }
0x28e: {  	s5 =	simm.s32 $0x0;
	s7 =	simm.s32 $0x0;
	[tilespmem:s1+$0xC1F1] =	vst v20;
	v15 =	vld [tilespmem:s6+$0x170];
	s6 =	simm.s32 $0x600  }
.LBB2_10:
0x28f: {  	v17 =	vld [tilespmem:s6+$0x180];
	s5 =	sadd.s32 $0x8, s5;
	[tilespmem:s1+$0xC272] =	vst v13  }
0x290: {  	s0 =	sadd.s32 $0x408, s0;
	v13 =	vld [tilespmem:s6+$0xFFFFFE00];
	p0 =	slt.u32 s5, $0x38;
	[tilespmem:s1+$0xC2F3] =	vst v14  }
0x291: {  	s2 =	sshll.u32 s0, $0x2;
	v14 =	vld [tilespmem:s6+$0xFFFFFE80];
	[tilespmem:s1+$0xC374] =	vst v12  }
0x292: {  	s7 =	sadd.s32 $0x1020, s7;
	s4 =	sadd.s32 $0x20, s4;
	s2 =	sand.u32 $0xFFFFFE00, s2;
	v12 =	vld [tilespmem:s6+$0xFFFFFF00];
	[tilespmem:s1+$0xC3F5] =	vst v16  }
0x293: {  	s2 =	sadd.s32 s2, s4;
	v16 =	vld [tilespmem:s6+$0xFFFFFF80];
	[tilespmem:s1+$0xC476] =	vst v15;
	s1 =	sshra.s32 s7, $0x2  }
0x294: {  	s2 =	sshra.s32 s2, $0x2;
	v15 =	vld [tilespmem:s6+$0x0];
	[tilespmem:s1+$0xC487] =	vst v17  }
0x295: {  	[tilespmem:s2+$0x4000] =	vst v13;
	v13 =	vld [tilespmem:s6+$0x190]  }
0x296: {  	[tilespmem:s1+$0xC181] =	vst v14;
	v14 =	vld [tilespmem:s6+$0x80]  }
0x297: {  	[tilespmem:s1+$0xC202] =	vst v12;
	v12 =	vld [tilespmem:s6+$0x100]  }
0x298: {  	v17 =	vld [tilespmem:s6+$0xFFFFFE10];
	[tilespmem:s1+$0xC283] =	vst v16  }
0x299: {  	v16 =	vld [tilespmem:s6+$0xFFFFFE90];
	[tilespmem:s1+$0xC304] =	vst v15  }
0x29a: {  	v15 =	vld [tilespmem:s6+$0xFFFFFF10];
	[tilespmem:s1+$0xC497] =	vst v13  }
0x29b: {  	[tilespmem:s1+$0xC385] =	vst v14;
	v13 =	vld [tilespmem:s6+$0x1A0]  }
0x29c: {  	v14 =	vld [tilespmem:s6+$0xFFFFFF90];
	[tilespmem:s1+$0xC406] =	vst v12  }
0x29d: {  	[tilespmem:s1+$0xC110] =	vst v17;
	v12 =	vld [tilespmem:s6+$0x10]  }
0x29e: {  	[tilespmem:s1+$0xC191] =	vst v16;
	v16 =	vld [tilespmem:s6+$0x90]  }
0x29f: {  	[tilespmem:s1+$0xC212] =	vst v15;
	v15 =	vld [tilespmem:s6+$0x110]  }
0x2a0: {  	v17 =	vld [tilespmem:s6+$0xFFFFFE20];
	[tilespmem:s1+$0xC4A7] =	vst v13  }
0x2a1: {  	[tilespmem:s1+$0xC293] =	vst v14;
	v13 =	vld [tilespmem:s6+$0x1B0]  }
0x2a2: {  	v14 =	vld [tilespmem:s6+$0xFFFFFEA0];
	[tilespmem:s1+$0xC314] =	vst v12  }
0x2a3: {  	v12 =	vld [tilespmem:s6+$0xFFFFFF20];
	[tilespmem:s1+$0xC395] =	vst v16  }
0x2a4: {  	v16 =	vld [tilespmem:s6+$0xFFFFFFA0];
	[tilespmem:s1+$0xC416] =	vst v15  }
0x2a5: {  	[tilespmem:s1+$0xC120] =	vst v17;
	v15 =	vld [tilespmem:s6+$0x20]  }
0x2a6: {  	v17 =	vld [tilespmem:s6+$0xA0];
	[tilespmem:s1+$0xC4B7] =	vst v13  }
0x2a7: {  	[tilespmem:s1+$0xC1A1] =	vst v14;
	v13 =	vld [tilespmem:s6+$0x1C0]  }
0x2a8: {  	[tilespmem:s1+$0xC222] =	vst v12;
	v12 =	vld [tilespmem:s6+$0x120]  }
0x2a9: {  	v14 =	vld [tilespmem:s6+$0xFFFFFE30];
	[tilespmem:s1+$0xC2A3] =	vst v16  }
0x2aa: {  	v16 =	vld [tilespmem:s6+$0xFFFFFEB0];
	[tilespmem:s1+$0xC324] =	vst v15  }
0x2ab: {  	v15 =	vld [tilespmem:s6+$0xFFFFFF30];
	[tilespmem:s1+$0xC3A5] =	vst v17  }
0x2ac: {  	v17 =	vld [tilespmem:s6+$0xFFFFFFB0];
	[tilespmem:s1+$0xC4C7] =	vst v13  }
0x2ad: {  	[tilespmem:s1+$0xC426] =	vst v12;
	v12 =	vld [tilespmem:s6+$0x1D0]  }
0x2ae: {  	[tilespmem:s1+$0xC130] =	vst v14;
	v13 =	vld [tilespmem:s6+$0x30]  }
0x2af: {  	[tilespmem:s1+$0xC1B1] =	vst v16;
	v14 =	vld [tilespmem:s6+$0xB0]  }
0x2b0: {  	[tilespmem:s1+$0xC232] =	vst v15;
	v15 =	vld [tilespmem:s6+$0x130]  }
0x2b1: {  	v16 =	vld [tilespmem:s6+$0xFFFFFE40];
	[tilespmem:s1+$0xC2B3] =	vst v17  }
0x2b2: {  	v17 =	vld [tilespmem:s6+$0xFFFFFEC0];
	[tilespmem:s1+$0xC4D7] =	vst v12  }
0x2b3: {  	[tilespmem:s1+$0xC334] =	vst v13;
	v12 =	vld [tilespmem:s6+$0x1E0]  }
0x2b4: {  	v13 =	vld [tilespmem:s6+$0xFFFFFF40];
	[tilespmem:s1+$0xC3B5] =	vst v14  }
0x2b5: {  	v14 =	vld [tilespmem:s6+$0xFFFFFFC0];
	[tilespmem:s1+$0xC436] =	vst v15  }
0x2b6: {  	[tilespmem:s1+$0xC140] =	vst v16;
	v15 =	vld [tilespmem:s6+$0x40]  }
0x2b7: {  	[tilespmem:s1+$0xC1C1] =	vst v17;
	v16 =	vld [tilespmem:s6+$0xC0]  }
0x2b8: {  	v17 =	vld [tilespmem:s6+$0x140];
	[tilespmem:s1+$0xC4E7] =	vst v12  }
0x2b9: {  	[tilespmem:s1+$0xC242] =	vst v13;
	v12 =	vld [tilespmem:s6+$0x1F0]  }
0x2ba: {  	v13 =	vld [tilespmem:s6+$0xFFFFFE50];
	[tilespmem:s1+$0xC2C3] =	vst v14  }
0x2bb: {  	v14 =	vld [tilespmem:s6+$0xFFFFFED0];
	[tilespmem:s1+$0xC344] =	vst v15  }
0x2bc: {  	v15 =	vld [tilespmem:s6+$0xFFFFFF50];
	[tilespmem:s1+$0xC3C5] =	vst v16  }
0x2bd: {  	v16 =	vld [tilespmem:s6+$0xFFFFFFD0];
	[tilespmem:s1+$0xC446] =	vst v17  }
0x2be: {  	v17 =	vld [tilespmem:s6+$0x50];
	[tilespmem:s1+$0xC4F7] =	vst v12  }
0x2bf: {  	[tilespmem:s1+$0xC150] =	vst v13;
	v12 =	vld [tilespmem:s6+$0xD0]  }
0x2c0: {  	[tilespmem:s1+$0xC1D1] =	vst v14;
	v13 =	vld [tilespmem:s6+$0x150]  }
0x2c1: {  	v14 =	vld [tilespmem:s6+$0xFFFFFE60];
	[tilespmem:s1+$0xC252] =	vst v15  }
0x2c2: {  	v15 =	vld [tilespmem:s6+$0xFFFFFEE0];
	[tilespmem:s1+$0xC2D3] =	vst v16  }
0x2c3: {  	v16 =	vld [tilespmem:s6+$0xFFFFFF60];
	[tilespmem:s1+$0xC354] =	vst v17  }
0x2c4: {  	v17 =	vld [tilespmem:s6+$0xFFFFFFE0];
	[tilespmem:s1+$0xC3D5] =	vst v12  }
0x2c5: {  	v12 =	vld [tilespmem:s6+$0x60];
	[tilespmem:s1+$0xC456] =	vst v13  }
0x2c6: {  	[tilespmem:s1+$0xC160] =	vst v14;
	v18 =	vld [tilespmem:s6+$0xE0]  }
0x2c7: {  	[tilespmem:s1+$0xC1E1] =	vst v15;
	v15 =	vld [tilespmem:s6+$0x160]  }
0x2c8: {  	v19 =	vld [tilespmem:s6+$0xFFFFFE70];
	[tilespmem:s1+$0xC262] =	vst v16  }
0x2c9: {  	v20 =	vld [tilespmem:s6+$0xFFFFFEF0];
	[tilespmem:s1+$0xC2E3] =	vst v17  }
.Ltmp4:
0x2ca: {  	v13 =	vld [tilespmem:s6+$0xFFFFFF70];
	[tilespmem:s1+$0xC364] =	vst v12;
	(pc) =	sbr.rel @p0 .LBB2_10-.Ltmp4, $4  }
0x2cb: {  	v14 =	vld [tilespmem:s6+$0xFFFFFFF0];
	[tilespmem:s1+$0xC3E5] =	vst v18  }
0x2cc: {  	v12 =	vld [tilespmem:s6+$0x70];
	[tilespmem:s1+$0xC466] =	vst v15  }
0x2cd: {  	[tilespmem:s1+$0xC170] =	vst v19;
	v16 =	vld [tilespmem:s6+$0xF0]  }
0x2ce: {  	[tilespmem:s1+$0xC1F1] =	vst v20;
	v15 =	vld [tilespmem:s6+$0x170];
	s6 =	sadd.s32 $0x400, s6  }
0x2cf: {  	[tilespmem:s1+$0xC272] =	vst v13  }
0x2d0: {  	[tilespmem:s1+$0xC2F3] =	vst v14  }
0x2d1: {  	[tilespmem:s1+$0xC374] =	vst v12  }
0x2d2: {  	[tilespmem:s1+$0xC3F5] =	vst v16  }
0x2d3: {  	[tilespmem:s1+$0xC476] =	vst v15  }
0x2d4: {  	_ =	swait.ge [sflag:s9], $0x2000  }
0x2d5: {  	s0 =	simm.s32 $0x0;
	[sflag:s9] =	ssyncset.done $0x0  }
0x2d6: {  	s6 =	simm.s32 $0x2200;
	s31 =	rddreg [dreg:$0xb];
	[sflag:s9] =	ssyncadd.s32 $0xFFFFE000  }
0x2d7: {  	[tilespmem:s0], [sflag:$0x1] =	stream.linear.gather [hbm4b:s31+s0], $0x2000, $0x38;
	[tilespmem:$0x1C300] =	vst v63  }
0x2d8: {  	v12 =	vld [tilespmem:s6+$0x180]  }
0x2d9: {  	v13 =	vld [tilespmem:s6+$0xFFFFFE00]  }
0x2da: {  	v14 =	vld [tilespmem:s6+$0xFFFFFE80]  }
0x2db: {  	v15 =	vld [tilespmem:s6+$0xFFFFFF00]  }
0x2dc: {  	s1 =	simm.s32 $0x0;
	v16 =	vld [tilespmem:s6+$0xFFFFFF80]  }
0x2dd: {  	v17 =	vld [tilespmem:s6+$0x0];
	[tilespmem:s1+$0xE4C7] =	vst v12  }
0x2de: {  	[tilespmem:s1+$0xE140] =	vst v13;
	v13 =	vld [tilespmem:s6+$0x80]  }
0x2df: {  	[tilespmem:s1+$0xE1C1] =	vst v14;
	v14 =	vld [tilespmem:s6+$0x100]  }
0x2e0: {  	[tilespmem:s1+$0xE242] =	vst v15;
	v12 =	vld [tilespmem:s6+$0x190]  }
0x2e1: {  	[tilespmem:s1+$0xE2C3] =	vst v16;
	v15 =	vld [tilespmem:s6+$0xFFFFFE10]  }
0x2e2: {  	[tilespmem:s1+$0xE344] =	vst v17;
	v16 =	vld [tilespmem:s6+$0xFFFFFE90]  }
0x2e3: {  	v17 =	vld [tilespmem:s6+$0xFFFFFF10];
	[tilespmem:s1+$0xE3C5] =	vst v13  }
0x2e4: {  	v13 =	vld [tilespmem:s6+$0xFFFFFF90];
	[tilespmem:s1+$0xE446] =	vst v14  }
0x2e5: {  	v14 =	vld [tilespmem:s6+$0x10];
	[tilespmem:s1+$0xE4D7] =	vst v12  }
0x2e6: {  	[tilespmem:s1+$0xE150] =	vst v15;
	v15 =	vld [tilespmem:s6+$0x90]  }
0x2e7: {  	[tilespmem:s1+$0xE1D1] =	vst v16;
	v12 =	vld [tilespmem:s6+$0x1A0]  }
0x2e8: {  	[tilespmem:s1+$0xE252] =	vst v17;
	v16 =	vld [tilespmem:s6+$0x110]  }
0x2e9: {  	v17 =	vld [tilespmem:s6+$0xFFFFFE20];
	[tilespmem:s1+$0xE2D3] =	vst v13  }
0x2ea: {  	v13 =	vld [tilespmem:s6+$0xFFFFFEA0];
	[tilespmem:s1+$0xE354] =	vst v14  }
0x2eb: {  	v14 =	vld [tilespmem:s6+$0xFFFFFF20];
	[tilespmem:s1+$0xE3D5] =	vst v15  }
0x2ec: {  	v15 =	vld [tilespmem:s6+$0xFFFFFFA0];
	[tilespmem:s1+$0xE4E7] =	vst v12  }
0x2ed: {  	[tilespmem:s1+$0xE456] =	vst v16;
	v12 =	vld [tilespmem:s6+$0x1B0]  }
0x2ee: {  	v16 =	vld [tilespmem:s6+$0x20];
	[tilespmem:s1+$0xE160] =	vst v17  }
0x2ef: {  	v17 =	vld [tilespmem:s6+$0xA0];
	[tilespmem:s1+$0xE1E1] =	vst v13  }
0x2f0: {  	[tilespmem:s1+$0xE262] =	vst v14;
	v13 =	vld [tilespmem:s6+$0x120]  }
0x2f1: {  	v14 =	vld [tilespmem:s6+$0xFFFFFE30];
	[tilespmem:s1+$0xE2E3] =	vst v15  }
0x2f2: {  	v15 =	vld [tilespmem:s6+$0xFFFFFEB0];
	[tilespmem:s1+$0xE4F7] =	vst v12  }
0x2f3: {  	[tilespmem:s1+$0xE364] =	vst v16;
	v12 =	vld [tilespmem:s6+$0x1C0]  }
0x2f4: {  	v16 =	vld [tilespmem:s6+$0xFFFFFF30];
	[tilespmem:s1+$0xE3E5] =	vst v17  }
0x2f5: {  	v17 =	vld [tilespmem:s6+$0xFFFFFFB0];
	[tilespmem:s1+$0xE466] =	vst v13  }
0x2f6: {  	[tilespmem:s1+$0xE170] =	vst v14;
	v13 =	vld [tilespmem:s6+$0x30]  }
0x2f7: {  	v14 =	vld [tilespmem:s6+$0xB0];
	[tilespmem:s1+$0xE1F1] =	vst v15  }
0x2f8: {  	v15 =	vld [tilespmem:s6+$0x130];
	[tilespmem:s1+$0xE507] =	vst v12  }
0x2f9: {  	[tilespmem:s1+$0xE272] =	vst v16;
	v12 =	vld [tilespmem:s6+$0x1D0]  }
0x2fa: {  	v16 =	vld [tilespmem:s6+$0xFFFFFE40];
	[tilespmem:s1+$0xE2F3] =	vst v17  }
0x2fb: {  	s2 =	simm.s32 $0x0;
	v17 =	vld [tilespmem:s6+$0xFFFFFEC0];
	[tilespmem:s1+$0xE374] =	vst v13  }
0x2fc: {  	s2 =	sand.u32 $0xFFFFFE00, s2;
	v13 =	vld [tilespmem:s6+$0xFFFFFF40];
	[tilespmem:s1+$0xE3F5] =	vst v14  }
0x2fd: {  	s2 =	sadd.s32 $0x28600, s2;
	v14 =	vld [tilespmem:s6+$0xFFFFFFC0];
	[tilespmem:s1+$0xE476] =	vst v15  }
0x2fe: {  	s2 =	sshra.s32 s2, $0x2;
	v15 =	vld [tilespmem:s6+$0x40];
	[tilespmem:s1+$0xE517] =	vst v12  }
0x2ff: {  	[tilespmem:s2+$0x4000] =	vst v16;
	v12 =	vld [tilespmem:s6+$0x1E0]  }
0x300: {  	v16 =	vld [tilespmem:s6+$0xC0];
	[tilespmem:s1+$0xE201] =	vst v17  }
0x301: {  	v17 =	vld [tilespmem:s6+$0x140];
	[tilespmem:s1+$0xE282] =	vst v13  }
0x302: {  	v13 =	vld [tilespmem:s6+$0xFFFFFE50];
	[tilespmem:s1+$0xE303] =	vst v14  }
0x303: {  	v14 =	vld [tilespmem:s6+$0xFFFFFED0];
	[tilespmem:s1+$0xE384] =	vst v15  }
0x304: {  	v15 =	vld [tilespmem:s6+$0xFFFFFF50];
	[tilespmem:s1+$0xE527] =	vst v12  }
0x305: {  	[tilespmem:s1+$0xE405] =	vst v16;
	v12 =	vld [tilespmem:s6+$0x1F0]  }
0x306: {  	v16 =	vld [tilespmem:s6+$0xFFFFFFD0];
	[tilespmem:s1+$0xE486] =	vst v17  }
0x307: {  	v17 =	vld [tilespmem:s6+$0x50];
	[tilespmem:s1+$0xE190] =	vst v13  }
0x308: {  	[tilespmem:s1+$0xE211] =	vst v14;
	v13 =	vld [tilespmem:s6+$0x150]  }
0x309: {  	[tilespmem:s1+$0xE292] =	vst v15;
	v15 =	vld [tilespmem:s6+$0xFFFFFEE0]  }
0x30a: {  	[tilespmem:s1+$0xE537] =	vst v12;
	v12 =	vld [tilespmem:s6+$0xD0]  }
0x30b: {  	v14 =	vld [tilespmem:s6+$0xFFFFFE60];
	[tilespmem:s1+$0xE313] =	vst v16  }
0x30c: {  	v16 =	vld [tilespmem:s6+$0xFFFFFF60];
	[tilespmem:s1+$0xE394] =	vst v17  }
0x30d: {  	v17 =	vld [tilespmem:s6+$0xFFFFFFE0];
	[tilespmem:s1+$0xE496] =	vst v13  }
0x30e: {  	v18 =	vld [tilespmem:s6+$0x60];
	[tilespmem:s1+$0xE221] =	vst v15  }
0x30f: {  	v15 =	vld [tilespmem:s6+$0x160];
	[tilespmem:s1+$0xE415] =	vst v12  }
0x310: {  	[tilespmem:s1+$0xE1A0] =	vst v14;
	v14 =	vld [tilespmem:s6+$0xE0]  }
0x311: {  	v19 =	vld [tilespmem:s6+$0xFFFFFE70];
	[tilespmem:s1+$0xE2A2] =	vst v16  }
0x312: {  	v16 =	vld [tilespmem:s6+$0xFFFFFEF0];
	[tilespmem:s1+$0xE323] =	vst v17  }
0x313: {  	[tilespmem:s1+$0xE3A4] =	vst v18;
	v12 =	vld [tilespmem:s6+$0xFFFFFF70]  }
0x314: {  	v13 =	vld [tilespmem:s6+$0xFFFFFFF0];
	[tilespmem:s1+$0xE4A6] =	vst v15  }
0x315: {  	[tilespmem:s1+$0xE425] =	vst v14;
	v14 =	vld [tilespmem:s6+$0x70]  }
0x316: {  	s4 =	simm.s32 $0x28600;
	[tilespmem:s1+$0xE1B0] =	vst v19;
	v15 =	vld [tilespmem:s6+$0xF0]  }
0x317: {  	s5 =	simm.s32 $0x0;
	s7 =	simm.s32 $0x0;
	[tilespmem:s1+$0xE231] =	vst v16;
	v16 =	vld [tilespmem:s6+$0x170];
	s6 =	simm.s32 $0x2600  }
.LBB2_12:
0x318: {  	v17 =	vld [tilespmem:s6+$0x180];
	s5 =	sadd.s32 $0x8, s5;
	[tilespmem:s1+$0xE2B2] =	vst v12  }
0x319: {  	v12 =	vld [tilespmem:s6+$0xFFFFFE00];
	p0 =	slt.u32 s5, $0x38;
	[tilespmem:s1+$0xE333] =	vst v13  }
0x31a: {  	v13 =	vld [tilespmem:s6+$0xFFFFFE80];
	[tilespmem:s1+$0xE3B4] =	vst v14  }
0x31b: {  	s0 =	sadd.s32 $0x1020, s0;
	v14 =	vld [tilespmem:s6+$0xFFFFFF00];
	[tilespmem:s1+$0xE435] =	vst v15  }
0x31c: {  	v15 =	vld [tilespmem:s6+$0xFFFFFF80];
	[tilespmem:s1+$0xE4B6] =	vst v16;
	s1 =	sshra.s32 s0, $0x2  }
0x31d: {  	v16 =	vld [tilespmem:s6+$0x0];
	[tilespmem:s1+$0xE4C7] =	vst v17  }
0x31e: {  	[tilespmem:s1+$0xE140] =	vst v12;
	v12 =	vld [tilespmem:s6+$0x190]  }
0x31f: {  	[tilespmem:s1+$0xE1C1] =	vst v13;
	v13 =	vld [tilespmem:s6+$0x80]  }
0x320: {  	[tilespmem:s1+$0xE242] =	vst v14;
	v14 =	vld [tilespmem:s6+$0x100]  }
0x321: {  	v17 =	vld [tilespmem:s6+$0xFFFFFE10];
	[tilespmem:s1+$0xE2C3] =	vst v15  }
0x322: {  	v15 =	vld [tilespmem:s6+$0xFFFFFE90];
	[tilespmem:s1+$0xE344] =	vst v16  }
0x323: {  	v16 =	vld [tilespmem:s6+$0xFFFFFF10];
	[tilespmem:s1+$0xE4D7] =	vst v12  }
0x324: {  	[tilespmem:s1+$0xE3C5] =	vst v13;
	v12 =	vld [tilespmem:s6+$0x1A0]  }
0x325: {  	v13 =	vld [tilespmem:s6+$0xFFFFFF90];
	[tilespmem:s1+$0xE446] =	vst v14  }
0x326: {  	[tilespmem:s1+$0xE150] =	vst v17;
	v14 =	vld [tilespmem:s6+$0x10]  }
0x327: {  	[tilespmem:s1+$0xE1D1] =	vst v15;
	v15 =	vld [tilespmem:s6+$0x90]  }
0x328: {  	[tilespmem:s1+$0xE252] =	vst v16;
	v16 =	vld [tilespmem:s6+$0x110]  }
0x329: {  	v17 =	vld [tilespmem:s6+$0xFFFFFE20];
	[tilespmem:s1+$0xE4E7] =	vst v12  }
0x32a: {  	[tilespmem:s1+$0xE2D3] =	vst v13;
	v12 =	vld [tilespmem:s6+$0x1B0]  }
0x32b: {  	v13 =	vld [tilespmem:s6+$0xFFFFFEA0];
	[tilespmem:s1+$0xE354] =	vst v14  }
0x32c: {  	v14 =	vld [tilespmem:s6+$0xFFFFFF20];
	[tilespmem:s1+$0xE3D5] =	vst v15  }
0x32d: {  	v15 =	vld [tilespmem:s6+$0xFFFFFFA0];
	[tilespmem:s1+$0xE456] =	vst v16  }
0x32e: {  	[tilespmem:s1+$0xE160] =	vst v17;
	v16 =	vld [tilespmem:s6+$0x20]  }
0x32f: {  	v17 =	vld [tilespmem:s6+$0xA0];
	[tilespmem:s1+$0xE4F7] =	vst v12  }
0x330: {  	[tilespmem:s1+$0xE1E1] =	vst v13;
	v12 =	vld [tilespmem:s6+$0x1C0]  }
0x331: {  	[tilespmem:s1+$0xE262] =	vst v14;
	v13 =	vld [tilespmem:s6+$0x120]  }
0x332: {  	v14 =	vld [tilespmem:s6+$0xFFFFFE30];
	[tilespmem:s1+$0xE2E3] =	vst v15  }
0x333: {  	v15 =	vld [tilespmem:s6+$0xFFFFFEB0];
	[tilespmem:s1+$0xE364] =	vst v16  }
0x334: {  	v16 =	vld [tilespmem:s6+$0xFFFFFF30];
	[tilespmem:s1+$0xE3E5] =	vst v17  }
0x335: {  	v17 =	vld [tilespmem:s6+$0xFFFFFFB0];
	[tilespmem:s1+$0xE507] =	vst v12  }
0x336: {  	[tilespmem:s1+$0xE466] =	vst v13;
	v12 =	vld [tilespmem:s6+$0x1D0]  }
0x337: {  	[tilespmem:s1+$0xE170] =	vst v14;
	v13 =	vld [tilespmem:s6+$0x30]  }
0x338: {  	[tilespmem:s1+$0xE1F1] =	vst v15;
	v14 =	vld [tilespmem:s6+$0xB0]  }
0x339: {  	[tilespmem:s1+$0xE272] =	vst v16;
	v15 =	vld [tilespmem:s6+$0x130]  }
0x33a: {  	s7 =	sadd.s32 $0x408, s7;
	v16 =	vld [tilespmem:s6+$0xFFFFFE40];
	[tilespmem:s1+$0xE2F3] =	vst v17  }
0x33b: {  	s2 =	sshll.u32 s7, $0x2;
	v17 =	vld [tilespmem:s6+$0xFFFFFEC0];
	[tilespmem:s1+$0xE517] =	vst v12  }
0x33c: {  	s4 =	sadd.s32 $0x20, s4;
	s2 =	sand.u32 $0xFFFFFE00, s2;
	[tilespmem:s1+$0xE374] =	vst v13;
	v12 =	vld [tilespmem:s6+$0x1E0]  }
0x33d: {  	s2 =	sadd.s32 s2, s4;
	v13 =	vld [tilespmem:s6+$0xFFFFFF40];
	[tilespmem:s1+$0xE3F5] =	vst v14  }
0x33e: {  	s2 =	sshra.s32 s2, $0x2;
	v14 =	vld [tilespmem:s6+$0xFFFFFFC0];
	[tilespmem:s1+$0xE476] =	vst v15  }
0x33f: {  	[tilespmem:s2+$0x4000] =	vst v16;
	v15 =	vld [tilespmem:s6+$0x40]  }
0x340: {  	[tilespmem:s1+$0xE201] =	vst v17;
	v16 =	vld [tilespmem:s6+$0xC0]  }
0x341: {  	v17 =	vld [tilespmem:s6+$0x140];
	[tilespmem:s1+$0xE527] =	vst v12  }
0x342: {  	[tilespmem:s1+$0xE282] =	vst v13;
	v12 =	vld [tilespmem:s6+$0x1F0]  }
0x343: {  	v13 =	vld [tilespmem:s6+$0xFFFFFE50];
	[tilespmem:s1+$0xE303] =	vst v14  }
0x344: {  	v14 =	vld [tilespmem:s6+$0xFFFFFED0];
	[tilespmem:s1+$0xE384] =	vst v15  }
0x345: {  	v15 =	vld [tilespmem:s6+$0xFFFFFF50];
	[tilespmem:s1+$0xE405] =	vst v16  }
0x346: {  	v16 =	vld [tilespmem:s6+$0xFFFFFFD0];
	[tilespmem:s1+$0xE486] =	vst v17  }
0x347: {  	v17 =	vld [tilespmem:s6+$0x50];
	[tilespmem:s1+$0xE537] =	vst v12  }
0x348: {  	[tilespmem:s1+$0xE190] =	vst v13;
	v12 =	vld [tilespmem:s6+$0xD0]  }
0x349: {  	[tilespmem:s1+$0xE211] =	vst v14;
	v13 =	vld [tilespmem:s6+$0x150]  }
0x34a: {  	v14 =	vld [tilespmem:s6+$0xFFFFFE60];
	[tilespmem:s1+$0xE292] =	vst v15  }
0x34b: {  	v15 =	vld [tilespmem:s6+$0xFFFFFEE0];
	[tilespmem:s1+$0xE313] =	vst v16  }
0x34c: {  	v16 =	vld [tilespmem:s6+$0xFFFFFF60];
	[tilespmem:s1+$0xE394] =	vst v17  }
0x34d: {  	v17 =	vld [tilespmem:s6+$0xFFFFFFE0];
	[tilespmem:s1+$0xE415] =	vst v12  }
0x34e: {  	v18 =	vld [tilespmem:s6+$0x60];
	[tilespmem:s1+$0xE496] =	vst v13  }
0x34f: {  	[tilespmem:s1+$0xE1A0] =	vst v14;
	v14 =	vld [tilespmem:s6+$0xE0]  }
0x350: {  	[tilespmem:s1+$0xE221] =	vst v15;
	v15 =	vld [tilespmem:s6+$0x160]  }
0x351: {  	v19 =	vld [tilespmem:s6+$0xFFFFFE70];
	[tilespmem:s1+$0xE2A2] =	vst v16  }
0x352: {  	v16 =	vld [tilespmem:s6+$0xFFFFFEF0];
	[tilespmem:s1+$0xE323] =	vst v17  }
.Ltmp5:
0x353: {  	v12 =	vld [tilespmem:s6+$0xFFFFFF70];
	[tilespmem:s1+$0xE3A4] =	vst v18;
	(pc) =	sbr.rel @p0 .LBB2_12-.Ltmp5, $4  }
0x354: {  	v13 =	vld [tilespmem:s6+$0xFFFFFFF0];
	[tilespmem:s1+$0xE425] =	vst v14  }
0x355: {  	v14 =	vld [tilespmem:s6+$0x70];
	[tilespmem:s1+$0xE4A6] =	vst v15  }
0x356: {  	[tilespmem:s1+$0xE1B0] =	vst v19;
	v15 =	vld [tilespmem:s6+$0xF0]  }
0x357: {  	[tilespmem:s1+$0xE231] =	vst v16;
	v16 =	vld [tilespmem:s6+$0x170];
	s6 =	sadd.s32 $0x400, s6  }
0x358: {  	[tilespmem:s1+$0xE2B2] =	vst v12  }
0x359: {  	[tilespmem:s1+$0xE333] =	vst v13  }
0x35a: {  	[tilespmem:s1+$0xE3B4] =	vst v14  }
0x35b: {  	[tilespmem:s1+$0xE435] =	vst v15  }
0x35c: {  	[tilespmem:s1+$0xE4B6] =	vst v16  }
0x35d: {  	_ =	swait.ge [sflag:s3], $0x2000  }
0x35e: {  	s0 =	simm.s32 $0x0;
	[sflag:s3] =	ssyncset.done $0x0  }
0x35f: {  	s6 =	simm.s32 $0x200;
	s30 =	rddreg [dreg:$0xc];
	[sflag:s3] =	ssyncadd.s32 $0xFFFFE000  }
0x360: {  	[tilespmem:s8], [sflag:$0x2] =	stream.linear.gather [hbm4b:s30+s0], $0x2000, $0x38;
	[tilespmem:$0x1C300] =	vst v63  }
0x361: {  	v12 =	vld [tilespmem:s6+$0x180]  }
0x362: {  	v13 =	vld [tilespmem:s6+$0xFFFFFE00]  }
0x363: {  	s31 =	simm.s32 $0x0;
	v14 =	vld [tilespmem:s6+$0xFFFFFE80]  }
0x364: {  	s1 =	sand.u32 $0xFFFFFE00, s31;
	v15 =	vld [tilespmem:s6+$0xFFFFFF00]  }
0x365: {  	s2 =	sadd.s32 $0x30600, s1;
	s1 =	simm.s32 $0x0;
	v16 =	vld [tilespmem:s6+$0xFFFFFF80]  }
0x366: {  	s2 =	sshra.s32 s2, $0x2;
	v17 =	vld [tilespmem:s6+$0x0];
	[tilespmem:s1+$0x10507] =	vst v12  }
0x367: {  	[tilespmem:s2+$0x4000] =	vst v13;
	v13 =	vld [tilespmem:s6+$0x80]  }
0x368: {  	[tilespmem:s1+$0x10201] =	vst v14;
	v14 =	vld [tilespmem:s6+$0x100]  }
0x369: {  	[tilespmem:s1+$0x10282] =	vst v15;
	v12 =	vld [tilespmem:s6+$0x190]  }
0x36a: {  	[tilespmem:s1+$0x10303] =	vst v16;
	v15 =	vld [tilespmem:s6+$0xFFFFFE10]  }
0x36b: {  	[tilespmem:s1+$0x10384] =	vst v17;
	v16 =	vld [tilespmem:s6+$0xFFFFFE90]  }
0x36c: {  	v17 =	vld [tilespmem:s6+$0xFFFFFF10];
	[tilespmem:s1+$0x10405] =	vst v13  }
0x36d: {  	v13 =	vld [tilespmem:s6+$0xFFFFFF90];
	[tilespmem:s1+$0x10486] =	vst v14  }
0x36e: {  	v14 =	vld [tilespmem:s6+$0x10];
	[tilespmem:s1+$0x10517] =	vst v12  }
0x36f: {  	[tilespmem:s1+$0x10190] =	vst v15;
	v15 =	vld [tilespmem:s6+$0x90]  }
0x370: {  	[tilespmem:s1+$0x10211] =	vst v16;
	v12 =	vld [tilespmem:s6+$0x1A0]  }
0x371: {  	[tilespmem:s1+$0x10292] =	vst v17;
	v16 =	vld [tilespmem:s6+$0x110]  }
0x372: {  	v17 =	vld [tilespmem:s6+$0xFFFFFE20];
	[tilespmem:s1+$0x10313] =	vst v13  }
0x373: {  	v13 =	vld [tilespmem:s6+$0xFFFFFEA0];
	[tilespmem:s1+$0x10394] =	vst v14  }
0x374: {  	v14 =	vld [tilespmem:s6+$0xFFFFFF20];
	[tilespmem:s1+$0x10415] =	vst v15  }
0x375: {  	v15 =	vld [tilespmem:s6+$0xFFFFFFA0];
	[tilespmem:s1+$0x10527] =	vst v12  }
0x376: {  	[tilespmem:s1+$0x10496] =	vst v16;
	v12 =	vld [tilespmem:s6+$0x1B0]  }
0x377: {  	v16 =	vld [tilespmem:s6+$0x20];
	[tilespmem:s1+$0x101A0] =	vst v17  }
0x378: {  	v17 =	vld [tilespmem:s6+$0xA0];
	[tilespmem:s1+$0x10221] =	vst v13  }
0x379: {  	[tilespmem:s1+$0x102A2] =	vst v14;
	v13 =	vld [tilespmem:s6+$0x120]  }
0x37a: {  	v14 =	vld [tilespmem:s6+$0xFFFFFE30];
	[tilespmem:s1+$0x10323] =	vst v15  }
0x37b: {  	v15 =	vld [tilespmem:s6+$0xFFFFFEB0];
	[tilespmem:s1+$0x10537] =	vst v12  }
0x37c: {  	[tilespmem:s1+$0x103A4] =	vst v16;
	v12 =	vld [tilespmem:s6+$0x1C0]  }
0x37d: {  	v16 =	vld [tilespmem:s6+$0xFFFFFF30];
	[tilespmem:s1+$0x10425] =	vst v17  }
0x37e: {  	v17 =	vld [tilespmem:s6+$0xFFFFFFB0];
	[tilespmem:s1+$0x104A6] =	vst v13  }
0x37f: {  	[tilespmem:s1+$0x101B0] =	vst v14;
	v13 =	vld [tilespmem:s6+$0x30]  }
0x380: {  	v14 =	vld [tilespmem:s6+$0xB0];
	[tilespmem:s1+$0x10231] =	vst v15  }
0x381: {  	v15 =	vld [tilespmem:s6+$0x130];
	[tilespmem:s1+$0x10547] =	vst v12  }
0x382: {  	[tilespmem:s1+$0x102B2] =	vst v16;
	v12 =	vld [tilespmem:s6+$0x1D0]  }
0x383: {  	v16 =	vld [tilespmem:s6+$0xFFFFFE40];
	[tilespmem:s1+$0x10333] =	vst v17  }
0x384: {  	v17 =	vld [tilespmem:s6+$0xFFFFFEC0];
	[tilespmem:s1+$0x103B4] =	vst v13  }
0x385: {  	v13 =	vld [tilespmem:s6+$0xFFFFFF40];
	[tilespmem:s1+$0x10435] =	vst v14  }
0x386: {  	v14 =	vld [tilespmem:s6+$0xFFFFFFC0];
	[tilespmem:s1+$0x104B6] =	vst v15  }
0x387: {  	v15 =	vld [tilespmem:s6+$0x40];
	[tilespmem:s1+$0x10557] =	vst v12  }
0x388: {  	[tilespmem:s1+$0x101C0] =	vst v16;
	v12 =	vld [tilespmem:s6+$0x1E0]  }
0x389: {  	v16 =	vld [tilespmem:s6+$0xC0];
	[tilespmem:s1+$0x10241] =	vst v17  }
0x38a: {  	v17 =	vld [tilespmem:s6+$0x140];
	[tilespmem:s1+$0x102C2] =	vst v13  }
0x38b: {  	v13 =	vld [tilespmem:s6+$0xFFFFFE50];
	[tilespmem:s1+$0x10343] =	vst v14  }
0x38c: {  	v14 =	vld [tilespmem:s6+$0xFFFFFED0];
	[tilespmem:s1+$0x103C4] =	vst v15  }
0x38d: {  	v15 =	vld [tilespmem:s6+$0xFFFFFF50];
	[tilespmem:s1+$0x10567] =	vst v12  }
0x38e: {  	[tilespmem:s1+$0x10445] =	vst v16;
	v12 =	vld [tilespmem:s6+$0x1F0]  }
0x38f: {  	v16 =	vld [tilespmem:s6+$0xFFFFFFD0];
	[tilespmem:s1+$0x104C6] =	vst v17  }
0x390: {  	v17 =	vld [tilespmem:s6+$0x50];
	[tilespmem:s1+$0x101D0] =	vst v13  }
0x391: {  	[tilespmem:s1+$0x10251] =	vst v14;
	v13 =	vld [tilespmem:s6+$0x150]  }
0x392: {  	[tilespmem:s1+$0x102D2] =	vst v15;
	v15 =	vld [tilespmem:s6+$0xFFFFFEE0]  }
0x393: {  	[tilespmem:s1+$0x10577] =	vst v12;
	v12 =	vld [tilespmem:s6+$0xD0]  }
0x394: {  	v14 =	vld [tilespmem:s6+$0xFFFFFE60];
	[tilespmem:s1+$0x10353] =	vst v16  }
0x395: {  	v16 =	vld [tilespmem:s6+$0xFFFFFF60];
	[tilespmem:s1+$0x103D4] =	vst v17  }
0x396: {  	v17 =	vld [tilespmem:s6+$0xFFFFFFE0];
	[tilespmem:s1+$0x104D6] =	vst v13  }
0x397: {  	[tilespmem:s1+$0x10261] =	vst v15;
	v15 =	vld [tilespmem:s6+$0x160]  }
0x398: {  	[tilespmem:s1+$0x10455] =	vst v12;
	v12 =	vld [tilespmem:s6+$0x60]  }
0x399: {  	[tilespmem:s1+$0x101E0] =	vst v14;
	v18 =	vld [tilespmem:s6+$0xE0]  }
0x39a: {  	v19 =	vld [tilespmem:s6+$0xFFFFFE70];
	[tilespmem:s1+$0x102E2] =	vst v16  }
0x39b: {  	v20 =	vld [tilespmem:s6+$0xFFFFFEF0];
	[tilespmem:s1+$0x10363] =	vst v17  }
0x39c: {  	v13 =	vld [tilespmem:s6+$0xFFFFFF70];
	[tilespmem:s1+$0x104E6] =	vst v15  }
0x39d: {  	v14 =	vld [tilespmem:s6+$0xFFFFFFF0];
	[tilespmem:s1+$0x103E4] =	vst v12  }
0x39e: {  	[tilespmem:s1+$0x10465] =	vst v18;
	v12 =	vld [tilespmem:s6+$0x70]  }
0x39f: {  	s4 =	simm.s32 $0x30600;
	[tilespmem:s1+$0x101F0] =	vst v19;
	v16 =	vld [tilespmem:s6+$0xF0]  }
0x3a0: {  	s5 =	simm.s32 $0x0;
	s7 =	simm.s32 $0x0;
	[tilespmem:s1+$0x10271] =	vst v20;
	v15 =	vld [tilespmem:s6+$0x170];
	s6 =	simm.s32 $0x600  }
.LBB2_14:
0x3a1: {  	v17 =	vld [tilespmem:s6+$0x180];
	s5 =	sadd.s32 $0x8, s5;
	[tilespmem:s1+$0x102F2] =	vst v13  }
0x3a2: {  	s0 =	sadd.s32 $0x408, s0;
	v13 =	vld [tilespmem:s6+$0xFFFFFE00];
	p0 =	slt.u32 s5, $0x38;
	[tilespmem:s1+$0x10373] =	vst v14  }
0x3a3: {  	s2 =	sshll.u32 s0, $0x2;
	v14 =	vld [tilespmem:s6+$0xFFFFFE80];
	[tilespmem:s1+$0x103F4] =	vst v12  }
0x3a4: {  	s7 =	sadd.s32 $0x1020, s7;
	s4 =	sadd.s32 $0x20, s4;
	s2 =	sand.u32 $0xFFFFFE00, s2;
	v12 =	vld [tilespmem:s6+$0xFFFFFF00];
	[tilespmem:s1+$0x10475] =	vst v16  }
0x3a5: {  	s2 =	sadd.s32 s2, s4;
	v16 =	vld [tilespmem:s6+$0xFFFFFF80];
	[tilespmem:s1+$0x104F6] =	vst v15;
	s1 =	sshra.s32 s7, $0x2  }
0x3a6: {  	s2 =	sshra.s32 s2, $0x2;
	v15 =	vld [tilespmem:s6+$0x0];
	[tilespmem:s1+$0x10507] =	vst v17  }
0x3a7: {  	[tilespmem:s2+$0x4000] =	vst v13;
	v13 =	vld [tilespmem:s6+$0x190]  }
0x3a8: {  	[tilespmem:s1+$0x10201] =	vst v14;
	v14 =	vld [tilespmem:s6+$0x80]  }
0x3a9: {  	[tilespmem:s1+$0x10282] =	vst v12;
	v12 =	vld [tilespmem:s6+$0x100]  }
0x3aa: {  	v17 =	vld [tilespmem:s6+$0xFFFFFE10];
	[tilespmem:s1+$0x10303] =	vst v16  }
0x3ab: {  	v16 =	vld [tilespmem:s6+$0xFFFFFE90];
	[tilespmem:s1+$0x10384] =	vst v15  }
0x3ac: {  	v15 =	vld [tilespmem:s6+$0xFFFFFF10];
	[tilespmem:s1+$0x10517] =	vst v13  }
0x3ad: {  	[tilespmem:s1+$0x10405] =	vst v14;
	v13 =	vld [tilespmem:s6+$0x1A0]  }
0x3ae: {  	v14 =	vld [tilespmem:s6+$0xFFFFFF90];
	[tilespmem:s1+$0x10486] =	vst v12  }
0x3af: {  	[tilespmem:s1+$0x10190] =	vst v17;
	v12 =	vld [tilespmem:s6+$0x10]  }
0x3b0: {  	[tilespmem:s1+$0x10211] =	vst v16;
	v16 =	vld [tilespmem:s6+$0x90]  }
0x3b1: {  	[tilespmem:s1+$0x10292] =	vst v15;
	v15 =	vld [tilespmem:s6+$0x110]  }
0x3b2: {  	v17 =	vld [tilespmem:s6+$0xFFFFFE20];
	[tilespmem:s1+$0x10527] =	vst v13  }
0x3b3: {  	[tilespmem:s1+$0x10313] =	vst v14;
	v13 =	vld [tilespmem:s6+$0x1B0]  }
0x3b4: {  	v14 =	vld [tilespmem:s6+$0xFFFFFEA0];
	[tilespmem:s1+$0x10394] =	vst v12  }
0x3b5: {  	v12 =	vld [tilespmem:s6+$0xFFFFFF20];
	[tilespmem:s1+$0x10415] =	vst v16  }
0x3b6: {  	v16 =	vld [tilespmem:s6+$0xFFFFFFA0];
	[tilespmem:s1+$0x10496] =	vst v15  }
0x3b7: {  	[tilespmem:s1+$0x101A0] =	vst v17;
	v15 =	vld [tilespmem:s6+$0x20]  }
0x3b8: {  	v17 =	vld [tilespmem:s6+$0xA0];
	[tilespmem:s1+$0x10537] =	vst v13  }
0x3b9: {  	[tilespmem:s1+$0x10221] =	vst v14;
	v13 =	vld [tilespmem:s6+$0x1C0]  }
0x3ba: {  	[tilespmem:s1+$0x102A2] =	vst v12;
	v12 =	vld [tilespmem:s6+$0x120]  }
0x3bb: {  	v14 =	vld [tilespmem:s6+$0xFFFFFE30];
	[tilespmem:s1+$0x10323] =	vst v16  }
0x3bc: {  	v16 =	vld [tilespmem:s6+$0xFFFFFEB0];
	[tilespmem:s1+$0x103A4] =	vst v15  }
0x3bd: {  	v15 =	vld [tilespmem:s6+$0xFFFFFF30];
	[tilespmem:s1+$0x10425] =	vst v17  }
0x3be: {  	v17 =	vld [tilespmem:s6+$0xFFFFFFB0];
	[tilespmem:s1+$0x10547] =	vst v13  }
0x3bf: {  	[tilespmem:s1+$0x104A6] =	vst v12;
	v12 =	vld [tilespmem:s6+$0x1D0]  }
0x3c0: {  	[tilespmem:s1+$0x101B0] =	vst v14;
	v13 =	vld [tilespmem:s6+$0x30]  }
0x3c1: {  	[tilespmem:s1+$0x10231] =	vst v16;
	v14 =	vld [tilespmem:s6+$0xB0]  }
0x3c2: {  	[tilespmem:s1+$0x102B2] =	vst v15;
	v15 =	vld [tilespmem:s6+$0x130]  }
0x3c3: {  	v16 =	vld [tilespmem:s6+$0xFFFFFE40];
	[tilespmem:s1+$0x10333] =	vst v17  }
0x3c4: {  	v17 =	vld [tilespmem:s6+$0xFFFFFEC0];
	[tilespmem:s1+$0x10557] =	vst v12  }
0x3c5: {  	[tilespmem:s1+$0x103B4] =	vst v13;
	v12 =	vld [tilespmem:s6+$0x1E0]  }
0x3c6: {  	v13 =	vld [tilespmem:s6+$0xFFFFFF40];
	[tilespmem:s1+$0x10435] =	vst v14  }
0x3c7: {  	v14 =	vld [tilespmem:s6+$0xFFFFFFC0];
	[tilespmem:s1+$0x104B6] =	vst v15  }
0x3c8: {  	[tilespmem:s1+$0x101C0] =	vst v16;
	v15 =	vld [tilespmem:s6+$0x40]  }
0x3c9: {  	[tilespmem:s1+$0x10241] =	vst v17;
	v16 =	vld [tilespmem:s6+$0xC0]  }
0x3ca: {  	v17 =	vld [tilespmem:s6+$0x140];
	[tilespmem:s1+$0x10567] =	vst v12  }
0x3cb: {  	[tilespmem:s1+$0x102C2] =	vst v13;
	v12 =	vld [tilespmem:s6+$0x1F0]  }
0x3cc: {  	v13 =	vld [tilespmem:s6+$0xFFFFFE50];
	[tilespmem:s1+$0x10343] =	vst v14  }
0x3cd: {  	v14 =	vld [tilespmem:s6+$0xFFFFFED0];
	[tilespmem:s1+$0x103C4] =	vst v15  }
0x3ce: {  	v15 =	vld [tilespmem:s6+$0xFFFFFF50];
	[tilespmem:s1+$0x10445] =	vst v16  }
0x3cf: {  	v16 =	vld [tilespmem:s6+$0xFFFFFFD0];
	[tilespmem:s1+$0x104C6] =	vst v17  }
0x3d0: {  	v17 =	vld [tilespmem:s6+$0x50];
	[tilespmem:s1+$0x10577] =	vst v12  }
0x3d1: {  	[tilespmem:s1+$0x101D0] =	vst v13;
	v12 =	vld [tilespmem:s6+$0xD0]  }
0x3d2: {  	[tilespmem:s1+$0x10251] =	vst v14;
	v13 =	vld [tilespmem:s6+$0x150]  }
0x3d3: {  	v14 =	vld [tilespmem:s6+$0xFFFFFE60];
	[tilespmem:s1+$0x102D2] =	vst v15  }
0x3d4: {  	v15 =	vld [tilespmem:s6+$0xFFFFFEE0];
	[tilespmem:s1+$0x10353] =	vst v16  }
0x3d5: {  	v16 =	vld [tilespmem:s6+$0xFFFFFF60];
	[tilespmem:s1+$0x103D4] =	vst v17  }
0x3d6: {  	v17 =	vld [tilespmem:s6+$0xFFFFFFE0];
	[tilespmem:s1+$0x10455] =	vst v12  }
0x3d7: {  	v12 =	vld [tilespmem:s6+$0x60];
	[tilespmem:s1+$0x104D6] =	vst v13  }
0x3d8: {  	[tilespmem:s1+$0x101E0] =	vst v14;
	v18 =	vld [tilespmem:s6+$0xE0]  }
0x3d9: {  	[tilespmem:s1+$0x10261] =	vst v15;
	v15 =	vld [tilespmem:s6+$0x160]  }
0x3da: {  	v19 =	vld [tilespmem:s6+$0xFFFFFE70];
	[tilespmem:s1+$0x102E2] =	vst v16  }
0x3db: {  	v20 =	vld [tilespmem:s6+$0xFFFFFEF0];
	[tilespmem:s1+$0x10363] =	vst v17  }
.Ltmp6:
0x3dc: {  	v13 =	vld [tilespmem:s6+$0xFFFFFF70];
	[tilespmem:s1+$0x103E4] =	vst v12;
	(pc) =	sbr.rel @p0 .LBB2_14-.Ltmp6, $4  }
0x3dd: {  	v14 =	vld [tilespmem:s6+$0xFFFFFFF0];
	[tilespmem:s1+$0x10465] =	vst v18  }
0x3de: {  	v12 =	vld [tilespmem:s6+$0x70];
	[tilespmem:s1+$0x104E6] =	vst v15  }
0x3df: {  	[tilespmem:s1+$0x101F0] =	vst v19;
	v16 =	vld [tilespmem:s6+$0xF0]  }
0x3e0: {  	[tilespmem:s1+$0x10271] =	vst v20;
	v15 =	vld [tilespmem:s6+$0x170];
	s6 =	sadd.s32 $0x400, s6  }
0x3e1: {  	[tilespmem:s1+$0x102F2] =	vst v13  }
0x3e2: {  	[tilespmem:s1+$0x10373] =	vst v14  }
0x3e3: {  	[tilespmem:s1+$0x103F4] =	vst v12  }
0x3e4: {  	[tilespmem:s1+$0x10475] =	vst v16  }
0x3e5: {  	[tilespmem:s1+$0x104F6] =	vst v15  }
0x3e6: {  	_ =	swait.ge [sflag:s9], $0x2000  }
0x3e7: {  	[sflag:s9] =	ssyncset.done $0x0  }
0x3e8: {  	s6 =	simm.s32 $0x2200;
	[sflag:s9] =	ssyncadd.s32 $0xFFFFE000  }
0x3e9: {  	v12 =	vld [tilespmem:s6+$0x180]  }
0x3ea: {  	v13 =	vld [tilespmem:s6+$0xFFFFFE00]  }
0x3eb: {  	v14 =	vld [tilespmem:s6+$0xFFFFFE80]  }
0x3ec: {  	v15 =	vld [tilespmem:s6+$0xFFFFFF00]  }
0x3ed: {  	s4 =	simm.s32 $0x0;
	v16 =	vld [tilespmem:s6+$0xFFFFFF80]  }
0x3ee: {  	v17 =	vld [tilespmem:s6+$0x0];
	[tilespmem:s4+$0x12547] =	vst v12  }
0x3ef: {  	[tilespmem:s4+$0x121C0] =	vst v13;
	v13 =	vld [tilespmem:s6+$0x80]  }
0x3f0: {  	[tilespmem:s4+$0x12241] =	vst v14;
	v14 =	vld [tilespmem:s6+$0x100]  }
0x3f1: {  	[tilespmem:s4+$0x122C2] =	vst v15;
	v12 =	vld [tilespmem:s6+$0x190]  }
0x3f2: {  	[tilespmem:s4+$0x12343] =	vst v16;
	v15 =	vld [tilespmem:s6+$0xFFFFFE10]  }
0x3f3: {  	[tilespmem:s4+$0x123C4] =	vst v17;
	v16 =	vld [tilespmem:s6+$0xFFFFFE90]  }
0x3f4: {  	v17 =	vld [tilespmem:s6+$0xFFFFFF10];
	[tilespmem:s4+$0x12445] =	vst v13  }
0x3f5: {  	v13 =	vld [tilespmem:s6+$0xFFFFFF90];
	[tilespmem:s4+$0x124C6] =	vst v14  }
0x3f6: {  	v14 =	vld [tilespmem:s6+$0x10];
	[tilespmem:s4+$0x12557] =	vst v12  }
0x3f7: {  	[tilespmem:s4+$0x121D0] =	vst v15;
	v15 =	vld [tilespmem:s6+$0x90]  }
0x3f8: {  	[tilespmem:s4+$0x12251] =	vst v16;
	v12 =	vld [tilespmem:s6+$0x1A0]  }
0x3f9: {  	[tilespmem:s4+$0x122D2] =	vst v17;
	v16 =	vld [tilespmem:s6+$0x110]  }
0x3fa: {  	v17 =	vld [tilespmem:s6+$0xFFFFFE20];
	[tilespmem:s4+$0x12353] =	vst v13  }
0x3fb: {  	v13 =	vld [tilespmem:s6+$0xFFFFFEA0];
	[tilespmem:s4+$0x123D4] =	vst v14  }
0x3fc: {  	v14 =	vld [tilespmem:s6+$0xFFFFFF20];
	[tilespmem:s4+$0x12455] =	vst v15  }
0x3fd: {  	v15 =	vld [tilespmem:s6+$0xFFFFFFA0];
	[tilespmem:s4+$0x12567] =	vst v12  }
0x3fe: {  	[tilespmem:s4+$0x124D6] =	vst v16;
	v12 =	vld [tilespmem:s6+$0x1B0]  }
0x3ff: {  	v16 =	vld [tilespmem:s6+$0x20];
	[tilespmem:s4+$0x121E0] =	vst v17  }
0x400: {  	v17 =	vld [tilespmem:s6+$0xA0];
	[tilespmem:s4+$0x12261] =	vst v13  }
0x401: {  	[tilespmem:s4+$0x122E2] =	vst v14;
	v13 =	vld [tilespmem:s6+$0x120]  }
0x402: {  	v14 =	vld [tilespmem:s6+$0xFFFFFE30];
	[tilespmem:s4+$0x12363] =	vst v15  }
0x403: {  	v15 =	vld [tilespmem:s6+$0xFFFFFEB0];
	[tilespmem:s4+$0x12577] =	vst v12  }
0x404: {  	[tilespmem:s4+$0x123E4] =	vst v16;
	v12 =	vld [tilespmem:s6+$0x1C0]  }
0x405: {  	v16 =	vld [tilespmem:s6+$0xFFFFFF30];
	[tilespmem:s4+$0x12465] =	vst v17  }
0x406: {  	v17 =	vld [tilespmem:s6+$0xFFFFFFB0];
	[tilespmem:s4+$0x124E6] =	vst v13  }
0x407: {  	[tilespmem:s4+$0x121F0] =	vst v14;
	v13 =	vld [tilespmem:s6+$0x30]  }
0x408: {  	v14 =	vld [tilespmem:s6+$0xB0];
	[tilespmem:s4+$0x12271] =	vst v15  }
0x409: {  	v15 =	vld [tilespmem:s6+$0x130];
	[tilespmem:s4+$0x12587] =	vst v12  }
0x40a: {  	[tilespmem:s4+$0x122F2] =	vst v16;
	v12 =	vld [tilespmem:s6+$0x1D0]  }
0x40b: {  	v16 =	vld [tilespmem:s6+$0xFFFFFE40];
	[tilespmem:s4+$0x12373] =	vst v17  }
0x40c: {  	s0 =	simm.s32 $0x0;
	v17 =	vld [tilespmem:s6+$0xFFFFFEC0];
	[tilespmem:s4+$0x123F4] =	vst v13  }
0x40d: {  	s0 =	sand.u32 $0xFFFFFE00, s0;
	v13 =	vld [tilespmem:s6+$0xFFFFFF40];
	[tilespmem:s4+$0x12475] =	vst v14  }
0x40e: {  	s0 =	sadd.s32 $0x38800, s0;
	v14 =	vld [tilespmem:s6+$0xFFFFFFC0];
	[tilespmem:s4+$0x124F6] =	vst v15  }
0x40f: {  	s0 =	sshra.s32 s0, $0x2;
	v15 =	vld [tilespmem:s6+$0x40];
	[tilespmem:s4+$0x12597] =	vst v12  }
0x410: {  	[tilespmem:s0+$0x4000] =	vst v16;
	v12 =	vld [tilespmem:s6+$0x1E0]  }
0x411: {  	v16 =	vld [tilespmem:s6+$0xC0];
	[tilespmem:s4+$0x12281] =	vst v17  }
0x412: {  	v17 =	vld [tilespmem:s6+$0x140];
	[tilespmem:s4+$0x12302] =	vst v13  }
0x413: {  	v13 =	vld [tilespmem:s6+$0xFFFFFE50];
	[tilespmem:s4+$0x12383] =	vst v14  }
0x414: {  	v14 =	vld [tilespmem:s6+$0xFFFFFED0];
	[tilespmem:s4+$0x12404] =	vst v15  }
0x415: {  	v15 =	vld [tilespmem:s6+$0xFFFFFF50];
	[tilespmem:s4+$0x125A7] =	vst v12  }
0x416: {  	[tilespmem:s4+$0x12485] =	vst v16;
	v12 =	vld [tilespmem:s6+$0x1F0]  }
0x417: {  	v16 =	vld [tilespmem:s6+$0xFFFFFFD0];
	[tilespmem:s4+$0x12506] =	vst v17  }
0x418: {  	v17 =	vld [tilespmem:s6+$0x50];
	[tilespmem:s4+$0x12210] =	vst v13  }
0x419: {  	[tilespmem:s4+$0x12291] =	vst v14;
	v13 =	vld [tilespmem:s6+$0x150]  }
0x41a: {  	[tilespmem:s4+$0x12312] =	vst v15;
	v15 =	vld [tilespmem:s6+$0xFFFFFEE0]  }
0x41b: {  	[tilespmem:s4+$0x125B7] =	vst v12;
	v12 =	vld [tilespmem:s6+$0xD0]  }
0x41c: {  	v14 =	vld [tilespmem:s6+$0xFFFFFE60];
	[tilespmem:s4+$0x12393] =	vst v16  }
0x41d: {  	v16 =	vld [tilespmem:s6+$0xFFFFFF60];
	[tilespmem:s4+$0x12414] =	vst v17  }
0x41e: {  	v17 =	vld [tilespmem:s6+$0xFFFFFFE0];
	[tilespmem:s4+$0x12516] =	vst v13  }
0x41f: {  	[tilespmem:s4+$0x122A1] =	vst v15;
	v15 =	vld [tilespmem:s6+$0x160]  }
0x420: {  	[tilespmem:s4+$0x12495] =	vst v12;
	v12 =	vld [tilespmem:s6+$0x60]  }
0x421: {  	[tilespmem:s4+$0x12220] =	vst v14;
	v18 =	vld [tilespmem:s6+$0xE0]  }
0x422: {  	v19 =	vld [tilespmem:s6+$0xFFFFFE70];
	[tilespmem:s4+$0x12322] =	vst v16  }
0x423: {  	v20 =	vld [tilespmem:s6+$0xFFFFFEF0];
	[tilespmem:s4+$0x123A3] =	vst v17  }
0x424: {  	v14 =	vld [tilespmem:s6+$0xFFFFFF70];
	[tilespmem:s4+$0x12526] =	vst v15  }
0x425: {  	v13 =	vld [tilespmem:s6+$0xFFFFFFF0];
	[tilespmem:s4+$0x12424] =	vst v12  }
0x426: {  	[tilespmem:s4+$0x124A5] =	vst v18;
	v12 =	vld [tilespmem:s6+$0x70]  }
0x427: {  	s5 =	simm.s32 $0x0;
	s7 =	simm.s32 $0x0;
	s8 =	simm.s32 $0x0;
	[tilespmem:s4+$0x12230] =	vst v19;
	v16 =	vld [tilespmem:s6+$0xF0]  }
0x428: {  	s1 =	simm.s32 $0x38800;
	s0 =	simm.s32 $0x0;
	[tilespmem:s4+$0x122B1] =	vst v20;
	v15 =	vld [tilespmem:s6+$0x170];
	s6 =	simm.s32 $0x2600  }
.LBB2_16:
0x429: {  	v17 =	vld [tilespmem:s6+$0x180];
	s5 =	sadd.s32 $0x8, s5;
	[tilespmem:s4+$0x12332] =	vst v14  }
0x42a: {  	v14 =	vld [tilespmem:s6+$0xFFFFFE00];
	p0 =	slt.u32 s5, $0x38;
	[tilespmem:s4+$0x123B3] =	vst v13  }
0x42b: {  	v13 =	vld [tilespmem:s6+$0xFFFFFE80];
	[tilespmem:s4+$0x12434] =	vst v12  }
0x42c: {  	s7 =	sadd.s32 $0x1020, s7;
	v12 =	vld [tilespmem:s6+$0xFFFFFF00];
	[tilespmem:s4+$0x124B5] =	vst v16  }
0x42d: {  	v16 =	vld [tilespmem:s6+$0xFFFFFF80];
	[tilespmem:s4+$0x12536] =	vst v15;
	s4 =	sshra.s32 s7, $0x2  }
0x42e: {  	v15 =	vld [tilespmem:s6+$0x0];
	[tilespmem:s4+$0x12547] =	vst v17  }
0x42f: {  	[tilespmem:s4+$0x121C0] =	vst v14;
	v14 =	vld [tilespmem:s6+$0x190]  }
0x430: {  	[tilespmem:s4+$0x12241] =	vst v13;
	v13 =	vld [tilespmem:s6+$0x80]  }
0x431: {  	[tilespmem:s4+$0x122C2] =	vst v12;
	v12 =	vld [tilespmem:s6+$0x100]  }
0x432: {  	v17 =	vld [tilespmem:s6+$0xFFFFFE10];
	[tilespmem:s4+$0x12343] =	vst v16  }
0x433: {  	v16 =	vld [tilespmem:s6+$0xFFFFFE90];
	[tilespmem:s4+$0x123C4] =	vst v15  }
0x434: {  	v15 =	vld [tilespmem:s6+$0xFFFFFF10];
	[tilespmem:s4+$0x12557] =	vst v14  }
0x435: {  	[tilespmem:s4+$0x12445] =	vst v13;
	v13 =	vld [tilespmem:s6+$0x1A0]  }
0x436: {  	v14 =	vld [tilespmem:s6+$0xFFFFFF90];
	[tilespmem:s4+$0x124C6] =	vst v12  }
0x437: {  	[tilespmem:s4+$0x121D0] =	vst v17;
	v12 =	vld [tilespmem:s6+$0x10]  }
0x438: {  	[tilespmem:s4+$0x12251] =	vst v16;
	v16 =	vld [tilespmem:s6+$0x90]  }
0x439: {  	[tilespmem:s4+$0x122D2] =	vst v15;
	v15 =	vld [tilespmem:s6+$0x110]  }
0x43a: {  	v17 =	vld [tilespmem:s6+$0xFFFFFE20];
	[tilespmem:s4+$0x12567] =	vst v13  }
0x43b: {  	[tilespmem:s4+$0x12353] =	vst v14;
	v13 =	vld [tilespmem:s6+$0x1B0]  }
0x43c: {  	v14 =	vld [tilespmem:s6+$0xFFFFFEA0];
	[tilespmem:s4+$0x123D4] =	vst v12  }
0x43d: {  	v12 =	vld [tilespmem:s6+$0xFFFFFF20];
	[tilespmem:s4+$0x12455] =	vst v16  }
0x43e: {  	v16 =	vld [tilespmem:s6+$0xFFFFFFA0];
	[tilespmem:s4+$0x124D6] =	vst v15  }
0x43f: {  	[tilespmem:s4+$0x121E0] =	vst v17;
	v15 =	vld [tilespmem:s6+$0x20]  }
0x440: {  	v17 =	vld [tilespmem:s6+$0xA0];
	[tilespmem:s4+$0x12577] =	vst v13  }
0x441: {  	[tilespmem:s4+$0x12261] =	vst v14;
	v13 =	vld [tilespmem:s6+$0x1C0]  }
0x442: {  	[tilespmem:s4+$0x122E2] =	vst v12;
	v12 =	vld [tilespmem:s6+$0x120]  }
0x443: {  	v14 =	vld [tilespmem:s6+$0xFFFFFE30];
	[tilespmem:s4+$0x12363] =	vst v16  }
0x444: {  	v16 =	vld [tilespmem:s6+$0xFFFFFEB0];
	[tilespmem:s4+$0x123E4] =	vst v15  }
0x445: {  	v15 =	vld [tilespmem:s6+$0xFFFFFF30];
	[tilespmem:s4+$0x12465] =	vst v17  }
0x446: {  	v17 =	vld [tilespmem:s6+$0xFFFFFFB0];
	[tilespmem:s4+$0x12587] =	vst v13  }
0x447: {  	[tilespmem:s4+$0x124E6] =	vst v12;
	v12 =	vld [tilespmem:s6+$0x1D0]  }
0x448: {  	[tilespmem:s4+$0x121F0] =	vst v14;
	v13 =	vld [tilespmem:s6+$0x30]  }
0x449: {  	[tilespmem:s4+$0x12271] =	vst v16;
	v14 =	vld [tilespmem:s6+$0xB0]  }
0x44a: {  	[tilespmem:s4+$0x122F2] =	vst v15;
	v15 =	vld [tilespmem:s6+$0x130]  }
0x44b: {  	s8 =	sadd.s32 $0x408, s8;
	v16 =	vld [tilespmem:s6+$0xFFFFFE40];
	[tilespmem:s4+$0x12373] =	vst v17  }
0x44c: {  	s2 =	sshll.u32 s8, $0x2;
	v17 =	vld [tilespmem:s6+$0xFFFFFEC0];
	[tilespmem:s4+$0x12597] =	vst v12  }
0x44d: {  	s1 =	sadd.s32 $0x20, s1;
	s2 =	sand.u32 $0xFFFFFE00, s2;
	[tilespmem:s4+$0x123F4] =	vst v13;
	v12 =	vld [tilespmem:s6+$0x1E0]  }
0x44e: {  	s2 =	sadd.s32 s2, s1;
	v13 =	vld [tilespmem:s6+$0xFFFFFF40];
	[tilespmem:s4+$0x12475] =	vst v14  }
0x44f: {  	s2 =	sshra.s32 s2, $0x2;
	v14 =	vld [tilespmem:s6+$0xFFFFFFC0];
	[tilespmem:s4+$0x124F6] =	vst v15  }
0x450: {  	[tilespmem:s2+$0x4000] =	vst v16;
	v15 =	vld [tilespmem:s6+$0x40]  }
0x451: {  	[tilespmem:s4+$0x12281] =	vst v17;
	v16 =	vld [tilespmem:s6+$0xC0]  }
0x452: {  	v17 =	vld [tilespmem:s6+$0x140];
	[tilespmem:s4+$0x125A7] =	vst v12  }
0x453: {  	[tilespmem:s4+$0x12302] =	vst v13;
	v12 =	vld [tilespmem:s6+$0x1F0]  }
0x454: {  	v13 =	vld [tilespmem:s6+$0xFFFFFE50];
	[tilespmem:s4+$0x12383] =	vst v14  }
0x455: {  	v14 =	vld [tilespmem:s6+$0xFFFFFED0];
	[tilespmem:s4+$0x12404] =	vst v15  }
0x456: {  	v15 =	vld [tilespmem:s6+$0xFFFFFF50];
	[tilespmem:s4+$0x12485] =	vst v16  }
0x457: {  	v16 =	vld [tilespmem:s6+$0xFFFFFFD0];
	[tilespmem:s4+$0x12506] =	vst v17  }
0x458: {  	v17 =	vld [tilespmem:s6+$0x50];
	[tilespmem:s4+$0x125B7] =	vst v12  }
0x459: {  	[tilespmem:s4+$0x12210] =	vst v13;
	v12 =	vld [tilespmem:s6+$0xD0]  }
0x45a: {  	[tilespmem:s4+$0x12291] =	vst v14;
	v13 =	vld [tilespmem:s6+$0x150]  }
0x45b: {  	v14 =	vld [tilespmem:s6+$0xFFFFFE60];
	[tilespmem:s4+$0x12312] =	vst v15  }
0x45c: {  	v15 =	vld [tilespmem:s6+$0xFFFFFEE0];
	[tilespmem:s4+$0x12393] =	vst v16  }
0x45d: {  	v16 =	vld [tilespmem:s6+$0xFFFFFF60];
	[tilespmem:s4+$0x12414] =	vst v17  }
0x45e: {  	v17 =	vld [tilespmem:s6+$0xFFFFFFE0];
	[tilespmem:s4+$0x12495] =	vst v12  }
0x45f: {  	v12 =	vld [tilespmem:s6+$0x60];
	[tilespmem:s4+$0x12516] =	vst v13  }
0x460: {  	[tilespmem:s4+$0x12220] =	vst v14;
	v18 =	vld [tilespmem:s6+$0xE0]  }
0x461: {  	[tilespmem:s4+$0x122A1] =	vst v15;
	v15 =	vld [tilespmem:s6+$0x160]  }
0x462: {  	v19 =	vld [tilespmem:s6+$0xFFFFFE70];
	[tilespmem:s4+$0x12322] =	vst v16  }
0x463: {  	v20 =	vld [tilespmem:s6+$0xFFFFFEF0];
	[tilespmem:s4+$0x123A3] =	vst v17  }
.Ltmp7:
0x464: {  	v14 =	vld [tilespmem:s6+$0xFFFFFF70];
	[tilespmem:s4+$0x12424] =	vst v12;
	(pc) =	sbr.rel @p0 .LBB2_16-.Ltmp7, $4  }
0x465: {  	v13 =	vld [tilespmem:s6+$0xFFFFFFF0];
	[tilespmem:s4+$0x124A5] =	vst v18  }
0x466: {  	v12 =	vld [tilespmem:s6+$0x70];
	[tilespmem:s4+$0x12526] =	vst v15  }
0x467: {  	[tilespmem:s4+$0x12230] =	vst v19;
	v16 =	vld [tilespmem:s6+$0xF0]  }
0x468: {  	[tilespmem:s4+$0x122B1] =	vst v20;
	v15 =	vld [tilespmem:s6+$0x170];
	s6 =	sadd.s32 $0x400, s6  }
0x469: {  	s1 =	simm.s32 $0x0  }
0x46a: {  	s0 =	sand.u32 $0x78, s0;
	s2 =	smul.u32 $0x408, s1  }
0x46b: {  	s31 =	sor.u32 $0x6, s0  }
0x46c: {  	s3 =	sadd.s32 s2, s31  }
0x46d: {  	[tilespmem:s4+$0x12332] =	vst v14;
	v14 =	vadd.s32 s3, v0  }
0x46e: {  	[tilespmem:s4+$0x123B3] =	vst v13;
	s6 =	sadd.s32 s0, s2;
	v13 =	vadd.s32 s3, v2  }
0x46f: {  	[tilespmem:s4+$0x12434] =	vst v12;
	v12 =	vadd.s32 s3, v59;
	s5 =	sor.u32 $0x7, s6  }
0x470: {  	[tilespmem:s4+$0x124B5] =	vst v16;
	v16 =	vadd.s32 s5, v2  }
0x471: {  	[tilespmem:s4+$0x12536] =	vst v15;
	v15 =	vadd.s32 s5, v59  }
0x472: {  	s7 =	sor.u32 $0x1, s6;
	v17 =	vadd.s32 s3, v4;
	v14 =	vld.idx.msk [tilespmem:v14+s13+$0x0], $0xffff  }
0x473: {  	v18 =	vadd.s32 s7, v59;
	v13 =	vld.idx.msk [tilespmem:v13+s13+$0x0], $0xffff  }
0x474: {  	v19 =	vadd.s32 s5, v4;
	v12 =	vld.idx.msk [tilespmem:v12+s13+$0x0], $0xffff  }
0x475: {  	s8 =	sor.u32 $0x3, s6;
	v20 =	vadd.s32 s5, v0;
	v16 =	vld.idx.msk [tilespmem:v16+s13+$0x0], $0xffff  }
0x476: {  	s9 =	sor.u32 $0x5, s6;
	v21 =	vadd.s32 s8, v59;
	v15 =	vld.idx.msk [tilespmem:v15+s13+$0x0], $0xffff  }
0x477: {  	v22 =	vadd.s32 s9, v59;
	v17 =	vld.idx.msk [tilespmem:v17+s13+$0x0], $0xffff;
	(xrf1) =	vsort.dscd.msk.f32 $0xffff, v14, v1  }
0x478: {  	v18 =	vld.idx.msk [tilespmem:v18+s13+$0x0], $0xffff;
	v14 =	vadd.s32 s7, v2;
	(xrf1) =	vsort.dscd.msk.f32 $0xffff, v13, v3  }
0x479: {  	v19 =	vld.idx.msk [tilespmem:v19+s13+$0x0], $0xffff;
	v13 =	vadd.s32 s7, v4;
	(xrf1) =	vsort.dscd.msk.f32 $0xffff, v12, v6  }
0x47a: {  	v20 =	vld.idx.msk [tilespmem:v20+s13+$0x0], $0xffff;
	v12 =	vadd.s32 s8, v2;
	(xrf1) =	vsort.dscd.msk.f32 $0xffff, v16, v3  }
0x47b: {  	v21 =	vld.idx.msk [tilespmem:v21+s13+$0x0], $0xffff;
	v16 =	vadd.s32 s8, v4;
	(xrf1) =	vsort.dscd.msk.f32 $0xffff, v15, v6  }
0x47c: {  	v22 =	vld.idx.msk [tilespmem:v22+s13+$0x0], $0xffff;
	v15 =	vadd.s32 s9, v2;
	(xrf1) =	vsort.dscd.msk.f32 $0xffff, v17, v62  }
0x47d: {  	v17 =	vadd.s32 s9, v4;
	v14 =	vld.idx.msk [tilespmem:v14+s13+$0x0], $0xffff;
	(xrf1) =	vsort.dscd.msk.f32 $0xffff, v18, v6  }
0x47e: {  	s11 =	sor.u32 $0x2, s0;
	v13 =	vld.idx.msk [tilespmem:v13+s13+$0x0], $0xffff;
	(xrf1) =	vsort.dscd.msk.f32 $0xffff, v19, v62  }
0x47f: {  	s12 =	sor.u32 $0x4, s0;
	s16 =	sadd.s32 s2, s11;
	v18 =	vadd.s32 s6, v59;
	v12 =	vld.idx.msk [tilespmem:v12+s13+$0x0], $0xffff;
	(xrf1) =	vsort.dscd.msk.f32 $0xffff, v20, v1  }
0x480: {  	s2 =	sadd.s32 s2, s12;
	v19 =	vadd.s32 s16, v59;
	v16 =	vld.idx.msk [tilespmem:v16+s13+$0x0], $0xffff;
	(xrf1) =	vsort.dscd.msk.f32 $0xffff, v21, v6  }
0x481: {  	v20 =	vadd.s32 s2, v59;
	v15 =	vld.idx.msk [tilespmem:v15+s13+$0x0], $0xffff;
	(xrf1) =	vsort.dscd.msk.f32 $0xffff, v22, v6  }
0x482: {  	v17 =	vld.idx.msk [tilespmem:v17+s13+$0x0], $0xffff;
	(xrf1) =	vsort.dscd.msk.f32 $0xffff, v14, v3  }
0x483: {  	(xrf1) =	vsort.dscd.msk.f32 $0xffff, v13, v62  }
0x484: {  	v14 =	vld.idx.msk [tilespmem:v18+s13+$0x0], $0xffff;
	(xrf1) =	vsort.dscd.msk.f32 $0xffff, v12, v3  }
0x485: {  	v13 =	vld.idx.msk [tilespmem:v19+s13+$0x0], $0xffff;
	(xrf1) =	vsort.dscd.msk.f32 $0xffff, v16, v62;
	v16, v18, _ =	vpop (xrf1)  }
0x486: {  	v23 =	vadd.s32 s6, v2;
	v12 =	vld.idx.msk [tilespmem:v20+s13+$0x0], $0xffff;
	(xrf1) =	vsort.dscd.msk.f32 $0xffff, v15, v3;
	v15, v22, _ =	vpop (xrf1)  }
0x487: {  	v24 =	vadd.s32 s6, v4;
	v26 =	vadd.s32 s16, v2;
	v28 =	vadd.s32 s16, v4;
	(xrf1) =	vsort.dscd.msk.f32 $0xffff, v17, v62;
	v17, v25, _ =	vpop (xrf1)  }
0x488: {  	v30 =	vadd.s32 s2, v2;
	v22 =	vperm.xlane v22, v5;
	v25 =	vperm.xlane v25, v5  }
0x489: {  	v19 =	vadd.s32 s7, v0;
	v15 =	vperm.xlane v15, v5;
	(xrf1) =	vsort.dscd.msk.f32 $0xffff, v14, v6;
	v14, v27, _ =	vpop (xrf1);
	v17 =	vperm.xlane v17, v5  }
0x48a: {  	v20 =	vadd.s32 s8, v0;
	v27 =	vperm.xlane v27, v5;
	(xrf1) =	vsort.dscd.msk.f32 $0xffff, v13, v6;
	v13, v29, _ =	vpop (xrf1);
	v14 =	vperm.xlane v14, v5  }
0x48b: {  	v21 =	vadd.s32 s9, v0;
	vm1 =	vge.f32 v16, v15;
	v29 =	vperm.xlane v29, v5;
	(xrf1) =	vsort.dscd.msk.f32 $0xffff, v12, v6;
	v12, v31, _ =	vpop (xrf1)  }
0x48c: {  	v13 =	vperm.xlane v13, v5;
	v15 =	vsel vm1, v16, v15;
	vm2 =	vge.f32 v12, v17;
	v32, v33, _ =	vpop (xrf1)  }
0x48d: {  	v18 =	vsel vm1, v18, v22;
	v12 =	vsel vm2, v12, v17;
	v16 =	vsel vm2, v31, v25;
	v17, v25, _ =	vpop (xrf1)  }
0x48e: {  	v19 =	vld.idx.msk [tilespmem:v19+s13+$0x0], $0xffff;
	v12 =	vperm.xlane v12, v57;
	v16 =	vperm.xlane v16, v57;
	vm2 =	vge.f32 v17, v13  }
0x48f: {  	v20 =	vld.idx.msk [tilespmem:v20+s13+$0x0], $0xffff;
	v32 =	vperm.xlane v32, v5;
	v33 =	vperm.xlane v33, v5;
	v13 =	vsel vm2, v17, v13  }
0x490: {  	v26 =	vld.idx.msk [tilespmem:v26+s13+$0x0], $0xffff;
	v31, v34, _ =	vpop (xrf1);
	v12 =	vsel vm0, v15, v12;
	v15 =	vsel vm0, v18, v16;
	v16 =	vsel vm2, v25, v29  }
0x491: {  	vm1 =	vge.f32 v31, v14;
	v17 =	vld.idx.msk [tilespmem:v21+s13+$0x0], $0xffff;
	v21, v22, _ =	vpop (xrf1);
	v13 =	vperm.xlane v13, v57;
	v16 =	vperm.xlane v16, v57  }
0x492: {  	v18 =	vld.idx.msk [tilespmem:v23+s13+$0x0], $0xffff;
	v23, v25, _ =	vpop (xrf1);
	(xrf1) =	vsort.dscd.msk.f32 $0xffff, v12, v15;
	v14 =	vsel vm1, v31, v14;
	v27 =	vsel vm1, v34, v27  }
0x493: {  	v12 =	vld.idx.msk [tilespmem:v24+s13+$0x0], $0xffff;
	v22 =	vperm.xlane v22, v5;
	(xrf1) =	vsort.dscd.msk.f32 $0xffff, v19, v1;
	v23 =	vperm.xlane v23, v5;
	v15, v24, _ =	vpop (xrf1)  }
0x494: {  	v19 =	vadd.s32 s2, v4;
	v13 =	vsel vm0, v14, v13;
	v14 =	vsel vm0, v27, v16;
	(xrf1) =	vsort.dscd.msk.f32 $0xffff, v20, v1;
	v29, v31, _ =	vpop (xrf1)  }
0x495: {  	v25 =	vperm.xlane v25, v5;
	v16 =	vadd.s32 s6, v0;
	v27, v34, _ =	vpop (xrf1);
	(xrf1) =	vsort.dscd.msk.f32 $0xffff, v13, v14;
	v14 =	vperm.xlane v21, v5  }
0x496: {  	v20 =	vadd.s32 s16, v0;
	v15 =	vperm.xlane v15, v5;
	v13 =	vld.idx.msk [tilespmem:v28+s13+$0x0], $0xffff;
	v21, v28, _ =	vpop (xrf1);
	(xrf1) =	vsort.dscd.msk.f32 $0xffff, v17, v1  }
0x497: {  	vm1 =	vge.f32 v29, v32;
	v17 =	vadd.s32 s2, v0;
	v35, v36, _ =	vpop (xrf1);
	(xrf1) =	vsort.dscd.msk.f32 $0xffff, v18, v3;
	vm2 =	vge.f32 v21, v14  }
0x498: {  	v27 =	vperm.xlane v27, v5;
	v18 =	vld.idx.msk [tilespmem:v30+s13+$0x0], $0xffff;
	v30, v37, _ =	vpop (xrf1);
	(xrf1) =	vsort.dscd.msk.f32 $0xffff, v12, v62;
	v14 =	vsel vm2, v21, v14  }
0x499: {  	v12 =	vld.idx.msk [tilespmem:v19+s13+$0x0], $0xffff;
	v21 =	vsel vm2, v28, v22;
	v22 =	vperm.xlane v24, v5;
	vm3 =	vge.f32 v30, v23  }
0x49a: {  	v16 =	vld.idx.msk [tilespmem:v16+s13+$0x0], $0xffff;
	v19, v38, _ =	vpop (xrf1);
	(xrf1) =	vsort.dscd.msk.f32 $0xffff, v26, v3;
	v26 =	vperm.xlane v35, v5;
	v14 =	vperm.xlane v14, v57  }
0x49b: {  	v20 =	vld.idx.msk [tilespmem:v20+s13+$0x0], $0xffff;
	v21 =	vperm.xlane v21, v57;
	v19 =	vperm.xlane v19, v5;
	(xrf1) =	vsort.dscd.msk.f32 $0xffff, v13, v62  }
0x49c: {  	v39, v40, _ =	vpop (xrf1);
	v13 =	vsel vm1, v29, v32;
	v29 =	vsel vm1, v31, v33;
	v25 =	vsel vm3, v37, v25  }
0x49d: {  	v39 =	vperm.xlane v39, v5;
	v24 =	vperm.xlane v40, v5;
	(xrf1) =	vsort.dscd.msk.f32 $0xffff, v18, v3  }
0x49e: {  	v63, v41, _ =	vpop (xrf1);
	v31 =	vld.idx.msk [tilespmem:v17+s13+$0x0], $0xffff;
	v28 =	vperm.xlane v13, v57;
	v29 =	vperm.xlane v29, v57;
	(xrf1) =	vsort.dscd.msk.f32 $0xffff, v12, v62  }
0x49f: {  	v25 =	vperm.xlane v25, v57;
	v35 =	vperm.xlane v63, v5;
	(xrf1) =	vsort.dscd.msk.f32 $0xffff, v16, v1  }
0x4a0: {  	v18 =	vsel vm3, v30, v23;
	v23 =	vperm.xlane v36, v5;
	(xrf1) =	vsort.dscd.msk.f32 $0xffff, v20, v1;
	v20, v17, _ =	vpop (xrf1)  }
0x4a1: {  	v30 =	vperm.xlane v41, v5;
	v12 =	vperm.xlane v34, v5;
	v8, v9, _ =	vpop (xrf1)  }
0x4a2: {  	v18 =	vperm.xlane v18, v57;
	v16 =	vperm.xlane v38, v5;
	(xrf0) =	vmax.scan.msk.f32 $0xffff, v20;
	v10, v11, _ =	vpop (xrf1);
	vm1 =	vge.f32 v8, v15  }
0x4a3: {  	(xrf1) =	vsort.dscd.msk.f32 $0xffff, v31, v1;
	v15 =	vsel vm1, v8, v15;
	v22 =	vsel vm1, v9, v22;
	v31, v13, _ =	vpop (xrf1)  }
0x4a4: {  	vm2 =	vge.f32 v10, v27;
	v15 =	vsel vm0, v15, v28;
	v22 =	vsel vm0, v22, v29;
	(xrf0) =	vmax.scan.msk.f32 $0xffff, v31  }
0x4a5: {  	v27 =	vsel vm2, v10, v27;
	v12 =	vsel vm2, v11, v12;
	v41, v40, _ =	vpop (xrf1);
	(xrf1) =	vsort.dscd.msk.f32 $0xffff, v15, v22  }
0x4a6: {  	v14 =	vsel vm0, v27, v14;
	v12 =	vsel vm0, v12, v21;
	vm1 =	vge.f32 v41, v26;
	v42, v43, _ =	vpop (xrf1)  }
0x4a7: {  	v33 =	vperm.xlane v42, v5;
	v26 =	vsel vm1, v41, v26;
	v45, v44, _ =	vpop (xrf1);
	v34 =	vperm.xlane v43, v5  }
0x4a8: {  	v23 =	vsel vm1, v40, v23;
	v46, _, _ =	vpop (xrf0);
	vm2 =	vge.f32 v45, v19;
	v18 =	vsel vm0, v26, v18  }
0x4a9: {  	v47 =	vbroadcast v46, $0xF;
	v48, v49, _ =	vpop (xrf1);
	v23 =	vsel vm0, v23, v25;
	(xrf1) =	vsort.dscd.msk.f32 $0xffff, v14, v12;
	v19 =	vsel vm2, v45, v19  }
0x4aa: {  	v16 =	vsel vm2, v44, v16;
	v28 =	vperm.xlane v48, v5;
	v50 =	vperm.xlane v49, v5;
	v52, v51, _ =	vpop (xrf1)  }
0x4ab: {  	vm1 =	vge.f32 v52, v39;
	v20 =	vsub.f32 v20, v47;
	v19 =	vperm.xlane v19, v57;
	v29, _, _ =	vpop (xrf0)  }
0x4ac: {  	v16 =	vperm.xlane v16, v57;
	v53 =	vsel vm1, v52, v39;
	v54, v55, _ =	vpop (xrf1);
	v29 =	vbroadcast v29, $0xF  }
0x4ad: {  	v24 =	vsel vm1, v51, v24;
	v15 =	vperm.xlane v54, v5;
	v20 =	vmul.f32 $1.442695020e+00, v20;
	v22, v27, _ =	vpop (xrf1)  }
0x4ae: {  	v56 =	vperm.xlane v55, v5;
	v25 =	vperm.xlane v53, v57;
	vm1 =	vge.f32 v22, v35  }
0x4af: {  	s17 =	simm.s32 $0x0;
	s29 =	simm.s32 $0x8;
	v12 =	vperm.xlane v24, v57;
	v29 =	vsub.f32 v31, v29;
	v27 =	vsel vm1, v27, v30;
	v21, v30, _ =	vpop (xrf1)  }
0x4b0: {  	s24 =	sand.u32 $0x78, s29;
	s18 =	smul.u32 $0x408, s17;
	v22 =	vsel vm1, v22, v35;
	(erf) = vpow2.f32 v20;
	vm1 =	vge.f32 v21, v33  }
0x4b1: {  	s25 =	sor.u32 $0x6, s24;
	(xrf1) =	vsort.dscd.msk.f32 $0xffff, v18, v23;
	v24 =	vmul.f32 $1.442695020e+00, v29;
	v18 =	vsel vm1, v21, v33;
	v21 =	vsel vm1, v30, v34  }
0x4b2: {  	s2 =	sadd.s32 s18, s25;
	v26, v31, _ =	vpop (xrf1);
	v14 =	vperm.xlane v22, v57;
	v18 =	vsel vm0, v18, v19;
	v16 =	vsel vm0, v21, v16  }
0x4b3: {  	v20, v58, _ =	vpop (xrf1);
	vm2 =	vge.f32 v26, v28;
	(erf) = vpow2.f32 v24;
	(xrf1) =	vsort.dscd.msk.f32 $0xffff, v18, v16;
	v16 =	vadd.s32 s2, v0  }
0x4b4: {  	vm3 =	vge.f32 v20, v15;
	v23 =	vsel vm2, v26, v28;
	v26 =	vsel vm2, v31, v50  }
0x4b5: {  	v15 =	vsel vm3, v20, v15;
	v20 =	vsel vm3, v58, v56;
	v18 =	vadd.s32 s2, v2  }
0x4b6: {  	s19 =	sadd.s32 s24, s18;
	v22 =	vperm.xlane v27, v57;
	v19 =	vsel vm0, v23, v25;
	v12 =	vsel vm0, v26, v12  }
0x4b7: {  	s20 =	sor.u32 $0x7, s19;
	v14 =	vsel vm0, v15, v14;
	(xrf1) =	vsort.dscd.msk.f32 $0xffff, v19, v12;
	v19 =	vadd.s32 s2, v59  }
0x4b8: {  	v15 =	vsel vm0, v20, v22;
	v22 =	vadd.s32 s20, v2;
	v20, v21, _ =	vpop (xrf1);
	v28 =	vld.idx.msk [tilespmem:v16+s13+$0x0], $0xffff  }
0x4b9: {  	v26 =	vadd.s32 s20, v59;
	(xrf1) =	vsort.dscd.msk.f32 $0xffff, v14, v15;
	v23, v25, _ =	vpop (xrf1)  }
0x4ba: {  	(xrf0) =	vmax.scan.msk.f32 $0xffff, v20;
	v14 =	vpop (erf);
	v63 =	vld.idx.msk [tilespmem:v18+s13+$0x0], $0xffff  }
0x4bb: {  	v29 =	vadd.s32 s2, v4;
	(xrf0) =	vmax.scan.msk.f32 $0xffff, v23;
	v12 =	vnsel vm0, $0x0, v14  }
0x4bc: {  	s21 =	sor.u32 $0x1, s19;
	v8 =	vld.idx.msk [tilespmem:v19+s13+$0x0], $0xffff;
	(xrf2) =	vadd.scan.msk.f32 $0xffff, v12;
	v15 =	vpop (erf)  }
0x4bd: {  	v31 =	vadd.s32 s21, v59;
	v22 =	vld.idx.msk [tilespmem:v22+s13+$0x0], $0xffff;
	v12 =	vnsel vm0, $0x0, v15;
	(xrf1) =	vsort.dscd.msk.f32 $0xffff, v28, v1  }
0x4be: {  	v44 =	vld.idx.msk [tilespmem:v26+s13+$0x0], $0xffff;
	(xrf2) =	vadd.scan.msk.f32 $0xffff, v12  }
0x4bf: {  	v9 =	vadd.s32 s20, v4;
	v27, v15, _ =	vpop (xrf1);
	(xrf1) =	vsort.dscd.msk.f32 $0xffff, v63, v3  }
0x4c0: {  	s22 =	sor.u32 $0x3, s19;
	v10 =	vadd.s32 s20, v0;
	v29 =	vld.idx.msk [tilespmem:v29+s13+$0x0], $0xffff;
	(xrf0) =	vmax.scan.msk.f32 $0xffff, v27  }
0x4c1: {  	s23 =	sor.u32 $0x5, s19;
	v11 =	vadd.s32 s22, v59;
	(xrf1) =	vsort.dscd.msk.f32 $0xffff, v8, v6  }
0x4c2: {  	v45 =	vadd.s32 s23, v59;
	v31 =	vld.idx.msk [tilespmem:v31+s13+$0x0], $0xffff;
	(xrf1) =	vsort.dscd.msk.f32 $0xffff, v22, v3  }
0x4c3: {  	v28 =	vadd.s32 s21, v2;
	v30, v24, _ =	vpop (xrf1);
	(xrf1) =	vsort.dscd.msk.f32 $0xffff, v44, v6  }
0x4c4: {  	v47 =	vadd.s32 s21, v4;
	v35 =	vld.idx.msk [tilespmem:v9+s13+$0x0], $0xffff;
	(xrf0) =	vmax.scan.msk.f32 $0xffff, v30  }
0x4c5: {  	v49 =	vadd.s32 s22, v2;
	v36 =	vld.idx.msk [tilespmem:v10+s13+$0x0], $0xffff;
	v33, v18, _ =	vpop (xrf1);
	(xrf1) =	vsort.dscd.msk.f32 $0xffff, v29, v62  }
0x4c6: {  	v37 =	vld.idx.msk [tilespmem:v11+s13+$0x0], $0xffff;
	v22 =	vadd.s32 s22, v4;
	(xrf0) =	vmax.scan.msk.f32 $0xffff, v33  }
0x4c7: {  	v39 =	vld.idx.msk [tilespmem:v45+s13+$0x0], $0xffff;
	v16, v19, _ =	vpop (xrf1);
	(xrf1) =	vsort.dscd.msk.f32 $0xffff, v31, v6  }
0x4c8: {  	v42 =	vadd.s32 s23, v2;
	v46, _, _ =	vpop (xrf0);
	v28 =	vld.idx.msk [tilespmem:v28+s13+$0x0], $0xffff;
	(xrf0) =	vmax.scan.msk.f32 $0xffff, v16  }
0x4c9: {  	v51 =	vadd.s32 s23, v4;
	v52 =	vld.idx.msk [tilespmem:v47+s13+$0x0], $0xffff;
	v48, _, _ =	vpop (xrf0);
	(xrf1) =	vsort.dscd.msk.f32 $0xffff, v35, v62  }
0x4ca: {  	v54 =	vld.idx.msk [tilespmem:v49+s13+$0x0], $0xffff;
	v26 =	vperm.xlane v21, v57;
	v21, _, _ =	vpop (xrf2);
	(xrf1) =	vsort.dscd.msk.f32 $0xffff, v36, v1  }
0x4cb: {  	s28 =	sor.u32 $0x2, s24;
	s26 =	sor.u32 $0x4, s24;
	v32 =	vbroadcast v46, $0xF;
	v34 =	vbroadcast v48, $0xF;
	v31 =	vadd.s32 s19, v59;
	v22 =	vld.idx.msk [tilespmem:v22+s13+$0x0], $0xffff;
	(xrf1) =	vsort.dscd.msk.f32 $0xffff, v37, v6;
	v50, _, _ =	vpop (xrf2)  }
0x4cc: {  	s30 =	sadd.s32 s18, s28;
	s8 =	sadd.s32 s18, s26;
	v38 =	vadd.s32 s23, v0;
	v41 =	vadd.s32 s19, v4;
	(xrf1) =	vsort.dscd.msk.f32 $0xffff, v39, v6;
	v29 =	vbroadcast v50, $0xF  }
0x4cd: {  	v43 =	vadd.s32 s30, v2;
	v55 =	vadd.s32 s8, v59;
	v56 =	vld.idx.msk [tilespmem:v42+s13+$0x0], $0xffff;
	v20 =	vsub.f32 v20, v32;
	(xrf1) =	vsort.dscd.msk.f32 $0xffff, v28, v3  }
0x4ce: {  	v58 =	vld.idx.msk [tilespmem:v51+s13+$0x0], $0xffff;
	v21 =	vbroadcast v21, $0xF;
	(xrf1) =	vsort.dscd.msk.f32 $0xffff, v52, v62;
	(erf) = vrcp.f32 v29;
	v29 =	vadd.s32 s30, v59  }
0x4cf: {  	s10 =	simm.s32 $0x0;
	v25 =	vperm.xlane v25, v57;
	v23 =	vsub.f32 v23, v34;
	v20 =	vmul.f32 $1.442695020e+00, v20;
	v53, _, _ =	vpop (xrf0);
	(xrf1) =	vsort.dscd.msk.f32 $0xffff, v54, v3  }
0x4d0: {  	v35 =	vbroadcast v53, $0xF;
	v31 =	vld.idx.msk [tilespmem:v31+s13+$0x0], $0xffff;
	(xrf1) =	vsort.dscd.msk.f32 $0xffff, v22, v62;
	v22, v34, _ =	vpop (xrf1);
	(erf) = vrcp.f32 v21;
	v21 =	vmov s10  }
0x4d1: {  	v23 =	vmul.f32 $1.442695020e+00, v23;
	v10, v9, _ =	vpop (xrf1);
	(erf) = vpow2.f32 v20;
	v20 =	vmul.u32 $0x82, v21  }
0x4d2: {  	v21 =	vsub.f32 v27, v35;
	v27, _, _ =	vpop (xrf0);
	v11 =	vperm.xlane v9, v5;
	v37 =	vperm.xlane v10, v5  }
0x4d3: {  	v45 =	vadd.s32 s30, v4;
	(xrf1) =	vsort.dscd.msk.f32 $0xffff, v56, v3;
	v52, v51, _ =	vpop (xrf1);
	(erf) = vpow2.f32 v23;
	v23 =	vbroadcast v27, $0xF;
	v29 =	vld.idx.msk [tilespmem:v29+s13+$0x0], $0xffff  }
0x4d4: {  	v8 =	vadd.s32 s22, v0;
	(xrf1) =	vsort.dscd.msk.f32 $0xffff, v58, v62;
	v28, _, _ =	vpop (xrf0);
	v40 =	vperm.xlane v51, v5;
	v35 =	vperm.xlane v52, v5  }
0x4d5: {  	v39 =	vadd.s32 s19, v2;
	(xrf1) =	vsort.dscd.msk.f32 $0xffff, v31, v6;
	v31, v53, _ =	vpop (xrf1);
	v27 =	vbroadcast v20, $0x0;
	v28 =	vbroadcast v28, $0xF  }
0x4d6: {  	v20 =	vmul.f32 $1.442695020e+00, v21;
	v42 =	vperm.xlane v53, v5;
	vm1 =	vge.f32 v22, v37;
	v21, _, _ =	vpop (xrf0)  }
0x4d7: {  	v63 =	vld.idx.msk [tilespmem:v55+s13+$0x0], $0xffff;
	v23 =	vsub.f32 v30, v23;
	v30 =	vadd.s32 s21, v0;
	v28 =	vsub.f32 v33, v28;
	v50 =	vpop (erf)  }
0x4d8: {  	v52 =	vadd.s32 s8, v2;
	v31 =	vperm.xlane v31, v5;
	v22 =	vsel vm1, v22, v37;
	(xrf1) =	vsort.dscd.msk.f32 $0xffff, v29, v6;
	v29, v44, _ =	vpop (xrf1)  }
0x4d9: {  	v33 =	vsel vm1, v34, v11;
	v21 =	vbroadcast v21, $0xF;
	v28 =	vmul.f32 $1.442695020e+00, v28;
	v54, v46, _ =	vpop (xrf1)  }
0x4da: {  	(erf) = vpow2.f32 v20;
	v29 =	vperm.xlane v29, v5;
	vm2 =	vge.f32 v54, v35;
	v47, v48, _ =	vpop (xrf1)  }
0x4db: {  	v36 =	vld.idx.msk [tilespmem:v8+s13+$0x0], $0xffff;
	v16 =	vsub.f32 v16, v21;
	v32 =	vsel vm2, v54, v35;
	v55 =	vsel vm2, v46, v40;
	v56, v58, _ =	vpop (xrf1)  }
0x4dc: {  	v30 =	vld.idx.msk [tilespmem:v30+s13+$0x0], $0xffff;
	v32 =	vperm.xlane v32, v57;
	v35 =	vperm.xlane v55, v57;
	vm2 =	vge.f32 v56, v29  }
0x4dd: {  	v20 =	vmul.f32 $1.442695020e+00, v23;
	v44 =	vperm.xlane v44, v5;
	(xrf1) =	vsort.dscd.msk.f32 $0xffff, v63, v6;
	v63, v49, _ =	vpop (xrf1);
	v8 =	vsel vm2, v56, v29  }
0x4de: {  	v11 =	vld.idx.msk [tilespmem:v38+s13+$0x0], $0xffff;
	v29 =	vpop (erf);
	v22 =	vsel vm0, v22, v32;
	v9 =	vsel vm0, v33, v35;
	v34 =	vperm.xlane v8, v57  }
0x4df: {  	v21 =	vld.idx.msk [tilespmem:v41+s13+$0x0], $0xffff;
	v48 =	vperm.xlane v48, v5;
	v10 =	vsel vm2, v58, v44;
	v53, v54, _ =	vpop (xrf1);
	(xrf1) =	vsort.dscd.msk.f32 $0xffff, v22, v9  }
0x4e0: {  	vm1 =	vge.f32 v63, v31;
	(erf) = vpow2.f32 v20;
	v33 =	vperm.xlane v10, v57;
	v22 =	vld.idx.msk [tilespmem:v39+s13+$0x0], $0xffff;
	v23, v55, _ =	vpop (xrf1)  }
0x4e1: {  	v20 =	vmul.f32 $1.442695020e+00, v16;
	v31 =	vsel vm1, v63, v31;
	v51 =	vsel vm1, v49, v42;
	v35 =	vpop (erf);
	(xrf1) =	vsort.dscd.msk.f32 $0xffff, v30, v1  }
0x4e2: {  	v16 =	vld.idx.msk [tilespmem:v45+s13+$0x0], $0xffff;
	v30 =	vsel vm0, v31, v34;
	v31 =	vsel vm0, v51, v33;
	v38 =	vpop (erf);
	(xrf1) =	vsort.dscd.msk.f32 $0xffff, v36, v1  }
0x4e3: {  	v40 =	vperm.xlane v53, v5;
	(xrf1) =	vsort.dscd.msk.f32 $0xffff, v30, v31;
	v30 =	vmul.f32 v50, v12;
	v12 =	vadd.s32 s8, v4;
	v56, v34, _ =	vpop (xrf1)  }
0x4e4: {  	v42 =	vperm.xlane v54, v5;
	v23 =	vperm.xlane v23, v5;
	v31 =	vld.idx.msk [tilespmem:v43+s13+$0x0], $0xffff;
	v8, v41, _ =	vpop (xrf1);
	(xrf1) =	vsort.dscd.msk.f32 $0xffff, v11, v1  }
0x4e5: {  	v9 =	vadd.s32 s19, v0;
	v32 =	vperm.xlane v55, v5;
	v11 =	vperm.xlane v47, v5;
	v10, v44, _ =	vpop (xrf1);
	(xrf1) =	vsort.dscd.msk.f32 $0xffff, v22, v3  }
0x4e6: {  	v39 =	vld.idx.msk [tilespmem:v52+s13+$0x0], $0xffff;
	(erf) = vpow2.f32 v28;
	v54 =	vperm.xlane v56, v5;
	v22 =	vadd.s32 s30, v0;
	v58, v63, _ =	vpop (xrf1)  }
0x4e7: {  	v0 =	vadd.s32 s8, v0;
	vm1 =	vge.f32 v8, v11;
	v43 =	vperm.xlane v10, v5;
	v2, v51, _ =	vpop (xrf1);
	(xrf1) =	vsort.dscd.msk.f32 $0xffff, v21, v62  }
0x4e8: {  	v44 =	vperm.xlane v44, v5;
	v12 =	vld.idx.msk [tilespmem:v12+s13+$0x0], $0xffff;
	vm2 =	vge.f32 v58, v40;
	v36 =	vsel vm1, v8, v11;
	v21, v52, _ =	vpop (xrf1)  }
0x4e9: {  	(erf) = vpow2.f32 v20;
	v41 =	vsel vm1, v41, v48;
	(xrf1) =	vsort.dscd.msk.f32 $0xffff, v31, v3;
	v45 =	vperm.xlane v2, v5;
	v31, v53, _ =	vpop (xrf1)  }
0x4ea: {  	v40 =	vsel vm2, v58, v40;
	v28 =	vsel vm2, v63, v42;
	(xrf1) =	vsort.dscd.msk.f32 $0xffff, v16, v62;
	v16 =	vld.idx.msk [tilespmem:v9+s13+$0x0], $0xffff;
	v8, v37, _ =	vpop (xrf1)  }
0x4eb: {  	v36 =	vperm.xlane v36, v57;
	v41 =	vperm.xlane v41, v57;
	vm1 =	vge.f32 v21, v23;
	v50 =	vld.idx.msk [tilespmem:v22+s13+$0x0], $0xffff;
	v22, v48, _ =	vpop (xrf1)  }
0x4ec: {  	v40 =	vperm.xlane v40, v57;
	v28 =	vperm.xlane v28, v57;
	(xrf1) =	vsort.dscd.msk.f32 $0xffff, v39, v3;
	v10 =	vld.idx.msk [tilespmem:v0+s13+$0x0], $0xffff  }
0x4ed: {  	v31 =	vperm.xlane v31, v5;
	v55 =	vperm.xlane v22, v5;
	(xrf1) =	vsort.dscd.msk.f32 $0xffff, v12, v62;
	v42, v22, _ =	vpop (xrf1)  }
0x4ee: {  	v9 =	vpop (erf);
	v21 =	vsel vm1, v21, v23;
	v0 =	vperm.xlane v51, v5;
	v2 =	vperm.xlane v53, v5;
	(xrf0) =	vmax.scan.msk.f32 $0xffff, v42  }
0x4ef: {  	v33 =	vnsel vm0, $0x0, v38;
	v49 =	vperm.xlane v8, v5;
	v37 =	vperm.xlane v37, v5;
	v11, v63, _ =	vpop (xrf1);
	(xrf1) =	vsort.dscd.msk.f32 $0xffff, v16, v1  }
0x4f0: {  	v58 =	vnsel vm0, $0x0, v9;
	v12 =	vperm.xlane v34, v5;
	v34 =	vsel vm1, v52, v32;
	v8, v56, _ =	vpop (xrf1);
	(xrf1) =	vsort.dscd.msk.f32 $0xffff, v50, v1  }
0x4f1: {  	v32 =	vnsel vm0, $0x0, v35;
	v39 =	vperm.xlane v48, v5;
	vm1 =	vge.f32 v11, v54;
	v38, v23, _ =	vpop (xrf1);
	(xrf1) =	vsort.dscd.msk.f32 $0xffff, v10, v1  }
0x4f2: {  	v34 =	vperm.xlane v34, v57;
	v47 =	vsel vm1, v11, v54;
	vm2 =	vge.f32 v8, v43;
	(xrf0) =	vmax.scan.msk.f32 $0xffff, v38;
	v20, v9, _ =	vpop (xrf1)  }
0x4f3: {  	v48 =	vsel vm1, v63, v12;
	v1 =	vperm.xlane v21, v57;
	v43 =	vsel vm2, v8, v43;
	v10, v11, _ =	vpop (xrf1)  }
0x4f4: {  	v44 =	vsel vm2, v56, v44;
	v36 =	vsel vm0, v47, v36;
	vm1 =	vge.f32 v20, v45;
	v12, _, _ =	vpop (xrf0)  }
0x4f5: {  	(xrf2) =	vadd.scan.msk.f32 $0xffff, v32;
	v41 =	vsel vm0, v48, v41;
	v40 =	vsel vm0, v43, v40;
	v45 =	vsel vm1, v20, v45;
	v20, v63, _ =	vpop (xrf1)  }
0x4f6: {  	v28 =	vsel vm0, v44, v28;
	v35 =	vsel vm1, v9, v0;
	v0 =	vbroadcast v12, $0xF;
	v12 =	vpop (erf)  }
0x4f7: {  	v46 =	vperm.xlane v10, v5;
	v52 =	vperm.xlane v11, v5;
	vm1 =	vge.f32 v20, v31;
	v9, v8, _ =	vpop (xrf1)  }
0x4f8: {  	v34 =	vsel vm0, v35, v34;
	v31 =	vsel vm1, v20, v31;
	v20 =	vsub.f32 v42, v0;
	v21, _, _ =	vpop (xrf0)  }
0x4f9: {  	(xrf2) =	vadd.scan.msk.f32 $0xffff, v33;
	v42 =	vnsel vm0, $0x0, v12;
	v2 =	vsel vm1, v63, v2;
	v11, v10, _ =	vpop (xrf1);
	v47 =	vperm.xlane v9, v5  }
0x4fa: {  	v16 =	vpop (erf);
	v51 =	vperm.xlane v8, v5;
	(xrf1) =	vsort.dscd.msk.f32 $0xffff, v36, v41;
	v21 =	vbroadcast v21, $0xF;
	vm1 =	vge.f32 v11, v49  }
0x4fb: {  	v53 =	vnsel vm0, $0x0, v16;
	(xrf1) =	vsort.dscd.msk.f32 $0xffff, v40, v28;
	v28 =	vsel vm0, v45, v1;
	v31 =	vperm.xlane v31, v57  }
0x4fc: {  	v36, v41, _ =	vpop (xrf1);
	v1 =	vperm.xlane v2, v57;
	v20 =	vmul.f32 $1.442695020e+00, v20;
	v21 =	vsub.f32 v38, v21  }
0x4fd: {  	v36 =	vperm.xlane v36, v5;
	v37 =	vsel vm1, v10, v37;
	v41 =	vperm.xlane v41, v5  }
0x4fe: {  	(xrf1) =	vsort.dscd.msk.f32 $0xffff, v28, v34;
	v38 =	vsel vm1, v11, v49;
	v48, v49, _ =	vpop (xrf1);
	(erf) = vpow2.f32 v20;
	v21 =	vmul.f32 $1.442695020e+00, v21  }
0x4ff: {  	v37 =	vperm.xlane v37, v57;
	vm1 =	vge.f32 v48, v55;
	v38 =	vperm.xlane v38, v57;
	v28, _, _ =	vpop (xrf2)  }
0x500: {  	(xrf2) =	vadd.scan.msk.f32 $0xffff, v58;
	v54, v56, _ =	vpop (xrf1);
	v43 =	vsel vm1, v48, v55;
	v39 =	vsel vm1, v49, v39;
	(erf) = vpow2.f32 v21  }
0x501: {  	v9 =	vbroadcast v28, $0xF;
	v0, v63, _ =	vpop (xrf1);
	vm1 =	vge.f32 v54, v46;
	v43 =	vperm.xlane v43, v57  }
0x502: {  	(xrf2) =	vadd.scan.msk.f32 $0xffff, v42;
	v39 =	vperm.xlane v39, v57;
	v8, v2, _ =	vpop (xrf1);
	vm2 =	vge.f32 v0, v47;
	v40 =	vsel vm1, v54, v46  }
0x503: {  	(xrf2) =	vadd.scan.msk.f32 $0xffff, v53;
	v45 =	vsel vm1, v56, v52;
	vm3 =	vge.f32 v8, v36;
	v34 =	vsel vm2, v0, v47  }
0x504: {  	v11, _, _ =	vpop (xrf2);
	v44 =	vsel vm2, v63, v51;
	v31 =	vsel vm0, v40, v31;
	v48 =	vsel vm0, v45, v1  }
0x505: {  	v20 =	vpop (erf);
	(erf) = vrcp.f32 v9;
	v51 =	vbroadcast v11, $0xF;
	v34 =	vsel vm0, v34, v38;
	(xrf1) =	vsort.dscd.msk.f32 $0xffff, v31, v48  }
0x506: {  	v50 =	vsel vm0, v44, v37;
	v36 =	vsel vm3, v8, v36;
	v52 =	vsel vm3, v2, v41  }
0x507: {  	(xrf1) =	vsort.dscd.msk.f32 $0xffff, v34, v50;
	v54 =	vsel vm0, v36, v43;
	v55 =	vsel vm0, v52, v39;
	v28 =	vpop (erf)  }
0x508: {  	v48 =	vsel vm0, v24, v26;
	(erf) = vrcp.f32 v51;
	v10 =	vnsel vm0, $0x0, v28;
	v24, v26, _ =	vpop (xrf1);
	(xrf1) =	vsort.dscd.msk.f32 $0xffff, v54, v55  }
0x509: {  	v27 =	vadd.s32 v60, v27;
	v29 =	vmul.f32 v29, v14;
	v14 =	vsel vm0, v18, v25;
	(xrf2) =	vadd.scan.msk.f32 $0xffff, v10;
	v31 =	vpop (erf)  }
0x50a: {  	v18 =	vadd.s32 s31, v27;
	v25 =	vperm.xlane v13, v57;
	v53, _, _ =	vpop (xrf2);
	(xrf0) =	vmax.scan.msk.f32 $0xffff, v24;
	v31 =	vnsel vm0, $0x0, v31  }
0x50b: {  	v30 =	vperm.xlane v30, v57;
	v0, v38, _ =	vpop (xrf1);
	(xrf2) =	vadd.scan.msk.f32 $0xffff, v31  }
0x50c: {  	v25 =	vsel vm0, v17, v25;
	v56 =	vperm.xlane v15, v57;
	v63, _, _ =	vpop (xrf2);
	(xrf0) =	vmax.scan.msk.f32 $0xffff, v0  }
0x50d: {  	v30 =	vsel vm0, v29, v30;
	v17 =	vnsel vm0, $0x0, v20;
	v1 =	vor.u32 v61, v18;
	v18, _, _ =	vpop (xrf2)  }
0x50e: {  	v15 =	vsel vm0, v19, v56;
	v19 =	vbroadcast v53, $0xF;
	v35 =	vbroadcast v63, $0xF;
	v2, v29, _ =	vpop (xrf1)  }
0x50f: {  	v26 =	vperm.xlane v26, v57;
	v10 =	vbroadcast v18, $0xF;
	v9 =	vpop (erf);
	(xrf2) =	vadd.scan.msk.f32 $0xffff, v17  }
0x510: {  	s31 =	simm.s32 $0x0;
	v8 =	vadd.s32 s0, v27;
	v38 =	vperm.xlane v38, v57;
	(erf) = vrcp.f32 v19;
	v18, _, _ =	vpop (xrf0);
	(xrf0) =	vmax.scan.msk.f32 $0xffff, v2  }
0x511: {  	v56 =	vmov s31;
	(erf) = vrcp.f32 v35;
	v45 =	vbroadcast v18, $0xF;
	v46 =	vpop (erf)  }
0x512: {  	v40 =	vmul.f32 v9, v32;
	v32 =	vperm.xlane v29, v57;
	v17 =	vadd.s32 s11, v27;
	v50, _, _ =	vpop (xrf0)  }
0x513: {  	v27 =	vadd.s32 s12, v27;
	v13 =	vor.u32 v61, v17;
	v51 =	vsub.f32 v24, v45;
	v34, v24, _ =	vpop (xrf1)  }
0x514: {  	v17 =	vor.u32 v61, v27;
	v27 =	vmul.f32 v46, v33;
	v35 =	vbroadcast v50, $0xF;
	v11, _, _ =	vpop (xrf2)  }
0x515: {  	[tilespmem:v1+s14+$0x0] =	vst.idx.msk $0xffff, v30;
	(erf) = vrcp.f32 v10;
	v29 =	vperm.xlane v40, v57;
	v18 =	vsel vm0, v24, v26;
	v47, _, _ =	vpop (xrf2)  }
0x516: {  	[tilespmem:v1+s15+$0x0] =	vst.idx.msk $0xffff, v25;
	v35 =	vsub.f32 v0, v35;
	v26 =	vperm.xlane v27, v57;
	v25, _, _ =	vpop (xrf0);
	v49 =	vbroadcast v47, $0xF  }
0x517: {  	v36 =	vmul.u32 $0x82, v56;
	v24, v53, _ =	vpop (xrf1);
	v52 =	vbroadcast v11, $0xF;
	v54 =	vmul.f32 $1.442695020e+00, v51  }
0x518: {  	v19 =	vor.u32 v61, v8;
	(xrf0) =	vmax.scan.msk.f32 $0xffff, v34;
	v55 =	vbroadcast v25, $0xF;
	v33, v25, _ =	vpop (xrf1);
	(erf) = vrcp.f32 v49  }
0x519: {  	v21 =	vsel vm0, v53, v38;
	(xrf0) =	vmax.scan.msk.f32 $0xffff, v24;
	v38 =	vmul.f32 $1.442695020e+00, v35;
	v63, _, _ =	vpop (xrf2);
	(erf) = vrcp.f32 v52  }
0x51a: {  	s0 =	simm.s32 $0x4;
	v35 =	vpop (erf);
	v39 =	vsub.f32 v2, v55;
	(xrf0) =	vmax.scan.msk.f32 $0xffff, v33;
	v37 =	vbroadcast v63, $0xF;
	(erf) = vpow2.f32 v54  }
.LBB2_18:
0x51b: {  	_ = 	snop  }
0x51c: {  	s0 =	sadd.s32 $0x4, s0;
	v30 =	vmovc v29;
	v29 =	vmov v20;
	v20 =	vmov v12;
	v12 =	vld [tilespmem:$0x1FFC0];
	v23 =	vperm.xlane v23, v57  }
0x51d: {  	s29 =	sadd.s32 $0x8, s29;
	v0 =	vsel vm0, v25, v32;
	(erf) = vpow2.f32 v38;
	v32 =	vmovc v21;
	v21 =	vmovc v16;
	v16 =	vmul.f32 v35, v58;
	s1 =	sshrl.u32 s0, $0x6  }
0x51e: {  	v2 =	vld [tilespmem:$0x1FFF0];
	v25 =	vbroadcast v36, $0x0;
	v43 =	vmul.f32 $1.442695020e+00, v39;
	s6 =	sand.u32 $0x78, s29;
	s7 =	smul.u32 $0x408, s1;
	v44, _, _ =	vpop (xrf0)  }
0x51f: {  	[tilespmem:$0x1FF70] =	vst v0;
	s8 =	sor.u32 $0x6, s6;
	v0 =	vld [tilespmem:$0x1FFB0];
	v22 =	vsel vm0, v22, v23;
	v40 =	vperm.xlane v16, v57;
	v36 =	vbroadcast v44, $0xF;
	v45, _, _ =	vpop (xrf0)  }
0x520: {  	s4 =	sor.u32 $0x2, s6;
	s5 =	sor.u32 $0x4, s6;
	v38 =	vpop (erf);
	(erf) = vrcp.f32 v37;
	v37 =	vadd.s32 v60, v25;
	s9 =	sadd.s32 s7, s8;
	v25 =	vbroadcast v45, $0xF  }
0x521: {  	s2 =	sadd.s32 s7, s4;
	s3 =	sadd.s32 s7, s5;
	s7 =	sadd.s32 s6, s7;
	(erf) = vpow2.f32 v43;
	v39 =	vpop (erf);
	v46 =	vadd.s32 s25, v37;
	v16 =	vadd.s32 s9, v12  }
0x522: {  	v35 =	vadd.s32 s2, v59;
	s31 =	sor.u32 $0x1, s7;
	v45 =	vadd.s32 s9, v59;
	v36 =	vsub.f32 v34, v36;
	v47 =	vpop (erf)  }
0x523: {  	v34 =	vor.u32 v61, v46;
	v46 =	vadd.s32 s31, v59;
	v41 =	vmul.f32 v47, v31  }
0x524: {  	s11 =	sor.u32 $0x7, s7;
	v51 =	vadd.s32 s9, v2;
	v23 =	vadd.s32 s2, v2;
	v43 =	vadd.s32 s9, v0;
	v44 =	vpop (erf)  }
0x525: {  	s10 =	sor.u32 $0x3, s7;
	v49 =	vadd.s32 s11, v59;
	v28 =	vmul.f32 v44, v28;
	v1 =	vperm.xlane v41, v57  }
0x526: {  	v53 =	vadd.s32 s31, v2;
	v55 =	vadd.s32 s10, v2;
	v47 =	vadd.s32 s11, v0;
	v16 =	vld.idx.msk [tilespmem:v16+s13+$0x0], $0xffff  }
0x527: {  	s12 =	sor.u32 $0x5, s7;
	v52 =	vadd.s32 s31, v0;
	v54 =	vadd.s32 s10, v0;
	v35 =	vld.idx.msk [tilespmem:v35+s13+$0x0], $0xffff;
	v28 =	vsel vm0, v28, v1  }
0x528: {  	v11 =	vadd.s32 s7, v2;
	v56 =	vadd.s32 s12, v0;
	v4 =	vadd.s32 s7, v0;
	v46 =	vld.idx.msk [tilespmem:v46+s13+$0x0], $0xffff;
	[tilespmem:v34+s14+$0x0] =	vst.idx.msk $0xffff, v28  }
0x529: {  	v8 =	vmovc v5;
	v28 =	vld.idx.msk [tilespmem:v43+s13+$0x0], $0xffff;
	[tilespmem:v34+s15+$0x0] =	vst.idx.msk $0xffff, v22;
	v22 =	vadd.s32 s2, v0;
	v34 =	vadd.s32 s3, v0;
	v0 =	vadd.s32 s3, v2  }
0x52a: {  	v5 =	vmovc v57;
	v9 =	vmovc v60;
	v60 =	vadd.s32 s12, v2;
	v57 =	vadd.s32 s11, v2;
	v2 =	vld [tilespmem:$0x1FFE0];
	[tilespmem:$0x1FF80] =	vst v0;
	v0 =	vadd.s32 s2, v12  }
0x52b: {  	v45 =	vld.idx.msk [tilespmem:v45+s13+$0x0], $0xffff;
	[tilespmem:$0x1FF90] =	vst v0;
	v0 =	vadd.s32 s3, v12  }
0x52c: {  	[tilespmem:$0x1FFA0] =	vst v0;
	v0 =	vld [tilespmem:$0x1FFD0]  }
0x52d: {  	v1 =	vmov v18;
	v18 =	vmov v61;
	v61 =	vadd.s32 s11, v12;
	v47 =	vld.idx.msk [tilespmem:v47+s13+$0x0], $0xffff  }
0x52e: {  	v7 =	vmov v48;
	v6 =	vlaneseq.u32;
	v48 =	vadd.s32 s10, v59;
	v49 =	vld.idx.msk [tilespmem:v49+s13+$0x0], $0xffff  }
0x52f: {  	v50 =	vadd.s32 s12, v59;
	v51 =	vld.idx.msk [tilespmem:v51+s13+$0x0], $0xffff;
	(xrf1) =	vsort.dscd.msk.f32 $0xffff, v16, v6  }
0x530: {  	v27 =	vmovc v14;
	v14 =	vmov v62;
	v62 =	vadd.s32 s31, v12;
	v63 =	vadd.s32 s10, v12;
	v57 =	vld.idx.msk [tilespmem:v57+s13+$0x0], $0xffff;
	(xrf1) =	vsort.dscd.msk.f32 $0xffff, v28, v2  }
0x531: {  	v42, _, _ =	vpop (xrf0);
	v10 =	vadd.s32 s12, v12;
	v16 =	vadd.s32 s7, v12;
	v12 =	vmul.f32 v38, v20;
	v38 =	vld.idx.msk [tilespmem:v53+s13+$0x0], $0xffff;
	(xrf1) =	vsort.dscd.msk.f32 $0xffff, v45, v0  }
0x532: {  	v42 =	vbroadcast v42, $0xF;
	v61 =	vld.idx.msk [tilespmem:v61+s13+$0x0], $0xffff;
	(xrf1) =	vsort.dscd.msk.f32 $0xffff, v47, v2  }
0x533: {  	v45 =	vld.idx.msk [tilespmem:v48+s13+$0x0], $0xffff;
	(xrf1) =	vsort.dscd.msk.f32 $0xffff, v49, v0  }
0x534: {  	v3 =	vmov v15;
	v44 =	vpop (erf);
	v33 =	vsub.f32 v33, v42;
	v48 =	vld.idx.msk [tilespmem:v50+s13+$0x0], $0xffff;
	(xrf1) =	vsort.dscd.msk.f32 $0xffff, v51, v14  }
0x535: {  	v15 =	vadd.s32 s7, v59;
	v31 =	vadd.s32 s3, v59;
	v36 =	vmul.f32 $1.442695020e+00, v36;
	v41 =	vpop (erf);
	v50 =	vld.idx.msk [tilespmem:v52+s13+$0x0], $0xffff;
	(xrf1) =	vsort.dscd.msk.f32 $0xffff, v46, v0  }
0x536: {  	v33 =	vmul.f32 $1.442695020e+00, v33;
	v43 =	vpop (erf);
	v20 =	vmul.f32 v39, v21;
	v53 =	vld.idx.msk [tilespmem:v54+s13+$0x0], $0xffff;
	v54 =	vadd.s32 s28, v37;
	(xrf1) =	vsort.dscd.msk.f32 $0xffff, v57, v14  }
0x537: {  	v21 =	vmul.f32 v43, v29;
	v29 =	vld.idx.msk [tilespmem:v55+s13+$0x0], $0xffff;
	v55 =	vor.u32 v18, v54;
	(xrf1) =	vsort.dscd.msk.f32 $0xffff, v61, v6  }
0x538: {  	v12 =	vsel vm0, v12, v30;
	v20 =	vsel vm0, v20, v26;
	v30 =	vld.idx.msk [tilespmem:v56+s13+$0x0], $0xffff;
	(xrf1) =	vsort.dscd.msk.f32 $0xffff, v45, v0  }
0x539: {  	v21 =	vsel vm0, v21, v40;
	v56 =	vld.idx.msk [tilespmem:v60+s13+$0x0], $0xffff;
	[tilespmem:v19+s14+$0x0] =	vst.idx.msk $0xffff, v12;
	(xrf1) =	vsort.dscd.msk.f32 $0xffff, v48, v0  }
0x53a: {  	v28 =	vsub.f32 v24, v25;
	[tilespmem:v13+s14+$0x0] =	vst.idx.msk $0xffff, v20;
	v20 =	vld.idx.msk [tilespmem:v31+s13+$0x0], $0xffff;
	(xrf1) =	vsort.dscd.msk.f32 $0xffff, v50, v2  }
0x53b: {  	v58 =	vpop (erf);
	(erf) = vpow2.f32 v36;
	v52 =	vadd.s32 s24, v37;
	[tilespmem:v13+s15+$0x0] =	vst.idx.msk $0xffff, v27;
	v45 =	vld.idx.msk [tilespmem:v15+s13+$0x0], $0xffff;
	(xrf1) =	vsort.dscd.msk.f32 $0xffff, v38, v14  }
0x53c: {  	v37 =	vadd.s32 s26, v37;
	[tilespmem:v17+s14+$0x0] =	vst.idx.msk $0xffff, v21;
	v47 =	vmov v14;
	v21 =	vld.idx.msk [tilespmem:v63+s13+$0x0], $0xffff;
	(xrf1) =	vsort.dscd.msk.f32 $0xffff, v53, v2  }
0x53d: {  	v60 =	vmov v9;
	v37 =	vor.u32 v18, v37;
	[tilespmem:v17+s15+$0x0] =	vst.idx.msk $0xffff, v3;
	v49 =	vld [tilespmem:$0x1FF70];
	(xrf1) =	vsort.dscd.msk.f32 $0xffff, v29, v47;
	v29, v31, _ =	vpop (xrf1)  }
0x53e: {  	v39 =	vor.u32 v18, v52;
	v13 =	vmov v55;
	v17 =	vmov v37;
	v10 =	vld.idx.msk [tilespmem:v10+s13+$0x0], $0xffff;
	(xrf1) =	vsort.dscd.msk.f32 $0xffff, v30, v2;
	v30, v46, _ =	vpop (xrf1)  }
0x53f: {  	v9 =	vld.idx.msk [tilespmem:v22+s13+$0x0], $0xffff;
	v57 =	vmov v5;
	v5 =	vmov v8;
	[tilespmem:v19+s15+$0x0] =	vst.idx.msk $0xffff, v7;
	(xrf1) =	vsort.dscd.msk.f32 $0xffff, v56, v47;
	v51, v50, _ =	vpop (xrf1)  }
0x540: {  	v14 =	vmov v32;
	v32 =	vperm.xlane v46, v5;
	v30 =	vperm.xlane v30, v5;
	(xrf1) =	vsort.dscd.msk.f32 $0xffff, v45, v0;
	v53, v52, _ =	vpop (xrf1)  }
0x541: {  	v19 =	vmov v39;
	v37 =	vperm.xlane v50, v5;
	v36 =	vperm.xlane v51, v5;
	(xrf1) =	vsort.dscd.msk.f32 $0xffff, v35, v0;
	v55, v54, _ =	vpop (xrf1)  }
0x542: {  	v15 =	vmov v49;
	vm1 =	vge.f32 v29, v30;
	(xrf1) =	vsort.dscd.msk.f32 $0xffff, v20, v0;
	v20, v56, _ =	vpop (xrf1);
	v35 =	vperm.xlane v55, v5  }
0x543: {  	v3 =	vld.idx.msk [tilespmem:v34+s13+$0x0], $0xffff;
	v38 =	vperm.xlane v53, v5;
	v29 =	vsel vm1, v29, v30;
	vm2 =	vge.f32 v20, v36;
	v42, v43, _ =	vpop (xrf1)  }
0x544: {  	v27 =	vld.idx.msk [tilespmem:v62+s13+$0x0], $0xffff;
	v31 =	vsel vm1, v31, v32;
	v20 =	vsel vm2, v20, v36;
	v30 =	vsel vm2, v56, v37;
	v62, v63, _ =	vpop (xrf1)  }
0x545: {  	v49 =	vld [tilespmem:$0x1FF80];
	v20 =	vperm.xlane v20, v57;
	v30 =	vperm.xlane v30, v57;
	vm2 =	vge.f32 v62, v35;
	v51, v50, _ =	vpop (xrf1)  }
0x546: {  	v48 =	vmov v1;
	v1 =	vld.idx.msk [tilespmem:v4+s13+$0x0], $0xffff;
	v40 =	vperm.xlane v54, v5;
	v7 =	vsel vm2, v62, v35;
	v35, v36, _ =	vpop (xrf1)  }
0x547: {  	v34 =	vld.idx.msk [tilespmem:v16+s13+$0x0], $0xffff;
	v39 =	vperm.xlane v52, v5;
	v20 =	vsel vm0, v29, v20;
	v16 =	vsel vm0, v31, v30;
	v31, v53, _ =	vpop (xrf1)  }
0x548: {  	v28 =	vmul.f32 $1.442695020e+00, v28;
	v52 =	vld [tilespmem:$0x1FF90];
	vm1 =	vge.f32 v51, v38;
	v30 =	vsel vm2, v63, v40;
	v55, v45, _ =	vpop (xrf1);
	(xrf1) =	vsort.dscd.msk.f32 $0xffff, v20, v16  }
0x549: {  	v12 =	vpop (erf);
	v54 =	vld [tilespmem:$0x1FFA0];
	v22 =	vperm.xlane v7, v57;
	v30 =	vperm.xlane v30, v57;
	(xrf1) =	vsort.dscd.msk.f32 $0xffff, v27, v6  }
0x54a: {  	(erf) = vpow2.f32 v28;
	v56 =	vsel vm1, v50, v39;
	v20 =	vsel vm1, v51, v38;
	v27, v38, _ =	vpop (xrf1);
	(xrf1) =	vsort.dscd.msk.f32 $0xffff, v21, v6  }
0x54b: {  	(erf) = vpow2.f32 v33;
	v11 =	vld.idx.msk [tilespmem:v11+s13+$0x0], $0xffff;
	v20 =	vsel vm0, v20, v22;
	v22 =	vsel vm0, v56, v30;
	v21, v29, _ =	vpop (xrf1)  }
0x54c: {  	v61 =	vmov v18;
	v28 =	vperm.xlane v42, v5;
	v36 =	vperm.xlane v36, v5;
	v62, v63, _ =	vpop (xrf1);
	(xrf1) =	vsort.dscd.msk.f32 $0xffff, v20, v22  }
0x54d: {  	v18 =	vld.idx.msk [tilespmem:v23+s13+$0x0], $0xffff;
	v37 =	vperm.xlane v53, v5;
	v32 =	vperm.xlane v55, v5;
	(xrf1) =	vsort.dscd.msk.f32 $0xffff, v10, v6  }
0x54e: {  	v4 =	vld.idx.msk [tilespmem:v49+s13+$0x0], $0xffff;
	v30 =	vperm.xlane v35, v5;
	v22 =	vperm.xlane v31, v5;
	v49, v31, _ =	vpop (xrf1);
	(xrf1) =	vsort.dscd.msk.f32 $0xffff, v1, v2  }
0x54f: {  	vm1 =	vge.f32 v27, v28;
	v20 =	vperm.xlane v43, v5;
	v42 =	vperm.xlane v21, v5;
	v51, v50, _ =	vpop (xrf1)  }
0x550: {  	v23 =	vld.idx.msk [tilespmem:v52+s13+$0x0], $0xffff;
	v56 =	vsel vm1, v27, v28;
	vm2 =	vge.f32 v62, v30;
	(xrf1) =	vsort.dscd.msk.f32 $0xffff, v11, v47;
	v53, v52, _ =	vpop (xrf1)  }
0x551: {  	v40 =	vld.idx.msk [tilespmem:v54+s13+$0x0], $0xffff;
	v10 =	vperm.xlane v49, v5;
	v38 =	vsel vm1, v38, v20;
	v21, v54, _ =	vpop (xrf1);
	(xrf1) =	vsort.dscd.msk.f32 $0xffff, v9, v2  }
0x552: {  	v25 =	vnsel vm0, $0x0, v44;
	v30 =	vsel vm2, v62, v30;
	v49 =	vsel vm2, v63, v36;
	v55, v44, _ =	vpop (xrf1);
	(xrf1) =	vsort.dscd.msk.f32 $0xffff, v18, v47  }
0x553: {  	vm3 =	vge.f32 v51, v22;
	v38 =	vperm.xlane v38, v57;
	(xrf1) =	vsort.dscd.msk.f32 $0xffff, v3, v2  }
0x554: {  	v30 =	vperm.xlane v30, v57;
	v33 =	vperm.xlane v49, v57;
	(xrf1) =	vsort.dscd.msk.f32 $0xffff, v4, v47  }
0x555: {  	v16 =	vpop (erf);
	v11 =	vperm.xlane v53, v5;
	v1 =	vsel vm3, v51, v22;
	(xrf1) =	vsort.dscd.msk.f32 $0xffff, v34, v6  }
0x556: {  	v58 =	vnsel vm0, $0x0, v58;
	v46 =	vperm.xlane v21, v5;
	v4 =	vperm.xlane v29, v5;
	(xrf1) =	vsort.dscd.msk.f32 $0xffff, v23, v6;
	v36, v22, _ =	vpop (xrf1)  }
0x557: {  	v50 =	vsel vm3, v50, v37;
	v29 =	vperm.xlane v31, v5;
	v31 =	vperm.xlane v52, v5;
	v51, v52, _ =	vpop (xrf1);
	(xrf0) =	vmax.scan.msk.f32 $0xffff, v36  }
0x558: {  	v24 =	vnsel vm0, $0x0, v41;
	v1 =	vperm.xlane v1, v57;
	v34 =	vperm.xlane v54, v5;
	v53, v54, _ =	vpop (xrf1);
	(xrf1) =	vsort.dscd.msk.f32 $0xffff, v40, v6  }
0x559: {  	v8 =	vnsel vm0, $0x0, v12;
	v20 =	vpop (erf);
	v35 =	vperm.xlane v50, v57;
	v0 =	vperm.xlane v55, v5  }
0x55a: {  	v3 =	vperm.xlane v45, v5;
	v2 =	vperm.xlane v56, v57;
	vm1 =	vge.f32 v51, v32;
	v40, v23, _ =	vpop (xrf1)  }
0x55b: {  	v37 =	vperm.xlane v44, v5;
	v32 =	vsel vm1, v51, v32;
	vm2 =	vge.f32 v53, v42;
	v56, v55, _ =	vpop (xrf1);
	(xrf0) =	vmax.scan.msk.f32 $0xffff, v40  }
0x55c: {  	v3 =	vsel vm1, v52, v3;
	v41 =	vsel vm2, v53, v42;
	v4 =	vsel vm2, v54, v4;
	v42, v43, _ =	vpop (xrf1)  }
0x55d: {  	(xrf2) =	vadd.scan.msk.f32 $0xffff, v25;
	v7 =	vsel vm0, v32, v2;
	vm1 =	vge.f32 v56, v10;
	v30 =	vsel vm0, v41, v30;
	v6, _, _ =	vpop (xrf0)  }
0x55e: {  	v4 =	vsel vm0, v4, v33;
	v42 =	vperm.xlane v42, v5;
	v49, v63, _ =	vpop (xrf1);
	v50 =	vbroadcast v6, $0xF  }
0x55f: {  	v10 =	vsel vm1, v56, v10;
	v43 =	vperm.xlane v43, v5;
	v52, v51, _ =	vpop (xrf1);
	v6 =	vsel vm0, v3, v38  }
0x560: {  	v28 =	vnsel vm0, $0x0, v16;
	v29 =	vsel vm1, v55, v29;
	v54, v53, _ =	vpop (xrf1);
	(xrf1) =	vsort.dscd.msk.f32 $0xffff, v7, v6;
	v36 =	vsub.f32 v36, v50  }
0x561: {  	(xrf2) =	vadd.scan.msk.f32 $0xffff, v24;
	vm2 =	vge.f32 v49, v11;
	v1 =	vsel vm0, v10, v1;
	v29 =	vsel vm0, v29, v35;
	v55, _, _ =	vpop (xrf0)  }
0x562: {  	(xrf2) =	vadd.scan.msk.f32 $0xffff, v58;
	v11 =	vsel vm2, v49, v11;
	v56, v3, _ =	vpop (xrf1);
	v38 =	vbroadcast v55, $0xF;
	v6 =	vmul.f32 $1.442695020e+00, v36  }
0x563: {  	v31 =	vsel vm2, v63, v31;
	v32 =	vperm.xlane v52, v5;
	v44 =	vperm.xlane v51, v5;
	v9, v63, _ =	vpop (xrf1)  }
0x564: {  	vm1 =	vge.f32 v54, v46;
	v50, v49, _ =	vpop (xrf1);
	v38 =	vsub.f32 v40, v38;
	(erf) = vpow2.f32 v6  }
0x565: {  	v11 =	vperm.xlane v11, v57;
	v31 =	vperm.xlane v31, v57;
	v39 =	vsel vm1, v54, v46;
	v51, v52, _ =	vpop (xrf1)  }
0x566: {  	v34 =	vsel vm1, v53, v34;
	v2 =	vperm.xlane v56, v5;
	v6 =	vmul.f32 $1.442695020e+00, v38;
	v55, v54, _ =	vpop (xrf1);
	(xrf1) =	vsort.dscd.msk.f32 $0xffff, v30, v4  }
0x567: {  	v3 =	vperm.xlane v3, v5;
	v53, _, _ =	vpop (xrf2);
	(xrf2) =	vadd.scan.msk.f32 $0xffff, v8;
	vm1 =	vge.f32 v9, v0;
	v56 =	vperm.xlane v39, v57  }
0x568: {  	v39 =	vbroadcast v53, $0xF;
	v0 =	vsel vm1, v9, v0;
	(erf) = vpow2.f32 v6;
	(xrf1) =	vsort.dscd.msk.f32 $0xffff, v1, v29  }
0x569: {  	v37 =	vsel vm1, v63, v37;
	vm1 =	vge.f32 v50, v42;
	vm2 =	vge.f32 v51, v32  }
0x56a: {  	v0 =	vperm.xlane v0, v57;
	v26 =	vperm.xlane v37, v57;
	v32 =	vsel vm2, v51, v32  }
0x56b: {  	v63, _, _ =	vpop (xrf2);
	(xrf2) =	vadd.scan.msk.f32 $0xffff, v28;
	v30 =	vsel vm1, v49, v43;
	vm3 =	vge.f32 v55, v2;
	v29 =	vsel vm1, v50, v42  }
0x56c: {  	v3 =	vsel vm3, v54, v3;
	v11 =	vsel vm0, v29, v11;
	v29 =	vsel vm0, v30, v31;
	v31, _, _ =	vpop (xrf2)  }
0x56d: {  	v41 =	vsel vm2, v52, v44;
	v4 =	vperm.xlane v34, v57;
	v42 =	vsel vm0, v3, v26;
	v28 =	vpop (erf)  }
0x56e: {  	v26 =	vbroadcast v31, $0xF;
	v43, v31, _ =	vpop (xrf1);
	(erf) = vrcp.f32 v39;
	(xrf1) =	vsort.dscd.msk.f32 $0xffff, v11, v29;
	v6 =	vnsel vm0, $0x0, v28  }
0x56f: {  	v10 =	vbroadcast v63, $0xF;
	v30 =	vsel vm0, v32, v56;
	v4 =	vsel vm0, v41, v4;
	(xrf2) =	vadd.scan.msk.f32 $0xffff, v6  }
0x570: {  	v2 =	vsel vm3, v55, v2;
	(xrf1) =	vsort.dscd.msk.f32 $0xffff, v30, v4  }
0x571: {  	v0 =	vsel vm0, v2, v0;
	(xrf0) =	vmax.scan.msk.f32 $0xffff, v43;
	v3 =	vpop (erf);
	(erf) = vrcp.f32 v10  }
0x572: {  	v44 =	vperm.xlane v31, v57;
	(xrf1) =	vsort.dscd.msk.f32 $0xffff, v0, v42;
	v31 =	vnsel vm0, $0x0, v3;
	v3, _, _ =	vpop (xrf2)  }
0x573: {  	(xrf2) =	vadd.scan.msk.f32 $0xffff, v31  }
0x574: {  	v45 =	vbroadcast v3, $0xF;
	v46, v3, _ =	vpop (xrf1)  }
0x575: {  	v27 =	vnsel vm0, $0x0, v20;
	v4, _, _ =	vpop (xrf2);
	(xrf0) =	vmax.scan.msk.f32 $0xffff, v46  }
0x576: {  	v62 =	vmov v47;
	(xrf2) =	vadd.scan.msk.f32 $0xffff, v27;
	v49, v47, _ =	vpop (xrf1)  }
0x577: {  	v50 =	vpop (erf)  }
0x578: {  	v11 =	vmul.f32 v50, v25;
	v25, _, _ =	vpop (xrf0)  }
0x579: {  	v4 =	vbroadcast v4, $0xF;
	(erf) = vrcp.f32 v26;
	(xrf0) =	vmax.scan.msk.f32 $0xffff, v49;
	v27, _, _ =	vpop (xrf2)  }
0x57a: {  	v3 =	vperm.xlane v3, v57;
	v32 =	vperm.xlane v47, v57;
	v51 =	vpop (erf)  }
0x57b: {  	s1 =	sshll.u32 s1, $0x3;
	(erf) = vrcp.f32 v45;
	v25 =	vbroadcast v25, $0xF;
	v6, _, _ =	vpop (xrf0)  }
0x57c: {  	v56 =	vmov s1;
	v29 =	vperm.xlane v11, v57;
	v0 =	vmul.f32 v51, v24;
	v34, v24, _ =	vpop (xrf1)  }
0x57d: {  	p0 =	slt.u32 s0, $0x1FC;
	(erf) = vrcp.f32 v4;
	v52 =	vsub.f32 v43, v25;
	v54 =	vbroadcast v27, $0xF;
	v26, _, _ =	vpop (xrf2)  }
.Ltmp8:
0x57e: {  	v30 =	vbroadcast v6, $0xF;
	v18 =	vsel vm0, v24, v44;
	v24, v4, _ =	vpop (xrf1);
	v53 =	vbroadcast v26, $0xF;
	(pc) =	sbr.rel @p0 .LBB2_18-.Ltmp8, $4  }
0x57f: {  	v36 =	vmul.u32 $0x82, v56;
	v11 =	vmul.f32 $1.442695020e+00, v52;
	v6, _, _ =	vpop (xrf0);
	v26 =	vperm.xlane v0, v57  }
0x580: {  	(xrf0) =	vmax.scan.msk.f32 $0xffff, v34;
	v63, _, _ =	vpop (xrf2);
	v7 =	vsub.f32 v46, v30;
	v55 =	vbroadcast v6, $0xF;
	(erf) = vrcp.f32 v53  }
0x581: {  	s25 =	smov.u32 s8;
	(xrf0) =	vmax.scan.msk.f32 $0xffff, v24;
	v21 =	vsel vm0, v4, v3;
	v33, v25, _ =	vpop (xrf1);
	v37 =	vbroadcast v63, $0xF;
	(erf) = vrcp.f32 v54  }
0x582: {  	s28 =	smov.u32 s4;
	s24 =	smov.u32 s6;
	s26 =	smov.u32 s5;
	(xrf0) =	vmax.scan.msk.f32 $0xffff, v33;
	v35 =	vpop (erf);
	v38 =	vmul.f32 $1.442695020e+00, v7;
	v39 =	vsub.f32 v49, v55;
	(erf) = vpow2.f32 v11  }
0x583: {  	_ =	sdelay $0x2  }
0x584: {  	v0, _, _ =	vpop (xrf0)  }
0x585: {  	v0 =	vbroadcast v0, $0xF;
	v1, _, _ =	vpop (xrf0)  }
0x586: {  	v1 =	vbroadcast v1, $0xF  }
0x587: {  	v0 =	vsub.f32 v34, v0  }
0x588: {  	(erf) = vpow2.f32 v38;
	v1 =	vsub.f32 v24, v1  }
0x589: {  	v2 =	vmul.f32 $1.442695020e+00, v39;
	v0 =	vmul.f32 $1.442695020e+00, v0  }
0x58a: {  	(erf) = vrcp.f32 v37;
	v3, _, _ =	vpop (xrf0);
	v1 =	vmul.f32 $1.442695020e+00, v1  }
0x58b: {  	(erf) = vpow2.f32 v2;
	v3 =	vbroadcast v3, $0xF  }
0x58c: {  	(erf) = vpow2.f32 v0  }
0x58d: {  	v41 =	vsub.f32 v33, v3;
	v0 =	vpop (erf)  }
0x58e: {  	(erf) = vpow2.f32 v1;
	v1 =	vpop (erf)  }
0x58f: {  	v2 =	vmul.f32 $1.442695020e+00, v41;
	v3 =	vpop (erf)  }
0x590: {  	v4 =	vpop (erf)  }
0x591: {  	(erf) = vpow2.f32 v2;
	v42 =	vpop (erf)  }
0x592: {  	v10 =	vpop (erf)  }
0x593: {  	v2 =	vnsel vm0, $0x0, v42;
	v11 =	vpop (erf)  }
0x594: {  	v10 =	vnsel vm0, $0x0, v10;
	(xrf2) =	vadd.scan.msk.f32 $0xffff, v2;
	v43 =	vpop (erf)  }
0x595: {  	(xrf2) =	vadd.scan.msk.f32 $0xffff, v10;
	v24 =	vnsel vm0, $0x0, v43;
	v33 =	vpop (erf)  }
0x596: {  	v44 =	vnsel vm0, $0x0, v33;
	(xrf2) =	vadd.scan.msk.f32 $0xffff, v24  }
0x597: {  	(xrf2) =	vadd.scan.msk.f32 $0xffff, v44  }
0x598: {  	v37 =	vpop (erf)  }
0x599: {  	v45 =	vnsel vm0, $0x0, v37  }
0x59a: {  	(xrf2) =	vadd.scan.msk.f32 $0xffff, v45;
	v46 =	vpop (erf)  }
0x59b: {  	v47 =	vnsel vm0, $0x0, v46  }
0x59c: {  	(xrf2) =	vadd.scan.msk.f32 $0xffff, v47;
	_ =	sdelay $0x1  }
0x59d: {  	v49, _, _ =	vpop (xrf2)  }
0x59e: {  	v50, _, _ =	vpop (xrf2);
	v38 =	vbroadcast v49, $0xF  }
0x59f: {  	v36 =	vbroadcast v36, $0x0;
	v51 =	vbroadcast v50, $0xF;
	v40, _, _ =	vpop (xrf2)  }
0x5a0: {  	(erf) = vrcp.f32 v38;
	v52 =	vbroadcast v40, $0xF;
	v53, _, _ =	vpop (xrf2)  }
0x5a1: {  	v36 =	vadd.s32 v60, v36;
	(erf) = vrcp.f32 v51;
	v55 =	vbroadcast v53, $0xF  }
0x5a2: {  	v23 =	vperm.xlane v23, v57;
	v54 =	vadd.s32 s25, v36;
	(erf) = vrcp.f32 v52  }
0x5a3: {  	v63 =	vor.u32 v61, v54;
	v3 =	vmul.f32 v3, v31;
	v56, _, _ =	vpop (xrf2);
	(erf) = vrcp.f32 v55  }
0x5a4: {  	v9 =	vld [tilespmem:$0x1FFD0];
	v0 =	vmul.f32 v0, v12;
	v38 =	vbroadcast v56, $0xF  }
0x5a5: {  	v7 =	vld [tilespmem:$0x1FFF0];
	v4 =	vmul.f32 v4, v28;
	v3 =	vperm.xlane v3, v57;
	v41, _, _ =	vpop (xrf2)  }
0x5a6: {  	v6 =	vld [tilespmem:$0x1FFE0];
	v0 =	vsel vm0, v0, v29;
	(erf) = vrcp.f32 v38;
	v28 =	vbroadcast v41, $0xF  }
0x5a7: {  	v8 =	vld [tilespmem:$0x1FFC0];
	[tilespmem:v19+s14+$0x0] =	vst.idx.msk $0xffff, v0;
	v3 =	vsel vm0, v4, v3;
	v4 =	vmul.f32 v35, v58  }
0x5a8: {  	v12 =	vsel vm0, v22, v23;
	v1 =	vmul.f32 v1, v16;
	[tilespmem:v63+s14+$0x0] =	vst.idx.msk $0xffff, v3;
	(erf) = vrcp.f32 v28  }
0x5a9: {  	[tilespmem:v63+s15+$0x0] =	vst.idx.msk $0xffff, v12;
	v3 =	vperm.xlane v4, v57;
	v4 =	vmul.f32 v11, v20;
	v12 =	vadd.s32 s28, v36;
	v42 =	vpop (erf)  }
0x5aa: {  	v1 =	vsel vm0, v1, v26;
	[tilespmem:v19+s15+$0x0] =	vst.idx.msk $0xffff, v48;
	v43 =	vpop (erf)  }
0x5ab: {  	[tilespmem:v13+s14+$0x0] =	vst.idx.msk $0xffff, v1;
	v11 =	vadd.s32 s24, v36;
	v3 =	vsel vm0, v4, v3;
	v44 =	vpop (erf)  }
0x5ac: {  	v4 =	vor.u32 v61, v11;
	v11 =	vor.u32 v61, v12;
	v0 =	vmul.f32 v42, v2;
	v12 =	vpop (erf)  }
0x5ad: {  	[tilespmem:v17+s14+$0x0] =	vst.idx.msk $0xffff, v3;
	v3 =	vmul.f32 v12, v33  }
0x5ae: {  	[tilespmem:v13+s15+$0x0] =	vst.idx.msk $0xffff, v14;
	v14 =	vadd.s32 s26, v36;
	v2 =	vmul.f32 v43, v10;
	v0 =	vperm.xlane v0, v57  }
0x5af: {  	[tilespmem:v17+s15+$0x0] =	vst.idx.msk $0xffff, v15;
	v10 =	vor.u32 v61, v14;
	v1 =	vmul.f32 v44, v24;
	v12 =	vpop (erf)  }
0x5b0: {  	v2 =	vperm.xlane v2, v57;
	v12 =	vmul.f32 v12, v37;
	v0 =	vsel vm0, v3, v0  }
0x5b1: {  	v1 =	vperm.xlane v1, v57;
	[tilespmem:v4+s14+$0x0] =	vst.idx.msk $0xffff, v0;
	v3 =	vpop (erf)  }
0x5b2: {  	v2 =	vsel vm0, v12, v2;
	[tilespmem:v4+s15+$0x0] =	vst.idx.msk $0xffff, v18;
	v45 =	vmul.f32 v3, v46  }
0x5b3: {  	[tilespmem:v11+s14+$0x0] =	vst.idx.msk $0xffff, v2  }
0x5b4: {  	s2 =	simm.s32 $0x0;
	[tilespmem:v11+s15+$0x0] =	vst.idx.msk $0xffff, v21;
	v0 =	vsel vm0, v45, v1  }
0x5b5: {  	s0 =	sor.u32 $0x6, s2;
	s24 =	smul.u32 $0x82, s2;
	v46 =	vsel vm0, v25, v32;
	[tilespmem:v10+s14+$0x0] =	vst.idx.msk $0xffff, v0  }
0x5b6: {  	s6 =	sor.u32 $0x1, s2;
	s11 =	smul.u32 $0x82, s0;
	[tilespmem:v10+s15+$0x0] =	vst.idx.msk $0xffff, v46  }
0x5b7: {  	s4 =	sor.u32 $0x5, s2;
	s28 =	smul.u32 $0x82, s6;
	v0 =	vld [tilespmem:s24+$0x14200]  }
0x5b8: {  	s3 =	sor.u32 $0x3, s2;
	s7 =	smul.u32 $0x82, s4;
	v1 =	vld [tilespmem:s11+$0x14200]  }
0x5b9: {  	s10 =	sor.u32 $0x2, s2;
	s26 =	smul.u32 $0x82, s3;
	v4 =	vld [tilespmem:s28+$0x14200]  }
0x5ba: {  	s9 =	sor.u32 $0x7, s2;
	s31 =	smul.u32 $0x82, s10;
	v3 =	vld [tilespmem:s7+$0x14200]  }
0x5bb: {  	s29 =	simm.s32 $0x0;
	s1 =	smul.u32 $0x82, s9;
	s2 =	sor.u32 $0x4, s2;
	v2 =	vld [tilespmem:s26+$0x14200]  }
0x5bc: {  	s8 =	sshll.u32 s0, $0x7;
	s5 =	smul.u32 $0x82, s2;
	v10 =	vld [tilespmem:s31+$0x14200];
	[tilespmem:s29+$0x18300] =	vst v0  }
0x5bd: {  	s20 =	sshll.u32 s6, $0x7;
	v47 =	vld [tilespmem:s1+$0x14200];
	[tilespmem:s8+$0x18300] =	vst v1  }
0x5be: {  	s30 =	sshll.u32 s4, $0x7;
	[tilespmem:s20+$0x18300] =	vst v4;
	v4 =	vld [tilespmem:s5+$0x14200]  }
0x5bf: {  	s0 =	sshll.u32 s3, $0x7;
	[tilespmem:s30+$0x18300] =	vst v3;
	v1 =	vld [tilespmem:s11+$0x16280]  }
0x5c0: {  	s22 =	sshll.u32 s10, $0x7;
	[tilespmem:s0+$0x18300] =	vst v2;
	v3 =	vld [tilespmem:s7+$0x16280]  }
0x5c1: {  	s4 =	sshll.u32 s9, $0x7;
	[tilespmem:s22+$0x18300] =	vst v10;
	v10 =	vld [tilespmem:s28+$0x16280]  }
0x5c2: {  	s6 =	sshll.u32 s2, $0x7;
	[tilespmem:s4+$0x18300] =	vst v47;
	v2 =	vld [tilespmem:s26+$0x16280]  }
0x5c3: {  	v0 =	vld [tilespmem:s1+$0x16280];
	[tilespmem:s6+$0x18300] =	vst v4  }
0x5c4: {  	v48 =	vld [tilespmem:s24+$0x16280];
	[tilespmem:s8+$0x1A300] =	vst v1  }
0x5c5: {  	[tilespmem:s30+$0x1A300] =	vst v3;
	v4 =	vld [tilespmem:s5+$0x16280]  }
0x5c6: {  	[tilespmem:s20+$0x1A300] =	vst v10;
	v3 =	vld [tilespmem:s7+$0x14210]  }
0x5c7: {  	[tilespmem:s0+$0x1A300] =	vst v2;
	v10 =	vld [tilespmem:s28+$0x14210]  }
0x5c8: {  	[tilespmem:s4+$0x1A300] =	vst v0;
	v1 =	vld [tilespmem:s11+$0x14210]  }
0x5c9: {  	v49 =	vld [tilespmem:s31+$0x16280];
	[tilespmem:s29+$0x1A300] =	vst v48  }
0x5ca: {  	v2 =	vld [tilespmem:s26+$0x14210];
	[tilespmem:s6+$0x1A300] =	vst v4  }
0x5cb: {  	[tilespmem:s30+$0x18310] =	vst v3;
	v3 =	vld [tilespmem:s1+$0x14210]  }
0x5cc: {  	v50 =	vld [tilespmem:s5+$0x14210];
	[tilespmem:s20+$0x18310] =	vst v10  }
0x5cd: {  	[tilespmem:s8+$0x18310] =	vst v1;
	v10 =	vld [tilespmem:s28+$0x16290]  }
0x5ce: {  	[tilespmem:s22+$0x1A300] =	vst v49;
	v1 =	vld [tilespmem:s11+$0x16290]  }
0x5cf: {  	v51 =	vld [tilespmem:s24+$0x14210];
	[tilespmem:s0+$0x18310] =	vst v2  }
0x5d0: {  	v4 =	vld [tilespmem:s26+$0x16290];
	[tilespmem:s4+$0x18310] =	vst v3  }
0x5d1: {  	[tilespmem:s6+$0x18310] =	vst v50;
	v52 =	vld [tilespmem:s1+$0x16290]  }
0x5d2: {  	v3 =	vld [tilespmem:s5+$0x16290];
	[tilespmem:s20+$0x1A310] =	vst v10  }
0x5d3: {  	[tilespmem:s8+$0x1A310] =	vst v1;
	v10 =	vld [tilespmem:s28+$0x14220]  }
0x5d4: {  	[tilespmem:s29+$0x18310] =	vst v51;
	v1 =	vld [tilespmem:s11+$0x14220]  }
0x5d5: {  	v2 =	vld [tilespmem:s24+$0x16290];
	[tilespmem:s0+$0x1A310] =	vst v4  }
0x5d6: {  	v4 =	vld [tilespmem:s26+$0x14220];
	[tilespmem:s4+$0x1A310] =	vst v52  }
0x5d7: {  	[tilespmem:s6+$0x1A310] =	vst v3;
	v0 =	vld [tilespmem:s1+$0x14220]  }
0x5d8: {  	v3 =	vld [tilespmem:s5+$0x14220];
	[tilespmem:s20+$0x18320] =	vst v10  }
0x5d9: {  	[tilespmem:s8+$0x18320] =	vst v1;
	v10 =	vld [tilespmem:s28+$0x162A0]  }
0x5da: {  	[tilespmem:s29+$0x1A310] =	vst v2;
	v1 =	vld [tilespmem:s11+$0x162A0]  }
0x5db: {  	[tilespmem:s0+$0x18320] =	vst v4;
	v4 =	vld [tilespmem:s31+$0x14210]  }
0x5dc: {  	v2 =	vld [tilespmem:s24+$0x14220];
	[tilespmem:s4+$0x18320] =	vst v0  }
0x5dd: {  	[tilespmem:s6+$0x18320] =	vst v3;
	v0 =	vld [tilespmem:s1+$0x162A0]  }
0x5de: {  	[tilespmem:s20+$0x1A320] =	vst v10;
	v10 =	vld [tilespmem:s26+$0x162A0]  }
0x5df: {  	[tilespmem:s8+$0x1A320] =	vst v1;
	v3 =	vld [tilespmem:s5+$0x162A0]  }
0x5e0: {  	[tilespmem:s22+$0x18310] =	vst v4;
	v1 =	vld [tilespmem:s11+$0x14230]  }
0x5e1: {  	[tilespmem:s29+$0x18320] =	vst v2;
	v4 =	vld [tilespmem:s31+$0x16290]  }
0x5e2: {  	v2 =	vld [tilespmem:s24+$0x162A0];
	[tilespmem:s4+$0x1A320] =	vst v0  }
0x5e3: {  	[tilespmem:s0+$0x1A320] =	vst v10;
	v0 =	vld [tilespmem:s1+$0x14230]  }
0x5e4: {  	[tilespmem:s6+$0x1A320] =	vst v3;
	v10 =	vld [tilespmem:s26+$0x14230]  }
0x5e5: {  	[tilespmem:s8+$0x18330] =	vst v1;
	v3 =	vld [tilespmem:s5+$0x14230]  }
0x5e6: {  	[tilespmem:s22+$0x1A310] =	vst v4;
	v1 =	vld [tilespmem:s11+$0x162B0]  }
0x5e7: {  	[tilespmem:s29+$0x1A320] =	vst v2;
	v4 =	vld [tilespmem:s31+$0x14220]  }
0x5e8: {  	v2 =	vld [tilespmem:s24+$0x14230];
	[tilespmem:s4+$0x18330] =	vst v0  }
0x5e9: {  	[tilespmem:s0+$0x18330] =	vst v10;
	v0 =	vld [tilespmem:s1+$0x162B0]  }
0x5ea: {  	[tilespmem:s6+$0x18330] =	vst v3;
	v10 =	vld [tilespmem:s26+$0x162B0]  }
0x5eb: {  	[tilespmem:s8+$0x1A330] =	vst v1;
	v3 =	vld [tilespmem:s5+$0x162B0]  }
0x5ec: {  	[tilespmem:s22+$0x18320] =	vst v4;
	v1 =	vld [tilespmem:s11+$0x14240]  }
0x5ed: {  	[tilespmem:s29+$0x18330] =	vst v2;
	v4 =	vld [tilespmem:s31+$0x162A0]  }
0x5ee: {  	v2 =	vld [tilespmem:s24+$0x162B0];
	[tilespmem:s4+$0x1A330] =	vst v0  }
0x5ef: {  	[tilespmem:s0+$0x1A330] =	vst v10;
	v10 =	vld [tilespmem:s7+$0x16290]  }
0x5f0: {  	[tilespmem:s6+$0x1A330] =	vst v3;
	v0 =	vld [tilespmem:s1+$0x14240]  }
0x5f1: {  	[tilespmem:s8+$0x18340] =	vst v1;
	v3 =	vld [tilespmem:s5+$0x14240]  }
0x5f2: {  	[tilespmem:s22+$0x1A320] =	vst v4;
	v1 =	vld [tilespmem:s11+$0x162C0]  }
0x5f3: {  	[tilespmem:s29+$0x1A330] =	vst v2;
	v4 =	vld [tilespmem:s31+$0x14230]  }
0x5f4: {  	v53 =	vld [tilespmem:s28+$0x14230];
	[tilespmem:s30+$0x1A310] =	vst v10  }
0x5f5: {  	v2 =	vld [tilespmem:s24+$0x14240];
	[tilespmem:s4+$0x18340] =	vst v0  }
0x5f6: {  	[tilespmem:s6+$0x18340] =	vst v3;
	v55 =	vld [tilespmem:s7+$0x14220]  }
0x5f7: {  	[tilespmem:s8+$0x1A340] =	vst v1;
	v0 =	vld [tilespmem:s1+$0x162C0]  }
0x5f8: {  	[tilespmem:s22+$0x18330] =	vst v4;
	v3 =	vld [tilespmem:s11+$0x14250]  }
0x5f9: {  	[tilespmem:s20+$0x18330] =	vst v53;
	v4 =	vld [tilespmem:s31+$0x162B0]  }
0x5fa: {  	[tilespmem:s29+$0x18340] =	vst v2;
	v54 =	vld [tilespmem:s5+$0x162C0]  }
0x5fb: {  	v10 =	vld [tilespmem:s24+$0x162C0];
	[tilespmem:s30+$0x18320] =	vst v55  }
0x5fc: {  	[tilespmem:s4+$0x1A340] =	vst v0;
	v2 =	vld [tilespmem:s7+$0x162A0]  }
0x5fd: {  	[tilespmem:s8+$0x18350] =	vst v3;
	v0 =	vld [tilespmem:s1+$0x14250]  }
0x5fe: {  	[tilespmem:s22+$0x1A330] =	vst v4;
	v3 =	vld [tilespmem:s11+$0x162D0]  }
0x5ff: {  	[tilespmem:s6+$0x1A340] =	vst v54;
	v4 =	vld [tilespmem:s31+$0x14240]  }
0x600: {  	[tilespmem:s29+$0x1A340] =	vst v10;
	v1 =	vld [tilespmem:s5+$0x14250]  }
0x601: {  	v10 =	vld [tilespmem:s24+$0x14250];
	[tilespmem:s30+$0x1A320] =	vst v2  }
0x602: {  	[tilespmem:s4+$0x18350] =	vst v0;
	v2 =	vld [tilespmem:s7+$0x14230]  }
0x603: {  	[tilespmem:s8+$0x1A350] =	vst v3;
	v0 =	vld [tilespmem:s1+$0x162D0]  }
0x604: {  	[tilespmem:s22+$0x18340] =	vst v4;
	v3 =	vld [tilespmem:s11+$0x14260]  }
0x605: {  	[tilespmem:s6+$0x18350] =	vst v1;
	v4 =	vld [tilespmem:s31+$0x162C0]  }
0x606: {  	[tilespmem:s29+$0x18350] =	vst v10;
	v1 =	vld [tilespmem:s5+$0x162D0]  }
0x607: {  	v10 =	vld [tilespmem:s24+$0x162D0];
	[tilespmem:s30+$0x18330] =	vst v2  }
0x608: {  	[tilespmem:s4+$0x1A350] =	vst v0;
	v2 =	vld [tilespmem:s7+$0x162B0]  }
0x609: {  	[tilespmem:s8+$0x18360] =	vst v3;
	v3 =	vld [tilespmem:s28+$0x162B0]  }
0x60a: {  	[tilespmem:s22+$0x1A340] =	vst v4;
	v0 =	vld [tilespmem:s1+$0x14260]  }
0x60b: {  	[tilespmem:s6+$0x1A350] =	vst v1;
	v4 =	vld [tilespmem:s31+$0x14250]  }
0x60c: {  	[tilespmem:s29+$0x1A350] =	vst v10;
	v10 =	vld [tilespmem:s5+$0x14260]  }
0x60d: {  	v56 =	vld [tilespmem:s11+$0x162E0];
	[tilespmem:s30+$0x1A330] =	vst v2  }
0x60e: {  	[tilespmem:s20+$0x1A330] =	vst v3;
	v3 =	vld [tilespmem:s26+$0x14240]  }
0x60f: {  	[tilespmem:s4+$0x18360] =	vst v0;
	v2 =	vld [tilespmem:s7+$0x14240]  }
0x610: {  	[tilespmem:s22+$0x18350] =	vst v4;
	v4 =	vld [tilespmem:s28+$0x14240]  }
0x611: {  	[tilespmem:s6+$0x18360] =	vst v10;
	v0 =	vld [tilespmem:s1+$0x162E0]  }
0x612: {  	[tilespmem:s8+$0x1A360] =	vst v56;
	v10 =	vld [tilespmem:s5+$0x162E0]  }
0x613: {  	v58 =	vld [tilespmem:s31+$0x162D0];
	[tilespmem:s0+$0x18340] =	vst v3  }
0x614: {  	v1 =	vld [tilespmem:s11+$0x14270];
	[tilespmem:s30+$0x18340] =	vst v2  }
0x615: {  	[tilespmem:s20+$0x18340] =	vst v4;
	v3 =	vld [tilespmem:s26+$0x162C0]  }
0x616: {  	[tilespmem:s4+$0x1A360] =	vst v0;
	v4 =	vld [tilespmem:s28+$0x162C0]  }
0x617: {  	[tilespmem:s6+$0x1A360] =	vst v10;
	v2 =	vld [tilespmem:s7+$0x162C0]  }
0x618: {  	v10 =	vld [tilespmem:s24+$0x14260];
	[tilespmem:s22+$0x1A350] =	vst v58  }
0x619: {  	[tilespmem:s8+$0x18370] =	vst v1;
	v0 =	vld [tilespmem:s31+$0x14260]  }
0x61a: {  	v63 =	vld [tilespmem:s1+$0x14270];
	[tilespmem:s0+$0x1A340] =	vst v3  }
0x61b: {  	[tilespmem:s20+$0x1A340] =	vst v4;
	v3 =	vld [tilespmem:s26+$0x14250]  }
0x61c: {  	[tilespmem:s30+$0x1A340] =	vst v2;
	v4 =	vld [tilespmem:s28+$0x14250]  }
0x61d: {  	p0 =	por $0x1, $0x1;
	v1 =	vld [tilespmem:s11+$0x162F0];
	[tilespmem:s29+$0x18360] =	vst v10  }
.Ltmp9:
0x61e: {  	v13 =	vld [tilespmem:s5+$0x14270];
	[tilespmem:s22+$0x18360] =	vst v0;
	(pc) =	sbr.rel @!p0 .LBB2_21-.Ltmp9, $4  }
0x61f: {  	v15 =	vld [tilespmem:s7+$0x14250];
	[tilespmem:s4+$0x18370] =	vst v63  }
0x620: {  	v12 =	vld [tilespmem:s31+$0x162E0];
	[tilespmem:s0+$0x18350] =	vst v3  }
0x621: {  	[tilespmem:s20+$0x18350] =	vst v4;
	v16 =	vld [tilespmem:s26+$0x162D0]  }
0x622: {  	s2 =	simm.s32 $0x8;
	[tilespmem:s8+$0x1A370] =	vst v1;
	v14 =	vld [tilespmem:s28+$0x162D0]  }
.LBB2_20:
0x623: {  	s3 =	smul.u32 $0x82, s2  }
0x624: {  	v0 =	vld [tilespmem:s24+$0x162E0]  }
0x625: {  	s11 =	smov.u32 s2;
	v2 =	vld [tilespmem:s3+$0x14200];
	[tilespmem:s6+$0x18370] =	vst v13  }
0x626: {  	s15 =	sor.u32 $0x2, s11;
	[tilespmem:s30+$0x18350] =	vst v15;
	v1 =	vld [tilespmem:s5+$0x162F0]  }
0x627: {  	s12 =	smul.u32 $0x82, s15;
	[tilespmem:s0+$0x1A350] =	vst v16;
	v3 =	vld [tilespmem:s7+$0x162D0]  }
0x628: {  	s9 =	sor.u32 $0x1, s2;
	[tilespmem:s22+$0x1A360] =	vst v12;
	v4 =	vld [tilespmem:s26+$0x14260]  }
0x629: {  	s10 =	smul.u32 $0x82, s9;
	s16 =	sor.u32 $0x3, s11;
	[tilespmem:s20+$0x1A350] =	vst v14;
	v10 =	vld [tilespmem:s12+$0x14200]  }
0x62a: {  	s14 =	sshll.u32 s11, $0x7;
	s21 =	smul.u32 $0x82, s16;
	[tilespmem:s29+$0x1A360] =	vst v0;
	v37 =	vld [tilespmem:s28+$0x14260]  }
0x62b: {  	s23 =	sor.u32 $0x4, s11;
	v38 =	vld [tilespmem:s10+$0x14200];
	[tilespmem:s14+$0x18300] =	vst v2  }
0x62c: {  	s18 =	sor.u32 $0x5, s11;
	s5 =	smul.u32 $0x82, s23;
	v39 =	vld [tilespmem:s21+$0x14200];
	[tilespmem:s30+$0x1A350] =	vst v3  }
0x62d: {  	s13 =	smul.u32 $0x82, s18;
	[tilespmem:s6+$0x1A370] =	vst v1;
	v3 =	vld [tilespmem:s7+$0x14260]  }
0x62e: {  	s8 =	sadd.s32 $0x8, s2;
	[tilespmem:s0+$0x18360] =	vst v4;
	v4 =	vld [tilespmem:s5+$0x14200]  }
0x62f: {  	[dreg:$0x4] =	wrdreg s8;
	s19 =	sor.u32 $0x6, s11;
	s9 =	sshll.u32 s9, $0x7;
	[tilespmem:s20+$0x18360] =	vst v37;
	v11 =	vld [tilespmem:s13+$0x14200]  }
0x630: {  	s17 =	sor.u32 $0x7, s11;
	s8 =	smul.u32 $0x82, s19;
	s15 =	sshll.u32 s15, $0x7;
	[tilespmem:s9+$0x18300] =	vst v38;
	v40 =	vld [tilespmem:s26+$0x162E0]  }
0x631: {  	s25 =	smul.u32 $0x82, s17;
	[tilespmem:s15+$0x18300] =	vst v10;
	v1 =	vld [tilespmem:s28+$0x162E0]  }
0x632: {  	s6 =	sshll.u32 s23, $0x7;
	v10 =	vld [tilespmem:s8+$0x14200];
	[tilespmem:s30+$0x18360] =	vst v3  }
0x633: {  	s18 =	sshll.u32 s18, $0x7;
	[tilespmem:s6+$0x18300] =	vst v4;
	v3 =	vld [tilespmem:s25+$0x14200]  }
0x634: {  	[tilespmem:s18+$0x18300] =	vst v11;
	v11 =	vld [tilespmem:s24+$0x14270]  }
0x635: {  	v43 =	vld [tilespmem:s31+$0x14270];
	[tilespmem:s0+$0x1A360] =	vst v40  }
0x636: {  	s16 =	sshll.u32 s16, $0x7;
	[tilespmem:s20+$0x1A360] =	vst v1;
	v4 =	vld [tilespmem:s7+$0x162E0]  }
0x637: {  	s17 =	sshll.u32 s17, $0x7;
	v41 =	vld [tilespmem:s5+$0x16280];
	[tilespmem:s16+$0x18300] =	vst v39  }
0x638: {  	v42 =	vld [tilespmem:s26+$0x14270];
	[tilespmem:s17+$0x18300] =	vst v3  }
0x639: {  	s23 =	sshll.u32 s19, $0x7;
	[tilespmem:s29+$0x18370] =	vst v11;
	v11 =	vld [tilespmem:s28+$0x14270]  }
0x63a: {  	[tilespmem:s23+$0x18300] =	vst v10;
	v3 =	vld [tilespmem:s1+$0x162F0]  }
0x63b: {  	[tilespmem:s30+$0x1A360] =	vst v4;
	v4 =	vld [tilespmem:s21+$0x16280]  }
0x63c: {  	[tilespmem:s22+$0x18370] =	vst v43;
	v10 =	vld [tilespmem:s24+$0x162F0]  }
0x63d: {  	[tilespmem:s6+$0x1A300] =	vst v41;
	v44 =	vld [tilespmem:s7+$0x14270]  }
0x63e: {  	[tilespmem:s0+$0x18370] =	vst v42;
	v50 =	vld [tilespmem:s5+$0x14210]  }
0x63f: {  	v45 =	vld [tilespmem:s26+$0x162F0];
	[tilespmem:s20+$0x18370] =	vst v11  }
0x640: {  	[tilespmem:s4+$0x1A370] =	vst v3;
	v3 =	vld [tilespmem:s13+$0x16280]  }
0x641: {  	[tilespmem:s16+$0x1A300] =	vst v4;
	v4 =	vld [tilespmem:s31+$0x162F0]  }
0x642: {  	[tilespmem:s29+$0x1A370] =	vst v10;
	v10 =	vld [tilespmem:s8+$0x16280]  }
0x643: {  	s1 =	smov.u32 s25;
	v11 =	vld [tilespmem:s28+$0x162F0];
	[tilespmem:s30+$0x18370] =	vst v44  }
0x644: {  	s24 =	smov.u32 s3;
	v46 =	vld [tilespmem:s1+$0x16280];
	[tilespmem:s6+$0x18310] =	vst v50  }
0x645: {  	v47 =	vld [tilespmem:s24+$0x16280];
	[tilespmem:s0+$0x1A370] =	vst v45  }
0x646: {  	v1 =	vld [tilespmem:s7+$0x162F0];
	[tilespmem:s18+$0x1A300] =	vst v3  }
0x647: {  	s26 =	smov.u32 s21;
	[tilespmem:s22+$0x1A370] =	vst v4  }
0x648: {  	s28 =	smov.u32 s10;
	v3 =	vld [tilespmem:s26+$0x14210];
	[tilespmem:s23+$0x1A300] =	vst v10  }
0x649: {  	s4 =	smov.u32 s17;
	v4 =	vld [tilespmem:s28+$0x16280];
	[tilespmem:s20+$0x1A370] =	vst v11  }
0x64a: {  	s29 =	smov.u32 s14;
	s7 =	smov.u32 s13;
	v10 =	vld [tilespmem:s8+$0x14210];
	[tilespmem:s4+$0x1A300] =	vst v46  }
0x64b: {  	s31 =	smov.u32 s12;
	v11 =	vld [tilespmem:s7+$0x14210];
	[tilespmem:s29+$0x1A300] =	vst v47  }
0x64c: {  	s0 =	smov.u32 s16;
	v48 =	vld [tilespmem:s31+$0x16280];
	[tilespmem:s30+$0x1A370] =	vst v1  }
0x64d: {  	s20 =	smov.u32 s9;
	v49 =	vld [tilespmem:s1+$0x14210];
	[tilespmem:s0+$0x18310] =	vst v3  }
0x64e: {  	v1 =	vld [tilespmem:s5+$0x16290];
	[tilespmem:s20+$0x1A300] =	vst v4  }
0x64f: {  	s30 =	smov.u32 s18;
	v3 =	vld [tilespmem:s28+$0x14210];
	[tilespmem:s23+$0x18310] =	vst v10  }
0x650: {  	s22 =	smov.u32 s15;
	[tilespmem:s30+$0x18310] =	vst v11;
	v11 =	vld [tilespmem:s24+$0x14210]  }
0x651: {  	v10 =	vld [tilespmem:s26+$0x16290];
	[tilespmem:s22+$0x1A300] =	vst v48  }
0x652: {  	v4 =	vld [tilespmem:s8+$0x16290];
	[tilespmem:s4+$0x18310] =	vst v49  }
0x653: {  	[tilespmem:s6+$0x1A310] =	vst v1;
	v0 =	vld [tilespmem:s1+$0x16290]  }
0x654: {  	v1 =	vld [tilespmem:s5+$0x14220];
	[tilespmem:s20+$0x18310] =	vst v3  }
0x655: {  	[tilespmem:s29+$0x18310] =	vst v11;
	v3 =	vld [tilespmem:s28+$0x16290]  }
0x656: {  	[tilespmem:s0+$0x1A310] =	vst v10;
	v11 =	vld [tilespmem:s24+$0x16290]  }
0x657: {  	[tilespmem:s23+$0x1A310] =	vst v4;
	v4 =	vld [tilespmem:s31+$0x14210]  }
0x658: {  	v51 =	vld [tilespmem:s8+$0x14220];
	[tilespmem:s4+$0x1A310] =	vst v0  }
0x659: {  	[tilespmem:s6+$0x18320] =	vst v1;
	v0 =	vld [tilespmem:s1+$0x14220]  }
0x65a: {  	v1 =	vld [tilespmem:s5+$0x162A0];
	[tilespmem:s20+$0x1A310] =	vst v3  }
0x65b: {  	v3 =	vld [tilespmem:s26+$0x14220];
	[tilespmem:s29+$0x1A310] =	vst v11  }
0x65c: {  	[tilespmem:s22+$0x18310] =	vst v4;
	v10 =	vld [tilespmem:s28+$0x14220]  }
0x65d: {  	[tilespmem:s23+$0x18320] =	vst v51;
	v11 =	vld [tilespmem:s24+$0x14220]  }
0x65e: {  	v4 =	vld [tilespmem:s31+$0x16290];
	[tilespmem:s4+$0x18320] =	vst v0  }
0x65f: {  	v2 =	vld [tilespmem:s8+$0x162A0];
	[tilespmem:s6+$0x1A320] =	vst v1  }
0x660: {  	v0 =	vld [tilespmem:s1+$0x162A0];
	[tilespmem:s0+$0x18320] =	vst v3  }
0x661: {  	v1 =	vld [tilespmem:s5+$0x14230];
	[tilespmem:s20+$0x18320] =	vst v10  }
0x662: {  	v3 =	vld [tilespmem:s7+$0x16290];
	[tilespmem:s29+$0x18320] =	vst v11  }
0x663: {  	[tilespmem:s22+$0x1A310] =	vst v4;
	v10 =	vld [tilespmem:s28+$0x162A0]  }
0x664: {  	[tilespmem:s23+$0x1A320] =	vst v2;
	v11 =	vld [tilespmem:s24+$0x162A0]  }
0x665: {  	v4 =	vld [tilespmem:s31+$0x14220];
	[tilespmem:s4+$0x1A320] =	vst v0  }
0x666: {  	v2 =	vld [tilespmem:s8+$0x14230];
	[tilespmem:s6+$0x18330] =	vst v1  }
0x667: {  	v0 =	vld [tilespmem:s1+$0x14230];
	[tilespmem:s30+$0x1A310] =	vst v3  }
0x668: {  	v1 =	vld [tilespmem:s5+$0x162B0];
	[tilespmem:s20+$0x1A320] =	vst v10  }
0x669: {  	v3 =	vld [tilespmem:s7+$0x14220];
	[tilespmem:s29+$0x1A320] =	vst v11  }
0x66a: {  	v10 =	vld [tilespmem:s26+$0x162A0];
	[tilespmem:s22+$0x18320] =	vst v4  }
0x66b: {  	[tilespmem:s23+$0x18330] =	vst v2;
	v11 =	vld [tilespmem:s24+$0x14230]  }
0x66c: {  	v4 =	vld [tilespmem:s31+$0x162A0];
	[tilespmem:s4+$0x18330] =	vst v0  }
0x66d: {  	v52 =	vld [tilespmem:s28+$0x14230];
	[tilespmem:s6+$0x1A330] =	vst v1  }
0x66e: {  	v2 =	vld [tilespmem:s8+$0x162B0];
	[tilespmem:s30+$0x18320] =	vst v3  }
0x66f: {  	v0 =	vld [tilespmem:s1+$0x162B0];
	[tilespmem:s0+$0x1A320] =	vst v10  }
0x670: {  	v1 =	vld [tilespmem:s5+$0x14240];
	[tilespmem:s29+$0x18330] =	vst v11  }
0x671: {  	v3 =	vld [tilespmem:s7+$0x162A0];
	[tilespmem:s22+$0x1A320] =	vst v4  }
0x672: {  	v10 =	vld [tilespmem:s26+$0x14230];
	[tilespmem:s20+$0x18330] =	vst v52  }
0x673: {  	[tilespmem:s23+$0x1A330] =	vst v2;
	v11 =	vld [tilespmem:s24+$0x162B0]  }
0x674: {  	v4 =	vld [tilespmem:s31+$0x14230];
	[tilespmem:s4+$0x1A330] =	vst v0  }
0x675: {  	v2 =	vld [tilespmem:s8+$0x14240];
	[tilespmem:s6+$0x18340] =	vst v1  }
0x676: {  	v55 =	vld [tilespmem:s28+$0x162B0];
	[tilespmem:s30+$0x1A320] =	vst v3  }
0x677: {  	v0 =	vld [tilespmem:s1+$0x14240];
	[tilespmem:s0+$0x18330] =	vst v10  }
0x678: {  	v54 =	vld [tilespmem:s5+$0x162C0];
	[tilespmem:s29+$0x1A330] =	vst v11  }
0x679: {  	v3 =	vld [tilespmem:s7+$0x14230];
	[tilespmem:s22+$0x18330] =	vst v4  }
0x67a: {  	[tilespmem:s23+$0x18340] =	vst v2;
	v11 =	vld [tilespmem:s24+$0x14240]  }
0x67b: {  	[tilespmem:s20+$0x1A330] =	vst v55;
	v2 =	vld [tilespmem:s8+$0x162C0]  }
0x67c: {  	v10 =	vld [tilespmem:s26+$0x162B0];
	[tilespmem:s4+$0x18340] =	vst v0  }
0x67d: {  	v4 =	vld [tilespmem:s31+$0x162B0];
	[tilespmem:s6+$0x1A340] =	vst v54  }
0x67e: {  	v0 =	vld [tilespmem:s1+$0x162C0];
	[tilespmem:s30+$0x18330] =	vst v3  }
0x67f: {  	v3 =	vld [tilespmem:s7+$0x162B0];
	[tilespmem:s29+$0x18340] =	vst v11  }
0x680: {  	[tilespmem:s23+$0x1A340] =	vst v2;
	v11 =	vld [tilespmem:s24+$0x162C0]  }
0x681: {  	[tilespmem:s0+$0x1A330] =	vst v10;
	v53 =	vld [tilespmem:s8+$0x14250]  }
0x682: {  	v10 =	vld [tilespmem:s26+$0x14240];
	[tilespmem:s22+$0x1A330] =	vst v4  }
0x683: {  	v4 =	vld [tilespmem:s31+$0x14240];
	[tilespmem:s4+$0x1A340] =	vst v0  }
0x684: {  	v0 =	vld [tilespmem:s1+$0x14250];
	[tilespmem:s30+$0x1A330] =	vst v3  }
0x685: {  	v2 =	vld [tilespmem:s5+$0x14250];
	[tilespmem:s29+$0x1A340] =	vst v11  }
0x686: {  	[tilespmem:s23+$0x18350] =	vst v53;
	v11 =	vld [tilespmem:s24+$0x14250]  }
0x687: {  	[tilespmem:s0+$0x18340] =	vst v10;
	v1 =	vld [tilespmem:s8+$0x162D0]  }
0x688: {  	v3 =	vld [tilespmem:s7+$0x14240];
	[tilespmem:s22+$0x18340] =	vst v4  }
0x689: {  	v4 =	vld [tilespmem:s31+$0x162C0];
	[tilespmem:s4+$0x18350] =	vst v0  }
0x68a: {  	[tilespmem:s6+$0x18350] =	vst v2;
	v0 =	vld [tilespmem:s1+$0x162D0]  }
0x68b: {  	v2 =	vld [tilespmem:s5+$0x162D0];
	[tilespmem:s29+$0x18350] =	vst v11  }
0x68c: {  	[tilespmem:s23+$0x1A350] =	vst v1;
	v11 =	vld [tilespmem:s24+$0x162D0]  }
0x68d: {  	[tilespmem:s30+$0x18340] =	vst v3;
	v1 =	vld [tilespmem:s8+$0x14260]  }
0x68e: {  	v63 =	vld [tilespmem:s26+$0x162C0];
	[tilespmem:s22+$0x1A340] =	vst v4  }
0x68f: {  	v4 =	vld [tilespmem:s31+$0x14250];
	[tilespmem:s4+$0x1A350] =	vst v0  }
0x690: {  	[tilespmem:s6+$0x1A350] =	vst v2;
	v0 =	vld [tilespmem:s1+$0x14260]  }
0x691: {  	[tilespmem:s29+$0x1A350] =	vst v11;
	v11 =	vld [tilespmem:s5+$0x14260]  }
0x692: {  	[tilespmem:s23+$0x18360] =	vst v1;
	v1 =	vld [tilespmem:s28+$0x14240]  }
0x693: {  	[tilespmem:s0+$0x1A340] =	vst v63;
	v56 =	vld [tilespmem:s8+$0x162E0]  }
0x694: {  	v3 =	vld [tilespmem:s7+$0x162C0];
	[tilespmem:s22+$0x18350] =	vst v4  }
0x695: {  	v4 =	vld [tilespmem:s31+$0x162D0];
	[tilespmem:s4+$0x18360] =	vst v0  }
0x696: {  	v0 =	vld [tilespmem:s1+$0x162E0];
	[tilespmem:s6+$0x18360] =	vst v11  }
0x697: {  	v11 =	vld [tilespmem:s5+$0x162E0];
	[tilespmem:s20+$0x18340] =	vst v1  }
0x698: {  	[tilespmem:s23+$0x1A360] =	vst v56;
	v10 =	vld [tilespmem:s28+$0x162C0]  }
0x699: {  	[tilespmem:s30+$0x1A340] =	vst v3;
	v2 =	vld [tilespmem:s8+$0x14270]  }
0x69a: {  	v58 =	vld [tilespmem:s24+$0x14260];
	[tilespmem:s22+$0x1A350] =	vst v4  }
0x69b: {  	v1 =	vld [tilespmem:s26+$0x14250];
	[tilespmem:s4+$0x1A360] =	vst v0  }
0x69c: {  	v4 =	vld [tilespmem:s1+$0x14270];
	[tilespmem:s6+$0x1A360] =	vst v11  }
0x69d: {  	v11 =	vld [tilespmem:s31+$0x14260];
	[tilespmem:s20+$0x1A340] =	vst v10  }
0x69e: {  	[tilespmem:s23+$0x18370] =	vst v2;
	v10 =	vld [tilespmem:s28+$0x14250]  }
0x69f: {  	p0 =	slt.u32 s2, $0x38;
	[tilespmem:s29+$0x18360] =	vst v58;
	v2 =	vld [tilespmem:s8+$0x162F0]  }
.Ltmp10:
0x6a0: {  	v15 =	vld [tilespmem:s7+$0x14250];
	[tilespmem:s0+$0x18350] =	vst v1;
	(pc) =	sbr.rel @p0 .LBB2_20-.Ltmp10, $4  }
0x6a1: {  	v13 =	vld [tilespmem:s5+$0x14270];
	[tilespmem:s4+$0x18370] =	vst v4  }
0x6a2: {  	v16 =	vld [tilespmem:s26+$0x162D0];
	[tilespmem:s22+$0x18360] =	vst v11  }
0x6a3: {  	v12 =	vld [tilespmem:s31+$0x162E0];
	[tilespmem:s20+$0x18350] =	vst v10  }
0x6a4: {  	s2 =	rddreg [dreg:$0x4];
	[tilespmem:s23+$0x1A370] =	vst v2;
	v14 =	vld [tilespmem:s28+$0x162D0]  }
.LBB2_21:
0x6a5: {  	_ = 	snop  }
0x6a6: {  	[tilespmem:s30+$0x18350] =	vst v15  }
0x6a7: {  	v0 =	vld [tilespmem:s7+$0x162D0];
	_ =	sdelay $0x1  }
0x6a8: {  	[tilespmem:s0+$0x1A350] =	vst v16  }
0x6a9: {  	v1 =	vld [tilespmem:s26+$0x14260]  }
0x6aa: {  	[tilespmem:s20+$0x1A350] =	vst v14  }
0x6ab: {  	v2 =	vld [tilespmem:s28+$0x14260];
	[tilespmem:s30+$0x1A350] =	vst v0  }
0x6ac: {  	v0 =	vld [tilespmem:s7+$0x14260];
	_ =	sdelay $0x1  }
0x6ad: {  	v3 =	vld [tilespmem:s24+$0x162E0];
	[tilespmem:s0+$0x18360] =	vst v1  }
0x6ae: {  	v1 =	vld [tilespmem:s26+$0x162E0]  }
0x6af: {  	[tilespmem:s20+$0x18360] =	vst v2  }
0x6b0: {  	v2 =	vld [tilespmem:s28+$0x162E0];
	[tilespmem:s30+$0x18360] =	vst v0  }
0x6b1: {  	[tilespmem:s6+$0x18370] =	vst v13;
	v0 =	vld [tilespmem:s7+$0x162E0]  }
0x6b2: {  	v4 =	vld [tilespmem:s5+$0x162F0];
	[tilespmem:s29+$0x1A360] =	vst v3  }
0x6b3: {  	v3 =	vld [tilespmem:s24+$0x14270];
	[tilespmem:s0+$0x1A360] =	vst v1  }
0x6b4: {  	[tilespmem:s22+$0x1A360] =	vst v12;
	v1 =	vld [tilespmem:s26+$0x14270]  }
0x6b5: {  	[tilespmem:s20+$0x1A360] =	vst v2;
	v2 =	vld [tilespmem:s31+$0x14270]  }
0x6b6: {  	[tilespmem:s30+$0x1A360] =	vst v0;
	v0 =	vld [tilespmem:s28+$0x14270]  }
0x6b7: {  	[tilespmem:s6+$0x1A370] =	vst v4;
	v4 =	vld [tilespmem:s7+$0x14270]  }
0x6b8: {  	v10 =	vld [tilespmem:s1+$0x162F0];
	[tilespmem:s29+$0x18370] =	vst v3  }
0x6b9: {  	v3 =	vld [tilespmem:s24+$0x162F0];
	[tilespmem:s0+$0x18370] =	vst v1  }
0x6ba: {  	[tilespmem:s22+$0x18370] =	vst v2;
	v1 =	vld [tilespmem:s26+$0x162F0]  }
0x6bb: {  	v2 =	vld [tilespmem:s31+$0x162F0];
	[tilespmem:s20+$0x18370] =	vst v0  }
0x6bc: {  	v0 =	vld [tilespmem:s28+$0x162F0];
	[tilespmem:s30+$0x18370] =	vst v4  }
0x6bd: {  	[tilespmem:s4+$0x1A370] =	vst v10;
	v4 =	vld [tilespmem:s7+$0x162F0]  }
0x6be: {  	[tilespmem:s29+$0x1A370] =	vst v3  }
0x6bf: {  	[tilespmem:s0+$0x1A370] =	vst v1  }
0x6c0: {  	[tilespmem:s22+$0x1A370] =	vst v2  }
0x6c1: {  	[tilespmem:s20+$0x1A370] =	vst v0  }
0x6c2: {  	s6 =	simm.s32 $0x0;
	[tilespmem:s30+$0x1A370] =	vst v4  }
0x6c3: {  	s26 =	simm.s32 $0x18300;
	s28 =	simm.s32 $0x3;
	s0 =	rddreg [dreg:$0xd]  }
0x6c4: {  	[hbm4b:s0+s6] =	stream.linear.scatter [tilespmem:s26], [sflag:$0x3], $0x2000, $0x38;
	[tilespmem:$0x1C300] =	vst v63  }
0x6c5: {  	_ =	swait.ge [sflag:s28], $0x2000  }
0x6c6: {  	[sflag:s28] =	ssyncset.done $0x0  }
0x6c7: {  	s2 =	simm.s32 $0x1A300;
	s29 =	rddreg [dreg:$0xe];
	[sflag:s28] =	ssyncadd.s32 $0xFFFFE000  }
0x6c8: {  	[hbm4b:s29+s6] =	stream.linear.scatter [tilespmem:s2], [sflag:$0x3], $0x2000, $0x38;
	[tilespmem:$0x1C300] =	vst v63  }
0x6c9: {  	_ =	swait.ge [sflag:s28], $0x2000  }
0x6ca: {  	s30 =	rddreg [dreg:$0x10]  }
0x6cb: {  	s31 =	rddreg [dreg:$0xf];
	s2 =	sadd.s32 $0x1, s30  }
0x6cc: {  	p0 =	sne.s32 s2, s31  }
.Ltmp11:
0x6cd: {  	_ = 	snop;
	(pc) =	sbr.rel @p0 .LBB2_1-.Ltmp11, $4  }
0x6ce: {  	_ = 	snop  }
0x6cf: {  	s3 =	simm.s32 $0x1;
	s8 =	simm.s32 $0x2000  }
0x6d0: {  	s9 =	simm.s32 $0x2;
	s13 =	simm.s32 $0x4000;
	[sflag:s28] =	ssyncset.done $0x0  }
0x6d1: {  	s14 =	simm.s32 $0x14200;
	s15 =	simm.s32 $0x16280;
	v3 =	vmovc v6;
	v6 =	vmovc v9;
	v1 =	vlaneseq.u32;
	v0 =	vmov v8;
	v4 =	vmov v7;
	[sflag:s28] =	ssyncadd.s32 $0xFFFFE000  }
0x6d2: {  	_ =	sfence.sel $0x180000  }
0x6d3: {  	[bflag:$0x0] =	sbarrier.arrive $0xFFFF  }
0x6d4: {  	_ =	strace $0x90000047  }
0x6d5: {  	s0 =	stileid.u32;
	[bflag:$0x2] =	sbarrier.arrive $0xFFFF  }
0x6d6: {  	p0 =	sne.s32 s0, $0x0;
	s0 =	rddreg [dreg:$0x3]  }
0x6d7: {  	s0 =	sadd.s32 @!p0 $0x100000, s0  }
0x6d8: {  	[sflag:s0] =	ssyncadd.tile.s32 @!p0 $0x1;
	_ =	shalt  }
.Lfunc_end2:
_tile_overlayer_lowered:
.L_overlay_start_2:
0x6d9: {  	(tag) =	ssettag $0x2  }
0x6da: {  	s0 =	rddreg [dreg:$0x0];
	s2 =	stileid.u32  }
0x6db: {  	s1 =	rddreg [dreg:$0x1];
	p0 =	sne.s32 s2, $0x0  }
0x6dc: {  	s3 =	rddreg [dreg:$0x2];
	[bflag:$0x3] =	sbarrier.arrive $0xFFFF;
	s2 =	simm.s32 @!p0 $0x1C03  }
0x6dd: {  	[timem:s3], [sflag:s2] =	dma.local @!p0 [hbm:s0], s1  }
0x6de: {  	s0 =	simm.s32 @!p0 $0x3  }
0x6df: {  	_ =	swait.ge @!p0 [sflag:s0], s1  }
0x6e0: {  	s1 =	ssub.s32 @!p0 $0x0, s1;
	[sflag:s0] =	ssyncset.done @!p0 $0x0  }
0x6e1: {  	[sflag:s0] =	ssyncadd.s32 @!p0 s1  }
0x6e2: {  	[bflag:$0x3] =	sbarrier.arrive $0xFFFF  }
0x6e3: {  	_ =	shalt  }

</sc_bundles>
